<compile_context>
chip_gen: v7x
topology: tpu7x:2x2x1
jax: 0.10.2.dev20260603
libtpu: 0.0.44.dev20260713+nightly
codegen_flags: <defaults>
</compile_context>

<pallas_src>
import functools

import jax
import jax.numpy as jnp
from jax import lax
from jax.experimental import pallas as pl
from jax.experimental.pallas import tpu as pltpu
from jax.experimental.pallas import tpu_sc as plsc

_MAX_NORM = 7.0
_EPS = 1e-7

_NC = 2
_NS = 16
_NW = _NC * _NS
_L = 16

_ROWS_PER_CHUNK = 16


def _newton_rsqrt(s):
    y = plsc.bitcast(s, jnp.int32)
    y = jnp.int32(0x5F3759DF) - (y >> 1)
    x = plsc.bitcast(y, jnp.float32)
    for _ in range(3):
        x = x * (1.5 - 0.5 * s * x * x)
    return x


@functools.partial(jax.jit, static_argnums=(2, 3, 4))
def _sc_lookup(table, node_id, b, h, d):
    assert d & (d - 1) == 0, "column-skew addressing needs power-of-two d"
    rows_per_w = b // _NW
    n_chunks = rows_per_w // _ROWS_PER_CHUNK
    idx_per_chunk = _ROWS_PER_CHUNK * h
    groups = idx_per_chunk // _L

    mesh = plsc.VectorSubcoreMesh(core_axis_name="c", subcore_axis_name="s")

    @functools.partial(
        pl.kernel,
        out_type=jax.ShapeDtypeStruct((b, h, d), jnp.float32),
        mesh=mesh,
        scratch_types=[
            pltpu.VMEM((_ROWS_PER_CHUNK, h), jnp.int32),
            pltpu.VMEM((_ROWS_PER_CHUNK, h), jnp.int32),
            pltpu.VMEM((_ROWS_PER_CHUNK, h, d), jnp.float32),
            pltpu.VMEM((_ROWS_PER_CHUNK, h, d), jnp.float32),
            pltpu.SemaphoreType.DMA,
            pltpu.SemaphoreType.DMA,
            pltpu.SemaphoreType.DMA,
            pltpu.SemaphoreType.DMA,
        ],
        compiler_params=pltpu.CompilerParams(needs_layout_passes=False,
                                             use_tc_tiling_on_sc=False),
    )
    def k(table_hbm, idx_hbm, out_hbm, idx0, idx1, rows0, rows1,
          gsem0, gsem1, wsem0, wsem1):
        wid = lax.axis_index("s") * _NC + lax.axis_index("c")
        w_row0 = wid * rows_per_w
        lane = lax.iota(jnp.int32, _L)
        idx_bufs = (idx0, idx1)
        row_bufs = (rows0, rows1)
        gsems = (gsem0, gsem1)
        wsems = (wsem0, wsem1)

        def load_idx(c, buf):
            r0 = pl.multiple_of(w_row0 + c * _ROWS_PER_CHUNK, 8)
            pltpu.sync_copy(idx_hbm.at[pl.ds(r0, _ROWS_PER_CHUNK)], buf)

        def fire_gathers(bi):
            for r in range(_ROWS_PER_CHUNK):
                pltpu.async_copy(table_hbm.at[idx_bufs[bi].at[r]],
                                 row_bufs[bi].at[r], gsems[bi])

        def drain_gathers(bi):
            for r in range(_ROWS_PER_CHUNK):
                pltpu.make_async_copy(table_hbm.at[idx_bufs[bi].at[r]],
                                      row_bufs[bi].at[r], gsems[bi]).wait()

        def compute(bi):
            rows_v = row_bufs[bi]
            zero = jnp.zeros((_L,), jnp.int32)

            @plsc.parallel_loop(0, groups, 1, unroll=1, carry=jnp.int32(0))
            def _group(g, j):
                base = (g * _L + lane) * d
                vals = []
                ssq = jnp.zeros((_L,), jnp.float32)
                for col in range(d):
                    a = base + ((col + lane) & (d - 1))
                    v = plsc.load_gather(rows_v, [zero, zero, a])
                    vals.append(v)
                    ssq = ssq + v * v
                norm = ssq * _newton_rsqrt(ssq)

                @pl.when(lax.reduce_max(norm, (0,)) > _MAX_NORM)
                def _rescale():
                    scale = jnp.minimum(1.0,
                                        _MAX_NORM / (norm + _EPS))
                    for col in range(d):
                        a = base + ((col + lane) & (d - 1))
                        plsc.store_scatter(rows_v, [zero, zero, a],
                                           vals[col] * scale)

                return j

        def fire_writeback(c, bi):
            o0 = pl.multiple_of(w_row0 + c * _ROWS_PER_CHUNK, 8)
            return pltpu.async_copy(row_bufs[bi],
                                    out_hbm.at[pl.ds(o0, _ROWS_PER_CHUNK)],
                                    wsems[bi])

        def wait_writeback(c, bi):
            o0 = pl.multiple_of(w_row0 + c * _ROWS_PER_CHUNK, 8)
            pltpu.make_async_copy(row_bufs[bi],
                                  out_hbm.at[pl.ds(o0, _ROWS_PER_CHUNK)],
                                  wsems[bi]).wait()

        load_idx(0, idx0)
        fire_gathers(0)
        load_idx(1, idx1)
        fire_gathers(1)

        def outer_body(o, _):
            for bi in range(2):
                c = 2 * o + bi
                drain_gathers(bi)
                compute(bi)
                fire_writeback(c, bi)

                @pl.when(o < n_chunks // 2 - 1)
                def _prefetch():
                    load_idx(c + 2, idx_bufs[bi])
                    wait_writeback(c, bi)
                    fire_gathers(bi)

            return 0

        lax.fori_loop(0, n_chunks // 2, outer_body, 0)
        wait_writeback(n_chunks - 2, 0)
        wait_writeback(n_chunks - 1, 1)

    return k(table, node_id)


def kernel(node_id, table):
    b, h = node_id.shape
    d = table.shape[1]
    return _sc_lookup(table, node_id, b, h, d)

# --- scband reference (transcript-rebuilt; emitter-appended) ---
"""Pipeline reference for scband-node2-vec-embedding-86346022519263 (READ-ONLY COPY).

The authoritative reference and input builder live on the scoring server;
editing this copy changes nothing except your own understanding.
"""

import jax, jax.numpy as jnp
import numpy as np

NODE_SIZE = 1000000
EMBED_DIM = 32
BATCH = 16384
HIST = 50
MAX_NORM = 7.0


def setup_inputs(seed: int = 0) -> dict:
    key = jax.random.key(seed)
    k_idx, k_tab = jax.random.split(key)
    node_id = jax.random.randint(k_idx, (BATCH, HIST), 0, NODE_SIZE, dtype=jnp.int32)
    # nn.Embedding default init: N(0, 1)
    table = jax.random.normal(k_tab, (NODE_SIZE, EMBED_DIM), dtype=jnp.float32)
    return {"node_id": node_id, "table": table}


def reference(node_id, table):
    # nn.Embedding(node_size, embedding_size, max_norm=7):
    # gather rows, then renormalize any looked-up row whose L2 norm exceeds max_norm.
    rows = jnp.take(table, node_id, axis=0)  # [B, L, D]
    norms = jnp.linalg.norm(rows, axis=-1, keepdims=True)
    scale = jnp.minimum(1.0, MAX_NORM / (norms + 1e-7))
    return rows * scale

if __name__ == "__main__":
    import jax
    _d = setup_inputs()
    print(jax.jit(kernel)(*tuple(_d.values())))

</pallas_src>

<mosaic_0001>
#map = affine_map<(d0, d1) -> (0, 0)>
#map1 = affine_map<(d0, d1) -> (0, 0, 0)>
module attributes {stable_mosaic.version = 14 : i64} {
  func.func @k(%arg0: i32, %arg1: i32, %arg2: memref<1000000x32xf32, #tpu.memory_space<hbm>>, %arg3: memref<16384x50xi32, #tpu.memory_space<hbm>>, %arg4: memref<16384x50x32xf32, #tpu.memory_space<hbm>>, %arg5: memref<16x50xi32, #tpu.memory_space<vmem>>, %arg6: memref<16x50xi32, #tpu.memory_space<vmem>>, %arg7: memref<16x50x32xf32, #tpu.memory_space<vmem>>, %arg8: memref<16x50x32xf32, #tpu.memory_space<vmem>>, %arg9: memref<!tpu.dma_semaphore, #tpu.memory_space<semaphore_mem>>, %arg10: memref<!tpu.dma_semaphore, #tpu.memory_space<semaphore_mem>>, %arg11: memref<!tpu.dma_semaphore, #tpu.memory_space<semaphore_mem>>, %arg12: memref<!tpu.dma_semaphore, #tpu.memory_space<semaphore_mem>>) attributes {dimension_semantics = [#tpu.dimension_semantics<core_parallel>, #tpu.dimension_semantics<subcore_parallel>], iteration_bounds = array<i64: 2, 16>, scalar_prefetch = 0 : i64, scratch_operands = 8 : i64, tpu.core_type = #tpu.core_type<sc_vector_subcore>, window_params = [{transform_indices = #map}, {transform_indices = #map}, {transform_indices = #map1}]} {
    %mul3A = arith.constant 2 : i32
    %mul3A_0 = arith.muli %arg1, %mul3A : i32
    %add3A = arith.addi %mul3A_0, %arg0 : i32
    %mul3A_1 = arith.constant 512 : i32
    %mul3A_2 = arith.muli %add3A, %mul3A_1 : i32
    %iota3A = tpu.iota {dimensions = array<i32: 0>} : vector<16xi32>
    %add3A_3 = arith.constant 0 : i32
    %add3A_4 = arith.addi %mul3A_2, %add3A_3 : i32
    %multiple_of3A = tpu.assume_multiple %add3A_4, 8 : i32
    "tpu.region"() ({
      %run_scoped3A = tpu.sem_alloc : memref<!tpu.dma_semaphore, #tpu.memory_space<semaphore_mem>>
      %dma_start3A_414 = arith.constant 0 : i32
      %dma_start3A_415 = tpu.memref_slice %arg3[%multiple_of3A, %dma_start3A_414] : memref<16384x50xi32, #tpu.memory_space<hbm>> -> memref<16x50xi32, #tpu.memory_space<hbm>>
      %dma_start3A_416 = arith.constant 0 : i32
      %dma_start3A_417 = tpu.memref_slice %arg3[%multiple_of3A, %dma_start3A_416] : memref<16384x50xi32, #tpu.memory_space<hbm>> -> memref<16x50xi32, #tpu.memory_space<hbm>>
      tpu.enqueue_dma source(%dma_start3A_417 : memref<16x50xi32, #tpu.memory_space<hbm>>) target(%arg5 : memref<16x50xi32, #tpu.memory_space<vmem>>) target_semaphore(%run_scoped3A : memref<!tpu.dma_semaphore, #tpu.memory_space<semaphore_mem>>)
      %dma_wait3A_418 = arith.constant 0 : i32
      %dma_wait3A_419 = tpu.memref_slice %arg3[%multiple_of3A, %dma_wait3A_418] : memref<16384x50xi32, #tpu.memory_space<hbm>> -> memref<16x50xi32, #tpu.memory_space<hbm>>
      %dma_wait3A_420 = arith.constant 0 : i32
      %dma_wait3A_421 = tpu.memref_slice %arg3[%multiple_of3A, %dma_wait3A_420] : memref<16384x50xi32, #tpu.memory_space<hbm>> -> memref<16x50xi32, #tpu.memory_space<hbm>>
      tpu.wait_dma2 semaphore(%run_scoped3A : memref<!tpu.dma_semaphore, #tpu.memory_space<semaphore_mem>>) src(%dma_wait3A_421 : memref<16x50xi32, #tpu.memory_space<hbm>>) dst(%arg5 : memref<16x50xi32, #tpu.memory_space<vmem>>)
      tpu.yield
    }) : () -> ()
    %dma_start3A = arith.constant 0 : i32
    %dma_start3A_5 = arith.constant 0 : i32
    %dma_start3A_6 = arith.constant 0 : i32
    %dma_start3A_7 = arith.constant 0 : i32
    %dma_start3A_8 = tpu.memref_slice %arg7[%dma_start3A_5, %dma_start3A_6, %dma_start3A_7] : memref<16x50x32xf32, #tpu.memory_space<vmem>> -> memref<1x50x32xf32, #tpu.memory_space<vmem>>
    %dma_start3A_9 = tpu.memref_squeeze %dma_start3A_8 : memref<1x50x32xf32, #tpu.memory_space<vmem>> -> memref<50x32xf32, #tpu.memory_space<vmem>>
    %dma_start3A_10 = arith.constant 0 : i32
    %dma_start3A_11 = tpu.memref_slice %arg5[%dma_start3A, %dma_start3A_10] : memref<16x50xi32, #tpu.memory_space<vmem>> -> memref<1x50xi32, #tpu.memory_space<vmem>>
    %dma_start3A_12 = tpu.memref_squeeze %dma_start3A_11 : memref<1x50xi32, #tpu.memory_space<vmem>> -> memref<50xi32, #tpu.memory_space<vmem>>
    %dma_start3A_13 = arith.constant 0 : i32
    %dma_start3A_14 = arith.constant 0 : i32
    %dma_start3A_15 = tpu.memref_slice %arg2[%dma_start3A_13, %dma_start3A_14] : memref<1000000x32xf32, #tpu.memory_space<hbm>> -> memref<1000000x32xf32, #tpu.memory_space<hbm>>
    tpu.enqueue_indirect_dma source(%dma_start3A_15 : memref<1000000x32xf32, #tpu.memory_space<hbm>>) target(%dma_start3A_9 : memref<50x32xf32, #tpu.memory_space<vmem>>) offsets(%dma_start3A_12 : memref<50xi32, #tpu.memory_space<vmem>>) semaphore(%arg9 : memref<!tpu.dma_semaphore, #tpu.memory_space<semaphore_mem>>)
    %dma_start3A_16 = arith.constant 1 : i32
    %dma_start3A_17 = arith.constant 1 : i32
    %dma_start3A_18 = arith.constant 0 : i32
    %dma_start3A_19 = arith.constant 0 : i32
    %dma_start3A_20 = tpu.memref_slice %arg7[%dma_start3A_17, %dma_start3A_18, %dma_start3A_19] : memref<16x50x32xf32, #tpu.memory_space<vmem>> -> memref<1x50x32xf32, #tpu.memory_space<vmem>>
    %dma_start3A_21 = tpu.memref_squeeze %dma_start3A_20 : memref<1x50x32xf32, #tpu.memory_space<vmem>> -> memref<50x32xf32, #tpu.memory_space<vmem>>
    %dma_start3A_22 = arith.constant 0 : i32
    %dma_start3A_23 = tpu.memref_slice %arg5[%dma_start3A_16, %dma_start3A_22] : memref<16x50xi32, #tpu.memory_space<vmem>> -> memref<1x50xi32, #tpu.memory_space<vmem>>
    %dma_start3A_24 = tpu.memref_squeeze %dma_start3A_23 : memref<1x50xi32, #tpu.memory_space<vmem>> -> memref<50xi32, #tpu.memory_space<vmem>>
    %dma_start3A_25 = arith.constant 0 : i32
    %dma_start3A_26 = arith.constant 0 : i32
    %dma_start3A_27 = tpu.memref_slice %arg2[%dma_start3A_25, %dma_start3A_26] : memref<1000000x32xf32, #tpu.memory_space<hbm>> -> memref<1000000x32xf32, #tpu.memory_space<hbm>>
    tpu.enqueue_indirect_dma source(%dma_start3A_27 : memref<1000000x32xf32, #tpu.memory_space<hbm>>) target(%dma_start3A_21 : memref<50x32xf32, #tpu.memory_space<vmem>>) offsets(%dma_start3A_24 : memref<50xi32, #tpu.memory_space<vmem>>) semaphore(%arg9 : memref<!tpu.dma_semaphore, #tpu.memory_space<semaphore_mem>>)
    %dma_start3A_28 = arith.constant 2 : i32
    %dma_start3A_29 = arith.constant 2 : i32
    %dma_start3A_30 = arith.constant 0 : i32
    %dma_start3A_31 = arith.constant 0 : i32
    %dma_start3A_32 = tpu.memref_slice %arg7[%dma_start3A_29, %dma_start3A_30, %dma_start3A_31] : memref<16x50x32xf32, #tpu.memory_space<vmem>> -> memref<1x50x32xf32, #tpu.memory_space<vmem>>
    %dma_start3A_33 = tpu.memref_squeeze %dma_start3A_32 : memref<1x50x32xf32, #tpu.memory_space<vmem>> -> memref<50x32xf32, #tpu.memory_space<vmem>>
    %dma_start3A_34 = arith.constant 0 : i32
    %dma_start3A_35 = tpu.memref_slice %arg5[%dma_start3A_28, %dma_start3A_34] : memref<16x50xi32, #tpu.memory_space<vmem>> -> memref<1x50xi32, #tpu.memory_space<vmem>>
    %dma_start3A_36 = tpu.memref_squeeze %dma_start3A_35 : memref<1x50xi32, #tpu.memory_space<vmem>> -> memref<50xi32, #tpu.memory_space<vmem>>
    %dma_start3A_37 = arith.constant 0 : i32
    %dma_start3A_38 = arith.constant 0 : i32
    %dma_start3A_39 = tpu.memref_slice %arg2[%dma_start3A_37, %dma_start3A_38] : memref<1000000x32xf32, #tpu.memory_space<hbm>> -> memref<1000000x32xf32, #tpu.memory_space<hbm>>
    tpu.enqueue_indirect_dma source(%dma_start3A_39 : memref<1000000x32xf32, #tpu.memory_space<hbm>>) target(%dma_start3A_33 : memref<50x32xf32, #tpu.memory_space<vmem>>) offsets(%dma_start3A_36 : memref<50xi32, #tpu.memory_space<vmem>>) semaphore(%arg9 : memref<!tpu.dma_semaphore, #tpu.memory_space<semaphore_mem>>)
    %dma_start3A_40 = arith.constant 3 : i32
    %dma_start3A_41 = arith.constant 3 : i32
    %dma_start3A_42 = arith.constant 0 : i32
    %dma_start3A_43 = arith.constant 0 : i32
    %dma_start3A_44 = tpu.memref_slice %arg7[%dma_start3A_41, %dma_start3A_42, %dma_start3A_43] : memref<16x50x32xf32, #tpu.memory_space<vmem>> -> memref<1x50x32xf32, #tpu.memory_space<vmem>>
    %dma_start3A_45 = tpu.memref_squeeze %dma_start3A_44 : memref<1x50x32xf32, #tpu.memory_space<vmem>> -> memref<50x32xf32, #tpu.memory_space<vmem>>
    %dma_start3A_46 = arith.constant 0 : i32
    %dma_start3A_47 = tpu.memref_slice %arg5[%dma_start3A_40, %dma_start3A_46] : memref<16x50xi32, #tpu.memory_space<vmem>> -> memref<1x50xi32, #tpu.memory_space<vmem>>
    %dma_start3A_48 = tpu.memref_squeeze %dma_start3A_47 : memref<1x50xi32, #tpu.memory_space<vmem>> -> memref<50xi32, #tpu.memory_space<vmem>>
    %dma_start3A_49 = arith.constant 0 : i32
    %dma_start3A_50 = arith.constant 0 : i32
    %dma_start3A_51 = tpu.memref_slice %arg2[%dma_start3A_49, %dma_start3A_50] : memref<1000000x32xf32, #tpu.memory_space<hbm>> -> memref<1000000x32xf32, #tpu.memory_space<hbm>>
    tpu.enqueue_indirect_dma source(%dma_start3A_51 : memref<1000000x32xf32, #tpu.memory_space<hbm>>) target(%dma_start3A_45 : memref<50x32xf32, #tpu.memory_space<vmem>>) offsets(%dma_start3A_48 : memref<50xi32, #tpu.memory_space<vmem>>) semaphore(%arg9 : memref<!tpu.dma_semaphore, #tpu.memory_space<semaphore_mem>>)
    %dma_start3A_52 = arith.constant 4 : i32
    %dma_start3A_53 = arith.constant 4 : i32
    %dma_start3A_54 = arith.constant 0 : i32
    %dma_start3A_55 = arith.constant 0 : i32
    %dma_start3A_56 = tpu.memref_slice %arg7[%dma_start3A_53, %dma_start3A_54, %dma_start3A_55] : memref<16x50x32xf32, #tpu.memory_space<vmem>> -> memref<1x50x32xf32, #tpu.memory_space<vmem>>
    %dma_start3A_57 = tpu.memref_squeeze %dma_start3A_56 : memref<1x50x32xf32, #tpu.memory_space<vmem>> -> memref<50x32xf32, #tpu.memory_space<vmem>>
    %dma_start3A_58 = arith.constant 0 : i32
    %dma_start3A_59 = tpu.memref_slice %arg5[%dma_start3A_52, %dma_start3A_58] : memref<16x50xi32, #tpu.memory_space<vmem>> -> memref<1x50xi32, #tpu.memory_space<vmem>>
    %dma_start3A_60 = tpu.memref_squeeze %dma_start3A_59 : memref<1x50xi32, #tpu.memory_space<vmem>> -> memref<50xi32, #tpu.memory_space<vmem>>
    %dma_start3A_61 = arith.constant 0 : i32
    %dma_start3A_62 = arith.constant 0 : i32
    %dma_start3A_63 = tpu.memref_slice %arg2[%dma_start3A_61, %dma_start3A_62] : memref<1000000x32xf32, #tpu.memory_space<hbm>> -> memref<1000000x32xf32, #tpu.memory_space<hbm>>
    tpu.enqueue_indirect_dma source(%dma_start3A_63 : memref<1000000x32xf32, #tpu.memory_space<hbm>>) target(%dma_start3A_57 : memref<50x32xf32, #tpu.memory_space<vmem>>) offsets(%dma_start3A_60 : memref<50xi32, #tpu.memory_space<vmem>>) semaphore(%arg9 : memref<!tpu.dma_semaphore, #tpu.memory_space<semaphore_mem>>)
    %dma_start3A_64 = arith.constant 5 : i32
    %dma_start3A_65 = arith.constant 5 : i32
    %dma_start3A_66 = arith.constant 0 : i32
    %dma_start3A_67 = arith.constant 0 : i32
    %dma_start3A_68 = tpu.memref_slice %arg7[%dma_start3A_65, %dma_start3A_66, %dma_start3A_67] : memref<16x50x32xf32, #tpu.memory_space<vmem>> -> memref<1x50x32xf32, #tpu.memory_space<vmem>>
    %dma_start3A_69 = tpu.memref_squeeze %dma_start3A_68 : memref<1x50x32xf32, #tpu.memory_space<vmem>> -> memref<50x32xf32, #tpu.memory_space<vmem>>
    %dma_start3A_70 = arith.constant 0 : i32
    %dma_start3A_71 = tpu.memref_slice %arg5[%dma_start3A_64, %dma_start3A_70] : memref<16x50xi32, #tpu.memory_space<vmem>> -> memref<1x50xi32, #tpu.memory_space<vmem>>
    %dma_start3A_72 = tpu.memref_squeeze %dma_start3A_71 : memref<1x50xi32, #tpu.memory_space<vmem>> -> memref<50xi32, #tpu.memory_space<vmem>>
    %dma_start3A_73 = arith.constant 0 : i32
    %dma_start3A_74 = arith.constant 0 : i32
    %dma_start3A_75 = tpu.memref_slice %arg2[%dma_start3A_73, %dma_start3A_74] : memref<1000000x32xf32, #tpu.memory_space<hbm>> -> memref<1000000x32xf32, #tpu.memory_space<hbm>>
    tpu.enqueue_indirect_dma source(%dma_start3A_75 : memref<1000000x32xf32, #tpu.memory_space<hbm>>) target(%dma_start3A_69 : memref<50x32xf32, #tpu.memory_space<vmem>>) offsets(%dma_start3A_72 : memref<50xi32, #tpu.memory_space<vmem>>) semaphore(%arg9 : memref<!tpu.dma_semaphore, #tpu.memory_space<semaphore_mem>>)
    %dma_start3A_76 = arith.constant 6 : i32
    %dma_start3A_77 = arith.constant 6 : i32
    %dma_start3A_78 = arith.constant 0 : i32
    %dma_start3A_79 = arith.constant 0 : i32
    %dma_start3A_80 = tpu.memref_slice %arg7[%dma_start3A_77, %dma_start3A_78, %dma_start3A_79] : memref<16x50x32xf32, #tpu.memory_space<vmem>> -> memref<1x50x32xf32, #tpu.memory_space<vmem>>
    %dma_start3A_81 = tpu.memref_squeeze %dma_start3A_80 : memref<1x50x32xf32, #tpu.memory_space<vmem>> -> memref<50x32xf32, #tpu.memory_space<vmem>>
    %dma_start3A_82 = arith.constant 0 : i32
    %dma_start3A_83 = tpu.memref_slice %arg5[%dma_start3A_76, %dma_start3A_82] : memref<16x50xi32, #tpu.memory_space<vmem>> -> memref<1x50xi32, #tpu.memory_space<vmem>>
    %dma_start3A_84 = tpu.memref_squeeze %dma_start3A_83 : memref<1x50xi32, #tpu.memory_space<vmem>> -> memref<50xi32, #tpu.memory_space<vmem>>
    %dma_start3A_85 = arith.constant 0 : i32
    %dma_start3A_86 = arith.constant 0 : i32
    %dma_start3A_87 = tpu.memref_slice %arg2[%dma_start3A_85, %dma_start3A_86] : memref<1000000x32xf32, #tpu.memory_space<hbm>> -> memref<1000000x32xf32, #tpu.memory_space<hbm>>
    tpu.enqueue_indirect_dma source(%dma_start3A_87 : memref<1000000x32xf32, #tpu.memory_space<hbm>>) target(%dma_start3A_81 : memref<50x32xf32, #tpu.memory_space<vmem>>) offsets(%dma_start3A_84 : memref<50xi32, #tpu.memory_space<vmem>>) semaphore(%arg9 : memref<!tpu.dma_semaphore, #tpu.memory_space<semaphore_mem>>)
    %dma_start3A_88 = arith.constant 7 : i32
    %dma_start3A_89 = arith.constant 7 : i32
    %dma_start3A_90 = arith.constant 0 : i32
    %dma_start3A_91 = arith.constant 0 : i32
    %dma_start3A_92 = tpu.memref_slice %arg7[%dma_start3A_89, %dma_start3A_90, %dma_start3A_91] : memref<16x50x32xf32, #tpu.memory_space<vmem>> -> memref<1x50x32xf32, #tpu.memory_space<vmem>>
    %dma_start3A_93 = tpu.memref_squeeze %dma_start3A_92 : memref<1x50x32xf32, #tpu.memory_space<vmem>> -> memref<50x32xf32, #tpu.memory_space<vmem>>
    %dma_start3A_94 = arith.constant 0 : i32
    %dma_start3A_95 = tpu.memref_slice %arg5[%dma_start3A_88, %dma_start3A_94] : memref<16x50xi32, #tpu.memory_space<vmem>> -> memref<1x50xi32, #tpu.memory_space<vmem>>
    %dma_start3A_96 = tpu.memref_squeeze %dma_start3A_95 : memref<1x50xi32, #tpu.memory_space<vmem>> -> memref<50xi32, #tpu.memory_space<vmem>>
    %dma_start3A_97 = arith.constant 0 : i32
    %dma_start3A_98 = arith.constant 0 : i32
    %dma_start3A_99 = tpu.memref_slice %arg2[%dma_start3A_97, %dma_start3A_98] : memref<1000000x32xf32, #tpu.memory_space<hbm>> -> memref<1000000x32xf32, #tpu.memory_space<hbm>>
    tpu.enqueue_indirect_dma source(%dma_start3A_99 : memref<1000000x32xf32, #tpu.memory_space<hbm>>) target(%dma_start3A_93 : memref<50x32xf32, #tpu.memory_space<vmem>>) offsets(%dma_start3A_96 : memref<50xi32, #tpu.memory_space<vmem>>) semaphore(%arg9 : memref<!tpu.dma_semaphore, #tpu.memory_space<semaphore_mem>>)
    %dma_start3A_100 = arith.constant 8 : i32
    %dma_start3A_101 = arith.constant 8 : i32
    %dma_start3A_102 = arith.constant 0 : i32
    %dma_start3A_103 = arith.constant 0 : i32
    %dma_start3A_104 = tpu.memref_slice %arg7[%dma_start3A_101, %dma_start3A_102, %dma_start3A_103] : memref<16x50x32xf32, #tpu.memory_space<vmem>> -> memref<1x50x32xf32, #tpu.memory_space<vmem>>
    %dma_start3A_105 = tpu.memref_squeeze %dma_start3A_104 : memref<1x50x32xf32, #tpu.memory_space<vmem>> -> memref<50x32xf32, #tpu.memory_space<vmem>>
    %dma_start3A_106 = arith.constant 0 : i32
    %dma_start3A_107 = tpu.memref_slice %arg5[%dma_start3A_100, %dma_start3A_106] : memref<16x50xi32, #tpu.memory_space<vmem>> -> memref<1x50xi32, #tpu.memory_space<vmem>>
    %dma_start3A_108 = tpu.memref_squeeze %dma_start3A_107 : memref<1x50xi32, #tpu.memory_space<vmem>> -> memref<50xi32, #tpu.memory_space<vmem>>
    %dma_start3A_109 = arith.constant 0 : i32
    %dma_start3A_110 = arith.constant 0 : i32
    %dma_start3A_111 = tpu.memref_slice %arg2[%dma_start3A_109, %dma_start3A_110] : memref<1000000x32xf32, #tpu.memory_space<hbm>> -> memref<1000000x32xf32, #tpu.memory_space<hbm>>
    tpu.enqueue_indirect_dma source(%dma_start3A_111 : memref<1000000x32xf32, #tpu.memory_space<hbm>>) target(%dma_start3A_105 : memref<50x32xf32, #tpu.memory_space<vmem>>) offsets(%dma_start3A_108 : memref<50xi32, #tpu.memory_space<vmem>>) semaphore(%arg9 : memref<!tpu.dma_semaphore, #tpu.memory_space<semaphore_mem>>)
    %dma_start3A_112 = arith.constant 9 : i32
    %dma_start3A_113 = arith.constant 9 : i32
    %dma_start3A_114 = arith.constant 0 : i32
    %dma_start3A_115 = arith.constant 0 : i32
    %dma_start3A_116 = tpu.memref_slice %arg7[%dma_start3A_113, %dma_start3A_114, %dma_start3A_115] : memref<16x50x32xf32, #tpu.memory_space<vmem>> -> memref<1x50x32xf32, #tpu.memory_space<vmem>>
    %dma_start3A_117 = tpu.memref_squeeze %dma_start3A_116 : memref<1x50x32xf32, #tpu.memory_space<vmem>> -> memref<50x32xf32, #tpu.memory_space<vmem>>
    %dma_start3A_118 = arith.constant 0 : i32
    %dma_start3A_119 = tpu.memref_slice %arg5[%dma_start3A_112, %dma_start3A_118] : memref<16x50xi32, #tpu.memory_space<vmem>> -> memref<1x50xi32, #tpu.memory_space<vmem>>
    %dma_start3A_120 = tpu.memref_squeeze %dma_start3A_119 : memref<1x50xi32, #tpu.memory_space<vmem>> -> memref<50xi32, #tpu.memory_space<vmem>>
    %dma_start3A_121 = arith.constant 0 : i32
    %dma_start3A_122 = arith.constant 0 : i32
    %dma_start3A_123 = tpu.memref_slice %arg2[%dma_start3A_121, %dma_start3A_122] : memref<1000000x32xf32, #tpu.memory_space<hbm>> -> memref<1000000x32xf32, #tpu.memory_space<hbm>>
    tpu.enqueue_indirect_dma source(%dma_start3A_123 : memref<1000000x32xf32, #tpu.memory_space<hbm>>) target(%dma_start3A_117 : memref<50x32xf32, #tpu.memory_space<vmem>>) offsets(%dma_start3A_120 : memref<50xi32, #tpu.memory_space<vmem>>) semaphore(%arg9 : memref<!tpu.dma_semaphore, #tpu.memory_space<semaphore_mem>>)
    %dma_start3A_124 = arith.constant 10 : i32
    %dma_start3A_125 = arith.constant 10 : i32
    %dma_start3A_126 = arith.constant 0 : i32
    %dma_start3A_127 = arith.constant 0 : i32
    %dma_start3A_128 = tpu.memref_slice %arg7[%dma_start3A_125, %dma_start3A_126, %dma_start3A_127] : memref<16x50x32xf32, #tpu.memory_space<vmem>> -> memref<1x50x32xf32, #tpu.memory_space<vmem>>
    %dma_start3A_129 = tpu.memref_squeeze %dma_start3A_128 : memref<1x50x32xf32, #tpu.memory_space<vmem>> -> memref<50x32xf32, #tpu.memory_space<vmem>>
    %dma_start3A_130 = arith.constant 0 : i32
    %dma_start3A_131 = tpu.memref_slice %arg5[%dma_start3A_124, %dma_start3A_130] : memref<16x50xi32, #tpu.memory_space<vmem>> -> memref<1x50xi32, #tpu.memory_space<vmem>>
    %dma_start3A_132 = tpu.memref_squeeze %dma_start3A_131 : memref<1x50xi32, #tpu.memory_space<vmem>> -> memref<50xi32, #tpu.memory_space<vmem>>
    %dma_start3A_133 = arith.constant 0 : i32
    %dma_start3A_134 = arith.constant 0 : i32
    %dma_start3A_135 = tpu.memref_slice %arg2[%dma_start3A_133, %dma_start3A_134] : memref<1000000x32xf32, #tpu.memory_space<hbm>> -> memref<1000000x32xf32, #tpu.memory_space<hbm>>
    tpu.enqueue_indirect_dma source(%dma_start3A_135 : memref<1000000x32xf32, #tpu.memory_space<hbm>>) target(%dma_start3A_129 : memref<50x32xf32, #tpu.memory_space<vmem>>) offsets(%dma_start3A_132 : memref<50xi32, #tpu.memory_space<vmem>>) semaphore(%arg9 : memref<!tpu.dma_semaphore, #tpu.memory_space<semaphore_mem>>)
    %dma_start3A_136 = arith.constant 11 : i32
    %dma_start3A_137 = arith.constant 11 : i32
    %dma_start3A_138 = arith.constant 0 : i32
    %dma_start3A_139 = arith.constant 0 : i32
    %dma_start3A_140 = tpu.memref_slice %arg7[%dma_start3A_137, %dma_start3A_138, %dma_start3A_139] : memref<16x50x32xf32, #tpu.memory_space<vmem>> -> memref<1x50x32xf32, #tpu.memory_space<vmem>>
    %dma_start3A_141 = tpu.memref_squeeze %dma_start3A_140 : memref<1x50x32xf32, #tpu.memory_space<vmem>> -> memref<50x32xf32, #tpu.memory_space<vmem>>
    %dma_start3A_142 = arith.constant 0 : i32
    %dma_start3A_143 = tpu.memref_slice %arg5[%dma_start3A_136, %dma_start3A_142] : memref<16x50xi32, #tpu.memory_space<vmem>> -> memref<1x50xi32, #tpu.memory_space<vmem>>
    %dma_start3A_144 = tpu.memref_squeeze %dma_start3A_143 : memref<1x50xi32, #tpu.memory_space<vmem>> -> memref<50xi32, #tpu.memory_space<vmem>>
    %dma_start3A_145 = arith.constant 0 : i32
    %dma_start3A_146 = arith.constant 0 : i32
    %dma_start3A_147 = tpu.memref_slice %arg2[%dma_start3A_145, %dma_start3A_146] : memref<1000000x32xf32, #tpu.memory_space<hbm>> -> memref<1000000x32xf32, #tpu.memory_space<hbm>>
    tpu.enqueue_indirect_dma source(%dma_start3A_147 : memref<1000000x32xf32, #tpu.memory_space<hbm>>) target(%dma_start3A_141 : memref<50x32xf32, #tpu.memory_space<vmem>>) offsets(%dma_start3A_144 : memref<50xi32, #tpu.memory_space<vmem>>) semaphore(%arg9 : memref<!tpu.dma_semaphore, #tpu.memory_space<semaphore_mem>>)
    %dma_start3A_148 = arith.constant 12 : i32
    %dma_start3A_149 = arith.constant 12 : i32
    %dma_start3A_150 = arith.constant 0 : i32
    %dma_start3A_151 = arith.constant 0 : i32
    %dma_start3A_152 = tpu.memref_slice %arg7[%dma_start3A_149, %dma_start3A_150, %dma_start3A_151] : memref<16x50x32xf32, #tpu.memory_space<vmem>> -> memref<1x50x32xf32, #tpu.memory_space<vmem>>
    %dma_start3A_153 = tpu.memref_squeeze %dma_start3A_152 : memref<1x50x32xf32, #tpu.memory_space<vmem>> -> memref<50x32xf32, #tpu.memory_space<vmem>>
    %dma_start3A_154 = arith.constant 0 : i32
    %dma_start3A_155 = tpu.memref_slice %arg5[%dma_start3A_148, %dma_start3A_154] : memref<16x50xi32, #tpu.memory_space<vmem>> -> memref<1x50xi32, #tpu.memory_space<vmem>>
    %dma_start3A_156 = tpu.memref_squeeze %dma_start3A_155 : memref<1x50xi32, #tpu.memory_space<vmem>> -> memref<50xi32, #tpu.memory_space<vmem>>
    %dma_start3A_157 = arith.constant 0 : i32
    %dma_start3A_158 = arith.constant 0 : i32
    %dma_start3A_159 = tpu.memref_slice %arg2[%dma_start3A_157, %dma_start3A_158] : memref<1000000x32xf32, #tpu.memory_space<hbm>> -> memref<1000000x32xf32, #tpu.memory_space<hbm>>
    tpu.enqueue_indirect_dma source(%dma_start3A_159 : memref<1000000x32xf32, #tpu.memory_space<hbm>>) target(%dma_start3A_153 : memref<50x32xf32, #tpu.memory_space<vmem>>) offsets(%dma_start3A_156 : memref<50xi32, #tpu.memory_space<vmem>>) semaphore(%arg9 : memref<!tpu.dma_semaphore, #tpu.memory_space<semaphore_mem>>)
    %dma_start3A_160 = arith.constant 13 : i32
    %dma_start3A_161 = arith.constant 13 : i32
    %dma_start3A_162 = arith.constant 0 : i32
    %dma_start3A_163 = arith.constant 0 : i32
    %dma_start3A_164 = tpu.memref_slice %arg7[%dma_start3A_161, %dma_start3A_162, %dma_start3A_163] : memref<16x50x32xf32, #tpu.memory_space<vmem>> -> memref<1x50x32xf32, #tpu.memory_space<vmem>>
    %dma_start3A_165 = tpu.memref_squeeze %dma_start3A_164 : memref<1x50x32xf32, #tpu.memory_space<vmem>> -> memref<50x32xf32, #tpu.memory_space<vmem>>
    %dma_start3A_166 = arith.constant 0 : i32
    %dma_start3A_167 = tpu.memref_slice %arg5[%dma_start3A_160, %dma_start3A_166] : memref<16x50xi32, #tpu.memory_space<vmem>> -> memref<1x50xi32, #tpu.memory_space<vmem>>
    %dma_start3A_168 = tpu.memref_squeeze %dma_start3A_167 : memref<1x50xi32, #tpu.memory_space<vmem>> -> memref<50xi32, #tpu.memory_space<vmem>>
    %dma_start3A_169 = arith.constant 0 : i32
    %dma_start3A_170 = arith.constant 0 : i32
    %dma_start3A_171 = tpu.memref_slice %arg2[%dma_start3A_169, %dma_start3A_170] : memref<1000000x32xf32, #tpu.memory_space<hbm>> -> memref<1000000x32xf32, #tpu.memory_space<hbm>>
    tpu.enqueue_indirect_dma source(%dma_start3A_171 : memref<1000000x32xf32, #tpu.memory_space<hbm>>) target(%dma_start3A_165 : memref<50x32xf32, #tpu.memory_space<vmem>>) offsets(%dma_start3A_168 : memref<50xi32, #tpu.memory_space<vmem>>) semaphore(%arg9 : memref<!tpu.dma_semaphore, #tpu.memory_space<semaphore_mem>>)
    %dma_start3A_172 = arith.constant 14 : i32
    %dma_start3A_173 = arith.constant 14 : i32
    %dma_start3A_174 = arith.constant 0 : i32
    %dma_start3A_175 = arith.constant 0 : i32
    %dma_start3A_176 = tpu.memref_slice %arg7[%dma_start3A_173, %dma_start3A_174, %dma_start3A_175] : memref<16x50x32xf32, #tpu.memory_space<vmem>> -> memref<1x50x32xf32, #tpu.memory_space<vmem>>
    %dma_start3A_177 = tpu.memref_squeeze %dma_start3A_176 : memref<1x50x32xf32, #tpu.memory_space<vmem>> -> memref<50x32xf32, #tpu.memory_space<vmem>>
    %dma_start3A_178 = arith.constant 0 : i32
    %dma_start3A_179 = tpu.memref_slice %arg5[%dma_start3A_172, %dma_start3A_178] : memref<16x50xi32, #tpu.memory_space<vmem>> -> memref<1x50xi32, #tpu.memory_space<vmem>>
    %dma_start3A_180 = tpu.memref_squeeze %dma_start3A_179 : memref<1x50xi32, #tpu.memory_space<vmem>> -> memref<50xi32, #tpu.memory_space<vmem>>
    %dma_start3A_181 = arith.constant 0 : i32
    %dma_start3A_182 = arith.constant 0 : i32
    %dma_start3A_183 = tpu.memref_slice %arg2[%dma_start3A_181, %dma_start3A_182] : memref<1000000x32xf32, #tpu.memory_space<hbm>> -> memref<1000000x32xf32, #tpu.memory_space<hbm>>
    tpu.enqueue_indirect_dma source(%dma_start3A_183 : memref<1000000x32xf32, #tpu.memory_space<hbm>>) target(%dma_start3A_177 : memref<50x32xf32, #tpu.memory_space<vmem>>) offsets(%dma_start3A_180 : memref<50xi32, #tpu.memory_space<vmem>>) semaphore(%arg9 : memref<!tpu.dma_semaphore, #tpu.memory_space<semaphore_mem>>)
    %dma_start3A_184 = arith.constant 15 : i32
    %dma_start3A_185 = arith.constant 15 : i32
    %dma_start3A_186 = arith.constant 0 : i32
    %dma_start3A_187 = arith.constant 0 : i32
    %dma_start3A_188 = tpu.memref_slice %arg7[%dma_start3A_185, %dma_start3A_186, %dma_start3A_187] : memref<16x50x32xf32, #tpu.memory_space<vmem>> -> memref<1x50x32xf32, #tpu.memory_space<vmem>>
    %dma_start3A_189 = tpu.memref_squeeze %dma_start3A_188 : memref<1x50x32xf32, #tpu.memory_space<vmem>> -> memref<50x32xf32, #tpu.memory_space<vmem>>
    %dma_start3A_190 = arith.constant 0 : i32
    %dma_start3A_191 = tpu.memref_slice %arg5[%dma_start3A_184, %dma_start3A_190] : memref<16x50xi32, #tpu.memory_space<vmem>> -> memref<1x50xi32, #tpu.memory_space<vmem>>
    %dma_start3A_192 = tpu.memref_squeeze %dma_start3A_191 : memref<1x50xi32, #tpu.memory_space<vmem>> -> memref<50xi32, #tpu.memory_space<vmem>>
    %dma_start3A_193 = arith.constant 0 : i32
    %dma_start3A_194 = arith.constant 0 : i32
    %dma_start3A_195 = tpu.memref_slice %arg2[%dma_start3A_193, %dma_start3A_194] : memref<1000000x32xf32, #tpu.memory_space<hbm>> -> memref<1000000x32xf32, #tpu.memory_space<hbm>>
    tpu.enqueue_indirect_dma source(%dma_start3A_195 : memref<1000000x32xf32, #tpu.memory_space<hbm>>) target(%dma_start3A_189 : memref<50x32xf32, #tpu.memory_space<vmem>>) offsets(%dma_start3A_192 : memref<50xi32, #tpu.memory_space<vmem>>) semaphore(%arg9 : memref<!tpu.dma_semaphore, #tpu.memory_space<semaphore_mem>>)
    %add3A_196 = arith.constant 16 : i32
    %add3A_197 = arith.addi %mul3A_2, %add3A_196 : i32
    %multiple_of3A_198 = tpu.assume_multiple %add3A_197, 8 : i32
    "tpu.region"() ({
      %run_scoped3A = tpu.sem_alloc : memref<!tpu.dma_semaphore, #tpu.memory_space<semaphore_mem>>
      %dma_start3A_414 = arith.constant 0 : i32
      %dma_start3A_415 = tpu.memref_slice %arg3[%multiple_of3A_198, %dma_start3A_414] : memref<16384x50xi32, #tpu.memory_space<hbm>> -> memref<16x50xi32, #tpu.memory_space<hbm>>
      %dma_start3A_416 = arith.constant 0 : i32
      %dma_start3A_417 = tpu.memref_slice %arg3[%multiple_of3A_198, %dma_start3A_416] : memref<16384x50xi32, #tpu.memory_space<hbm>> -> memref<16x50xi32, #tpu.memory_space<hbm>>
      tpu.enqueue_dma source(%dma_start3A_417 : memref<16x50xi32, #tpu.memory_space<hbm>>) target(%arg6 : memref<16x50xi32, #tpu.memory_space<vmem>>) target_semaphore(%run_scoped3A : memref<!tpu.dma_semaphore, #tpu.memory_space<semaphore_mem>>)
      %dma_wait3A_418 = arith.constant 0 : i32
      %dma_wait3A_419 = tpu.memref_slice %arg3[%multiple_of3A_198, %dma_wait3A_418] : memref<16384x50xi32, #tpu.memory_space<hbm>> -> memref<16x50xi32, #tpu.memory_space<hbm>>
      %dma_wait3A_420 = arith.constant 0 : i32
      %dma_wait3A_421 = tpu.memref_slice %arg3[%multiple_of3A_198, %dma_wait3A_420] : memref<16384x50xi32, #tpu.memory_space<hbm>> -> memref<16x50xi32, #tpu.memory_space<hbm>>
      tpu.wait_dma2 semaphore(%run_scoped3A : memref<!tpu.dma_semaphore, #tpu.memory_space<semaphore_mem>>) src(%dma_wait3A_421 : memref<16x50xi32, #tpu.memory_space<hbm>>) dst(%arg6 : memref<16x50xi32, #tpu.memory_space<vmem>>)
      tpu.yield
    }) : () -> ()
    %dma_start3A_199 = arith.constant 0 : i32
    %dma_start3A_200 = arith.constant 0 : i32
    %dma_start3A_201 = arith.constant 0 : i32
    %dma_start3A_202 = arith.constant 0 : i32
    %dma_start3A_203 = tpu.memref_slice %arg8[%dma_start3A_200, %dma_start3A_201, %dma_start3A_202] : memref<16x50x32xf32, #tpu.memory_space<vmem>> -> memref<1x50x32xf32, #tpu.memory_space<vmem>>
    %dma_start3A_204 = tpu.memref_squeeze %dma_start3A_203 : memref<1x50x32xf32, #tpu.memory_space<vmem>> -> memref<50x32xf32, #tpu.memory_space<vmem>>
    %dma_start3A_205 = arith.constant 0 : i32
    %dma_start3A_206 = tpu.memref_slice %arg6[%dma_start3A_199, %dma_start3A_205] : memref<16x50xi32, #tpu.memory_space<vmem>> -> memref<1x50xi32, #tpu.memory_space<vmem>>
    %dma_start3A_207 = tpu.memref_squeeze %dma_start3A_206 : memref<1x50xi32, #tpu.memory_space<vmem>> -> memref<50xi32, #tpu.memory_space<vmem>>
    %dma_start3A_208 = arith.constant 0 : i32
    %dma_start3A_209 = arith.constant 0 : i32
    %dma_start3A_210 = tpu.memref_slice %arg2[%dma_start3A_208, %dma_start3A_209] : memref<1000000x32xf32, #tpu.memory_space<hbm>> -> memref<1000000x32xf32, #tpu.memory_space<hbm>>
    tpu.enqueue_indirect_dma source(%dma_start3A_210 : memref<1000000x32xf32, #tpu.memory_space<hbm>>) target(%dma_start3A_204 : memref<50x32xf32, #tpu.memory_space<vmem>>) offsets(%dma_start3A_207 : memref<50xi32, #tpu.memory_space<vmem>>) semaphore(%arg10 : memref<!tpu.dma_semaphore, #tpu.memory_space<semaphore_mem>>)
    %dma_start3A_211 = arith.constant 1 : i32
    %dma_start3A_212 = arith.constant 1 : i32
    %dma_start3A_213 = arith.constant 0 : i32
    %dma_start3A_214 = arith.constant 0 : i32
    %dma_start3A_215 = tpu.memref_slice %arg8[%dma_start3A_212, %dma_start3A_213, %dma_start3A_214] : memref<16x50x32xf32, #tpu.memory_space<vmem>> -> memref<1x50x32xf32, #tpu.memory_space<vmem>>
    %dma_start3A_216 = tpu.memref_squeeze %dma_start3A_215 : memref<1x50x32xf32, #tpu.memory_space<vmem>> -> memref<50x32xf32, #tpu.memory_space<vmem>>
    %dma_start3A_217 = arith.constant 0 : i32
    %dma_start3A_218 = tpu.memref_slice %arg6[%dma_start3A_211, %dma_start3A_217] : memref<16x50xi32, #tpu.memory_space<vmem>> -> memref<1x50xi32, #tpu.memory_space<vmem>>
    %dma_start3A_219 = tpu.memref_squeeze %dma_start3A_218 : memref<1x50xi32, #tpu.memory_space<vmem>> -> memref<50xi32, #tpu.memory_space<vmem>>
    %dma_start3A_220 = arith.constant 0 : i32
    %dma_start3A_221 = arith.constant 0 : i32
    %dma_start3A_222 = tpu.memref_slice %arg2[%dma_start3A_220, %dma_start3A_221] : memref<1000000x32xf32, #tpu.memory_space<hbm>> -> memref<1000000x32xf32, #tpu.memory_space<hbm>>
    tpu.enqueue_indirect_dma source(%dma_start3A_222 : memref<1000000x32xf32, #tpu.memory_space<hbm>>) target(%dma_start3A_216 : memref<50x32xf32, #tpu.memory_space<vmem>>) offsets(%dma_start3A_219 : memref<50xi32, #tpu.memory_space<vmem>>) semaphore(%arg10 : memref<!tpu.dma_semaphore, #tpu.memory_space<semaphore_mem>>)
    %dma_start3A_223 = arith.constant 2 : i32
    %dma_start3A_224 = arith.constant 2 : i32
    %dma_start3A_225 = arith.constant 0 : i32
    %dma_start3A_226 = arith.constant 0 : i32
    %dma_start3A_227 = tpu.memref_slice %arg8[%dma_start3A_224, %dma_start3A_225, %dma_start3A_226] : memref<16x50x32xf32, #tpu.memory_space<vmem>> -> memref<1x50x32xf32, #tpu.memory_space<vmem>>
    %dma_start3A_228 = tpu.memref_squeeze %dma_start3A_227 : memref<1x50x32xf32, #tpu.memory_space<vmem>> -> memref<50x32xf32, #tpu.memory_space<vmem>>
    %dma_start3A_229 = arith.constant 0 : i32
    %dma_start3A_230 = tpu.memref_slice %arg6[%dma_start3A_223, %dma_start3A_229] : memref<16x50xi32, #tpu.memory_space<vmem>> -> memref<1x50xi32, #tpu.memory_space<vmem>>
    %dma_start3A_231 = tpu.memref_squeeze %dma_start3A_230 : memref<1x50xi32, #tpu.memory_space<vmem>> -> memref<50xi32, #tpu.memory_space<vmem>>
    %dma_start3A_232 = arith.constant 0 : i32
    %dma_start3A_233 = arith.constant 0 : i32
    %dma_start3A_234 = tpu.memref_slice %arg2[%dma_start3A_232, %dma_start3A_233] : memref<1000000x32xf32, #tpu.memory_space<hbm>> -> memref<1000000x32xf32, #tpu.memory_space<hbm>>
    tpu.enqueue_indirect_dma source(%dma_start3A_234 : memref<1000000x32xf32, #tpu.memory_space<hbm>>) target(%dma_start3A_228 : memref<50x32xf32, #tpu.memory_space<vmem>>) offsets(%dma_start3A_231 : memref<50xi32, #tpu.memory_space<vmem>>) semaphore(%arg10 : memref<!tpu.dma_semaphore, #tpu.memory_space<semaphore_mem>>)
    %dma_start3A_235 = arith.constant 3 : i32
    %dma_start3A_236 = arith.constant 3 : i32
    %dma_start3A_237 = arith.constant 0 : i32
    %dma_start3A_238 = arith.constant 0 : i32
    %dma_start3A_239 = tpu.memref_slice %arg8[%dma_start3A_236, %dma_start3A_237, %dma_start3A_238] : memref<16x50x32xf32, #tpu.memory_space<vmem>> -> memref<1x50x32xf32, #tpu.memory_space<vmem>>
    %dma_start3A_240 = tpu.memref_squeeze %dma_start3A_239 : memref<1x50x32xf32, #tpu.memory_space<vmem>> -> memref<50x32xf32, #tpu.memory_space<vmem>>
    %dma_start3A_241 = arith.constant 0 : i32
    %dma_start3A_242 = tpu.memref_slice %arg6[%dma_start3A_235, %dma_start3A_241] : memref<16x50xi32, #tpu.memory_space<vmem>> -> memref<1x50xi32, #tpu.memory_space<vmem>>
    %dma_start3A_243 = tpu.memref_squeeze %dma_start3A_242 : memref<1x50xi32, #tpu.memory_space<vmem>> -> memref<50xi32, #tpu.memory_space<vmem>>
    %dma_start3A_244 = arith.constant 0 : i32
    %dma_start3A_245 = arith.constant 0 : i32
    %dma_start3A_246 = tpu.memref_slice %arg2[%dma_start3A_244, %dma_start3A_245] : memref<1000000x32xf32, #tpu.memory_space<hbm>> -> memref<1000000x32xf32, #tpu.memory_space<hbm>>
    tpu.enqueue_indirect_dma source(%dma_start3A_246 : memref<1000000x32xf32, #tpu.memory_space<hbm>>) target(%dma_start3A_240 : memref<50x32xf32, #tpu.memory_space<vmem>>) offsets(%dma_start3A_243 : memref<50xi32, #tpu.memory_space<vmem>>) semaphore(%arg10 : memref<!tpu.dma_semaphore, #tpu.memory_space<semaphore_mem>>)
    %dma_start3A_247 = arith.constant 4 : i32
    %dma_start3A_248 = arith.constant 4 : i32
    %dma_start3A_249 = arith.constant 0 : i32
    %dma_start3A_250 = arith.constant 0 : i32
    %dma_start3A_251 = tpu.memref_slice %arg8[%dma_start3A_248, %dma_start3A_249, %dma_start3A_250] : memref<16x50x32xf32, #tpu.memory_space<vmem>> -> memref<1x50x32xf32, #tpu.memory_space<vmem>>
    %dma_start3A_252 = tpu.memref_squeeze %dma_start3A_251 : memref<1x50x32xf32, #tpu.memory_space<vmem>> -> memref<50x32xf32, #tpu.memory_space<vmem>>
    %dma_start3A_253 = arith.constant 0 : i32
    %dma_start3A_254 = tpu.memref_slice %arg6[%dma_start3A_247, %dma_start3A_253] : memref<16x50xi32, #tpu.memory_space<vmem>> -> memref<1x50xi32, #tpu.memory_space<vmem>>
    %dma_start3A_255 = tpu.memref_squeeze %dma_start3A_254 : memref<1x50xi32, #tpu.memory_space<vmem>> -> memref<50xi32, #tpu.memory_space<vmem>>
    %dma_start3A_256 = arith.constant 0 : i32
    %dma_start3A_257 = arith.constant 0 : i32
    %dma_start3A_258 = tpu.memref_slice %arg2[%dma_start3A_256, %dma_start3A_257] : memref<1000000x32xf32, #tpu.memory_space<hbm>> -> memref<1000000x32xf32, #tpu.memory_space<hbm>>
    tpu.enqueue_indirect_dma source(%dma_start3A_258 : memref<1000000x32xf32, #tpu.memory_space<hbm>>) target(%dma_start3A_252 : memref<50x32xf32, #tpu.memory_space<vmem>>) offsets(%dma_start3A_255 : memref<50xi32, #tpu.memory_space<vmem>>) semaphore(%arg10 : memref<!tpu.dma_semaphore, #tpu.memory_space<semaphore_mem>>)
    %dma_start3A_259 = arith.constant 5 : i32
    %dma_start3A_260 = arith.constant 5 : i32
    %dma_start3A_261 = arith.constant 0 : i32
    %dma_start3A_262 = arith.constant 0 : i32
    %dma_start3A_263 = tpu.memref_slice %arg8[%dma_start3A_260, %dma_start3A_261, %dma_start3A_262] : memref<16x50x32xf32, #tpu.memory_space<vmem>> -> memref<1x50x32xf32, #tpu.memory_space<vmem>>
    %dma_start3A_264 = tpu.memref_squeeze %dma_start3A_263 : memref<1x50x32xf32, #tpu.memory_space<vmem>> -> memref<50x32xf32, #tpu.memory_space<vmem>>
    %dma_start3A_265 = arith.constant 0 : i32
    %dma_start3A_266 = tpu.memref_slice %arg6[%dma_start3A_259, %dma_start3A_265] : memref<16x50xi32, #tpu.memory_space<vmem>> -> memref<1x50xi32, #tpu.memory_space<vmem>>
    %dma_start3A_267 = tpu.memref_squeeze %dma_start3A_266 : memref<1x50xi32, #tpu.memory_space<vmem>> -> memref<50xi32, #tpu.memory_space<vmem>>
    %dma_start3A_268 = arith.constant 0 : i32
    %dma_start3A_269 = arith.constant 0 : i32
    %dma_start3A_270 = tpu.memref_slice %arg2[%dma_start3A_268, %dma_start3A_269] : memref<1000000x32xf32, #tpu.memory_space<hbm>> -> memref<1000000x32xf32, #tpu.memory_space<hbm>>
    tpu.enqueue_indirect_dma source(%dma_start3A_270 : memref<1000000x32xf32, #tpu.memory_space<hbm>>) target(%dma_start3A_264 : memref<50x32xf32, #tpu.memory_space<vmem>>) offsets(%dma_start3A_267 : memref<50xi32, #tpu.memory_space<vmem>>) semaphore(%arg10 : memref<!tpu.dma_semaphore, #tpu.memory_space<semaphore_mem>>)
    %dma_start3A_271 = arith.constant 6 : i32
    %dma_start3A_272 = arith.constant 6 : i32
    %dma_start3A_273 = arith.constant 0 : i32
    %dma_start3A_274 = arith.constant 0 : i32
    %dma_start3A_275 = tpu.memref_slice %arg8[%dma_start3A_272, %dma_start3A_273, %dma_start3A_274] : memref<16x50x32xf32, #tpu.memory_space<vmem>> -> memref<1x50x32xf32, #tpu.memory_space<vmem>>
    %dma_start3A_276 = tpu.memref_squeeze %dma_start3A_275 : memref<1x50x32xf32, #tpu.memory_space<vmem>> -> memref<50x32xf32, #tpu.memory_space<vmem>>
    %dma_start3A_277 = arith.constant 0 : i32
    %dma_start3A_278 = tpu.memref_slice %arg6[%dma_start3A_271, %dma_start3A_277] : memref<16x50xi32, #tpu.memory_space<vmem>> -> memref<1x50xi32, #tpu.memory_space<vmem>>
    %dma_start3A_279 = tpu.memref_squeeze %dma_start3A_278 : memref<1x50xi32, #tpu.memory_space<vmem>> -> memref<50xi32, #tpu.memory_space<vmem>>
    %dma_start3A_280 = arith.constant 0 : i32
    %dma_start3A_281 = arith.constant 0 : i32
    %dma_start3A_282 = tpu.memref_slice %arg2[%dma_start3A_280, %dma_start3A_281] : memref<1000000x32xf32, #tpu.memory_space<hbm>> -> memref<1000000x32xf32, #tpu.memory_space<hbm>>
    tpu.enqueue_indirect_dma source(%dma_start3A_282 : memref<1000000x32xf32, #tpu.memory_space<hbm>>) target(%dma_start3A_276 : memref<50x32xf32, #tpu.memory_space<vmem>>) offsets(%dma_start3A_279 : memref<50xi32, #tpu.memory_space<vmem>>) semaphore(%arg10 : memref<!tpu.dma_semaphore, #tpu.memory_space<semaphore_mem>>)
    %dma_start3A_283 = arith.constant 7 : i32
    %dma_start3A_284 = arith.constant 7 : i32
    %dma_start3A_285 = arith.constant 0 : i32
    %dma_start3A_286 = arith.constant 0 : i32
    %dma_start3A_287 = tpu.memref_slice %arg8[%dma_start3A_284, %dma_start3A_285, %dma_start3A_286] : memref<16x50x32xf32, #tpu.memory_space<vmem>> -> memref<1x50x32xf32, #tpu.memory_space<vmem>>
    %dma_start3A_288 = tpu.memref_squeeze %dma_start3A_287 : memref<1x50x32xf32, #tpu.memory_space<vmem>> -> memref<50x32xf32, #tpu.memory_space<vmem>>
    %dma_start3A_289 = arith.constant 0 : i32
    %dma_start3A_290 = tpu.memref_slice %arg6[%dma_start3A_283, %dma_start3A_289] : memref<16x50xi32, #tpu.memory_space<vmem>> -> memref<1x50xi32, #tpu.memory_space<vmem>>
    %dma_start3A_291 = tpu.memref_squeeze %dma_start3A_290 : memref<1x50xi32, #tpu.memory_space<vmem>> -> memref<50xi32, #tpu.memory_space<vmem>>
    %dma_start3A_292 = arith.constant 0 : i32
    %dma_start3A_293 = arith.constant 0 : i32
    %dma_start3A_294 = tpu.memref_slice %arg2[%dma_start3A_292, %dma_start3A_293] : memref<1000000x32xf32, #tpu.memory_space<hbm>> -> memref<1000000x32xf32, #tpu.memory_space<hbm>>
    tpu.enqueue_indirect_dma source(%dma_start3A_294 : memref<1000000x32xf32, #tpu.memory_space<hbm>>) target(%dma_start3A_288 : memref<50x32xf32, #tpu.memory_space<vmem>>) offsets(%dma_start3A_291 : memref<50xi32, #tpu.memory_space<vmem>>) semaphore(%arg10 : memref<!tpu.dma_semaphore, #tpu.memory_space<semaphore_mem>>)
    %dma_start3A_295 = arith.constant 8 : i32
    %dma_start3A_296 = arith.constant 8 : i32
    %dma_start3A_297 = arith.constant 0 : i32
    %dma_start3A_298 = arith.constant 0 : i32
    %dma_start3A_299 = tpu.memref_slice %arg8[%dma_start3A_296, %dma_start3A_297, %dma_start3A_298] : memref<16x50x32xf32, #tpu.memory_space<vmem>> -> memref<1x50x32xf32, #tpu.memory_space<vmem>>
    %dma_start3A_300 = tpu.memref_squeeze %dma_start3A_299 : memref<1x50x32xf32, #tpu.memory_space<vmem>> -> memref<50x32xf32, #tpu.memory_space<vmem>>
    %dma_start3A_301 = arith.constant 0 : i32
    %dma_start3A_302 = tpu.memref_slice %arg6[%dma_start3A_295, %dma_start3A_301] : memref<16x50xi32, #tpu.memory_space<vmem>> -> memref<1x50xi32, #tpu.memory_space<vmem>>
    %dma_start3A_303 = tpu.memref_squeeze %dma_start3A_302 : memref<1x50xi32, #tpu.memory_space<vmem>> -> memref<50xi32, #tpu.memory_space<vmem>>
    %dma_start3A_304 = arith.constant 0 : i32
    %dma_start3A_305 = arith.constant 0 : i32
    %dma_start3A_306 = tpu.memref_slice %arg2[%dma_start3A_304, %dma_start3A_305] : memref<1000000x32xf32, #tpu.memory_space<hbm>> -> memref<1000000x32xf32, #tpu.memory_space<hbm>>
    tpu.enqueue_indirect_dma source(%dma_start3A_306 : memref<1000000x32xf32, #tpu.memory_space<hbm>>) target(%dma_start3A_300 : memref<50x32xf32, #tpu.memory_space<vmem>>) offsets(%dma_start3A_303 : memref<50xi32, #tpu.memory_space<vmem>>) semaphore(%arg10 : memref<!tpu.dma_semaphore, #tpu.memory_space<semaphore_mem>>)
    %dma_start3A_307 = arith.constant 9 : i32
    %dma_start3A_308 = arith.constant 9 : i32
    %dma_start3A_309 = arith.constant 0 : i32
    %dma_start3A_310 = arith.constant 0 : i32
    %dma_start3A_311 = tpu.memref_slice %arg8[%dma_start3A_308, %dma_start3A_309, %dma_start3A_310] : memref<16x50x32xf32, #tpu.memory_space<vmem>> -> memref<1x50x32xf32, #tpu.memory_space<vmem>>
    %dma_start3A_312 = tpu.memref_squeeze %dma_start3A_311 : memref<1x50x32xf32, #tpu.memory_space<vmem>> -> memref<50x32xf32, #tpu.memory_space<vmem>>
    %dma_start3A_313 = arith.constant 0 : i32
    %dma_start3A_314 = tpu.memref_slice %arg6[%dma_start3A_307, %dma_start3A_313] : memref<16x50xi32, #tpu.memory_space<vmem>> -> memref<1x50xi32, #tpu.memory_space<vmem>>
    %dma_start3A_315 = tpu.memref_squeeze %dma_start3A_314 : memref<1x50xi32, #tpu.memory_space<vmem>> -> memref<50xi32, #tpu.memory_space<vmem>>
    %dma_start3A_316 = arith.constant 0 : i32
    %dma_start3A_317 = arith.constant 0 : i32
    %dma_start3A_318 = tpu.memref_slice %arg2[%dma_start3A_316, %dma_start3A_317] : memref<1000000x32xf32, #tpu.memory_space<hbm>> -> memref<1000000x32xf32, #tpu.memory_space<hbm>>
    tpu.enqueue_indirect_dma source(%dma_start3A_318 : memref<1000000x32xf32, #tpu.memory_space<hbm>>) target(%dma_start3A_312 : memref<50x32xf32, #tpu.memory_space<vmem>>) offsets(%dma_start3A_315 : memref<50xi32, #tpu.memory_space<vmem>>) semaphore(%arg10 : memref<!tpu.dma_semaphore, #tpu.memory_space<semaphore_mem>>)
    %dma_start3A_319 = arith.constant 10 : i32
    %dma_start3A_320 = arith.constant 10 : i32
    %dma_start3A_321 = arith.constant 0 : i32
    %dma_start3A_322 = arith.constant 0 : i32
    %dma_start3A_323 = tpu.memref_slice %arg8[%dma_start3A_320, %dma_start3A_321, %dma_start3A_322] : memref<16x50x32xf32, #tpu.memory_space<vmem>> -> memref<1x50x32xf32, #tpu.memory_space<vmem>>
    %dma_start3A_324 = tpu.memref_squeeze %dma_start3A_323 : memref<1x50x32xf32, #tpu.memory_space<vmem>> -> memref<50x32xf32, #tpu.memory_space<vmem>>
    %dma_start3A_325 = arith.constant 0 : i32
    %dma_start3A_326 = tpu.memref_slice %arg6[%dma_start3A_319, %dma_start3A_325] : memref<16x50xi32, #tpu.memory_space<vmem>> -> memref<1x50xi32, #tpu.memory_space<vmem>>
    %dma_start3A_327 = tpu.memref_squeeze %dma_start3A_326 : memref<1x50xi32, #tpu.memory_space<vmem>> -> memref<50xi32, #tpu.memory_space<vmem>>
    %dma_start3A_328 = arith.constant 0 : i32
    %dma_start3A_329 = arith.constant 0 : i32
    %dma_start3A_330 = tpu.memref_slice %arg2[%dma_start3A_328, %dma_start3A_329] : memref<1000000x32xf32, #tpu.memory_space<hbm>> -> memref<1000000x32xf32, #tpu.memory_space<hbm>>
    tpu.enqueue_indirect_dma source(%dma_start3A_330 : memref<1000000x32xf32, #tpu.memory_space<hbm>>) target(%dma_start3A_324 : memref<50x32xf32, #tpu.memory_space<vmem>>) offsets(%dma_start3A_327 : memref<50xi32, #tpu.memory_space<vmem>>) semaphore(%arg10 : memref<!tpu.dma_semaphore, #tpu.memory_space<semaphore_mem>>)
    %dma_start3A_331 = arith.constant 11 : i32
    %dma_start3A_332 = arith.constant 11 : i32
    %dma_start3A_333 = arith.constant 0 : i32
    %dma_start3A_334 = arith.constant 0 : i32
    %dma_start3A_335 = tpu.memref_slice %arg8[%dma_start3A_332, %dma_start3A_333, %dma_start3A_334] : memref<16x50x32xf32, #tpu.memory_space<vmem>> -> memref<1x50x32xf32, #tpu.memory_space<vmem>>
    %dma_start3A_336 = tpu.memref_squeeze %dma_start3A_335 : memref<1x50x32xf32, #tpu.memory_space<vmem>> -> memref<50x32xf32, #tpu.memory_space<vmem>>
    %dma_start3A_337 = arith.constant 0 : i32
    %dma_start3A_338 = tpu.memref_slice %arg6[%dma_start3A_331, %dma_start3A_337] : memref<16x50xi32, #tpu.memory_space<vmem>> -> memref<1x50xi32, #tpu.memory_space<vmem>>
    %dma_start3A_339 = tpu.memref_squeeze %dma_start3A_338 : memref<1x50xi32, #tpu.memory_space<vmem>> -> memref<50xi32, #tpu.memory_space<vmem>>
    %dma_start3A_340 = arith.constant 0 : i32
    %dma_start3A_341 = arith.constant 0 : i32
    %dma_start3A_342 = tpu.memref_slice %arg2[%dma_start3A_340, %dma_start3A_341] : memref<1000000x32xf32, #tpu.memory_space<hbm>> -> memref<1000000x32xf32, #tpu.memory_space<hbm>>
    tpu.enqueue_indirect_dma source(%dma_start3A_342 : memref<1000000x32xf32, #tpu.memory_space<hbm>>) target(%dma_start3A_336 : memref<50x32xf32, #tpu.memory_space<vmem>>) offsets(%dma_start3A_339 : memref<50xi32, #tpu.memory_space<vmem>>) semaphore(%arg10 : memref<!tpu.dma_semaphore, #tpu.memory_space<semaphore_mem>>)
    %dma_start3A_343 = arith.constant 12 : i32
    %dma_start3A_344 = arith.constant 12 : i32
    %dma_start3A_345 = arith.constant 0 : i32
    %dma_start3A_346 = arith.constant 0 : i32
    %dma_start3A_347 = tpu.memref_slice %arg8[%dma_start3A_344, %dma_start3A_345, %dma_start3A_346] : memref<16x50x32xf32, #tpu.memory_space<vmem>> -> memref<1x50x32xf32, #tpu.memory_space<vmem>>
    %dma_start3A_348 = tpu.memref_squeeze %dma_start3A_347 : memref<1x50x32xf32, #tpu.memory_space<vmem>> -> memref<50x32xf32, #tpu.memory_space<vmem>>
    %dma_start3A_349 = arith.constant 0 : i32
    %dma_start3A_350 = tpu.memref_slice %arg6[%dma_start3A_343, %dma_start3A_349] : memref<16x50xi32, #tpu.memory_space<vmem>> -> memref<1x50xi32, #tpu.memory_space<vmem>>
    %dma_start3A_351 = tpu.memref_squeeze %dma_start3A_350 : memref<1x50xi32, #tpu.memory_space<vmem>> -> memref<50xi32, #tpu.memory_space<vmem>>
    %dma_start3A_352 = arith.constant 0 : i32
    %dma_start3A_353 = arith.constant 0 : i32
    %dma_start3A_354 = tpu.memref_slice %arg2[%dma_start3A_352, %dma_start3A_353] : memref<1000000x32xf32, #tpu.memory_space<hbm>> -> memref<1000000x32xf32, #tpu.memory_space<hbm>>
    tpu.enqueue_indirect_dma source(%dma_start3A_354 : memref<1000000x32xf32, #tpu.memory_space<hbm>>) target(%dma_start3A_348 : memref<50x32xf32, #tpu.memory_space<vmem>>) offsets(%dma_start3A_351 : memref<50xi32, #tpu.memory_space<vmem>>) semaphore(%arg10 : memref<!tpu.dma_semaphore, #tpu.memory_space<semaphore_mem>>)
    %dma_start3A_355 = arith.constant 13 : i32
    %dma_start3A_356 = arith.constant 13 : i32
    %dma_start3A_357 = arith.constant 0 : i32
    %dma_start3A_358 = arith.constant 0 : i32
    %dma_start3A_359 = tpu.memref_slice %arg8[%dma_start3A_356, %dma_start3A_357, %dma_start3A_358] : memref<16x50x32xf32, #tpu.memory_space<vmem>> -> memref<1x50x32xf32, #tpu.memory_space<vmem>>
    %dma_start3A_360 = tpu.memref_squeeze %dma_start3A_359 : memref<1x50x32xf32, #tpu.memory_space<vmem>> -> memref<50x32xf32, #tpu.memory_space<vmem>>
    %dma_start3A_361 = arith.constant 0 : i32
    %dma_start3A_362 = tpu.memref_slice %arg6[%dma_start3A_355, %dma_start3A_361] : memref<16x50xi32, #tpu.memory_space<vmem>> -> memref<1x50xi32, #tpu.memory_space<vmem>>
    %dma_start3A_363 = tpu.memref_squeeze %dma_start3A_362 : memref<1x50xi32, #tpu.memory_space<vmem>> -> memref<50xi32, #tpu.memory_space<vmem>>
    %dma_start3A_364 = arith.constant 0 : i32
    %dma_start3A_365 = arith.constant 0 : i32
    %dma_start3A_366 = tpu.memref_slice %arg2[%dma_start3A_364, %dma_start3A_365] : memref<1000000x32xf32, #tpu.memory_space<hbm>> -> memref<1000000x32xf32, #tpu.memory_space<hbm>>
    tpu.enqueue_indirect_dma source(%dma_start3A_366 : memref<1000000x32xf32, #tpu.memory_space<hbm>>) target(%dma_start3A_360 : memref<50x32xf32, #tpu.memory_space<vmem>>) offsets(%dma_start3A_363 : memref<50xi32, #tpu.memory_space<vmem>>) semaphore(%arg10 : memref<!tpu.dma_semaphore, #tpu.memory_space<semaphore_mem>>)
    %dma_start3A_367 = arith.constant 14 : i32
    %dma_start3A_368 = arith.constant 14 : i32
    %dma_start3A_369 = arith.constant 0 : i32
    %dma_start3A_370 = arith.constant 0 : i32
    %dma_start3A_371 = tpu.memref_slice %arg8[%dma_start3A_368, %dma_start3A_369, %dma_start3A_370] : memref<16x50x32xf32, #tpu.memory_space<vmem>> -> memref<1x50x32xf32, #tpu.memory_space<vmem>>
    %dma_start3A_372 = tpu.memref_squeeze %dma_start3A_371 : memref<1x50x32xf32, #tpu.memory_space<vmem>> -> memref<50x32xf32, #tpu.memory_space<vmem>>
    %dma_start3A_373 = arith.constant 0 : i32
    %dma_start3A_374 = tpu.memref_slice %arg6[%dma_start3A_367, %dma_start3A_373] : memref<16x50xi32, #tpu.memory_space<vmem>> -> memref<1x50xi32, #tpu.memory_space<vmem>>
    %dma_start3A_375 = tpu.memref_squeeze %dma_start3A_374 : memref<1x50xi32, #tpu.memory_space<vmem>> -> memref<50xi32, #tpu.memory_space<vmem>>
    %dma_start3A_376 = arith.constant 0 : i32
    %dma_start3A_377 = arith.constant 0 : i32
    %dma_start3A_378 = tpu.memref_slice %arg2[%dma_start3A_376, %dma_start3A_377] : memref<1000000x32xf32, #tpu.memory_space<hbm>> -> memref<1000000x32xf32, #tpu.memory_space<hbm>>
    tpu.enqueue_indirect_dma source(%dma_start3A_378 : memref<1000000x32xf32, #tpu.memory_space<hbm>>) target(%dma_start3A_372 : memref<50x32xf32, #tpu.memory_space<vmem>>) offsets(%dma_start3A_375 : memref<50xi32, #tpu.memory_space<vmem>>) semaphore(%arg10 : memref<!tpu.dma_semaphore, #tpu.memory_space<semaphore_mem>>)
    %dma_start3A_379 = arith.constant 15 : i32
    %dma_start3A_380 = arith.constant 15 : i32
    %dma_start3A_381 = arith.constant 0 : i32
    %dma_start3A_382 = arith.constant 0 : i32
    %dma_start3A_383 = tpu.memref_slice %arg8[%dma_start3A_380, %dma_start3A_381, %dma_start3A_382] : memref<16x50x32xf32, #tpu.memory_space<vmem>> -> memref<1x50x32xf32, #tpu.memory_space<vmem>>
    %dma_start3A_384 = tpu.memref_squeeze %dma_start3A_383 : memref<1x50x32xf32, #tpu.memory_space<vmem>> -> memref<50x32xf32, #tpu.memory_space<vmem>>
    %dma_start3A_385 = arith.constant 0 : i32
    %dma_start3A_386 = tpu.memref_slice %arg6[%dma_start3A_379, %dma_start3A_385] : memref<16x50xi32, #tpu.memory_space<vmem>> -> memref<1x50xi32, #tpu.memory_space<vmem>>
    %dma_start3A_387 = tpu.memref_squeeze %dma_start3A_386 : memref<1x50xi32, #tpu.memory_space<vmem>> -> memref<50xi32, #tpu.memory_space<vmem>>
    %dma_start3A_388 = arith.constant 0 : i32
    %dma_start3A_389 = arith.constant 0 : i32
    %dma_start3A_390 = tpu.memref_slice %arg2[%dma_start3A_388, %dma_start3A_389] : memref<1000000x32xf32, #tpu.memory_space<hbm>> -> memref<1000000x32xf32, #tpu.memory_space<hbm>>
    tpu.enqueue_indirect_dma source(%dma_start3A_390 : memref<1000000x32xf32, #tpu.memory_space<hbm>>) target(%dma_start3A_384 : memref<50x32xf32, #tpu.memory_space<vmem>>) offsets(%dma_start3A_387 : memref<50xi32, #tpu.memory_space<vmem>>) semaphore(%arg10 : memref<!tpu.dma_semaphore, #tpu.memory_space<semaphore_mem>>)
    %scan3A = arith.constant 0 : i32
    %scan3A_391 = arith.constant 0 : i32
    %scan3A_392 = arith.constant 16 : i32
    %scan3A_393 = arith.addi %scan3A_391, %scan3A_392 : i32
    %scan3A_394 = arith.constant 1 : i32
    %scan3A_395 = scf.for %scan3A_414 = %scan3A_391 to %scan3A_393 step %scan3A_394 iter_args(%scan3A_415 = %scan3A) -> (i32)  : i32 {
      %mul3A_416 = arith.constant 2 : i32
      %mul3A_417 = arith.muli %mul3A_416, %scan3A_414 : i32
      %add3A_418 = arith.constant 0 : i32
      %add3A_419 = arith.addi %mul3A_417, %add3A_418 : i32
      %dma_wait3A_420 = arith.constant 0 : i32
      %dma_wait3A_421 = arith.constant 0 : i32
      %dma_wait3A_422 = arith.constant 0 : i32
      %dma_wait3A_423 = arith.constant 0 : i32
      %dma_wait3A_424 = tpu.memref_slice %arg7[%dma_wait3A_421, %dma_wait3A_422, %dma_wait3A_423] : memref<16x50x32xf32, #tpu.memory_space<vmem>> -> memref<1x50x32xf32, #tpu.memory_space<vmem>>
      %dma_wait3A_425 = tpu.memref_squeeze %dma_wait3A_424 : memref<1x50x32xf32, #tpu.memory_space<vmem>> -> memref<50x32xf32, #tpu.memory_space<vmem>>
      %dma_wait3A_426 = arith.constant 0 : i32
      %dma_wait3A_427 = tpu.memref_slice %arg5[%dma_wait3A_420, %dma_wait3A_426] : memref<16x50xi32, #tpu.memory_space<vmem>> -> memref<1x50xi32, #tpu.memory_space<vmem>>
      %dma_wait3A_428 = tpu.memref_squeeze %dma_wait3A_427 : memref<1x50xi32, #tpu.memory_space<vmem>> -> memref<50xi32, #tpu.memory_space<vmem>>
      %dma_wait3A_429 = arith.constant 0 : i32
      %dma_wait3A_430 = arith.constant 0 : i32
      %dma_wait3A_431 = tpu.memref_slice %arg2[%dma_wait3A_429, %dma_wait3A_430] : memref<1000000x32xf32, #tpu.memory_space<hbm>> -> memref<1000000x32xf32, #tpu.memory_space<hbm>>
      tpu.wait_indirect_dma semaphore(%arg9 : memref<!tpu.dma_semaphore, #tpu.memory_space<semaphore_mem>>) src(%dma_wait3A_431 : memref<1000000x32xf32, #tpu.memory_space<hbm>>) dst(%dma_wait3A_425 : memref<50x32xf32, #tpu.memory_space<vmem>>)
      %dma_wait3A_432 = arith.constant 1 : i32
      %dma_wait3A_433 = arith.constant 1 : i32
      %dma_wait3A_434 = arith.constant 0 : i32
      %dma_wait3A_435 = arith.constant 0 : i32
      %dma_wait3A_436 = tpu.memref_slice %arg7[%dma_wait3A_433, %dma_wait3A_434, %dma_wait3A_435] : memref<16x50x32xf32, #tpu.memory_space<vmem>> -> memref<1x50x32xf32, #tpu.memory_space<vmem>>
      %dma_wait3A_437 = tpu.memref_squeeze %dma_wait3A_436 : memref<1x50x32xf32, #tpu.memory_space<vmem>> -> memref<50x32xf32, #tpu.memory_space<vmem>>
      %dma_wait3A_438 = arith.constant 0 : i32
      %dma_wait3A_439 = tpu.memref_slice %arg5[%dma_wait3A_432, %dma_wait3A_438] : memref<16x50xi32, #tpu.memory_space<vmem>> -> memref<1x50xi32, #tpu.memory_space<vmem>>
      %dma_wait3A_440 = tpu.memref_squeeze %dma_wait3A_439 : memref<1x50xi32, #tpu.memory_space<vmem>> -> memref<50xi32, #tpu.memory_space<vmem>>
      %dma_wait3A_441 = arith.constant 0 : i32
      %dma_wait3A_442 = arith.constant 0 : i32
      %dma_wait3A_443 = tpu.memref_slice %arg2[%dma_wait3A_441, %dma_wait3A_442] : memref<1000000x32xf32, #tpu.memory_space<hbm>> -> memref<1000000x32xf32, #tpu.memory_space<hbm>>
      tpu.wait_indirect_dma semaphore(%arg9 : memref<!tpu.dma_semaphore, #tpu.memory_space<semaphore_mem>>) src(%dma_wait3A_443 : memref<1000000x32xf32, #tpu.memory_space<hbm>>) dst(%dma_wait3A_437 : memref<50x32xf32, #tpu.memory_space<vmem>>)
      %dma_wait3A_444 = arith.constant 2 : i32
      %dma_wait3A_445 = arith.constant 2 : i32
      %dma_wait3A_446 = arith.constant 0 : i32
      %dma_wait3A_447 = arith.constant 0 : i32
      %dma_wait3A_448 = tpu.memref_slice %arg7[%dma_wait3A_445, %dma_wait3A_446, %dma_wait3A_447] : memref<16x50x32xf32, #tpu.memory_space<vmem>> -> memref<1x50x32xf32, #tpu.memory_space<vmem>>
      %dma_wait3A_449 = tpu.memref_squeeze %dma_wait3A_448 : memref<1x50x32xf32, #tpu.memory_space<vmem>> -> memref<50x32xf32, #tpu.memory_space<vmem>>
      %dma_wait3A_450 = arith.constant 0 : i32
      %dma_wait3A_451 = tpu.memref_slice %arg5[%dma_wait3A_444, %dma_wait3A_450] : memref<16x50xi32, #tpu.memory_space<vmem>> -> memref<1x50xi32, #tpu.memory_space<vmem>>
      %dma_wait3A_452 = tpu.memref_squeeze %dma_wait3A_451 : memref<1x50xi32, #tpu.memory_space<vmem>> -> memref<50xi32, #tpu.memory_space<vmem>>
      %dma_wait3A_453 = arith.constant 0 : i32
      %dma_wait3A_454 = arith.constant 0 : i32
      %dma_wait3A_455 = tpu.memref_slice %arg2[%dma_wait3A_453, %dma_wait3A_454] : memref<1000000x32xf32, #tpu.memory_space<hbm>> -> memref<1000000x32xf32, #tpu.memory_space<hbm>>
      tpu.wait_indirect_dma semaphore(%arg9 : memref<!tpu.dma_semaphore, #tpu.memory_space<semaphore_mem>>) src(%dma_wait3A_455 : memref<1000000x32xf32, #tpu.memory_space<hbm>>) dst(%dma_wait3A_449 : memref<50x32xf32, #tpu.memory_space<vmem>>)
      %dma_wait3A_456 = arith.constant 3 : i32
      %dma_wait3A_457 = arith.constant 3 : i32
      %dma_wait3A_458 = arith.constant 0 : i32
      %dma_wait3A_459 = arith.constant 0 : i32
      %dma_wait3A_460 = tpu.memref_slice %arg7[%dma_wait3A_457, %dma_wait3A_458, %dma_wait3A_459] : memref<16x50x32xf32, #tpu.memory_space<vmem>> -> memref<1x50x32xf32, #tpu.memory_space<vmem>>
      %dma_wait3A_461 = tpu.memref_squeeze %dma_wait3A_460 : memref<1x50x32xf32, #tpu.memory_space<vmem>> -> memref<50x32xf32, #tpu.memory_space<vmem>>
      %dma_wait3A_462 = arith.constant 0 : i32
      %dma_wait3A_463 = tpu.memref_slice %arg5[%dma_wait3A_456, %dma_wait3A_462] : memref<16x50xi32, #tpu.memory_space<vmem>> -> memref<1x50xi32, #tpu.memory_space<vmem>>
      %dma_wait3A_464 = tpu.memref_squeeze %dma_wait3A_463 : memref<1x50xi32, #tpu.memory_space<vmem>> -> memref<50xi32, #tpu.memory_space<vmem>>
      %dma_wait3A_465 = arith.constant 0 : i32
      %dma_wait3A_466 = arith.constant 0 : i32
      %dma_wait3A_467 = tpu.memref_slice %arg2[%dma_wait3A_465, %dma_wait3A_466] : memref<1000000x32xf32, #tpu.memory_space<hbm>> -> memref<1000000x32xf32, #tpu.memory_space<hbm>>
      tpu.wait_indirect_dma semaphore(%arg9 : memref<!tpu.dma_semaphore, #tpu.memory_space<semaphore_mem>>) src(%dma_wait3A_467 : memref<1000000x32xf32, #tpu.memory_space<hbm>>) dst(%dma_wait3A_461 : memref<50x32xf32, #tpu.memory_space<vmem>>)
      %dma_wait3A_468 = arith.constant 4 : i32
      %dma_wait3A_469 = arith.constant 4 : i32
      %dma_wait3A_470 = arith.constant 0 : i32
      %dma_wait3A_471 = arith.constant 0 : i32
      %dma_wait3A_472 = tpu.memref_slice %arg7[%dma_wait3A_469, %dma_wait3A_470, %dma_wait3A_471] : memref<16x50x32xf32, #tpu.memory_space<vmem>> -> memref<1x50x32xf32, #tpu.memory_space<vmem>>
      %dma_wait3A_473 = tpu.memref_squeeze %dma_wait3A_472 : memref<1x50x32xf32, #tpu.memory_space<vmem>> -> memref<50x32xf32, #tpu.memory_space<vmem>>
      %dma_wait3A_474 = arith.constant 0 : i32
      %dma_wait3A_475 = tpu.memref_slice %arg5[%dma_wait3A_468, %dma_wait3A_474] : memref<16x50xi32, #tpu.memory_space<vmem>> -> memref<1x50xi32, #tpu.memory_space<vmem>>
      %dma_wait3A_476 = tpu.memref_squeeze %dma_wait3A_475 : memref<1x50xi32, #tpu.memory_space<vmem>> -> memref<50xi32, #tpu.memory_space<vmem>>
      %dma_wait3A_477 = arith.constant 0 : i32
      %dma_wait3A_478 = arith.constant 0 : i32
      %dma_wait3A_479 = tpu.memref_slice %arg2[%dma_wait3A_477, %dma_wait3A_478] : memref<1000000x32xf32, #tpu.memory_space<hbm>> -> memref<1000000x32xf32, #tpu.memory_space<hbm>>
      tpu.wait_indirect_dma semaphore(%arg9 : memref<!tpu.dma_semaphore, #tpu.memory_space<semaphore_mem>>) src(%dma_wait3A_479 : memref<1000000x32xf32, #tpu.memory_space<hbm>>) dst(%dma_wait3A_473 : memref<50x32xf32, #tpu.memory_space<vmem>>)
      %dma_wait3A_480 = arith.constant 5 : i32
      %dma_wait3A_481 = arith.constant 5 : i32
      %dma_wait3A_482 = arith.constant 0 : i32
      %dma_wait3A_483 = arith.constant 0 : i32
      %dma_wait3A_484 = tpu.memref_slice %arg7[%dma_wait3A_481, %dma_wait3A_482, %dma_wait3A_483] : memref<16x50x32xf32, #tpu.memory_space<vmem>> -> memref<1x50x32xf32, #tpu.memory_space<vmem>>
      %dma_wait3A_485 = tpu.memref_squeeze %dma_wait3A_484 : memref<1x50x32xf32, #tpu.memory_space<vmem>> -> memref<50x32xf32, #tpu.memory_space<vmem>>
      %dma_wait3A_486 = arith.constant 0 : i32
      %dma_wait3A_487 = tpu.memref_slice %arg5[%dma_wait3A_480, %dma_wait3A_486] : memref<16x50xi32, #tpu.memory_space<vmem>> -> memref<1x50xi32, #tpu.memory_space<vmem>>
      %dma_wait3A_488 = tpu.memref_squeeze %dma_wait3A_487 : memref<1x50xi32, #tpu.memory_space<vmem>> -> memref<50xi32, #tpu.memory_space<vmem>>
      %dma_wait3A_489 = arith.constant 0 : i32
      %dma_wait3A_490 = arith.constant 0 : i32
      %dma_wait3A_491 = tpu.memref_slice %arg2[%dma_wait3A_489, %dma_wait3A_490] : memref<1000000x32xf32, #tpu.memory_space<hbm>> -> memref<1000000x32xf32, #tpu.memory_space<hbm>>
      tpu.wait_indirect_dma semaphore(%arg9 : memref<!tpu.dma_semaphore, #tpu.memory_space<semaphore_mem>>) src(%dma_wait3A_491 : memref<1000000x32xf32, #tpu.memory_space<hbm>>) dst(%dma_wait3A_485 : memref<50x32xf32, #tpu.memory_space<vmem>>)
      %dma_wait3A_492 = arith.constant 6 : i32
      %dma_wait3A_493 = arith.constant 6 : i32
      %dma_wait3A_494 = arith.constant 0 : i32
      %dma_wait3A_495 = arith.constant 0 : i32
      %dma_wait3A_496 = tpu.memref_slice %arg7[%dma_wait3A_493, %dma_wait3A_494, %dma_wait3A_495] : memref<16x50x32xf32, #tpu.memory_space<vmem>> -> memref<1x50x32xf32, #tpu.memory_space<vmem>>
      %dma_wait3A_497 = tpu.memref_squeeze %dma_wait3A_496 : memref<1x50x32xf32, #tpu.memory_space<vmem>> -> memref<50x32xf32, #tpu.memory_space<vmem>>
      %dma_wait3A_498 = arith.constant 0 : i32
      %dma_wait3A_499 = tpu.memref_slice %arg5[%dma_wait3A_492, %dma_wait3A_498] : memref<16x50xi32, #tpu.memory_space<vmem>> -> memref<1x50xi32, #tpu.memory_space<vmem>>
      %dma_wait3A_500 = tpu.memref_squeeze %dma_wait3A_499 : memref<1x50xi32, #tpu.memory_space<vmem>> -> memref<50xi32, #tpu.memory_space<vmem>>
      %dma_wait3A_501 = arith.constant 0 : i32
      %dma_wait3A_502 = arith.constant 0 : i32
      %dma_wait3A_503 = tpu.memref_slice %arg2[%dma_wait3A_501, %dma_wait3A_502] : memref<1000000x32xf32, #tpu.memory_space<hbm>> -> memref<1000000x32xf32, #tpu.memory_space<hbm>>
      tpu.wait_indirect_dma semaphore(%arg9 : memref<!tpu.dma_semaphore, #tpu.memory_space<semaphore_mem>>) src(%dma_wait3A_503 : memref<1000000x32xf32, #tpu.memory_space<hbm>>) dst(%dma_wait3A_497 : memref<50x32xf32, #tpu.memory_space<vmem>>)
      %dma_wait3A_504 = arith.constant 7 : i32
      %dma_wait3A_505 = arith.constant 7 : i32
      %dma_wait3A_506 = arith.constant 0 : i32
      %dma_wait3A_507 = arith.constant 0 : i32
      %dma_wait3A_508 = tpu.memref_slice %arg7[%dma_wait3A_505, %dma_wait3A_506, %dma_wait3A_507] : memref<16x50x32xf32, #tpu.memory_space<vmem>> -> memref<1x50x32xf32, #tpu.memory_space<vmem>>
      %dma_wait3A_509 = tpu.memref_squeeze %dma_wait3A_508 : memref<1x50x32xf32, #tpu.memory_space<vmem>> -> memref<50x32xf32, #tpu.memory_space<vmem>>
      %dma_wait3A_510 = arith.constant 0 : i32
      %dma_wait3A_511 = tpu.memref_slice %arg5[%dma_wait3A_504, %dma_wait3A_510] : memref<16x50xi32, #tpu.memory_space<vmem>> -> memref<1x50xi32, #tpu.memory_space<vmem>>
      %dma_wait3A_512 = tpu.memref_squeeze %dma_wait3A_511 : memref<1x50xi32, #tpu.memory_space<vmem>> -> memref<50xi32, #tpu.memory_space<vmem>>
      %dma_wait3A_513 = arith.constant 0 : i32
      %dma_wait3A_514 = arith.constant 0 : i32
      %dma_wait3A_515 = tpu.memref_slice %arg2[%dma_wait3A_513, %dma_wait3A_514] : memref<1000000x32xf32, #tpu.memory_space<hbm>> -> memref<1000000x32xf32, #tpu.memory_space<hbm>>
      tpu.wait_indirect_dma semaphore(%arg9 : memref<!tpu.dma_semaphore, #tpu.memory_space<semaphore_mem>>) src(%dma_wait3A_515 : memref<1000000x32xf32, #tpu.memory_space<hbm>>) dst(%dma_wait3A_509 : memref<50x32xf32, #tpu.memory_space<vmem>>)
      %dma_wait3A_516 = arith.constant 8 : i32
      %dma_wait3A_517 = arith.constant 8 : i32
      %dma_wait3A_518 = arith.constant 0 : i32
      %dma_wait3A_519 = arith.constant 0 : i32
      %dma_wait3A_520 = tpu.memref_slice %arg7[%dma_wait3A_517, %dma_wait3A_518, %dma_wait3A_519] : memref<16x50x32xf32, #tpu.memory_space<vmem>> -> memref<1x50x32xf32, #tpu.memory_space<vmem>>
      %dma_wait3A_521 = tpu.memref_squeeze %dma_wait3A_520 : memref<1x50x32xf32, #tpu.memory_space<vmem>> -> memref<50x32xf32, #tpu.memory_space<vmem>>
      %dma_wait3A_522 = arith.constant 0 : i32
      %dma_wait3A_523 = tpu.memref_slice %arg5[%dma_wait3A_516, %dma_wait3A_522] : memref<16x50xi32, #tpu.memory_space<vmem>> -> memref<1x50xi32, #tpu.memory_space<vmem>>
      %dma_wait3A_524 = tpu.memref_squeeze %dma_wait3A_523 : memref<1x50xi32, #tpu.memory_space<vmem>> -> memref<50xi32, #tpu.memory_space<vmem>>
      %dma_wait3A_525 = arith.constant 0 : i32
      %dma_wait3A_526 = arith.constant 0 : i32
      %dma_wait3A_527 = tpu.memref_slice %arg2[%dma_wait3A_525, %dma_wait3A_526] : memref<1000000x32xf32, #tpu.memory_space<hbm>> -> memref<1000000x32xf32, #tpu.memory_space<hbm>>
      tpu.wait_indirect_dma semaphore(%arg9 : memref<!tpu.dma_semaphore, #tpu.memory_space<semaphore_mem>>) src(%dma_wait3A_527 : memref<1000000x32xf32, #tpu.memory_space<hbm>>) dst(%dma_wait3A_521 : memref<50x32xf32, #tpu.memory_space<vmem>>)
      %dma_wait3A_528 = arith.constant 9 : i32
      %dma_wait3A_529 = arith.constant 9 : i32
      %dma_wait3A_530 = arith.constant 0 : i32
      %dma_wait3A_531 = arith.constant 0 : i32
      %dma_wait3A_532 = tpu.memref_slice %arg7[%dma_wait3A_529, %dma_wait3A_530, %dma_wait3A_531] : memref<16x50x32xf32, #tpu.memory_space<vmem>> -> memref<1x50x32xf32, #tpu.memory_space<vmem>>
      %dma_wait3A_533 = tpu.memref_squeeze %dma_wait3A_532 : memref<1x50x32xf32, #tpu.memory_space<vmem>> -> memref<50x32xf32, #tpu.memory_space<vmem>>
      %dma_wait3A_534 = arith.constant 0 : i32
      %dma_wait3A_535 = tpu.memref_slice %arg5[%dma_wait3A_528, %dma_wait3A_534] : memref<16x50xi32, #tpu.memory_space<vmem>> -> memref<1x50xi32, #tpu.memory_space<vmem>>
      %dma_wait3A_536 = tpu.memref_squeeze %dma_wait3A_535 : memref<1x50xi32, #tpu.memory_space<vmem>> -> memref<50xi32, #tpu.memory_space<vmem>>
      %dma_wait3A_537 = arith.constant 0 : i32
      %dma_wait3A_538 = arith.constant 0 : i32
      %dma_wait3A_539 = tpu.memref_slice %arg2[%dma_wait3A_537, %dma_wait3A_538] : memref<1000000x32xf32, #tpu.memory_space<hbm>> -> memref<1000000x32xf32, #tpu.memory_space<hbm>>
      tpu.wait_indirect_dma semaphore(%arg9 : memref<!tpu.dma_semaphore, #tpu.memory_space<semaphore_mem>>) src(%dma_wait3A_539 : memref<1000000x32xf32, #tpu.memory_space<hbm>>) dst(%dma_wait3A_533 : memref<50x32xf32, #tpu.memory_space<vmem>>)
      %dma_wait3A_540 = arith.constant 10 : i32
      %dma_wait3A_541 = arith.constant 10 : i32
      %dma_wait3A_542 = arith.constant 0 : i32
      %dma_wait3A_543 = arith.constant 0 : i32
      %dma_wait3A_544 = tpu.memref_slice %arg7[%dma_wait3A_541, %dma_wait3A_542, %dma_wait3A_543] : memref<16x50x32xf32, #tpu.memory_space<vmem>> -> memref<1x50x32xf32, #tpu.memory_space<vmem>>
      %dma_wait3A_545 = tpu.memref_squeeze %dma_wait3A_544 : memref<1x50x32xf32, #tpu.memory_space<vmem>> -> memref<50x32xf32, #tpu.memory_space<vmem>>
      %dma_wait3A_546 = arith.constant 0 : i32
      %dma_wait3A_547 = tpu.memref_slice %arg5[%dma_wait3A_540, %dma_wait3A_546] : memref<16x50xi32, #tpu.memory_space<vmem>> -> memref<1x50xi32, #tpu.memory_space<vmem>>
      %dma_wait3A_548 = tpu.memref_squeeze %dma_wait3A_547 : memref<1x50xi32, #tpu.memory_space<vmem>> -> memref<50xi32, #tpu.memory_space<vmem>>
      %dma_wait3A_549 = arith.constant 0 : i32
      %dma_wait3A_550 = arith.constant 0 : i32
      %dma_wait3A_551 = tpu.memref_slice %arg2[%dma_wait3A_549, %dma_wait3A_550] : memref<1000000x32xf32, #tpu.memory_space<hbm>> -> memref<1000000x32xf32, #tpu.memory_space<hbm>>
      tpu.wait_indirect_dma semaphore(%arg9 : memref<!tpu.dma_semaphore, #tpu.memory_space<semaphore_mem>>) src(%dma_wait3A_551 : memref<1000000x32xf32, #tpu.memory_space<hbm>>) dst(%dma_wait3A_545 : memref<50x32xf32, #tpu.memory_space<vmem>>)
      %dma_wait3A_552 = arith.constant 11 : i32
      %dma_wait3A_553 = arith.constant 11 : i32
      %dma_wait3A_554 = arith.constant 0 : i32
      %dma_wait3A_555 = arith.constant 0 : i32
      %dma_wait3A_556 = tpu.memref_slice %arg7[%dma_wait3A_553, %dma_wait3A_554, %dma_wait3A_555] : memref<16x50x32xf32, #tpu.memory_space<vmem>> -> memref<1x50x32xf32, #tpu.memory_space<vmem>>
      %dma_wait3A_557 = tpu.memref_squeeze %dma_wait3A_556 : memref<1x50x32xf32, #tpu.memory_space<vmem>> -> memref<50x32xf32, #tpu.memory_space<vmem>>
      %dma_wait3A_558 = arith.constant 0 : i32
      %dma_wait3A_559 = tpu.memref_slice %arg5[%dma_wait3A_552, %dma_wait3A_558] : memref<16x50xi32, #tpu.memory_space<vmem>> -> memref<1x50xi32, #tpu.memory_space<vmem>>
      %dma_wait3A_560 = tpu.memref_squeeze %dma_wait3A_559 : memref<1x50xi32, #tpu.memory_space<vmem>> -> memref<50xi32, #tpu.memory_space<vmem>>
      %dma_wait3A_561 = arith.constant 0 : i32
      %dma_wait3A_562 = arith.constant 0 : i32
      %dma_wait3A_563 = tpu.memref_slice %arg2[%dma_wait3A_561, %dma_wait3A_562] : memref<1000000x32xf32, #tpu.memory_space<hbm>> -> memref<1000000x32xf32, #tpu.memory_space<hbm>>
      tpu.wait_indirect_dma semaphore(%arg9 : memref<!tpu.dma_semaphore, #tpu.memory_space<semaphore_mem>>) src(%dma_wait3A_563 : memref<1000000x32xf32, #tpu.memory_space<hbm>>) dst(%dma_wait3A_557 : memref<50x32xf32, #tpu.memory_space<vmem>>)
      %dma_wait3A_564 = arith.constant 12 : i32
      %dma_wait3A_565 = arith.constant 12 : i32
      %dma_wait3A_566 = arith.constant 0 : i32
      %dma_wait3A_567 = arith.constant 0 : i32
      %dma_wait3A_568 = tpu.memref_slice %arg7[%dma_wait3A_565, %dma_wait3A_566, %dma_wait3A_567] : memref<16x50x32xf32, #tpu.memory_space<vmem>> -> memref<1x50x32xf32, #tpu.memory_space<vmem>>
      %dma_wait3A_569 = tpu.memref_squeeze %dma_wait3A_568 : memref<1x50x32xf32, #tpu.memory_space<vmem>> -> memref<50x32xf32, #tpu.memory_space<vmem>>
      %dma_wait3A_570 = arith.constant 0 : i32
      %dma_wait3A_571 = tpu.memref_slice %arg5[%dma_wait3A_564, %dma_wait3A_570] : memref<16x50xi32, #tpu.memory_space<vmem>> -> memref<1x50xi32, #tpu.memory_space<vmem>>
      %dma_wait3A_572 = tpu.memref_squeeze %dma_wait3A_571 : memref<1x50xi32, #tpu.memory_space<vmem>> -> memref<50xi32, #tpu.memory_space<vmem>>
      %dma_wait3A_573 = arith.constant 0 : i32
      %dma_wait3A_574 = arith.constant 0 : i32
      %dma_wait3A_575 = tpu.memref_slice %arg2[%dma_wait3A_573, %dma_wait3A_574] : memref<1000000x32xf32, #tpu.memory_space<hbm>> -> memref<1000000x32xf32, #tpu.memory_space<hbm>>
      tpu.wait_indirect_dma semaphore(%arg9 : memref<!tpu.dma_semaphore, #tpu.memory_space<semaphore_mem>>) src(%dma_wait3A_575 : memref<1000000x32xf32, #tpu.memory_space<hbm>>) dst(%dma_wait3A_569 : memref<50x32xf32, #tpu.memory_space<vmem>>)
      %dma_wait3A_576 = arith.constant 13 : i32
      %dma_wait3A_577 = arith.constant 13 : i32
      %dma_wait3A_578 = arith.constant 0 : i32
      %dma_wait3A_579 = arith.constant 0 : i32
      %dma_wait3A_580 = tpu.memref_slice %arg7[%dma_wait3A_577, %dma_wait3A_578, %dma_wait3A_579] : memref<16x50x32xf32, #tpu.memory_space<vmem>> -> memref<1x50x32xf32, #tpu.memory_space<vmem>>
      %dma_wait3A_581 = tpu.memref_squeeze %dma_wait3A_580 : memref<1x50x32xf32, #tpu.memory_space<vmem>> -> memref<50x32xf32, #tpu.memory_space<vmem>>
      %dma_wait3A_582 = arith.constant 0 : i32
      %dma_wait3A_583 = tpu.memref_slice %arg5[%dma_wait3A_576, %dma_wait3A_582] : memref<16x50xi32, #tpu.memory_space<vmem>> -> memref<1x50xi32, #tpu.memory_space<vmem>>
      %dma_wait3A_584 = tpu.memref_squeeze %dma_wait3A_583 : memref<1x50xi32, #tpu.memory_space<vmem>> -> memref<50xi32, #tpu.memory_space<vmem>>
      %dma_wait3A_585 = arith.constant 0 : i32
      %dma_wait3A_586 = arith.constant 0 : i32
      %dma_wait3A_587 = tpu.memref_slice %arg2[%dma_wait3A_585, %dma_wait3A_586] : memref<1000000x32xf32, #tpu.memory_space<hbm>> -> memref<1000000x32xf32, #tpu.memory_space<hbm>>
      tpu.wait_indirect_dma semaphore(%arg9 : memref<!tpu.dma_semaphore, #tpu.memory_space<semaphore_mem>>) src(%dma_wait3A_587 : memref<1000000x32xf32, #tpu.memory_space<hbm>>) dst(%dma_wait3A_581 : memref<50x32xf32, #tpu.memory_space<vmem>>)
      %dma_wait3A_588 = arith.constant 14 : i32
      %dma_wait3A_589 = arith.constant 14 : i32
      %dma_wait3A_590 = arith.constant 0 : i32
      %dma_wait3A_591 = arith.constant 0 : i32
      %dma_wait3A_592 = tpu.memref_slice %arg7[%dma_wait3A_589, %dma_wait3A_590, %dma_wait3A_591] : memref<16x50x32xf32, #tpu.memory_space<vmem>> -> memref<1x50x32xf32, #tpu.memory_space<vmem>>
      %dma_wait3A_593 = tpu.memref_squeeze %dma_wait3A_592 : memref<1x50x32xf32, #tpu.memory_space<vmem>> -> memref<50x32xf32, #tpu.memory_space<vmem>>
      %dma_wait3A_594 = arith.constant 0 : i32
      %dma_wait3A_595 = tpu.memref_slice %arg5[%dma_wait3A_588, %dma_wait3A_594] : memref<16x50xi32, #tpu.memory_space<vmem>> -> memref<1x50xi32, #tpu.memory_space<vmem>>
      %dma_wait3A_596 = tpu.memref_squeeze %dma_wait3A_595 : memref<1x50xi32, #tpu.memory_space<vmem>> -> memref<50xi32, #tpu.memory_space<vmem>>
      %dma_wait3A_597 = arith.constant 0 : i32
      %dma_wait3A_598 = arith.constant 0 : i32
      %dma_wait3A_599 = tpu.memref_slice %arg2[%dma_wait3A_597, %dma_wait3A_598] : memref<1000000x32xf32, #tpu.memory_space<hbm>> -> memref<1000000x32xf32, #tpu.memory_space<hbm>>
      tpu.wait_indirect_dma semaphore(%arg9 : memref<!tpu.dma_semaphore, #tpu.memory_space<semaphore_mem>>) src(%dma_wait3A_599 : memref<1000000x32xf32, #tpu.memory_space<hbm>>) dst(%dma_wait3A_593 : memref<50x32xf32, #tpu.memory_space<vmem>>)
      %dma_wait3A_600 = arith.constant 15 : i32
      %dma_wait3A_601 = arith.constant 15 : i32
      %dma_wait3A_602 = arith.constant 0 : i32
      %dma_wait3A_603 = arith.constant 0 : i32
      %dma_wait3A_604 = tpu.memref_slice %arg7[%dma_wait3A_601, %dma_wait3A_602, %dma_wait3A_603] : memref<16x50x32xf32, #tpu.memory_space<vmem>> -> memref<1x50x32xf32, #tpu.memory_space<vmem>>
      %dma_wait3A_605 = tpu.memref_squeeze %dma_wait3A_604 : memref<1x50x32xf32, #tpu.memory_space<vmem>> -> memref<50x32xf32, #tpu.memory_space<vmem>>
      %dma_wait3A_606 = arith.constant 0 : i32
      %dma_wait3A_607 = tpu.memref_slice %arg5[%dma_wait3A_600, %dma_wait3A_606] : memref<16x50xi32, #tpu.memory_space<vmem>> -> memref<1x50xi32, #tpu.memory_space<vmem>>
      %dma_wait3A_608 = tpu.memref_squeeze %dma_wait3A_607 : memref<1x50xi32, #tpu.memory_space<vmem>> -> memref<50xi32, #tpu.memory_space<vmem>>
      %dma_wait3A_609 = arith.constant 0 : i32
      %dma_wait3A_610 = arith.constant 0 : i32
      %dma_wait3A_611 = tpu.memref_slice %arg2[%dma_wait3A_609, %dma_wait3A_610] : memref<1000000x32xf32, #tpu.memory_space<hbm>> -> memref<1000000x32xf32, #tpu.memory_space<hbm>>
      tpu.wait_indirect_dma semaphore(%arg9 : memref<!tpu.dma_semaphore, #tpu.memory_space<semaphore_mem>>) src(%dma_wait3A_611 : memref<1000000x32xf32, #tpu.memory_space<hbm>>) dst(%dma_wait3A_605 : memref<50x32xf32, #tpu.memory_space<vmem>>)
      %broadcast_in_dim3A = arith.constant 0 : i32
      %broadcast_in_dim3A_612 = vector.broadcast %broadcast_in_dim3A : i32 to vector<16xi32>
      %parallel_loop3A = arith.constant 0 : i32
      %parallel_loop3A_613 = arith.constant 50 : i32
      %parallel_loop3A_614 = arith.constant 1 : i32
      %parallel_loop3A_615 = arith.constant 0 : i32
      %parallel_loop3A_616 = scf.for %parallel_loop3A_848 = %parallel_loop3A to %parallel_loop3A_613 step %parallel_loop3A_614 iter_args(%parallel_loop3A_849 = %parallel_loop3A_615) -> (i32)  : i32 {
        %parallel_loop3A_850 = arith.constant 16 : i32
        %parallel_loop3A_851 = arith.muli %parallel_loop3A_848, %parallel_loop3A_850 : i32
        %parallel_loop3A_852 = vector.broadcast %parallel_loop3A_851 : i32 to vector<16xi32>
        %parallel_loop3A_853 = arith.addi %parallel_loop3A_852, %iota3A : vector<16xi32>
        %parallel_loop3A_854 = arith.constant 32 : i32
        %parallel_loop3A_855 = vector.broadcast %parallel_loop3A_854 : i32 to vector<16xi32>
        %parallel_loop3A_856 = arith.muli %parallel_loop3A_853, %parallel_loop3A_855 : vector<16xi32>
        %parallel_loop3A_857 = arith.constant 0.000000e+00 : f32
        %parallel_loop3A_858 = vector.broadcast %parallel_loop3A_857 : f32 to vector<16xf32>
        %parallel_loop3A_859 = arith.constant 0 : i32
        %parallel_loop3A_860 = vector.broadcast %parallel_loop3A_859 : i32 to vector<16xi32>
        %parallel_loop3A_861 = arith.addi %parallel_loop3A_860, %iota3A : vector<16xi32>
        %parallel_loop3A_862 = arith.constant 31 : i32
        %parallel_loop3A_863 = vector.broadcast %parallel_loop3A_862 : i32 to vector<16xi32>
        %parallel_loop3A_864 = arith.andi %parallel_loop3A_861, %parallel_loop3A_863 : vector<16xi32>
        %parallel_loop3A_865 = arith.addi %parallel_loop3A_856, %parallel_loop3A_864 : vector<16xi32>
        %parallel_loop3A_866 = tpu.vector_load_idx %arg7[%broadcast_in_dim3A_612, %broadcast_in_dim3A_612, %parallel_loop3A_865] : memref<16x50x32xf32, #tpu.memory_space<vmem>>[vector<16xi32>, vector<16xi32>, vector<16xi32>], vector<16xf32>,
        %parallel_loop3A_867 = arith.mulf %parallel_loop3A_866, %parallel_loop3A_866 : vector<16xf32>
        %parallel_loop3A_868 = arith.addf %parallel_loop3A_858, %parallel_loop3A_867 : vector<16xf32>
        %parallel_loop3A_869 = arith.constant 1 : i32
        %parallel_loop3A_870 = vector.broadcast %parallel_loop3A_869 : i32 to vector<16xi32>
        %parallel_loop3A_871 = arith.addi %parallel_loop3A_870, %iota3A : vector<16xi32>
        %parallel_loop3A_872 = arith.constant 31 : i32
        %parallel_loop3A_873 = vector.broadcast %parallel_loop3A_872 : i32 to vector<16xi32>
        %parallel_loop3A_874 = arith.andi %parallel_loop3A_871, %parallel_loop3A_873 : vector<16xi32>
        %parallel_loop3A_875 = arith.addi %parallel_loop3A_856, %parallel_loop3A_874 : vector<16xi32>
        %parallel_loop3A_876 = tpu.vector_load_idx %arg7[%broadcast_in_dim3A_612, %broadcast_in_dim3A_612, %parallel_loop3A_875] : memref<16x50x32xf32, #tpu.memory_space<vmem>>[vector<16xi32>, vector<16xi32>, vector<16xi32>], vector<16xf32>,
        %parallel_loop3A_877 = arith.mulf %parallel_loop3A_876, %parallel_loop3A_876 : vector<16xf32>
        %parallel_loop3A_878 = arith.addf %parallel_loop3A_868, %parallel_loop3A_877 : vector<16xf32>
        %parallel_loop3A_879 = arith.constant 2 : i32
        %parallel_loop3A_880 = vector.broadcast %parallel_loop3A_879 : i32 to vector<16xi32>
        %parallel_loop3A_881 = arith.addi %parallel_loop3A_880, %iota3A : vector<16xi32>
        %parallel_loop3A_882 = arith.constant 31 : i32
        %parallel_loop3A_883 = vector.broadcast %parallel_loop3A_882 : i32 to vector<16xi32>
        %parallel_loop3A_884 = arith.andi %parallel_loop3A_881, %parallel_loop3A_883 : vector<16xi32>
        %parallel_loop3A_885 = arith.addi %parallel_loop3A_856, %parallel_loop3A_884 : vector<16xi32>
        %parallel_loop3A_886 = tpu.vector_load_idx %arg7[%broadcast_in_dim3A_612, %broadcast_in_dim3A_612, %parallel_loop3A_885] : memref<16x50x32xf32, #tpu.memory_space<vmem>>[vector<16xi32>, vector<16xi32>, vector<16xi32>], vector<16xf32>,
        %parallel_loop3A_887 = arith.mulf %parallel_loop3A_886, %parallel_loop3A_886 : vector<16xf32>
        %parallel_loop3A_888 = arith.addf %parallel_loop3A_878, %parallel_loop3A_887 : vector<16xf32>
        %parallel_loop3A_889 = arith.constant 3 : i32
        %parallel_loop3A_890 = vector.broadcast %parallel_loop3A_889 : i32 to vector<16xi32>
        %parallel_loop3A_891 = arith.addi %parallel_loop3A_890, %iota3A : vector<16xi32>
        %parallel_loop3A_892 = arith.constant 31 : i32
        %parallel_loop3A_893 = vector.broadcast %parallel_loop3A_892 : i32 to vector<16xi32>
        %parallel_loop3A_894 = arith.andi %parallel_loop3A_891, %parallel_loop3A_893 : vector<16xi32>
        %parallel_loop3A_895 = arith.addi %parallel_loop3A_856, %parallel_loop3A_894 : vector<16xi32>
        %parallel_loop3A_896 = tpu.vector_load_idx %arg7[%broadcast_in_dim3A_612, %broadcast_in_dim3A_612, %parallel_loop3A_895] : memref<16x50x32xf32, #tpu.memory_space<vmem>>[vector<16xi32>, vector<16xi32>, vector<16xi32>], vector<16xf32>,
        %parallel_loop3A_897 = arith.mulf %parallel_loop3A_896, %parallel_loop3A_896 : vector<16xf32>
        %parallel_loop3A_898 = arith.addf %parallel_loop3A_888, %parallel_loop3A_897 : vector<16xf32>
        %parallel_loop3A_899 = arith.constant 4 : i32
        %parallel_loop3A_900 = vector.broadcast %parallel_loop3A_899 : i32 to vector<16xi32>
        %parallel_loop3A_901 = arith.addi %parallel_loop3A_900, %iota3A : vector<16xi32>
        %parallel_loop3A_902 = arith.constant 31 : i32
        %parallel_loop3A_903 = vector.broadcast %parallel_loop3A_902 : i32 to vector<16xi32>
        %parallel_loop3A_904 = arith.andi %parallel_loop3A_901, %parallel_loop3A_903 : vector<16xi32>
        %parallel_loop3A_905 = arith.addi %parallel_loop3A_856, %parallel_loop3A_904 : vector<16xi32>
        %parallel_loop3A_906 = tpu.vector_load_idx %arg7[%broadcast_in_dim3A_612, %broadcast_in_dim3A_612, %parallel_loop3A_905] : memref<16x50x32xf32, #tpu.memory_space<vmem>>[vector<16xi32>, vector<16xi32>, vector<16xi32>], vector<16xf32>,
        %parallel_loop3A_907 = arith.mulf %parallel_loop3A_906, %parallel_loop3A_906 : vector<16xf32>
        %parallel_loop3A_908 = arith.addf %parallel_loop3A_898, %parallel_loop3A_907 : vector<16xf32>
        %parallel_loop3A_909 = arith.constant 5 : i32
        %parallel_loop3A_910 = vector.broadcast %parallel_loop3A_909 : i32 to vector<16xi32>
        %parallel_loop3A_911 = arith.addi %parallel_loop3A_910, %iota3A : vector<16xi32>
        %parallel_loop3A_912 = arith.constant 31 : i32
        %parallel_loop3A_913 = vector.broadcast %parallel_loop3A_912 : i32 to vector<16xi32>
        %parallel_loop3A_914 = arith.andi %parallel_loop3A_911, %parallel_loop3A_913 : vector<16xi32>
        %parallel_loop3A_915 = arith.addi %parallel_loop3A_856, %parallel_loop3A_914 : vector<16xi32>
        %parallel_loop3A_916 = tpu.vector_load_idx %arg7[%broadcast_in_dim3A_612, %broadcast_in_dim3A_612, %parallel_loop3A_915] : memref<16x50x32xf32, #tpu.memory_space<vmem>>[vector<16xi32>, vector<16xi32>, vector<16xi32>], vector<16xf32>,
        %parallel_loop3A_917 = arith.mulf %parallel_loop3A_916, %parallel_loop3A_916 : vector<16xf32>
        %parallel_loop3A_918 = arith.addf %parallel_loop3A_908, %parallel_loop3A_917 : vector<16xf32>
        %parallel_loop3A_919 = arith.constant 6 : i32
        %parallel_loop3A_920 = vector.broadcast %parallel_loop3A_919 : i32 to vector<16xi32>
        %parallel_loop3A_921 = arith.addi %parallel_loop3A_920, %iota3A : vector<16xi32>
        %parallel_loop3A_922 = arith.constant 31 : i32
        %parallel_loop3A_923 = vector.broadcast %parallel_loop3A_922 : i32 to vector<16xi32>
        %parallel_loop3A_924 = arith.andi %parallel_loop3A_921, %parallel_loop3A_923 : vector<16xi32>
        %parallel_loop3A_925 = arith.addi %parallel_loop3A_856, %parallel_loop3A_924 : vector<16xi32>
        %parallel_loop3A_926 = tpu.vector_load_idx %arg7[%broadcast_in_dim3A_612, %broadcast_in_dim3A_612, %parallel_loop3A_925] : memref<16x50x32xf32, #tpu.memory_space<vmem>>[vector<16xi32>, vector<16xi32>, vector<16xi32>], vector<16xf32>,
        %parallel_loop3A_927 = arith.mulf %parallel_loop3A_926, %parallel_loop3A_926 : vector<16xf32>
        %parallel_loop3A_928 = arith.addf %parallel_loop3A_918, %parallel_loop3A_927 : vector<16xf32>
        %parallel_loop3A_929 = arith.constant 7 : i32
        %parallel_loop3A_930 = vector.broadcast %parallel_loop3A_929 : i32 to vector<16xi32>
        %parallel_loop3A_931 = arith.addi %parallel_loop3A_930, %iota3A : vector<16xi32>
        %parallel_loop3A_932 = arith.constant 31 : i32
        %parallel_loop3A_933 = vector.broadcast %parallel_loop3A_932 : i32 to vector<16xi32>
        %parallel_loop3A_934 = arith.andi %parallel_loop3A_931, %parallel_loop3A_933 : vector<16xi32>
        %parallel_loop3A_935 = arith.addi %parallel_loop3A_856, %parallel_loop3A_934 : vector<16xi32>
        %parallel_loop3A_936 = tpu.vector_load_idx %arg7[%broadcast_in_dim3A_612, %broadcast_in_dim3A_612, %parallel_loop3A_935] : memref<16x50x32xf32, #tpu.memory_space<vmem>>[vector<16xi32>, vector<16xi32>, vector<16xi32>], vector<16xf32>,
        %parallel_loop3A_937 = arith.mulf %parallel_loop3A_936, %parallel_loop3A_936 : vector<16xf32>
        %parallel_loop3A_938 = arith.addf %parallel_loop3A_928, %parallel_loop3A_937 : vector<16xf32>
        %parallel_loop3A_939 = arith.constant 8 : i32
        %parallel_loop3A_940 = vector.broadcast %parallel_loop3A_939 : i32 to vector<16xi32>
        %parallel_loop3A_941 = arith.addi %parallel_loop3A_940, %iota3A : vector<16xi32>
        %parallel_loop3A_942 = arith.constant 31 : i32
        %parallel_loop3A_943 = vector.broadcast %parallel_loop3A_942 : i32 to vector<16xi32>
        %parallel_loop3A_944 = arith.andi %parallel_loop3A_941, %parallel_loop3A_943 : vector<16xi32>
        %parallel_loop3A_945 = arith.addi %parallel_loop3A_856, %parallel_loop3A_944 : vector<16xi32>
        %parallel_loop3A_946 = tpu.vector_load_idx %arg7[%broadcast_in_dim3A_612, %broadcast_in_dim3A_612, %parallel_loop3A_945] : memref<16x50x32xf32, #tpu.memory_space<vmem>>[vector<16xi32>, vector<16xi32>, vector<16xi32>], vector<16xf32>,
        %parallel_loop3A_947 = arith.mulf %parallel_loop3A_946, %parallel_loop3A_946 : vector<16xf32>
        %parallel_loop3A_948 = arith.addf %parallel_loop3A_938, %parallel_loop3A_947 : vector<16xf32>
        %parallel_loop3A_949 = arith.constant 9 : i32
        %parallel_loop3A_950 = vector.broadcast %parallel_loop3A_949 : i32 to vector<16xi32>
        %parallel_loop3A_951 = arith.addi %parallel_loop3A_950, %iota3A : vector<16xi32>
        %parallel_loop3A_952 = arith.constant 31 : i32
        %parallel_loop3A_953 = vector.broadcast %parallel_loop3A_952 : i32 to vector<16xi32>
        %parallel_loop3A_954 = arith.andi %parallel_loop3A_951, %parallel_loop3A_953 : vector<16xi32>
        %parallel_loop3A_955 = arith.addi %parallel_loop3A_856, %parallel_loop3A_954 : vector<16xi32>
        %parallel_loop3A_956 = tpu.vector_load_idx %arg7[%broadcast_in_dim3A_612, %broadcast_in_dim3A_612, %parallel_loop3A_955] : memref<16x50x32xf32, #tpu.memory_space<vmem>>[vector<16xi32>, vector<16xi32>, vector<16xi32>], vector<16xf32>,
        %parallel_loop3A_957 = arith.mulf %parallel_loop3A_956, %parallel_loop3A_956 : vector<16xf32>
        %parallel_loop3A_958 = arith.addf %parallel_loop3A_948, %parallel_loop3A_957 : vector<16xf32>
        %parallel_loop3A_959 = arith.constant 10 : i32
        %parallel_loop3A_960 = vector.broadcast %parallel_loop3A_959 : i32 to vector<16xi32>
        %parallel_loop3A_961 = arith.addi %parallel_loop3A_960, %iota3A : vector<16xi32>
        %parallel_loop3A_962 = arith.constant 31 : i32
        %parallel_loop3A_963 = vector.broadcast %parallel_loop3A_962 : i32 to vector<16xi32>
        %parallel_loop3A_964 = arith.andi %parallel_loop3A_961, %parallel_loop3A_963 : vector<16xi32>
        %parallel_loop3A_965 = arith.addi %parallel_loop3A_856, %parallel_loop3A_964 : vector<16xi32>
        %parallel_loop3A_966 = tpu.vector_load_idx %arg7[%broadcast_in_dim3A_612, %broadcast_in_dim3A_612, %parallel_loop3A_965] : memref<16x50x32xf32, #tpu.memory_space<vmem>>[vector<16xi32>, vector<16xi32>, vector<16xi32>], vector<16xf32>,
        %parallel_loop3A_967 = arith.mulf %parallel_loop3A_966, %parallel_loop3A_966 : vector<16xf32>
        %parallel_loop3A_968 = arith.addf %parallel_loop3A_958, %parallel_loop3A_967 : vector<16xf32>
        %parallel_loop3A_969 = arith.constant 11 : i32
        %parallel_loop3A_970 = vector.broadcast %parallel_loop3A_969 : i32 to vector<16xi32>
        %parallel_loop3A_971 = arith.addi %parallel_loop3A_970, %iota3A : vector<16xi32>
        %parallel_loop3A_972 = arith.constant 31 : i32
        %parallel_loop3A_973 = vector.broadcast %parallel_loop3A_972 : i32 to vector<16xi32>
        %parallel_loop3A_974 = arith.andi %parallel_loop3A_971, %parallel_loop3A_973 : vector<16xi32>
        %parallel_loop3A_975 = arith.addi %parallel_loop3A_856, %parallel_loop3A_974 : vector<16xi32>
        %parallel_loop3A_976 = tpu.vector_load_idx %arg7[%broadcast_in_dim3A_612, %broadcast_in_dim3A_612, %parallel_loop3A_975] : memref<16x50x32xf32, #tpu.memory_space<vmem>>[vector<16xi32>, vector<16xi32>, vector<16xi32>], vector<16xf32>,
        %parallel_loop3A_977 = arith.mulf %parallel_loop3A_976, %parallel_loop3A_976 : vector<16xf32>
        %parallel_loop3A_978 = arith.addf %parallel_loop3A_968, %parallel_loop3A_977 : vector<16xf32>
        %parallel_loop3A_979 = arith.constant 12 : i32
        %parallel_loop3A_980 = vector.broadcast %parallel_loop3A_979 : i32 to vector<16xi32>
        %parallel_loop3A_981 = arith.addi %parallel_loop3A_980, %iota3A : vector<16xi32>
        %parallel_loop3A_982 = arith.constant 31 : i32
        %parallel_loop3A_983 = vector.broadcast %parallel_loop3A_982 : i32 to vector<16xi32>
        %parallel_loop3A_984 = arith.andi %parallel_loop3A_981, %parallel_loop3A_983 : vector<16xi32>
        %parallel_loop3A_985 = arith.addi %parallel_loop3A_856, %parallel_loop3A_984 : vector<16xi32>
        %parallel_loop3A_986 = tpu.vector_load_idx %arg7[%broadcast_in_dim3A_612, %broadcast_in_dim3A_612, %parallel_loop3A_985] : memref<16x50x32xf32, #tpu.memory_space<vmem>>[vector<16xi32>, vector<16xi32>, vector<16xi32>], vector<16xf32>,
        %parallel_loop3A_987 = arith.mulf %parallel_loop3A_986, %parallel_loop3A_986 : vector<16xf32>
        %parallel_loop3A_988 = arith.addf %parallel_loop3A_978, %parallel_loop3A_987 : vector<16xf32>
        %parallel_loop3A_989 = arith.constant 13 : i32
        %parallel_loop3A_990 = vector.broadcast %parallel_loop3A_989 : i32 to vector<16xi32>
        %parallel_loop3A_991 = arith.addi %parallel_loop3A_990, %iota3A : vector<16xi32>
        %parallel_loop3A_992 = arith.constant 31 : i32
        %parallel_loop3A_993 = vector.broadcast %parallel_loop3A_992 : i32 to vector<16xi32>
        %parallel_loop3A_994 = arith.andi %parallel_loop3A_991, %parallel_loop3A_993 : vector<16xi32>
        %parallel_loop3A_995 = arith.addi %parallel_loop3A_856, %parallel_loop3A_994 : vector<16xi32>
        %parallel_loop3A_996 = tpu.vector_load_idx %arg7[%broadcast_in_dim3A_612, %broadcast_in_dim3A_612, %parallel_loop3A_995] : memref<16x50x32xf32, #tpu.memory_space<vmem>>[vector<16xi32>, vector<16xi32>, vector<16xi32>], vector<16xf32>,
        %parallel_loop3A_997 = arith.mulf %parallel_loop3A_996, %parallel_loop3A_996 : vector<16xf32>
        %parallel_loop3A_998 = arith.addf %parallel_loop3A_988, %parallel_loop3A_997 : vector<16xf32>
        %parallel_loop3A_999 = arith.constant 14 : i32
        %parallel_loop3A_1000 = vector.broadcast %parallel_loop3A_999 : i32 to vector<16xi32>
        %parallel_loop3A_1001 = arith.addi %parallel_loop3A_1000, %iota3A : vector<16xi32>
        %parallel_loop3A_1002 = arith.constant 31 : i32
        %parallel_loop3A_1003 = vector.broadcast %parallel_loop3A_1002 : i32 to vector<16xi32>
        %parallel_loop3A_1004 = arith.andi %parallel_loop3A_1001, %parallel_loop3A_1003 : vector<16xi32>
        %parallel_loop3A_1005 = arith.addi %parallel_loop3A_856, %parallel_loop3A_1004 : vector<16xi32>
        %parallel_loop3A_1006 = tpu.vector_load_idx %arg7[%broadcast_in_dim3A_612, %broadcast_in_dim3A_612, %parallel_loop3A_1005] : memref<16x50x32xf32, #tpu.memory_space<vmem>>[vector<16xi32>, vector<16xi32>, vector<16xi32>], vector<16xf32>,
        %parallel_loop3A_1007 = arith.mulf %parallel_loop3A_1006, %parallel_loop3A_1006 : vector<16xf32>
        %parallel_loop3A_1008 = arith.addf %parallel_loop3A_998, %parallel_loop3A_1007 : vector<16xf32>
        %parallel_loop3A_1009 = arith.constant 15 : i32
        %parallel_loop3A_1010 = vector.broadcast %parallel_loop3A_1009 : i32 to vector<16xi32>
        %parallel_loop3A_1011 = arith.addi %parallel_loop3A_1010, %iota3A : vector<16xi32>
        %parallel_loop3A_1012 = arith.constant 31 : i32
        %parallel_loop3A_1013 = vector.broadcast %parallel_loop3A_1012 : i32 to vector<16xi32>
        %parallel_loop3A_1014 = arith.andi %parallel_loop3A_1011, %parallel_loop3A_1013 : vector<16xi32>
        %parallel_loop3A_1015 = arith.addi %parallel_loop3A_856, %parallel_loop3A_1014 : vector<16xi32>
        %parallel_loop3A_1016 = tpu.vector_load_idx %arg7[%broadcast_in_dim3A_612, %broadcast_in_dim3A_612, %parallel_loop3A_1015] : memref<16x50x32xf32, #tpu.memory_space<vmem>>[vector<16xi32>, vector<16xi32>, vector<16xi32>], vector<16xf32>,
        %parallel_loop3A_1017 = arith.mulf %parallel_loop3A_1016, %parallel_loop3A_1016 : vector<16xf32>
        %parallel_loop3A_1018 = arith.addf %parallel_loop3A_1008, %parallel_loop3A_1017 : vector<16xf32>
        %parallel_loop3A_1019 = arith.constant 16 : i32
        %parallel_loop3A_1020 = vector.broadcast %parallel_loop3A_1019 : i32 to vector<16xi32>
        %parallel_loop3A_1021 = arith.addi %parallel_loop3A_1020, %iota3A : vector<16xi32>
        %parallel_loop3A_1022 = arith.constant 31 : i32
        %parallel_loop3A_1023 = vector.broadcast %parallel_loop3A_1022 : i32 to vector<16xi32>
        %parallel_loop3A_1024 = arith.andi %parallel_loop3A_1021, %parallel_loop3A_1023 : vector<16xi32>
        %parallel_loop3A_1025 = arith.addi %parallel_loop3A_856, %parallel_loop3A_1024 : vector<16xi32>
        %parallel_loop3A_1026 = tpu.vector_load_idx %arg7[%broadcast_in_dim3A_612, %broadcast_in_dim3A_612, %parallel_loop3A_1025] : memref<16x50x32xf32, #tpu.memory_space<vmem>>[vector<16xi32>, vector<16xi32>, vector<16xi32>], vector<16xf32>,
        %parallel_loop3A_1027 = arith.mulf %parallel_loop3A_1026, %parallel_loop3A_1026 : vector<16xf32>
        %parallel_loop3A_1028 = arith.addf %parallel_loop3A_1018, %parallel_loop3A_1027 : vector<16xf32>
        %parallel_loop3A_1029 = arith.constant 17 : i32
        %parallel_loop3A_1030 = vector.broadcast %parallel_loop3A_1029 : i32 to vector<16xi32>
        %parallel_loop3A_1031 = arith.addi %parallel_loop3A_1030, %iota3A : vector<16xi32>
        %parallel_loop3A_1032 = arith.constant 31 : i32
        %parallel_loop3A_1033 = vector.broadcast %parallel_loop3A_1032 : i32 to vector<16xi32>
        %parallel_loop3A_1034 = arith.andi %parallel_loop3A_1031, %parallel_loop3A_1033 : vector<16xi32>
        %parallel_loop3A_1035 = arith.addi %parallel_loop3A_856, %parallel_loop3A_1034 : vector<16xi32>
        %parallel_loop3A_1036 = tpu.vector_load_idx %arg7[%broadcast_in_dim3A_612, %broadcast_in_dim3A_612, %parallel_loop3A_1035] : memref<16x50x32xf32, #tpu.memory_space<vmem>>[vector<16xi32>, vector<16xi32>, vector<16xi32>], vector<16xf32>,
        %parallel_loop3A_1037 = arith.mulf %parallel_loop3A_1036, %parallel_loop3A_1036 : vector<16xf32>
        %parallel_loop3A_1038 = arith.addf %parallel_loop3A_1028, %parallel_loop3A_1037 : vector<16xf32>
        %parallel_loop3A_1039 = arith.constant 18 : i32
        %parallel_loop3A_1040 = vector.broadcast %parallel_loop3A_1039 : i32 to vector<16xi32>
        %parallel_loop3A_1041 = arith.addi %parallel_loop3A_1040, %iota3A : vector<16xi32>
        %parallel_loop3A_1042 = arith.constant 31 : i32
        %parallel_loop3A_1043 = vector.broadcast %parallel_loop3A_1042 : i32 to vector<16xi32>
        %parallel_loop3A_1044 = arith.andi %parallel_loop3A_1041, %parallel_loop3A_1043 : vector<16xi32>
        %parallel_loop3A_1045 = arith.addi %parallel_loop3A_856, %parallel_loop3A_1044 : vector<16xi32>
        %parallel_loop3A_1046 = tpu.vector_load_idx %arg7[%broadcast_in_dim3A_612, %broadcast_in_dim3A_612, %parallel_loop3A_1045] : memref<16x50x32xf32, #tpu.memory_space<vmem>>[vector<16xi32>, vector<16xi32>, vector<16xi32>], vector<16xf32>,
        %parallel_loop3A_1047 = arith.mulf %parallel_loop3A_1046, %parallel_loop3A_1046 : vector<16xf32>
        %parallel_loop3A_1048 = arith.addf %parallel_loop3A_1038, %parallel_loop3A_1047 : vector<16xf32>
        %parallel_loop3A_1049 = arith.constant 19 : i32
        %parallel_loop3A_1050 = vector.broadcast %parallel_loop3A_1049 : i32 to vector<16xi32>
        %parallel_loop3A_1051 = arith.addi %parallel_loop3A_1050, %iota3A : vector<16xi32>
        %parallel_loop3A_1052 = arith.constant 31 : i32
        %parallel_loop3A_1053 = vector.broadcast %parallel_loop3A_1052 : i32 to vector<16xi32>
        %parallel_loop3A_1054 = arith.andi %parallel_loop3A_1051, %parallel_loop3A_1053 : vector<16xi32>
        %parallel_loop3A_1055 = arith.addi %parallel_loop3A_856, %parallel_loop3A_1054 : vector<16xi32>
        %parallel_loop3A_1056 = tpu.vector_load_idx %arg7[%broadcast_in_dim3A_612, %broadcast_in_dim3A_612, %parallel_loop3A_1055] : memref<16x50x32xf32, #tpu.memory_space<vmem>>[vector<16xi32>, vector<16xi32>, vector<16xi32>], vector<16xf32>,
        %parallel_loop3A_1057 = arith.mulf %parallel_loop3A_1056, %parallel_loop3A_1056 : vector<16xf32>
        %parallel_loop3A_1058 = arith.addf %parallel_loop3A_1048, %parallel_loop3A_1057 : vector<16xf32>
        %parallel_loop3A_1059 = arith.constant 20 : i32
        %parallel_loop3A_1060 = vector.broadcast %parallel_loop3A_1059 : i32 to vector<16xi32>
        %parallel_loop3A_1061 = arith.addi %parallel_loop3A_1060, %iota3A : vector<16xi32>
        %parallel_loop3A_1062 = arith.constant 31 : i32
        %parallel_loop3A_1063 = vector.broadcast %parallel_loop3A_1062 : i32 to vector<16xi32>
        %parallel_loop3A_1064 = arith.andi %parallel_loop3A_1061, %parallel_loop3A_1063 : vector<16xi32>
        %parallel_loop3A_1065 = arith.addi %parallel_loop3A_856, %parallel_loop3A_1064 : vector<16xi32>
        %parallel_loop3A_1066 = tpu.vector_load_idx %arg7[%broadcast_in_dim3A_612, %broadcast_in_dim3A_612, %parallel_loop3A_1065] : memref<16x50x32xf32, #tpu.memory_space<vmem>>[vector<16xi32>, vector<16xi32>, vector<16xi32>], vector<16xf32>,
        %parallel_loop3A_1067 = arith.mulf %parallel_loop3A_1066, %parallel_loop3A_1066 : vector<16xf32>
        %parallel_loop3A_1068 = arith.addf %parallel_loop3A_1058, %parallel_loop3A_1067 : vector<16xf32>
        %parallel_loop3A_1069 = arith.constant 21 : i32
        %parallel_loop3A_1070 = vector.broadcast %parallel_loop3A_1069 : i32 to vector<16xi32>
        %parallel_loop3A_1071 = arith.addi %parallel_loop3A_1070, %iota3A : vector<16xi32>
        %parallel_loop3A_1072 = arith.constant 31 : i32
        %parallel_loop3A_1073 = vector.broadcast %parallel_loop3A_1072 : i32 to vector<16xi32>
        %parallel_loop3A_1074 = arith.andi %parallel_loop3A_1071, %parallel_loop3A_1073 : vector<16xi32>
        %parallel_loop3A_1075 = arith.addi %parallel_loop3A_856, %parallel_loop3A_1074 : vector<16xi32>
        %parallel_loop3A_1076 = tpu.vector_load_idx %arg7[%broadcast_in_dim3A_612, %broadcast_in_dim3A_612, %parallel_loop3A_1075] : memref<16x50x32xf32, #tpu.memory_space<vmem>>[vector<16xi32>, vector<16xi32>, vector<16xi32>], vector<16xf32>,
        %parallel_loop3A_1077 = arith.mulf %parallel_loop3A_1076, %parallel_loop3A_1076 : vector<16xf32>
        %parallel_loop3A_1078 = arith.addf %parallel_loop3A_1068, %parallel_loop3A_1077 : vector<16xf32>
        %parallel_loop3A_1079 = arith.constant 22 : i32
        %parallel_loop3A_1080 = vector.broadcast %parallel_loop3A_1079 : i32 to vector<16xi32>
        %parallel_loop3A_1081 = arith.addi %parallel_loop3A_1080, %iota3A : vector<16xi32>
        %parallel_loop3A_1082 = arith.constant 31 : i32
        %parallel_loop3A_1083 = vector.broadcast %parallel_loop3A_1082 : i32 to vector<16xi32>
        %parallel_loop3A_1084 = arith.andi %parallel_loop3A_1081, %parallel_loop3A_1083 : vector<16xi32>
        %parallel_loop3A_1085 = arith.addi %parallel_loop3A_856, %parallel_loop3A_1084 : vector<16xi32>
        %parallel_loop3A_1086 = tpu.vector_load_idx %arg7[%broadcast_in_dim3A_612, %broadcast_in_dim3A_612, %parallel_loop3A_1085] : memref<16x50x32xf32, #tpu.memory_space<vmem>>[vector<16xi32>, vector<16xi32>, vector<16xi32>], vector<16xf32>,
        %parallel_loop3A_1087 = arith.mulf %parallel_loop3A_1086, %parallel_loop3A_1086 : vector<16xf32>
        %parallel_loop3A_1088 = arith.addf %parallel_loop3A_1078, %parallel_loop3A_1087 : vector<16xf32>
        %parallel_loop3A_1089 = arith.constant 23 : i32
        %parallel_loop3A_1090 = vector.broadcast %parallel_loop3A_1089 : i32 to vector<16xi32>
        %parallel_loop3A_1091 = arith.addi %parallel_loop3A_1090, %iota3A : vector<16xi32>
        %parallel_loop3A_1092 = arith.constant 31 : i32
        %parallel_loop3A_1093 = vector.broadcast %parallel_loop3A_1092 : i32 to vector<16xi32>
        %parallel_loop3A_1094 = arith.andi %parallel_loop3A_1091, %parallel_loop3A_1093 : vector<16xi32>
        %parallel_loop3A_1095 = arith.addi %parallel_loop3A_856, %parallel_loop3A_1094 : vector<16xi32>
        %parallel_loop3A_1096 = tpu.vector_load_idx %arg7[%broadcast_in_dim3A_612, %broadcast_in_dim3A_612, %parallel_loop3A_1095] : memref<16x50x32xf32, #tpu.memory_space<vmem>>[vector<16xi32>, vector<16xi32>, vector<16xi32>], vector<16xf32>,
        %parallel_loop3A_1097 = arith.mulf %parallel_loop3A_1096, %parallel_loop3A_1096 : vector<16xf32>
        %parallel_loop3A_1098 = arith.addf %parallel_loop3A_1088, %parallel_loop3A_1097 : vector<16xf32>
        %parallel_loop3A_1099 = arith.constant 24 : i32
        %parallel_loop3A_1100 = vector.broadcast %parallel_loop3A_1099 : i32 to vector<16xi32>
        %parallel_loop3A_1101 = arith.addi %parallel_loop3A_1100, %iota3A : vector<16xi32>
        %parallel_loop3A_1102 = arith.constant 31 : i32
        %parallel_loop3A_1103 = vector.broadcast %parallel_loop3A_1102 : i32 to vector<16xi32>
        %parallel_loop3A_1104 = arith.andi %parallel_loop3A_1101, %parallel_loop3A_1103 : vector<16xi32>
        %parallel_loop3A_1105 = arith.addi %parallel_loop3A_856, %parallel_loop3A_1104 : vector<16xi32>
        %parallel_loop3A_1106 = tpu.vector_load_idx %arg7[%broadcast_in_dim3A_612, %broadcast_in_dim3A_612, %parallel_loop3A_1105] : memref<16x50x32xf32, #tpu.memory_space<vmem>>[vector<16xi32>, vector<16xi32>, vector<16xi32>], vector<16xf32>,
        %parallel_loop3A_1107 = arith.mulf %parallel_loop3A_1106, %parallel_loop3A_1106 : vector<16xf32>
        %parallel_loop3A_1108 = arith.addf %parallel_loop3A_1098, %parallel_loop3A_1107 : vector<16xf32>
        %parallel_loop3A_1109 = arith.constant 25 : i32
        %parallel_loop3A_1110 = vector.broadcast %parallel_loop3A_1109 : i32 to vector<16xi32>
        %parallel_loop3A_1111 = arith.addi %parallel_loop3A_1110, %iota3A : vector<16xi32>
        %parallel_loop3A_1112 = arith.constant 31 : i32
        %parallel_loop3A_1113 = vector.broadcast %parallel_loop3A_1112 : i32 to vector<16xi32>
        %parallel_loop3A_1114 = arith.andi %parallel_loop3A_1111, %parallel_loop3A_1113 : vector<16xi32>
        %parallel_loop3A_1115 = arith.addi %parallel_loop3A_856, %parallel_loop3A_1114 : vector<16xi32>
        %parallel_loop3A_1116 = tpu.vector_load_idx %arg7[%broadcast_in_dim3A_612, %broadcast_in_dim3A_612, %parallel_loop3A_1115] : memref<16x50x32xf32, #tpu.memory_space<vmem>>[vector<16xi32>, vector<16xi32>, vector<16xi32>], vector<16xf32>,
        %parallel_loop3A_1117 = arith.mulf %parallel_loop3A_1116, %parallel_loop3A_1116 : vector<16xf32>
        %parallel_loop3A_1118 = arith.addf %parallel_loop3A_1108, %parallel_loop3A_1117 : vector<16xf32>
        %parallel_loop3A_1119 = arith.constant 26 : i32
        %parallel_loop3A_1120 = vector.broadcast %parallel_loop3A_1119 : i32 to vector<16xi32>
        %parallel_loop3A_1121 = arith.addi %parallel_loop3A_1120, %iota3A : vector<16xi32>
        %parallel_loop3A_1122 = arith.constant 31 : i32
        %parallel_loop3A_1123 = vector.broadcast %parallel_loop3A_1122 : i32 to vector<16xi32>
        %parallel_loop3A_1124 = arith.andi %parallel_loop3A_1121, %parallel_loop3A_1123 : vector<16xi32>
        %parallel_loop3A_1125 = arith.addi %parallel_loop3A_856, %parallel_loop3A_1124 : vector<16xi32>
        %parallel_loop3A_1126 = tpu.vector_load_idx %arg7[%broadcast_in_dim3A_612, %broadcast_in_dim3A_612, %parallel_loop3A_1125] : memref<16x50x32xf32, #tpu.memory_space<vmem>>[vector<16xi32>, vector<16xi32>, vector<16xi32>], vector<16xf32>,
        %parallel_loop3A_1127 = arith.mulf %parallel_loop3A_1126, %parallel_loop3A_1126 : vector<16xf32>
        %parallel_loop3A_1128 = arith.addf %parallel_loop3A_1118, %parallel_loop3A_1127 : vector<16xf32>
        %parallel_loop3A_1129 = arith.constant 27 : i32
        %parallel_loop3A_1130 = vector.broadcast %parallel_loop3A_1129 : i32 to vector<16xi32>
        %parallel_loop3A_1131 = arith.addi %parallel_loop3A_1130, %iota3A : vector<16xi32>
        %parallel_loop3A_1132 = arith.constant 31 : i32
        %parallel_loop3A_1133 = vector.broadcast %parallel_loop3A_1132 : i32 to vector<16xi32>
        %parallel_loop3A_1134 = arith.andi %parallel_loop3A_1131, %parallel_loop3A_1133 : vector<16xi32>
        %parallel_loop3A_1135 = arith.addi %parallel_loop3A_856, %parallel_loop3A_1134 : vector<16xi32>
        %parallel_loop3A_1136 = tpu.vector_load_idx %arg7[%broadcast_in_dim3A_612, %broadcast_in_dim3A_612, %parallel_loop3A_1135] : memref<16x50x32xf32, #tpu.memory_space<vmem>>[vector<16xi32>, vector<16xi32>, vector<16xi32>], vector<16xf32>,
        %parallel_loop3A_1137 = arith.mulf %parallel_loop3A_1136, %parallel_loop3A_1136 : vector<16xf32>
        %parallel_loop3A_1138 = arith.addf %parallel_loop3A_1128, %parallel_loop3A_1137 : vector<16xf32>
        %parallel_loop3A_1139 = arith.constant 28 : i32
        %parallel_loop3A_1140 = vector.broadcast %parallel_loop3A_1139 : i32 to vector<16xi32>
        %parallel_loop3A_1141 = arith.addi %parallel_loop3A_1140, %iota3A : vector<16xi32>
        %parallel_loop3A_1142 = arith.constant 31 : i32
        %parallel_loop3A_1143 = vector.broadcast %parallel_loop3A_1142 : i32 to vector<16xi32>
        %parallel_loop3A_1144 = arith.andi %parallel_loop3A_1141, %parallel_loop3A_1143 : vector<16xi32>
        %parallel_loop3A_1145 = arith.addi %parallel_loop3A_856, %parallel_loop3A_1144 : vector<16xi32>
        %parallel_loop3A_1146 = tpu.vector_load_idx %arg7[%broadcast_in_dim3A_612, %broadcast_in_dim3A_612, %parallel_loop3A_1145] : memref<16x50x32xf32, #tpu.memory_space<vmem>>[vector<16xi32>, vector<16xi32>, vector<16xi32>], vector<16xf32>,
        %parallel_loop3A_1147 = arith.mulf %parallel_loop3A_1146, %parallel_loop3A_1146 : vector<16xf32>
        %parallel_loop3A_1148 = arith.addf %parallel_loop3A_1138, %parallel_loop3A_1147 : vector<16xf32>
        %parallel_loop3A_1149 = arith.constant 29 : i32
        %parallel_loop3A_1150 = vector.broadcast %parallel_loop3A_1149 : i32 to vector<16xi32>
        %parallel_loop3A_1151 = arith.addi %parallel_loop3A_1150, %iota3A : vector<16xi32>
        %parallel_loop3A_1152 = arith.constant 31 : i32
        %parallel_loop3A_1153 = vector.broadcast %parallel_loop3A_1152 : i32 to vector<16xi32>
        %parallel_loop3A_1154 = arith.andi %parallel_loop3A_1151, %parallel_loop3A_1153 : vector<16xi32>
        %parallel_loop3A_1155 = arith.addi %parallel_loop3A_856, %parallel_loop3A_1154 : vector<16xi32>
        %parallel_loop3A_1156 = tpu.vector_load_idx %arg7[%broadcast_in_dim3A_612, %broadcast_in_dim3A_612, %parallel_loop3A_1155] : memref<16x50x32xf32, #tpu.memory_space<vmem>>[vector<16xi32>, vector<16xi32>, vector<16xi32>], vector<16xf32>,
        %parallel_loop3A_1157 = arith.mulf %parallel_loop3A_1156, %parallel_loop3A_1156 : vector<16xf32>
        %parallel_loop3A_1158 = arith.addf %parallel_loop3A_1148, %parallel_loop3A_1157 : vector<16xf32>
        %parallel_loop3A_1159 = arith.constant 30 : i32
        %parallel_loop3A_1160 = vector.broadcast %parallel_loop3A_1159 : i32 to vector<16xi32>
        %parallel_loop3A_1161 = arith.addi %parallel_loop3A_1160, %iota3A : vector<16xi32>
        %parallel_loop3A_1162 = arith.constant 31 : i32
        %parallel_loop3A_1163 = vector.broadcast %parallel_loop3A_1162 : i32 to vector<16xi32>
        %parallel_loop3A_1164 = arith.andi %parallel_loop3A_1161, %parallel_loop3A_1163 : vector<16xi32>
        %parallel_loop3A_1165 = arith.addi %parallel_loop3A_856, %parallel_loop3A_1164 : vector<16xi32>
        %parallel_loop3A_1166 = tpu.vector_load_idx %arg7[%broadcast_in_dim3A_612, %broadcast_in_dim3A_612, %parallel_loop3A_1165] : memref<16x50x32xf32, #tpu.memory_space<vmem>>[vector<16xi32>, vector<16xi32>, vector<16xi32>], vector<16xf32>,
        %parallel_loop3A_1167 = arith.mulf %parallel_loop3A_1166, %parallel_loop3A_1166 : vector<16xf32>
        %parallel_loop3A_1168 = arith.addf %parallel_loop3A_1158, %parallel_loop3A_1167 : vector<16xf32>
        %parallel_loop3A_1169 = arith.constant 31 : i32
        %parallel_loop3A_1170 = vector.broadcast %parallel_loop3A_1169 : i32 to vector<16xi32>
        %parallel_loop3A_1171 = arith.addi %parallel_loop3A_1170, %iota3A : vector<16xi32>
        %parallel_loop3A_1172 = arith.constant 31 : i32
        %parallel_loop3A_1173 = vector.broadcast %parallel_loop3A_1172 : i32 to vector<16xi32>
        %parallel_loop3A_1174 = arith.andi %parallel_loop3A_1171, %parallel_loop3A_1173 : vector<16xi32>
        %parallel_loop3A_1175 = arith.addi %parallel_loop3A_856, %parallel_loop3A_1174 : vector<16xi32>
        %parallel_loop3A_1176 = tpu.vector_load_idx %arg7[%broadcast_in_dim3A_612, %broadcast_in_dim3A_612, %parallel_loop3A_1175] : memref<16x50x32xf32, #tpu.memory_space<vmem>>[vector<16xi32>, vector<16xi32>, vector<16xi32>], vector<16xf32>,
        %parallel_loop3A_1177 = arith.mulf %parallel_loop3A_1176, %parallel_loop3A_1176 : vector<16xf32>
        %parallel_loop3A_1178 = arith.addf %parallel_loop3A_1168, %parallel_loop3A_1177 : vector<16xf32>
        %parallel_loop3A_1179 = vector.bitcast %parallel_loop3A_1178 : vector<16xf32> to vector<16xi32>
        %parallel_loop3A_1180 = arith.constant 1 : i32
        %parallel_loop3A_1181 = vector.broadcast %parallel_loop3A_1180 : i32 to vector<16xi32>
        %parallel_loop3A_1182 = arith.shrsi %parallel_loop3A_1179, %parallel_loop3A_1181 : vector<16xi32>
        %parallel_loop3A_1183 = arith.constant 1597463007 : i32
        %parallel_loop3A_1184 = vector.broadcast %parallel_loop3A_1183 : i32 to vector<16xi32>
        %parallel_loop3A_1185 = arith.subi %parallel_loop3A_1184, %parallel_loop3A_1182 : vector<16xi32>
        %parallel_loop3A_1186 = vector.bitcast %parallel_loop3A_1185 : vector<16xi32> to vector<16xf32>
        %parallel_loop3A_1187 = arith.constant 5.000000e-01 : f32
        %parallel_loop3A_1188 = vector.broadcast %parallel_loop3A_1187 : f32 to vector<16xf32>
        %parallel_loop3A_1189 = arith.mulf %parallel_loop3A_1188, %parallel_loop3A_1178 : vector<16xf32>
        %parallel_loop3A_1190 = arith.mulf %parallel_loop3A_1189, %parallel_loop3A_1186 : vector<16xf32>
        %parallel_loop3A_1191 = arith.mulf %parallel_loop3A_1190, %parallel_loop3A_1186 : vector<16xf32>
        %parallel_loop3A_1192 = arith.constant 1.500000e+00 : f32
        %parallel_loop3A_1193 = vector.broadcast %parallel_loop3A_1192 : f32 to vector<16xf32>
        %parallel_loop3A_1194 = arith.subf %parallel_loop3A_1193, %parallel_loop3A_1191 : vector<16xf32>
        %parallel_loop3A_1195 = arith.mulf %parallel_loop3A_1186, %parallel_loop3A_1194 : vector<16xf32>
        %parallel_loop3A_1196 = arith.constant 5.000000e-01 : f32
        %parallel_loop3A_1197 = vector.broadcast %parallel_loop3A_1196 : f32 to vector<16xf32>
        %parallel_loop3A_1198 = arith.mulf %parallel_loop3A_1197, %parallel_loop3A_1178 : vector<16xf32>
        %parallel_loop3A_1199 = arith.mulf %parallel_loop3A_1198, %parallel_loop3A_1195 : vector<16xf32>
        %parallel_loop3A_1200 = arith.mulf %parallel_loop3A_1199, %parallel_loop3A_1195 : vector<16xf32>
        %parallel_loop3A_1201 = arith.constant 1.500000e+00 : f32
        %parallel_loop3A_1202 = vector.broadcast %parallel_loop3A_1201 : f32 to vector<16xf32>
        %parallel_loop3A_1203 = arith.subf %parallel_loop3A_1202, %parallel_loop3A_1200 : vector<16xf32>
        %parallel_loop3A_1204 = arith.mulf %parallel_loop3A_1195, %parallel_loop3A_1203 : vector<16xf32>
        %parallel_loop3A_1205 = arith.constant 5.000000e-01 : f32
        %parallel_loop3A_1206 = vector.broadcast %parallel_loop3A_1205 : f32 to vector<16xf32>
        %parallel_loop3A_1207 = arith.mulf %parallel_loop3A_1206, %parallel_loop3A_1178 : vector<16xf32>
        %parallel_loop3A_1208 = arith.mulf %parallel_loop3A_1207, %parallel_loop3A_1204 : vector<16xf32>
        %parallel_loop3A_1209 = arith.mulf %parallel_loop3A_1208, %parallel_loop3A_1204 : vector<16xf32>
        %parallel_loop3A_1210 = arith.constant 1.500000e+00 : f32
        %parallel_loop3A_1211 = vector.broadcast %parallel_loop3A_1210 : f32 to vector<16xf32>
        %parallel_loop3A_1212 = arith.subf %parallel_loop3A_1211, %parallel_loop3A_1209 : vector<16xf32>
        %parallel_loop3A_1213 = arith.mulf %parallel_loop3A_1204, %parallel_loop3A_1212 : vector<16xf32>
        %parallel_loop3A_1214 = arith.mulf %parallel_loop3A_1178, %parallel_loop3A_1213 : vector<16xf32>
        %parallel_loop3A_1215 = arith.constant true
        %parallel_loop3A_1216 = vector.broadcast %parallel_loop3A_1215 : i1 to vector<16xi1>
        %parallel_loop3A_1217 = tpu.scan <max>, %parallel_loop3A_1214 masked %parallel_loop3A_1216 : vector<16xf32>, vector<16xi1> -> vector<16xf32>
        %parallel_loop3A_1218 = vector.extract %parallel_loop3A_1217[15] : f32 from vector<16xf32>
        %parallel_loop3A_1219 = arith.constant 7.000000e+00 : f32
        %parallel_loop3A_1220 = arith.cmpf ogt, %parallel_loop3A_1218, %parallel_loop3A_1219 : f32
        %parallel_loop3A_1221 = arith.extui %parallel_loop3A_1220 : i1 to i32
        %parallel_loop3A_1222 = arith.constant 0 : i32
        %parallel_loop3A_1223 = arith.cmpi ne, %parallel_loop3A_1221, %parallel_loop3A_1222 : i32
        scf.if %parallel_loop3A_1223 {
          %parallel_loop3A_1224 = arith.constant 1.000000e-07 : f32
          %parallel_loop3A_1225 = vector.broadcast %parallel_loop3A_1224 : f32 to vector<16xf32>
          %parallel_loop3A_1226 = arith.addf %parallel_loop3A_1214, %parallel_loop3A_1225 : vector<16xf32>
          %parallel_loop3A_1227 = arith.constant 7.000000e+00 : f32
          %parallel_loop3A_1228 = vector.broadcast %parallel_loop3A_1227 : f32 to vector<16xf32>
          %parallel_loop3A_1229 = arith.divf %parallel_loop3A_1228, %parallel_loop3A_1226 : vector<16xf32>
          %parallel_loop3A_1230 = arith.constant 1.000000e+00 : f32
          %parallel_loop3A_1231 = vector.broadcast %parallel_loop3A_1230 : f32 to vector<16xf32>
          %parallel_loop3A_1232 = arith.minimumf %parallel_loop3A_1231, %parallel_loop3A_1229 : vector<16xf32>
          %parallel_loop3A_1233 = arith.constant 0 : i32
          %parallel_loop3A_1234 = vector.broadcast %parallel_loop3A_1233 : i32 to vector<16xi32>
          %parallel_loop3A_1235 = arith.addi %parallel_loop3A_1234, %iota3A : vector<16xi32>
          %parallel_loop3A_1236 = arith.constant 31 : i32
          %parallel_loop3A_1237 = vector.broadcast %parallel_loop3A_1236 : i32 to vector<16xi32>
          %parallel_loop3A_1238 = arith.andi %parallel_loop3A_1235, %parallel_loop3A_1237 : vector<16xi32>
          %parallel_loop3A_1239 = arith.addi %parallel_loop3A_856, %parallel_loop3A_1238 : vector<16xi32>
          %parallel_loop3A_1240 = arith.mulf %parallel_loop3A_866, %parallel_loop3A_1232 : vector<16xf32>
          tpu.vector_store_idx %arg7[%broadcast_in_dim3A_612, %broadcast_in_dim3A_612, %parallel_loop3A_1239], %parallel_loop3A_1240 : memref<16x50x32xf32, #tpu.memory_space<vmem>>[vector<16xi32>, vector<16xi32>, vector<16xi32>], vector<16xf32>,
          %parallel_loop3A_1241 = arith.constant 1 : i32
          %parallel_loop3A_1242 = vector.broadcast %parallel_loop3A_1241 : i32 to vector<16xi32>
          %parallel_loop3A_1243 = arith.addi %parallel_loop3A_1242, %iota3A : vector<16xi32>
          %parallel_loop3A_1244 = arith.constant 31 : i32
          %parallel_loop3A_1245 = vector.broadcast %parallel_loop3A_1244 : i32 to vector<16xi32>
          %parallel_loop3A_1246 = arith.andi %parallel_loop3A_1243, %parallel_loop3A_1245 : vector<16xi32>
          %parallel_loop3A_1247 = arith.addi %parallel_loop3A_856, %parallel_loop3A_1246 : vector<16xi32>
          %parallel_loop3A_1248 = arith.mulf %parallel_loop3A_876, %parallel_loop3A_1232 : vector<16xf32>
          tpu.vector_store_idx %arg7[%broadcast_in_dim3A_612, %broadcast_in_dim3A_612, %parallel_loop3A_1247], %parallel_loop3A_1248 : memref<16x50x32xf32, #tpu.memory_space<vmem>>[vector<16xi32>, vector<16xi32>, vector<16xi32>], vector<16xf32>,
          %parallel_loop3A_1249 = arith.constant 2 : i32
          %parallel_loop3A_1250 = vector.broadcast %parallel_loop3A_1249 : i32 to vector<16xi32>
          %parallel_loop3A_1251 = arith.addi %parallel_loop3A_1250, %iota3A : vector<16xi32>
          %parallel_loop3A_1252 = arith.constant 31 : i32
          %parallel_loop3A_1253 = vector.broadcast %parallel_loop3A_1252 : i32 to vector<16xi32>
          %parallel_loop3A_1254 = arith.andi %parallel_loop3A_1251, %parallel_loop3A_1253 : vector<16xi32>
          %parallel_loop3A_1255 = arith.addi %parallel_loop3A_856, %parallel_loop3A_1254 : vector<16xi32>
          %parallel_loop3A_1256 = arith.mulf %parallel_loop3A_886, %parallel_loop3A_1232 : vector<16xf32>
          tpu.vector_store_idx %arg7[%broadcast_in_dim3A_612, %broadcast_in_dim3A_612, %parallel_loop3A_1255], %parallel_loop3A_1256 : memref<16x50x32xf32, #tpu.memory_space<vmem>>[vector<16xi32>, vector<16xi32>, vector<16xi32>], vector<16xf32>,
          %parallel_loop3A_1257 = arith.constant 3 : i32
          %parallel_loop3A_1258 = vector.broadcast %parallel_loop3A_1257 : i32 to vector<16xi32>
          %parallel_loop3A_1259 = arith.addi %parallel_loop3A_1258, %iota3A : vector<16xi32>
          %parallel_loop3A_1260 = arith.constant 31 : i32
          %parallel_loop3A_1261 = vector.broadcast %parallel_loop3A_1260 : i32 to vector<16xi32>
          %parallel_loop3A_1262 = arith.andi %parallel_loop3A_1259, %parallel_loop3A_1261 : vector<16xi32>
          %parallel_loop3A_1263 = arith.addi %parallel_loop3A_856, %parallel_loop3A_1262 : vector<16xi32>
          %parallel_loop3A_1264 = arith.mulf %parallel_loop3A_896, %parallel_loop3A_1232 : vector<16xf32>
          tpu.vector_store_idx %arg7[%broadcast_in_dim3A_612, %broadcast_in_dim3A_612, %parallel_loop3A_1263], %parallel_loop3A_1264 : memref<16x50x32xf32, #tpu.memory_space<vmem>>[vector<16xi32>, vector<16xi32>, vector<16xi32>], vector<16xf32>,
          %parallel_loop3A_1265 = arith.constant 4 : i32
          %parallel_loop3A_1266 = vector.broadcast %parallel_loop3A_1265 : i32 to vector<16xi32>
          %parallel_loop3A_1267 = arith.addi %parallel_loop3A_1266, %iota3A : vector<16xi32>
          %parallel_loop3A_1268 = arith.constant 31 : i32
          %parallel_loop3A_1269 = vector.broadcast %parallel_loop3A_1268 : i32 to vector<16xi32>
          %parallel_loop3A_1270 = arith.andi %parallel_loop3A_1267, %parallel_loop3A_1269 : vector<16xi32>
          %parallel_loop3A_1271 = arith.addi %parallel_loop3A_856, %parallel_loop3A_1270 : vector<16xi32>
          %parallel_loop3A_1272 = arith.mulf %parallel_loop3A_906, %parallel_loop3A_1232 : vector<16xf32>
          tpu.vector_store_idx %arg7[%broadcast_in_dim3A_612, %broadcast_in_dim3A_612, %parallel_loop3A_1271], %parallel_loop3A_1272 : memref<16x50x32xf32, #tpu.memory_space<vmem>>[vector<16xi32>, vector<16xi32>, vector<16xi32>], vector<16xf32>,
          %parallel_loop3A_1273 = arith.constant 5 : i32
          %parallel_loop3A_1274 = vector.broadcast %parallel_loop3A_1273 : i32 to vector<16xi32>
          %parallel_loop3A_1275 = arith.addi %parallel_loop3A_1274, %iota3A : vector<16xi32>
          %parallel_loop3A_1276 = arith.constant 31 : i32
          %parallel_loop3A_1277 = vector.broadcast %parallel_loop3A_1276 : i32 to vector<16xi32>
          %parallel_loop3A_1278 = arith.andi %parallel_loop3A_1275, %parallel_loop3A_1277 : vector<16xi32>
          %parallel_loop3A_1279 = arith.addi %parallel_loop3A_856, %parallel_loop3A_1278 : vector<16xi32>
          %parallel_loop3A_1280 = arith.mulf %parallel_loop3A_916, %parallel_loop3A_1232 : vector<16xf32>
          tpu.vector_store_idx %arg7[%broadcast_in_dim3A_612, %broadcast_in_dim3A_612, %parallel_loop3A_1279], %parallel_loop3A_1280 : memref<16x50x32xf32, #tpu.memory_space<vmem>>[vector<16xi32>, vector<16xi32>, vector<16xi32>], vector<16xf32>,
          %parallel_loop3A_1281 = arith.constant 6 : i32
          %parallel_loop3A_1282 = vector.broadcast %parallel_loop3A_1281 : i32 to vector<16xi32>
          %parallel_loop3A_1283 = arith.addi %parallel_loop3A_1282, %iota3A : vector<16xi32>
          %parallel_loop3A_1284 = arith.constant 31 : i32
          %parallel_loop3A_1285 = vector.broadcast %parallel_loop3A_1284 : i32 to vector<16xi32>
          %parallel_loop3A_1286 = arith.andi %parallel_loop3A_1283, %parallel_loop3A_1285 : vector<16xi32>
          %parallel_loop3A_1287 = arith.addi %parallel_loop3A_856, %parallel_loop3A_1286 : vector<16xi32>
          %parallel_loop3A_1288 = arith.mulf %parallel_loop3A_926, %parallel_loop3A_1232 : vector<16xf32>
          tpu.vector_store_idx %arg7[%broadcast_in_dim3A_612, %broadcast_in_dim3A_612, %parallel_loop3A_1287], %parallel_loop3A_1288 : memref<16x50x32xf32, #tpu.memory_space<vmem>>[vector<16xi32>, vector<16xi32>, vector<16xi32>], vector<16xf32>,
          %parallel_loop3A_1289 = arith.constant 7 : i32
          %parallel_loop3A_1290 = vector.broadcast %parallel_loop3A_1289 : i32 to vector<16xi32>
          %parallel_loop3A_1291 = arith.addi %parallel_loop3A_1290, %iota3A : vector<16xi32>
          %parallel_loop3A_1292 = arith.constant 31 : i32
          %parallel_loop3A_1293 = vector.broadcast %parallel_loop3A_1292 : i32 to vector<16xi32>
          %parallel_loop3A_1294 = arith.andi %parallel_loop3A_1291, %parallel_loop3A_1293 : vector<16xi32>
          %parallel_loop3A_1295 = arith.addi %parallel_loop3A_856, %parallel_loop3A_1294 : vector<16xi32>
          %parallel_loop3A_1296 = arith.mulf %parallel_loop3A_936, %parallel_loop3A_1232 : vector<16xf32>
          tpu.vector_store_idx %arg7[%broadcast_in_dim3A_612, %broadcast_in_dim3A_612, %parallel_loop3A_1295], %parallel_loop3A_1296 : memref<16x50x32xf32, #tpu.memory_space<vmem>>[vector<16xi32>, vector<16xi32>, vector<16xi32>], vector<16xf32>,
          %parallel_loop3A_1297 = arith.constant 8 : i32
          %parallel_loop3A_1298 = vector.broadcast %parallel_loop3A_1297 : i32 to vector<16xi32>
          %parallel_loop3A_1299 = arith.addi %parallel_loop3A_1298, %iota3A : vector<16xi32>
          %parallel_loop3A_1300 = arith.constant 31 : i32
          %parallel_loop3A_1301 = vector.broadcast %parallel_loop3A_1300 : i32 to vector<16xi32>
          %parallel_loop3A_1302 = arith.andi %parallel_loop3A_1299, %parallel_loop3A_1301 : vector<16xi32>
          %parallel_loop3A_1303 = arith.addi %parallel_loop3A_856, %parallel_loop3A_1302 : vector<16xi32>
          %parallel_loop3A_1304 = arith.mulf %parallel_loop3A_946, %parallel_loop3A_1232 : vector<16xf32>
          tpu.vector_store_idx %arg7[%broadcast_in_dim3A_612, %broadcast_in_dim3A_612, %parallel_loop3A_1303], %parallel_loop3A_1304 : memref<16x50x32xf32, #tpu.memory_space<vmem>>[vector<16xi32>, vector<16xi32>, vector<16xi32>], vector<16xf32>,
          %parallel_loop3A_1305 = arith.constant 9 : i32
          %parallel_loop3A_1306 = vector.broadcast %parallel_loop3A_1305 : i32 to vector<16xi32>
          %parallel_loop3A_1307 = arith.addi %parallel_loop3A_1306, %iota3A : vector<16xi32>
          %parallel_loop3A_1308 = arith.constant 31 : i32
          %parallel_loop3A_1309 = vector.broadcast %parallel_loop3A_1308 : i32 to vector<16xi32>
          %parallel_loop3A_1310 = arith.andi %parallel_loop3A_1307, %parallel_loop3A_1309 : vector<16xi32>
          %parallel_loop3A_1311 = arith.addi %parallel_loop3A_856, %parallel_loop3A_1310 : vector<16xi32>
          %parallel_loop3A_1312 = arith.mulf %parallel_loop3A_956, %parallel_loop3A_1232 : vector<16xf32>
          tpu.vector_store_idx %arg7[%broadcast_in_dim3A_612, %broadcast_in_dim3A_612, %parallel_loop3A_1311], %parallel_loop3A_1312 : memref<16x50x32xf32, #tpu.memory_space<vmem>>[vector<16xi32>, vector<16xi32>, vector<16xi32>], vector<16xf32>,
          %parallel_loop3A_1313 = arith.constant 10 : i32
          %parallel_loop3A_1314 = vector.broadcast %parallel_loop3A_1313 : i32 to vector<16xi32>
          %parallel_loop3A_1315 = arith.addi %parallel_loop3A_1314, %iota3A : vector<16xi32>
          %parallel_loop3A_1316 = arith.constant 31 : i32
          %parallel_loop3A_1317 = vector.broadcast %parallel_loop3A_1316 : i32 to vector<16xi32>
          %parallel_loop3A_1318 = arith.andi %parallel_loop3A_1315, %parallel_loop3A_1317 : vector<16xi32>
          %parallel_loop3A_1319 = arith.addi %parallel_loop3A_856, %parallel_loop3A_1318 : vector<16xi32>
          %parallel_loop3A_1320 = arith.mulf %parallel_loop3A_966, %parallel_loop3A_1232 : vector<16xf32>
          tpu.vector_store_idx %arg7[%broadcast_in_dim3A_612, %broadcast_in_dim3A_612, %parallel_loop3A_1319], %parallel_loop3A_1320 : memref<16x50x32xf32, #tpu.memory_space<vmem>>[vector<16xi32>, vector<16xi32>, vector<16xi32>], vector<16xf32>,
          %parallel_loop3A_1321 = arith.constant 11 : i32
          %parallel_loop3A_1322 = vector.broadcast %parallel_loop3A_1321 : i32 to vector<16xi32>
          %parallel_loop3A_1323 = arith.addi %parallel_loop3A_1322, %iota3A : vector<16xi32>
          %parallel_loop3A_1324 = arith.constant 31 : i32
          %parallel_loop3A_1325 = vector.broadcast %parallel_loop3A_1324 : i32 to vector<16xi32>
          %parallel_loop3A_1326 = arith.andi %parallel_loop3A_1323, %parallel_loop3A_1325 : vector<16xi32>
          %parallel_loop3A_1327 = arith.addi %parallel_loop3A_856, %parallel_loop3A_1326 : vector<16xi32>
          %parallel_loop3A_1328 = arith.mulf %parallel_loop3A_976, %parallel_loop3A_1232 : vector<16xf32>
          tpu.vector_store_idx %arg7[%broadcast_in_dim3A_612, %broadcast_in_dim3A_612, %parallel_loop3A_1327], %parallel_loop3A_1328 : memref<16x50x32xf32, #tpu.memory_space<vmem>>[vector<16xi32>, vector<16xi32>, vector<16xi32>], vector<16xf32>,
          %parallel_loop3A_1329 = arith.constant 12 : i32
          %parallel_loop3A_1330 = vector.broadcast %parallel_loop3A_1329 : i32 to vector<16xi32>
          %parallel_loop3A_1331 = arith.addi %parallel_loop3A_1330, %iota3A : vector<16xi32>
          %parallel_loop3A_1332 = arith.constant 31 : i32
          %parallel_loop3A_1333 = vector.broadcast %parallel_loop3A_1332 : i32 to vector<16xi32>
          %parallel_loop3A_1334 = arith.andi %parallel_loop3A_1331, %parallel_loop3A_1333 : vector<16xi32>
          %parallel_loop3A_1335 = arith.addi %parallel_loop3A_856, %parallel_loop3A_1334 : vector<16xi32>
          %parallel_loop3A_1336 = arith.mulf %parallel_loop3A_986, %parallel_loop3A_1232 : vector<16xf32>
          tpu.vector_store_idx %arg7[%broadcast_in_dim3A_612, %broadcast_in_dim3A_612, %parallel_loop3A_1335], %parallel_loop3A_1336 : memref<16x50x32xf32, #tpu.memory_space<vmem>>[vector<16xi32>, vector<16xi32>, vector<16xi32>], vector<16xf32>,
          %parallel_loop3A_1337 = arith.constant 13 : i32
          %parallel_loop3A_1338 = vector.broadcast %parallel_loop3A_1337 : i32 to vector<16xi32>
          %parallel_loop3A_1339 = arith.addi %parallel_loop3A_1338, %iota3A : vector<16xi32>
          %parallel_loop3A_1340 = arith.constant 31 : i32
          %parallel_loop3A_1341 = vector.broadcast %parallel_loop3A_1340 : i32 to vector<16xi32>
          %parallel_loop3A_1342 = arith.andi %parallel_loop3A_1339, %parallel_loop3A_1341 : vector<16xi32>
          %parallel_loop3A_1343 = arith.addi %parallel_loop3A_856, %parallel_loop3A_1342 : vector<16xi32>
          %parallel_loop3A_1344 = arith.mulf %parallel_loop3A_996, %parallel_loop3A_1232 : vector<16xf32>
          tpu.vector_store_idx %arg7[%broadcast_in_dim3A_612, %broadcast_in_dim3A_612, %parallel_loop3A_1343], %parallel_loop3A_1344 : memref<16x50x32xf32, #tpu.memory_space<vmem>>[vector<16xi32>, vector<16xi32>, vector<16xi32>], vector<16xf32>,
          %parallel_loop3A_1345 = arith.constant 14 : i32
          %parallel_loop3A_1346 = vector.broadcast %parallel_loop3A_1345 : i32 to vector<16xi32>
          %parallel_loop3A_1347 = arith.addi %parallel_loop3A_1346, %iota3A : vector<16xi32>
          %parallel_loop3A_1348 = arith.constant 31 : i32
          %parallel_loop3A_1349 = vector.broadcast %parallel_loop3A_1348 : i32 to vector<16xi32>
          %parallel_loop3A_1350 = arith.andi %parallel_loop3A_1347, %parallel_loop3A_1349 : vector<16xi32>
          %parallel_loop3A_1351 = arith.addi %parallel_loop3A_856, %parallel_loop3A_1350 : vector<16xi32>
          %parallel_loop3A_1352 = arith.mulf %parallel_loop3A_1006, %parallel_loop3A_1232 : vector<16xf32>
          tpu.vector_store_idx %arg7[%broadcast_in_dim3A_612, %broadcast_in_dim3A_612, %parallel_loop3A_1351], %parallel_loop3A_1352 : memref<16x50x32xf32, #tpu.memory_space<vmem>>[vector<16xi32>, vector<16xi32>, vector<16xi32>], vector<16xf32>,
          %parallel_loop3A_1353 = arith.constant 15 : i32
          %parallel_loop3A_1354 = vector.broadcast %parallel_loop3A_1353 : i32 to vector<16xi32>
          %parallel_loop3A_1355 = arith.addi %parallel_loop3A_1354, %iota3A : vector<16xi32>
          %parallel_loop3A_1356 = arith.constant 31 : i32
          %parallel_loop3A_1357 = vector.broadcast %parallel_loop3A_1356 : i32 to vector<16xi32>
          %parallel_loop3A_1358 = arith.andi %parallel_loop3A_1355, %parallel_loop3A_1357 : vector<16xi32>
          %parallel_loop3A_1359 = arith.addi %parallel_loop3A_856, %parallel_loop3A_1358 : vector<16xi32>
          %parallel_loop3A_1360 = arith.mulf %parallel_loop3A_1016, %parallel_loop3A_1232 : vector<16xf32>
          tpu.vector_store_idx %arg7[%broadcast_in_dim3A_612, %broadcast_in_dim3A_612, %parallel_loop3A_1359], %parallel_loop3A_1360 : memref<16x50x32xf32, #tpu.memory_space<vmem>>[vector<16xi32>, vector<16xi32>, vector<16xi32>], vector<16xf32>,
          %parallel_loop3A_1361 = arith.constant 16 : i32
          %parallel_loop3A_1362 = vector.broadcast %parallel_loop3A_1361 : i32 to vector<16xi32>
          %parallel_loop3A_1363 = arith.addi %parallel_loop3A_1362, %iota3A : vector<16xi32>
          %parallel_loop3A_1364 = arith.constant 31 : i32
          %parallel_loop3A_1365 = vector.broadcast %parallel_loop3A_1364 : i32 to vector<16xi32>
          %parallel_loop3A_1366 = arith.andi %parallel_loop3A_1363, %parallel_loop3A_1365 : vector<16xi32>
          %parallel_loop3A_1367 = arith.addi %parallel_loop3A_856, %parallel_loop3A_1366 : vector<16xi32>
          %parallel_loop3A_1368 = arith.mulf %parallel_loop3A_1026, %parallel_loop3A_1232 : vector<16xf32>
          tpu.vector_store_idx %arg7[%broadcast_in_dim3A_612, %broadcast_in_dim3A_612, %parallel_loop3A_1367], %parallel_loop3A_1368 : memref<16x50x32xf32, #tpu.memory_space<vmem>>[vector<16xi32>, vector<16xi32>, vector<16xi32>], vector<16xf32>,
          %parallel_loop3A_1369 = arith.constant 17 : i32
          %parallel_loop3A_1370 = vector.broadcast %parallel_loop3A_1369 : i32 to vector<16xi32>
          %parallel_loop3A_1371 = arith.addi %parallel_loop3A_1370, %iota3A : vector<16xi32>
          %parallel_loop3A_1372 = arith.constant 31 : i32
          %parallel_loop3A_1373 = vector.broadcast %parallel_loop3A_1372 : i32 to vector<16xi32>
          %parallel_loop3A_1374 = arith.andi %parallel_loop3A_1371, %parallel_loop3A_1373 : vector<16xi32>
          %parallel_loop3A_1375 = arith.addi %parallel_loop3A_856, %parallel_loop3A_1374 : vector<16xi32>
          %parallel_loop3A_1376 = arith.mulf %parallel_loop3A_1036, %parallel_loop3A_1232 : vector<16xf32>
          tpu.vector_store_idx %arg7[%broadcast_in_dim3A_612, %broadcast_in_dim3A_612, %parallel_loop3A_1375], %parallel_loop3A_1376 : memref<16x50x32xf32, #tpu.memory_space<vmem>>[vector<16xi32>, vector<16xi32>, vector<16xi32>], vector<16xf32>,
          %parallel_loop3A_1377 = arith.constant 18 : i32
          %parallel_loop3A_1378 = vector.broadcast %parallel_loop3A_1377 : i32 to vector<16xi32>
          %parallel_loop3A_1379 = arith.addi %parallel_loop3A_1378, %iota3A : vector<16xi32>
          %parallel_loop3A_1380 = arith.constant 31 : i32
          %parallel_loop3A_1381 = vector.broadcast %parallel_loop3A_1380 : i32 to vector<16xi32>
          %parallel_loop3A_1382 = arith.andi %parallel_loop3A_1379, %parallel_loop3A_1381 : vector<16xi32>
          %parallel_loop3A_1383 = arith.addi %parallel_loop3A_856, %parallel_loop3A_1382 : vector<16xi32>
          %parallel_loop3A_1384 = arith.mulf %parallel_loop3A_1046, %parallel_loop3A_1232 : vector<16xf32>
          tpu.vector_store_idx %arg7[%broadcast_in_dim3A_612, %broadcast_in_dim3A_612, %parallel_loop3A_1383], %parallel_loop3A_1384 : memref<16x50x32xf32, #tpu.memory_space<vmem>>[vector<16xi32>, vector<16xi32>, vector<16xi32>], vector<16xf32>,
          %parallel_loop3A_1385 = arith.constant 19 : i32
          %parallel_loop3A_1386 = vector.broadcast %parallel_loop3A_1385 : i32 to vector<16xi32>
          %parallel_loop3A_1387 = arith.addi %parallel_loop3A_1386, %iota3A : vector<16xi32>
          %parallel_loop3A_1388 = arith.constant 31 : i32
          %parallel_loop3A_1389 = vector.broadcast %parallel_loop3A_1388 : i32 to vector<16xi32>
          %parallel_loop3A_1390 = arith.andi %parallel_loop3A_1387, %parallel_loop3A_1389 : vector<16xi32>
          %parallel_loop3A_1391 = arith.addi %parallel_loop3A_856, %parallel_loop3A_1390 : vector<16xi32>
          %parallel_loop3A_1392 = arith.mulf %parallel_loop3A_1056, %parallel_loop3A_1232 : vector<16xf32>
          tpu.vector_store_idx %arg7[%broadcast_in_dim3A_612, %broadcast_in_dim3A_612, %parallel_loop3A_1391], %parallel_loop3A_1392 : memref<16x50x32xf32, #tpu.memory_space<vmem>>[vector<16xi32>, vector<16xi32>, vector<16xi32>], vector<16xf32>,
          %parallel_loop3A_1393 = arith.constant 20 : i32
          %parallel_loop3A_1394 = vector.broadcast %parallel_loop3A_1393 : i32 to vector<16xi32>
          %parallel_loop3A_1395 = arith.addi %parallel_loop3A_1394, %iota3A : vector<16xi32>
          %parallel_loop3A_1396 = arith.constant 31 : i32
          %parallel_loop3A_1397 = vector.broadcast %parallel_loop3A_1396 : i32 to vector<16xi32>
          %parallel_loop3A_1398 = arith.andi %parallel_loop3A_1395, %parallel_loop3A_1397 : vector<16xi32>
          %parallel_loop3A_1399 = arith.addi %parallel_loop3A_856, %parallel_loop3A_1398 : vector<16xi32>
          %parallel_loop3A_1400 = arith.mulf %parallel_loop3A_1066, %parallel_loop3A_1232 : vector<16xf32>
          tpu.vector_store_idx %arg7[%broadcast_in_dim3A_612, %broadcast_in_dim3A_612, %parallel_loop3A_1399], %parallel_loop3A_1400 : memref<16x50x32xf32, #tpu.memory_space<vmem>>[vector<16xi32>, vector<16xi32>, vector<16xi32>], vector<16xf32>,
          %parallel_loop3A_1401 = arith.constant 21 : i32
          %parallel_loop3A_1402 = vector.broadcast %parallel_loop3A_1401 : i32 to vector<16xi32>
          %parallel_loop3A_1403 = arith.addi %parallel_loop3A_1402, %iota3A : vector<16xi32>
          %parallel_loop3A_1404 = arith.constant 31 : i32
          %parallel_loop3A_1405 = vector.broadcast %parallel_loop3A_1404 : i32 to vector<16xi32>
          %parallel_loop3A_1406 = arith.andi %parallel_loop3A_1403, %parallel_loop3A_1405 : vector<16xi32>
          %parallel_loop3A_1407 = arith.addi %parallel_loop3A_856, %parallel_loop3A_1406 : vector<16xi32>
          %parallel_loop3A_1408 = arith.mulf %parallel_loop3A_1076, %parallel_loop3A_1232 : vector<16xf32>
          tpu.vector_store_idx %arg7[%broadcast_in_dim3A_612, %broadcast_in_dim3A_612, %parallel_loop3A_1407], %parallel_loop3A_1408 : memref<16x50x32xf32, #tpu.memory_space<vmem>>[vector<16xi32>, vector<16xi32>, vector<16xi32>], vector<16xf32>,
          %parallel_loop3A_1409 = arith.constant 22 : i32
          %parallel_loop3A_1410 = vector.broadcast %parallel_loop3A_1409 : i32 to vector<16xi32>
          %parallel_loop3A_1411 = arith.addi %parallel_loop3A_1410, %iota3A : vector<16xi32>
          %parallel_loop3A_1412 = arith.constant 31 : i32
          %parallel_loop3A_1413 = vector.broadcast %parallel_loop3A_1412 : i32 to vector<16xi32>
          %parallel_loop3A_1414 = arith.andi %parallel_loop3A_1411, %parallel_loop3A_1413 : vector<16xi32>
          %parallel_loop3A_1415 = arith.addi %parallel_loop3A_856, %parallel_loop3A_1414 : vector<16xi32>
          %parallel_loop3A_1416 = arith.mulf %parallel_loop3A_1086, %parallel_loop3A_1232 : vector<16xf32>
          tpu.vector_store_idx %arg7[%broadcast_in_dim3A_612, %broadcast_in_dim3A_612, %parallel_loop3A_1415], %parallel_loop3A_1416 : memref<16x50x32xf32, #tpu.memory_space<vmem>>[vector<16xi32>, vector<16xi32>, vector<16xi32>], vector<16xf32>,
          %parallel_loop3A_1417 = arith.constant 23 : i32
          %parallel_loop3A_1418 = vector.broadcast %parallel_loop3A_1417 : i32 to vector<16xi32>
          %parallel_loop3A_1419 = arith.addi %parallel_loop3A_1418, %iota3A : vector<16xi32>
          %parallel_loop3A_1420 = arith.constant 31 : i32
          %parallel_loop3A_1421 = vector.broadcast %parallel_loop3A_1420 : i32 to vector<16xi32>
          %parallel_loop3A_1422 = arith.andi %parallel_loop3A_1419, %parallel_loop3A_1421 : vector<16xi32>
          %parallel_loop3A_1423 = arith.addi %parallel_loop3A_856, %parallel_loop3A_1422 : vector<16xi32>
          %parallel_loop3A_1424 = arith.mulf %parallel_loop3A_1096, %parallel_loop3A_1232 : vector<16xf32>
          tpu.vector_store_idx %arg7[%broadcast_in_dim3A_612, %broadcast_in_dim3A_612, %parallel_loop3A_1423], %parallel_loop3A_1424 : memref<16x50x32xf32, #tpu.memory_space<vmem>>[vector<16xi32>, vector<16xi32>, vector<16xi32>], vector<16xf32>,
          %parallel_loop3A_1425 = arith.constant 24 : i32
          %parallel_loop3A_1426 = vector.broadcast %parallel_loop3A_1425 : i32 to vector<16xi32>
          %parallel_loop3A_1427 = arith.addi %parallel_loop3A_1426, %iota3A : vector<16xi32>
          %parallel_loop3A_1428 = arith.constant 31 : i32
          %parallel_loop3A_1429 = vector.broadcast %parallel_loop3A_1428 : i32 to vector<16xi32>
          %parallel_loop3A_1430 = arith.andi %parallel_loop3A_1427, %parallel_loop3A_1429 : vector<16xi32>
          %parallel_loop3A_1431 = arith.addi %parallel_loop3A_856, %parallel_loop3A_1430 : vector<16xi32>
          %parallel_loop3A_1432 = arith.mulf %parallel_loop3A_1106, %parallel_loop3A_1232 : vector<16xf32>
          tpu.vector_store_idx %arg7[%broadcast_in_dim3A_612, %broadcast_in_dim3A_612, %parallel_loop3A_1431], %parallel_loop3A_1432 : memref<16x50x32xf32, #tpu.memory_space<vmem>>[vector<16xi32>, vector<16xi32>, vector<16xi32>], vector<16xf32>,
          %parallel_loop3A_1433 = arith.constant 25 : i32
          %parallel_loop3A_1434 = vector.broadcast %parallel_loop3A_1433 : i32 to vector<16xi32>
          %parallel_loop3A_1435 = arith.addi %parallel_loop3A_1434, %iota3A : vector<16xi32>
          %parallel_loop3A_1436 = arith.constant 31 : i32
          %parallel_loop3A_1437 = vector.broadcast %parallel_loop3A_1436 : i32 to vector<16xi32>
          %parallel_loop3A_1438 = arith.andi %parallel_loop3A_1435, %parallel_loop3A_1437 : vector<16xi32>
          %parallel_loop3A_1439 = arith.addi %parallel_loop3A_856, %parallel_loop3A_1438 : vector<16xi32>
          %parallel_loop3A_1440 = arith.mulf %parallel_loop3A_1116, %parallel_loop3A_1232 : vector<16xf32>
          tpu.vector_store_idx %arg7[%broadcast_in_dim3A_612, %broadcast_in_dim3A_612, %parallel_loop3A_1439], %parallel_loop3A_1440 : memref<16x50x32xf32, #tpu.memory_space<vmem>>[vector<16xi32>, vector<16xi32>, vector<16xi32>], vector<16xf32>,
          %parallel_loop3A_1441 = arith.constant 26 : i32
          %parallel_loop3A_1442 = vector.broadcast %parallel_loop3A_1441 : i32 to vector<16xi32>
          %parallel_loop3A_1443 = arith.addi %parallel_loop3A_1442, %iota3A : vector<16xi32>
          %parallel_loop3A_1444 = arith.constant 31 : i32
          %parallel_loop3A_1445 = vector.broadcast %parallel_loop3A_1444 : i32 to vector<16xi32>
          %parallel_loop3A_1446 = arith.andi %parallel_loop3A_1443, %parallel_loop3A_1445 : vector<16xi32>
          %parallel_loop3A_1447 = arith.addi %parallel_loop3A_856, %parallel_loop3A_1446 : vector<16xi32>
          %parallel_loop3A_1448 = arith.mulf %parallel_loop3A_1126, %parallel_loop3A_1232 : vector<16xf32>
          tpu.vector_store_idx %arg7[%broadcast_in_dim3A_612, %broadcast_in_dim3A_612, %parallel_loop3A_1447], %parallel_loop3A_1448 : memref<16x50x32xf32, #tpu.memory_space<vmem>>[vector<16xi32>, vector<16xi32>, vector<16xi32>], vector<16xf32>,
          %parallel_loop3A_1449 = arith.constant 27 : i32
          %parallel_loop3A_1450 = vector.broadcast %parallel_loop3A_1449 : i32 to vector<16xi32>
          %parallel_loop3A_1451 = arith.addi %parallel_loop3A_1450, %iota3A : vector<16xi32>
          %parallel_loop3A_1452 = arith.constant 31 : i32
          %parallel_loop3A_1453 = vector.broadcast %parallel_loop3A_1452 : i32 to vector<16xi32>
          %parallel_loop3A_1454 = arith.andi %parallel_loop3A_1451, %parallel_loop3A_1453 : vector<16xi32>
          %parallel_loop3A_1455 = arith.addi %parallel_loop3A_856, %parallel_loop3A_1454 : vector<16xi32>
          %parallel_loop3A_1456 = arith.mulf %parallel_loop3A_1136, %parallel_loop3A_1232 : vector<16xf32>
          tpu.vector_store_idx %arg7[%broadcast_in_dim3A_612, %broadcast_in_dim3A_612, %parallel_loop3A_1455], %parallel_loop3A_1456 : memref<16x50x32xf32, #tpu.memory_space<vmem>>[vector<16xi32>, vector<16xi32>, vector<16xi32>], vector<16xf32>,
          %parallel_loop3A_1457 = arith.constant 28 : i32
          %parallel_loop3A_1458 = vector.broadcast %parallel_loop3A_1457 : i32 to vector<16xi32>
          %parallel_loop3A_1459 = arith.addi %parallel_loop3A_1458, %iota3A : vector<16xi32>
          %parallel_loop3A_1460 = arith.constant 31 : i32
          %parallel_loop3A_1461 = vector.broadcast %parallel_loop3A_1460 : i32 to vector<16xi32>
          %parallel_loop3A_1462 = arith.andi %parallel_loop3A_1459, %parallel_loop3A_1461 : vector<16xi32>
          %parallel_loop3A_1463 = arith.addi %parallel_loop3A_856, %parallel_loop3A_1462 : vector<16xi32>
          %parallel_loop3A_1464 = arith.mulf %parallel_loop3A_1146, %parallel_loop3A_1232 : vector<16xf32>
          tpu.vector_store_idx %arg7[%broadcast_in_dim3A_612, %broadcast_in_dim3A_612, %parallel_loop3A_1463], %parallel_loop3A_1464 : memref<16x50x32xf32, #tpu.memory_space<vmem>>[vector<16xi32>, vector<16xi32>, vector<16xi32>], vector<16xf32>,
          %parallel_loop3A_1465 = arith.constant 29 : i32
          %parallel_loop3A_1466 = vector.broadcast %parallel_loop3A_1465 : i32 to vector<16xi32>
          %parallel_loop3A_1467 = arith.addi %parallel_loop3A_1466, %iota3A : vector<16xi32>
          %parallel_loop3A_1468 = arith.constant 31 : i32
          %parallel_loop3A_1469 = vector.broadcast %parallel_loop3A_1468 : i32 to vector<16xi32>
          %parallel_loop3A_1470 = arith.andi %parallel_loop3A_1467, %parallel_loop3A_1469 : vector<16xi32>
          %parallel_loop3A_1471 = arith.addi %parallel_loop3A_856, %parallel_loop3A_1470 : vector<16xi32>
          %parallel_loop3A_1472 = arith.mulf %parallel_loop3A_1156, %parallel_loop3A_1232 : vector<16xf32>
          tpu.vector_store_idx %arg7[%broadcast_in_dim3A_612, %broadcast_in_dim3A_612, %parallel_loop3A_1471], %parallel_loop3A_1472 : memref<16x50x32xf32, #tpu.memory_space<vmem>>[vector<16xi32>, vector<16xi32>, vector<16xi32>], vector<16xf32>,
          %parallel_loop3A_1473 = arith.constant 30 : i32
          %parallel_loop3A_1474 = vector.broadcast %parallel_loop3A_1473 : i32 to vector<16xi32>
          %parallel_loop3A_1475 = arith.addi %parallel_loop3A_1474, %iota3A : vector<16xi32>
          %parallel_loop3A_1476 = arith.constant 31 : i32
          %parallel_loop3A_1477 = vector.broadcast %parallel_loop3A_1476 : i32 to vector<16xi32>
          %parallel_loop3A_1478 = arith.andi %parallel_loop3A_1475, %parallel_loop3A_1477 : vector<16xi32>
          %parallel_loop3A_1479 = arith.addi %parallel_loop3A_856, %parallel_loop3A_1478 : vector<16xi32>
          %parallel_loop3A_1480 = arith.mulf %parallel_loop3A_1166, %parallel_loop3A_1232 : vector<16xf32>
          tpu.vector_store_idx %arg7[%broadcast_in_dim3A_612, %broadcast_in_dim3A_612, %parallel_loop3A_1479], %parallel_loop3A_1480 : memref<16x50x32xf32, #tpu.memory_space<vmem>>[vector<16xi32>, vector<16xi32>, vector<16xi32>], vector<16xf32>,
          %parallel_loop3A_1481 = arith.constant 31 : i32
          %parallel_loop3A_1482 = vector.broadcast %parallel_loop3A_1481 : i32 to vector<16xi32>
          %parallel_loop3A_1483 = arith.addi %parallel_loop3A_1482, %iota3A : vector<16xi32>
          %parallel_loop3A_1484 = arith.constant 31 : i32
          %parallel_loop3A_1485 = vector.broadcast %parallel_loop3A_1484 : i32 to vector<16xi32>
          %parallel_loop3A_1486 = arith.andi %parallel_loop3A_1483, %parallel_loop3A_1485 : vector<16xi32>
          %parallel_loop3A_1487 = arith.addi %parallel_loop3A_856, %parallel_loop3A_1486 : vector<16xi32>
          %parallel_loop3A_1488 = arith.mulf %parallel_loop3A_1176, %parallel_loop3A_1232 : vector<16xf32>
          tpu.vector_store_idx %arg7[%broadcast_in_dim3A_612, %broadcast_in_dim3A_612, %parallel_loop3A_1487], %parallel_loop3A_1488 : memref<16x50x32xf32, #tpu.memory_space<vmem>>[vector<16xi32>, vector<16xi32>, vector<16xi32>], vector<16xf32>,
        } else {
        }
        scf.yield %parallel_loop3A_849 : i32
      } {sc.loop_unroll_factor = 1 : i64, sc.parallel_access}
      %mul3A_617 = arith.constant 16 : i32
      %mul3A_618 = arith.muli %add3A_419, %mul3A_617 : i32
      %add3A_619 = arith.addi %mul3A_2, %mul3A_618 : i32
      %multiple_of3A_620 = tpu.assume_multiple %add3A_619, 8 : i32
      %dma_start3A_621 = arith.constant 0 : i32
      %dma_start3A_622 = arith.constant 0 : i32
      %dma_start3A_623 = tpu.memref_slice %arg4[%multiple_of3A_620, %dma_start3A_621, %dma_start3A_622] : memref<16384x50x32xf32, #tpu.memory_space<hbm>> -> memref<16x50x32xf32, #tpu.memory_space<hbm>>
      %dma_start3A_624 = arith.constant 0 : i32
      %dma_start3A_625 = arith.constant 0 : i32
      %dma_start3A_626 = tpu.memref_slice %arg4[%multiple_of3A_620, %dma_start3A_624, %dma_start3A_625] : memref<16384x50x32xf32, #tpu.memory_space<hbm>> -> memref<16x50x32xf32, #tpu.memory_space<hbm>>
      tpu.enqueue_dma source(%arg7 : memref<16x50x32xf32, #tpu.memory_space<vmem>>) target(%dma_start3A_626 : memref<16x50x32xf32, #tpu.memory_space<hbm>>) target_semaphore(%arg11 : memref<!tpu.dma_semaphore, #tpu.memory_space<semaphore_mem>>)
      %lt3A = arith.constant 15 : i32
      %lt3A_627 = arith.cmpi slt, %scan3A_414, %lt3A : i32
      %convert_element_type3A = arith.extui %lt3A_627 : i1 to i32
      %cond3A = arith.constant 0 : i32
      %cond3A_628 = arith.cmpi ne, %convert_element_type3A, %cond3A : i32
      scf.if %cond3A_628 {
        %add3A_848 = arith.constant 2 : i32
        %add3A_849 = arith.addi %add3A_419, %add3A_848 : i32
        %mul3A_850 = arith.constant 16 : i32
        %mul3A_851 = arith.muli %add3A_849, %mul3A_850 : i32
        %add3A_852 = arith.addi %mul3A_2, %mul3A_851 : i32
        %multiple_of3A_853 = tpu.assume_multiple %add3A_852, 8 : i32
        "tpu.region"() ({
          %run_scoped3A = tpu.sem_alloc : memref<!tpu.dma_semaphore, #tpu.memory_space<semaphore_mem>>
          %dma_start3A_1056 = arith.constant 0 : i32
          %dma_start3A_1057 = tpu.memref_slice %arg3[%multiple_of3A_853, %dma_start3A_1056] : memref<16384x50xi32, #tpu.memory_space<hbm>> -> memref<16x50xi32, #tpu.memory_space<hbm>>
          %dma_start3A_1058 = arith.constant 0 : i32
          %dma_start3A_1059 = tpu.memref_slice %arg3[%multiple_of3A_853, %dma_start3A_1058] : memref<16384x50xi32, #tpu.memory_space<hbm>> -> memref<16x50xi32, #tpu.memory_space<hbm>>
          tpu.enqueue_dma source(%dma_start3A_1059 : memref<16x50xi32, #tpu.memory_space<hbm>>) target(%arg5 : memref<16x50xi32, #tpu.memory_space<vmem>>) target_semaphore(%run_scoped3A : memref<!tpu.dma_semaphore, #tpu.memory_space<semaphore_mem>>)
          %dma_wait3A_1060 = arith.constant 0 : i32
          %dma_wait3A_1061 = tpu.memref_slice %arg3[%multiple_of3A_853, %dma_wait3A_1060] : memref<16384x50xi32, #tpu.memory_space<hbm>> -> memref<16x50xi32, #tpu.memory_space<hbm>>
          %dma_wait3A_1062 = arith.constant 0 : i32
          %dma_wait3A_1063 = tpu.memref_slice %arg3[%multiple_of3A_853, %dma_wait3A_1062] : memref<16384x50xi32, #tpu.memory_space<hbm>> -> memref<16x50xi32, #tpu.memory_space<hbm>>
          tpu.wait_dma2 semaphore(%run_scoped3A : memref<!tpu.dma_semaphore, #tpu.memory_space<semaphore_mem>>) src(%dma_wait3A_1063 : memref<16x50xi32, #tpu.memory_space<hbm>>) dst(%arg5 : memref<16x50xi32, #tpu.memory_space<vmem>>)
          tpu.yield
        }) : () -> ()
        %mul3A_854 = arith.constant 16 : i32
        %mul3A_855 = arith.muli %add3A_419, %mul3A_854 : i32
        %add3A_856 = arith.addi %mul3A_2, %mul3A_855 : i32
        %multiple_of3A_857 = tpu.assume_multiple %add3A_856, 8 : i32
        %dma_wait3A_858 = arith.constant 0 : i32
        %dma_wait3A_859 = arith.constant 0 : i32
        %dma_wait3A_860 = tpu.memref_slice %arg4[%multiple_of3A_857, %dma_wait3A_858, %dma_wait3A_859] : memref<16384x50x32xf32, #tpu.memory_space<hbm>> -> memref<16x50x32xf32, #tpu.memory_space<hbm>>
        %dma_wait3A_861 = arith.constant 0 : i32
        %dma_wait3A_862 = arith.constant 0 : i32
        %dma_wait3A_863 = tpu.memref_slice %arg4[%multiple_of3A_857, %dma_wait3A_861, %dma_wait3A_862] : memref<16384x50x32xf32, #tpu.memory_space<hbm>> -> memref<16x50x32xf32, #tpu.memory_space<hbm>>
        tpu.wait_dma2 semaphore(%arg11 : memref<!tpu.dma_semaphore, #tpu.memory_space<semaphore_mem>>) src(%arg7 : memref<16x50x32xf32, #tpu.memory_space<vmem>>) dst(%dma_wait3A_863 : memref<16x50x32xf32, #tpu.memory_space<hbm>>)
        %dma_start3A_864 = arith.constant 0 : i32
        %dma_start3A_865 = arith.constant 0 : i32
        %dma_start3A_866 = arith.constant 0 : i32
        %dma_start3A_867 = arith.constant 0 : i32
        %dma_start3A_868 = tpu.memref_slice %arg7[%dma_start3A_865, %dma_start3A_866, %dma_start3A_867] : memref<16x50x32xf32, #tpu.memory_space<vmem>> -> memref<1x50x32xf32, #tpu.memory_space<vmem>>
        %dma_start3A_869 = tpu.memref_squeeze %dma_start3A_868 : memref<1x50x32xf32, #tpu.memory_space<vmem>> -> memref<50x32xf32, #tpu.memory_space<vmem>>
        %dma_start3A_870 = arith.constant 0 : i32
        %dma_start3A_871 = tpu.memref_slice %arg5[%dma_start3A_864, %dma_start3A_870] : memref<16x50xi32, #tpu.memory_space<vmem>> -> memref<1x50xi32, #tpu.memory_space<vmem>>
        %dma_start3A_872 = tpu.memref_squeeze %dma_start3A_871 : memref<1x50xi32, #tpu.memory_space<vmem>> -> memref<50xi32, #tpu.memory_space<vmem>>
        %dma_start3A_873 = arith.constant 0 : i32
        %dma_start3A_874 = arith.constant 0 : i32
        %dma_start3A_875 = tpu.memref_slice %arg2[%dma_start3A_873, %dma_start3A_874] : memref<1000000x32xf32, #tpu.memory_space<hbm>> -> memref<1000000x32xf32, #tpu.memory_space<hbm>>
        tpu.enqueue_indirect_dma source(%dma_start3A_875 : memref<1000000x32xf32, #tpu.memory_space<hbm>>) target(%dma_start3A_869 : memref<50x32xf32, #tpu.memory_space<vmem>>) offsets(%dma_start3A_872 : memref<50xi32, #tpu.memory_space<vmem>>) semaphore(%arg9 : memref<!tpu.dma_semaphore, #tpu.memory_space<semaphore_mem>>)
        %dma_start3A_876 = arith.constant 1 : i32
        %dma_start3A_877 = arith.constant 1 : i32
        %dma_start3A_878 = arith.constant 0 : i32
        %dma_start3A_879 = arith.constant 0 : i32
        %dma_start3A_880 = tpu.memref_slice %arg7[%dma_start3A_877, %dma_start3A_878, %dma_start3A_879] : memref<16x50x32xf32, #tpu.memory_space<vmem>> -> memref<1x50x32xf32, #tpu.memory_space<vmem>>
        %dma_start3A_881 = tpu.memref_squeeze %dma_start3A_880 : memref<1x50x32xf32, #tpu.memory_space<vmem>> -> memref<50x32xf32, #tpu.memory_space<vmem>>
        %dma_start3A_882 = arith.constant 0 : i32
        %dma_start3A_883 = tpu.memref_slice %arg5[%dma_start3A_876, %dma_start3A_882] : memref<16x50xi32, #tpu.memory_space<vmem>> -> memref<1x50xi32, #tpu.memory_space<vmem>>
        %dma_start3A_884 = tpu.memref_squeeze %dma_start3A_883 : memref<1x50xi32, #tpu.memory_space<vmem>> -> memref<50xi32, #tpu.memory_space<vmem>>
        %dma_start3A_885 = arith.constant 0 : i32
        %dma_start3A_886 = arith.constant 0 : i32
        %dma_start3A_887 = tpu.memref_slice %arg2[%dma_start3A_885, %dma_start3A_886] : memref<1000000x32xf32, #tpu.memory_space<hbm>> -> memref<1000000x32xf32, #tpu.memory_space<hbm>>
        tpu.enqueue_indirect_dma source(%dma_start3A_887 : memref<1000000x32xf32, #tpu.memory_space<hbm>>) target(%dma_start3A_881 : memref<50x32xf32, #tpu.memory_space<vmem>>) offsets(%dma_start3A_884 : memref<50xi32, #tpu.memory_space<vmem>>) semaphore(%arg9 : memref<!tpu.dma_semaphore, #tpu.memory_space<semaphore_mem>>)
        %dma_start3A_888 = arith.constant 2 : i32
        %dma_start3A_889 = arith.constant 2 : i32
        %dma_start3A_890 = arith.constant 0 : i32
        %dma_start3A_891 = arith.constant 0 : i32
        %dma_start3A_892 = tpu.memref_slice %arg7[%dma_start3A_889, %dma_start3A_890, %dma_start3A_891] : memref<16x50x32xf32, #tpu.memory_space<vmem>> -> memref<1x50x32xf32, #tpu.memory_space<vmem>>
        %dma_start3A_893 = tpu.memref_squeeze %dma_start3A_892 : memref<1x50x32xf32, #tpu.memory_space<vmem>> -> memref<50x32xf32, #tpu.memory_space<vmem>>
        %dma_start3A_894 = arith.constant 0 : i32
        %dma_start3A_895 = tpu.memref_slice %arg5[%dma_start3A_888, %dma_start3A_894] : memref<16x50xi32, #tpu.memory_space<vmem>> -> memref<1x50xi32, #tpu.memory_space<vmem>>
        %dma_start3A_896 = tpu.memref_squeeze %dma_start3A_895 : memref<1x50xi32, #tpu.memory_space<vmem>> -> memref<50xi32, #tpu.memory_space<vmem>>
        %dma_start3A_897 = arith.constant 0 : i32
        %dma_start3A_898 = arith.constant 0 : i32
        %dma_start3A_899 = tpu.memref_slice %arg2[%dma_start3A_897, %dma_start3A_898] : memref<1000000x32xf32, #tpu.memory_space<hbm>> -> memref<1000000x32xf32, #tpu.memory_space<hbm>>
        tpu.enqueue_indirect_dma source(%dma_start3A_899 : memref<1000000x32xf32, #tpu.memory_space<hbm>>) target(%dma_start3A_893 : memref<50x32xf32, #tpu.memory_space<vmem>>) offsets(%dma_start3A_896 : memref<50xi32, #tpu.memory_space<vmem>>) semaphore(%arg9 : memref<!tpu.dma_semaphore, #tpu.memory_space<semaphore_mem>>)
        %dma_start3A_900 = arith.constant 3 : i32
        %dma_start3A_901 = arith.constant 3 : i32
        %dma_start3A_902 = arith.constant 0 : i32
        %dma_start3A_903 = arith.constant 0 : i32
        %dma_start3A_904 = tpu.memref_slice %arg7[%dma_start3A_901, %dma_start3A_902, %dma_start3A_903] : memref<16x50x32xf32, #tpu.memory_space<vmem>> -> memref<1x50x32xf32, #tpu.memory_space<vmem>>
        %dma_start3A_905 = tpu.memref_squeeze %dma_start3A_904 : memref<1x50x32xf32, #tpu.memory_space<vmem>> -> memref<50x32xf32, #tpu.memory_space<vmem>>
        %dma_start3A_906 = arith.constant 0 : i32
        %dma_start3A_907 = tpu.memref_slice %arg5[%dma_start3A_900, %dma_start3A_906] : memref<16x50xi32, #tpu.memory_space<vmem>> -> memref<1x50xi32, #tpu.memory_space<vmem>>
        %dma_start3A_908 = tpu.memref_squeeze %dma_start3A_907 : memref<1x50xi32, #tpu.memory_space<vmem>> -> memref<50xi32, #tpu.memory_space<vmem>>
        %dma_start3A_909 = arith.constant 0 : i32
        %dma_start3A_910 = arith.constant 0 : i32
        %dma_start3A_911 = tpu.memref_slice %arg2[%dma_start3A_909, %dma_start3A_910] : memref<1000000x32xf32, #tpu.memory_space<hbm>> -> memref<1000000x32xf32, #tpu.memory_space<hbm>>
        tpu.enqueue_indirect_dma source(%dma_start3A_911 : memref<1000000x32xf32, #tpu.memory_space<hbm>>) target(%dma_start3A_905 : memref<50x32xf32, #tpu.memory_space<vmem>>) offsets(%dma_start3A_908 : memref<50xi32, #tpu.memory_space<vmem>>) semaphore(%arg9 : memref<!tpu.dma_semaphore, #tpu.memory_space<semaphore_mem>>)
        %dma_start3A_912 = arith.constant 4 : i32
        %dma_start3A_913 = arith.constant 4 : i32
        %dma_start3A_914 = arith.constant 0 : i32
        %dma_start3A_915 = arith.constant 0 : i32
        %dma_start3A_916 = tpu.memref_slice %arg7[%dma_start3A_913, %dma_start3A_914, %dma_start3A_915] : memref<16x50x32xf32, #tpu.memory_space<vmem>> -> memref<1x50x32xf32, #tpu.memory_space<vmem>>
        %dma_start3A_917 = tpu.memref_squeeze %dma_start3A_916 : memref<1x50x32xf32, #tpu.memory_space<vmem>> -> memref<50x32xf32, #tpu.memory_space<vmem>>
        %dma_start3A_918 = arith.constant 0 : i32
        %dma_start3A_919 = tpu.memref_slice %arg5[%dma_start3A_912, %dma_start3A_918] : memref<16x50xi32, #tpu.memory_space<vmem>> -> memref<1x50xi32, #tpu.memory_space<vmem>>
        %dma_start3A_920 = tpu.memref_squeeze %dma_start3A_919 : memref<1x50xi32, #tpu.memory_space<vmem>> -> memref<50xi32, #tpu.memory_space<vmem>>
        %dma_start3A_921 = arith.constant 0 : i32
        %dma_start3A_922 = arith.constant 0 : i32
        %dma_start3A_923 = tpu.memref_slice %arg2[%dma_start3A_921, %dma_start3A_922] : memref<1000000x32xf32, #tpu.memory_space<hbm>> -> memref<1000000x32xf32, #tpu.memory_space<hbm>>
        tpu.enqueue_indirect_dma source(%dma_start3A_923 : memref<1000000x32xf32, #tpu.memory_space<hbm>>) target(%dma_start3A_917 : memref<50x32xf32, #tpu.memory_space<vmem>>) offsets(%dma_start3A_920 : memref<50xi32, #tpu.memory_space<vmem>>) semaphore(%arg9 : memref<!tpu.dma_semaphore, #tpu.memory_space<semaphore_mem>>)
        %dma_start3A_924 = arith.constant 5 : i32
        %dma_start3A_925 = arith.constant 5 : i32
        %dma_start3A_926 = arith.constant 0 : i32
        %dma_start3A_927 = arith.constant 0 : i32
        %dma_start3A_928 = tpu.memref_slice %arg7[%dma_start3A_925, %dma_start3A_926, %dma_start3A_927] : memref<16x50x32xf32, #tpu.memory_space<vmem>> -> memref<1x50x32xf32, #tpu.memory_space<vmem>>
        %dma_start3A_929 = tpu.memref_squeeze %dma_start3A_928 : memref<1x50x32xf32, #tpu.memory_space<vmem>> -> memref<50x32xf32, #tpu.memory_space<vmem>>
        %dma_start3A_930 = arith.constant 0 : i32
        %dma_start3A_931 = tpu.memref_slice %arg5[%dma_start3A_924, %dma_start3A_930] : memref<16x50xi32, #tpu.memory_space<vmem>> -> memref<1x50xi32, #tpu.memory_space<vmem>>
        %dma_start3A_932 = tpu.memref_squeeze %dma_start3A_931 : memref<1x50xi32, #tpu.memory_space<vmem>> -> memref<50xi32, #tpu.memory_space<vmem>>
        %dma_start3A_933 = arith.constant 0 : i32
        %dma_start3A_934 = arith.constant 0 : i32
        %dma_start3A_935 = tpu.memref_slice %arg2[%dma_start3A_933, %dma_start3A_934] : memref<1000000x32xf32, #tpu.memory_space<hbm>> -> memref<1000000x32xf32, #tpu.memory_space<hbm>>
        tpu.enqueue_indirect_dma source(%dma_start3A_935 : memref<1000000x32xf32, #tpu.memory_space<hbm>>) target(%dma_start3A_929 : memref<50x32xf32, #tpu.memory_space<vmem>>) offsets(%dma_start3A_932 : memref<50xi32, #tpu.memory_space<vmem>>) semaphore(%arg9 : memref<!tpu.dma_semaphore, #tpu.memory_space<semaphore_mem>>)
        %dma_start3A_936 = arith.constant 6 : i32
        %dma_start3A_937 = arith.constant 6 : i32
        %dma_start3A_938 = arith.constant 0 : i32
        %dma_start3A_939 = arith.constant 0 : i32
        %dma_start3A_940 = tpu.memref_slice %arg7[%dma_start3A_937, %dma_start3A_938, %dma_start3A_939] : memref<16x50x32xf32, #tpu.memory_space<vmem>> -> memref<1x50x32xf32, #tpu.memory_space<vmem>>
        %dma_start3A_941 = tpu.memref_squeeze %dma_start3A_940 : memref<1x50x32xf32, #tpu.memory_space<vmem>> -> memref<50x32xf32, #tpu.memory_space<vmem>>
        %dma_start3A_942 = arith.constant 0 : i32
        %dma_start3A_943 = tpu.memref_slice %arg5[%dma_start3A_936, %dma_start3A_942] : memref<16x50xi32, #tpu.memory_space<vmem>> -> memref<1x50xi32, #tpu.memory_space<vmem>>
        %dma_start3A_944 = tpu.memref_squeeze %dma_start3A_943 : memref<1x50xi32, #tpu.memory_space<vmem>> -> memref<50xi32, #tpu.memory_space<vmem>>
        %dma_start3A_945 = arith.constant 0 : i32
        %dma_start3A_946 = arith.constant 0 : i32
        %dma_start3A_947 = tpu.memref_slice %arg2[%dma_start3A_945, %dma_start3A_946] : memref<1000000x32xf32, #tpu.memory_space<hbm>> -> memref<1000000x32xf32, #tpu.memory_space<hbm>>
        tpu.enqueue_indirect_dma source(%dma_start3A_947 : memref<1000000x32xf32, #tpu.memory_space<hbm>>) target(%dma_start3A_941 : memref<50x32xf32, #tpu.memory_space<vmem>>) offsets(%dma_start3A_944 : memref<50xi32, #tpu.memory_space<vmem>>) semaphore(%arg9 : memref<!tpu.dma_semaphore, #tpu.memory_space<semaphore_mem>>)
        %dma_start3A_948 = arith.constant 7 : i32
        %dma_start3A_949 = arith.constant 7 : i32
        %dma_start3A_950 = arith.constant 0 : i32
        %dma_start3A_951 = arith.constant 0 : i32
        %dma_start3A_952 = tpu.memref_slice %arg7[%dma_start3A_949, %dma_start3A_950, %dma_start3A_951] : memref<16x50x32xf32, #tpu.memory_space<vmem>> -> memref<1x50x32xf32, #tpu.memory_space<vmem>>
        %dma_start3A_953 = tpu.memref_squeeze %dma_start3A_952 : memref<1x50x32xf32, #tpu.memory_space<vmem>> -> memref<50x32xf32, #tpu.memory_space<vmem>>
        %dma_start3A_954 = arith.constant 0 : i32
        %dma_start3A_955 = tpu.memref_slice %arg5[%dma_start3A_948, %dma_start3A_954] : memref<16x50xi32, #tpu.memory_space<vmem>> -> memref<1x50xi32, #tpu.memory_space<vmem>>
        %dma_start3A_956 = tpu.memref_squeeze %dma_start3A_955 : memref<1x50xi32, #tpu.memory_space<vmem>> -> memref<50xi32, #tpu.memory_space<vmem>>
        %dma_start3A_957 = arith.constant 0 : i32
        %dma_start3A_958 = arith.constant 0 : i32
        %dma_start3A_959 = tpu.memref_slice %arg2[%dma_start3A_957, %dma_start3A_958] : memref<1000000x32xf32, #tpu.memory_space<hbm>> -> memref<1000000x32xf32, #tpu.memory_space<hbm>>
        tpu.enqueue_indirect_dma source(%dma_start3A_959 : memref<1000000x32xf32, #tpu.memory_space<hbm>>) target(%dma_start3A_953 : memref<50x32xf32, #tpu.memory_space<vmem>>) offsets(%dma_start3A_956 : memref<50xi32, #tpu.memory_space<vmem>>) semaphore(%arg9 : memref<!tpu.dma_semaphore, #tpu.memory_space<semaphore_mem>>)
        %dma_start3A_960 = arith.constant 8 : i32
        %dma_start3A_961 = arith.constant 8 : i32
        %dma_start3A_962 = arith.constant 0 : i32
        %dma_start3A_963 = arith.constant 0 : i32
        %dma_start3A_964 = tpu.memref_slice %arg7[%dma_start3A_961, %dma_start3A_962, %dma_start3A_963] : memref<16x50x32xf32, #tpu.memory_space<vmem>> -> memref<1x50x32xf32, #tpu.memory_space<vmem>>
        %dma_start3A_965 = tpu.memref_squeeze %dma_start3A_964 : memref<1x50x32xf32, #tpu.memory_space<vmem>> -> memref<50x32xf32, #tpu.memory_space<vmem>>
        %dma_start3A_966 = arith.constant 0 : i32
        %dma_start3A_967 = tpu.memref_slice %arg5[%dma_start3A_960, %dma_start3A_966] : memref<16x50xi32, #tpu.memory_space<vmem>> -> memref<1x50xi32, #tpu.memory_space<vmem>>
        %dma_start3A_968 = tpu.memref_squeeze %dma_start3A_967 : memref<1x50xi32, #tpu.memory_space<vmem>> -> memref<50xi32, #tpu.memory_space<vmem>>
        %dma_start3A_969 = arith.constant 0 : i32
        %dma_start3A_970 = arith.constant 0 : i32
        %dma_start3A_971 = tpu.memref_slice %arg2[%dma_start3A_969, %dma_start3A_970] : memref<1000000x32xf32, #tpu.memory_space<hbm>> -> memref<1000000x32xf32, #tpu.memory_space<hbm>>
        tpu.enqueue_indirect_dma source(%dma_start3A_971 : memref<1000000x32xf32, #tpu.memory_space<hbm>>) target(%dma_start3A_965 : memref<50x32xf32, #tpu.memory_space<vmem>>) offsets(%dma_start3A_968 : memref<50xi32, #tpu.memory_space<vmem>>) semaphore(%arg9 : memref<!tpu.dma_semaphore, #tpu.memory_space<semaphore_mem>>)
        %dma_start3A_972 = arith.constant 9 : i32
        %dma_start3A_973 = arith.constant 9 : i32
        %dma_start3A_974 = arith.constant 0 : i32
        %dma_start3A_975 = arith.constant 0 : i32
        %dma_start3A_976 = tpu.memref_slice %arg7[%dma_start3A_973, %dma_start3A_974, %dma_start3A_975] : memref<16x50x32xf32, #tpu.memory_space<vmem>> -> memref<1x50x32xf32, #tpu.memory_space<vmem>>
        %dma_start3A_977 = tpu.memref_squeeze %dma_start3A_976 : memref<1x50x32xf32, #tpu.memory_space<vmem>> -> memref<50x32xf32, #tpu.memory_space<vmem>>
        %dma_start3A_978 = arith.constant 0 : i32
        %dma_start3A_979 = tpu.memref_slice %arg5[%dma_start3A_972, %dma_start3A_978] : memref<16x50xi32, #tpu.memory_space<vmem>> -> memref<1x50xi32, #tpu.memory_space<vmem>>
        %dma_start3A_980 = tpu.memref_squeeze %dma_start3A_979 : memref<1x50xi32, #tpu.memory_space<vmem>> -> memref<50xi32, #tpu.memory_space<vmem>>
        %dma_start3A_981 = arith.constant 0 : i32
        %dma_start3A_982 = arith.constant 0 : i32
        %dma_start3A_983 = tpu.memref_slice %arg2[%dma_start3A_981, %dma_start3A_982] : memref<1000000x32xf32, #tpu.memory_space<hbm>> -> memref<1000000x32xf32, #tpu.memory_space<hbm>>
        tpu.enqueue_indirect_dma source(%dma_start3A_983 : memref<1000000x32xf32, #tpu.memory_space<hbm>>) target(%dma_start3A_977 : memref<50x32xf32, #tpu.memory_space<vmem>>) offsets(%dma_start3A_980 : memref<50xi32, #tpu.memory_space<vmem>>) semaphore(%arg9 : memref<!tpu.dma_semaphore, #tpu.memory_space<semaphore_mem>>)
        %dma_start3A_984 = arith.constant 10 : i32
        %dma_start3A_985 = arith.constant 10 : i32
        %dma_start3A_986 = arith.constant 0 : i32
        %dma_start3A_987 = arith.constant 0 : i32
        %dma_start3A_988 = tpu.memref_slice %arg7[%dma_start3A_985, %dma_start3A_986, %dma_start3A_987] : memref<16x50x32xf32, #tpu.memory_space<vmem>> -> memref<1x50x32xf32, #tpu.memory_space<vmem>>
        %dma_start3A_989 = tpu.memref_squeeze %dma_start3A_988 : memref<1x50x32xf32, #tpu.memory_space<vmem>> -> memref<50x32xf32, #tpu.memory_space<vmem>>
        %dma_start3A_990 = arith.constant 0 : i32
        %dma_start3A_991 = tpu.memref_slice %arg5[%dma_start3A_984, %dma_start3A_990] : memref<16x50xi32, #tpu.memory_space<vmem>> -> memref<1x50xi32, #tpu.memory_space<vmem>>
        %dma_start3A_992 = tpu.memref_squeeze %dma_start3A_991 : memref<1x50xi32, #tpu.memory_space<vmem>> -> memref<50xi32, #tpu.memory_space<vmem>>
        %dma_start3A_993 = arith.constant 0 : i32
        %dma_start3A_994 = arith.constant 0 : i32
        %dma_start3A_995 = tpu.memref_slice %arg2[%dma_start3A_993, %dma_start3A_994] : memref<1000000x32xf32, #tpu.memory_space<hbm>> -> memref<1000000x32xf32, #tpu.memory_space<hbm>>
        tpu.enqueue_indirect_dma source(%dma_start3A_995 : memref<1000000x32xf32, #tpu.memory_space<hbm>>) target(%dma_start3A_989 : memref<50x32xf32, #tpu.memory_space<vmem>>) offsets(%dma_start3A_992 : memref<50xi32, #tpu.memory_space<vmem>>) semaphore(%arg9 : memref<!tpu.dma_semaphore, #tpu.memory_space<semaphore_mem>>)
        %dma_start3A_996 = arith.constant 11 : i32
        %dma_start3A_997 = arith.constant 11 : i32
        %dma_start3A_998 = arith.constant 0 : i32
        %dma_start3A_999 = arith.constant 0 : i32
        %dma_start3A_1000 = tpu.memref_slice %arg7[%dma_start3A_997, %dma_start3A_998, %dma_start3A_999] : memref<16x50x32xf32, #tpu.memory_space<vmem>> -> memref<1x50x32xf32, #tpu.memory_space<vmem>>
        %dma_start3A_1001 = tpu.memref_squeeze %dma_start3A_1000 : memref<1x50x32xf32, #tpu.memory_space<vmem>> -> memref<50x32xf32, #tpu.memory_space<vmem>>
        %dma_start3A_1002 = arith.constant 0 : i32
        %dma_start3A_1003 = tpu.memref_slice %arg5[%dma_start3A_996, %dma_start3A_1002] : memref<16x50xi32, #tpu.memory_space<vmem>> -> memref<1x50xi32, #tpu.memory_space<vmem>>
        %dma_start3A_1004 = tpu.memref_squeeze %dma_start3A_1003 : memref<1x50xi32, #tpu.memory_space<vmem>> -> memref<50xi32, #tpu.memory_space<vmem>>
        %dma_start3A_1005 = arith.constant 0 : i32
        %dma_start3A_1006 = arith.constant 0 : i32
        %dma_start3A_1007 = tpu.memref_slice %arg2[%dma_start3A_1005, %dma_start3A_1006] : memref<1000000x32xf32, #tpu.memory_space<hbm>> -> memref<1000000x32xf32, #tpu.memory_space<hbm>>
        tpu.enqueue_indirect_dma source(%dma_start3A_1007 : memref<1000000x32xf32, #tpu.memory_space<hbm>>) target(%dma_start3A_1001 : memref<50x32xf32, #tpu.memory_space<vmem>>) offsets(%dma_start3A_1004 : memref<50xi32, #tpu.memory_space<vmem>>) semaphore(%arg9 : memref<!tpu.dma_semaphore, #tpu.memory_space<semaphore_mem>>)
        %dma_start3A_1008 = arith.constant 12 : i32
        %dma_start3A_1009 = arith.constant 12 : i32
        %dma_start3A_1010 = arith.constant 0 : i32
        %dma_start3A_1011 = arith.constant 0 : i32
        %dma_start3A_1012 = tpu.memref_slice %arg7[%dma_start3A_1009, %dma_start3A_1010, %dma_start3A_1011] : memref<16x50x32xf32, #tpu.memory_space<vmem>> -> memref<1x50x32xf32, #tpu.memory_space<vmem>>
        %dma_start3A_1013 = tpu.memref_squeeze %dma_start3A_1012 : memref<1x50x32xf32, #tpu.memory_space<vmem>> -> memref<50x32xf32, #tpu.memory_space<vmem>>
        %dma_start3A_1014 = arith.constant 0 : i32
        %dma_start3A_1015 = tpu.memref_slice %arg5[%dma_start3A_1008, %dma_start3A_1014] : memref<16x50xi32, #tpu.memory_space<vmem>> -> memref<1x50xi32, #tpu.memory_space<vmem>>
        %dma_start3A_1016 = tpu.memref_squeeze %dma_start3A_1015 : memref<1x50xi32, #tpu.memory_space<vmem>> -> memref<50xi32, #tpu.memory_space<vmem>>
        %dma_start3A_1017 = arith.constant 0 : i32
        %dma_start3A_1018 = arith.constant 0 : i32
        %dma_start3A_1019 = tpu.memref_slice %arg2[%dma_start3A_1017, %dma_start3A_1018] : memref<1000000x32xf32, #tpu.memory_space<hbm>> -> memref<1000000x32xf32, #tpu.memory_space<hbm>>
        tpu.enqueue_indirect_dma source(%dma_start3A_1019 : memref<1000000x32xf32, #tpu.memory_space<hbm>>) target(%dma_start3A_1013 : memref<50x32xf32, #tpu.memory_space<vmem>>) offsets(%dma_start3A_1016 : memref<50xi32, #tpu.memory_space<vmem>>) semaphore(%arg9 : memref<!tpu.dma_semaphore, #tpu.memory_space<semaphore_mem>>)
        %dma_start3A_1020 = arith.constant 13 : i32
        %dma_start3A_1021 = arith.constant 13 : i32
        %dma_start3A_1022 = arith.constant 0 : i32
        %dma_start3A_1023 = arith.constant 0 : i32
        %dma_start3A_1024 = tpu.memref_slice %arg7[%dma_start3A_1021, %dma_start3A_1022, %dma_start3A_1023] : memref<16x50x32xf32, #tpu.memory_space<vmem>> -> memref<1x50x32xf32, #tpu.memory_space<vmem>>
        %dma_start3A_1025 = tpu.memref_squeeze %dma_start3A_1024 : memref<1x50x32xf32, #tpu.memory_space<vmem>> -> memref<50x32xf32, #tpu.memory_space<vmem>>
        %dma_start3A_1026 = arith.constant 0 : i32
        %dma_start3A_1027 = tpu.memref_slice %arg5[%dma_start3A_1020, %dma_start3A_1026] : memref<16x50xi32, #tpu.memory_space<vmem>> -> memref<1x50xi32, #tpu.memory_space<vmem>>
        %dma_start3A_1028 = tpu.memref_squeeze %dma_start3A_1027 : memref<1x50xi32, #tpu.memory_space<vmem>> -> memref<50xi32, #tpu.memory_space<vmem>>
        %dma_start3A_1029 = arith.constant 0 : i32
        %dma_start3A_1030 = arith.constant 0 : i32
        %dma_start3A_1031 = tpu.memref_slice %arg2[%dma_start3A_1029, %dma_start3A_1030] : memref<1000000x32xf32, #tpu.memory_space<hbm>> -> memref<1000000x32xf32, #tpu.memory_space<hbm>>
        tpu.enqueue_indirect_dma source(%dma_start3A_1031 : memref<1000000x32xf32, #tpu.memory_space<hbm>>) target(%dma_start3A_1025 : memref<50x32xf32, #tpu.memory_space<vmem>>) offsets(%dma_start3A_1028 : memref<50xi32, #tpu.memory_space<vmem>>) semaphore(%arg9 : memref<!tpu.dma_semaphore, #tpu.memory_space<semaphore_mem>>)
        %dma_start3A_1032 = arith.constant 14 : i32
        %dma_start3A_1033 = arith.constant 14 : i32
        %dma_start3A_1034 = arith.constant 0 : i32
        %dma_start3A_1035 = arith.constant 0 : i32
        %dma_start3A_1036 = tpu.memref_slice %arg7[%dma_start3A_1033, %dma_start3A_1034, %dma_start3A_1035] : memref<16x50x32xf32, #tpu.memory_space<vmem>> -> memref<1x50x32xf32, #tpu.memory_space<vmem>>
        %dma_start3A_1037 = tpu.memref_squeeze %dma_start3A_1036 : memref<1x50x32xf32, #tpu.memory_space<vmem>> -> memref<50x32xf32, #tpu.memory_space<vmem>>
        %dma_start3A_1038 = arith.constant 0 : i32
        %dma_start3A_1039 = tpu.memref_slice %arg5[%dma_start3A_1032, %dma_start3A_1038] : memref<16x50xi32, #tpu.memory_space<vmem>> -> memref<1x50xi32, #tpu.memory_space<vmem>>
        %dma_start3A_1040 = tpu.memref_squeeze %dma_start3A_1039 : memref<1x50xi32, #tpu.memory_space<vmem>> -> memref<50xi32, #tpu.memory_space<vmem>>
        %dma_start3A_1041 = arith.constant 0 : i32
        %dma_start3A_1042 = arith.constant 0 : i32
        %dma_start3A_1043 = tpu.memref_slice %arg2[%dma_start3A_1041, %dma_start3A_1042] : memref<1000000x32xf32, #tpu.memory_space<hbm>> -> memref<1000000x32xf32, #tpu.memory_space<hbm>>
        tpu.enqueue_indirect_dma source(%dma_start3A_1043 : memref<1000000x32xf32, #tpu.memory_space<hbm>>) target(%dma_start3A_1037 : memref<50x32xf32, #tpu.memory_space<vmem>>) offsets(%dma_start3A_1040 : memref<50xi32, #tpu.memory_space<vmem>>) semaphore(%arg9 : memref<!tpu.dma_semaphore, #tpu.memory_space<semaphore_mem>>)
        %dma_start3A_1044 = arith.constant 15 : i32
        %dma_start3A_1045 = arith.constant 15 : i32
        %dma_start3A_1046 = arith.constant 0 : i32
        %dma_start3A_1047 = arith.constant 0 : i32
        %dma_start3A_1048 = tpu.memref_slice %arg7[%dma_start3A_1045, %dma_start3A_1046, %dma_start3A_1047] : memref<16x50x32xf32, #tpu.memory_space<vmem>> -> memref<1x50x32xf32, #tpu.memory_space<vmem>>
        %dma_start3A_1049 = tpu.memref_squeeze %dma_start3A_1048 : memref<1x50x32xf32, #tpu.memory_space<vmem>> -> memref<50x32xf32, #tpu.memory_space<vmem>>
        %dma_start3A_1050 = arith.constant 0 : i32
        %dma_start3A_1051 = tpu.memref_slice %arg5[%dma_start3A_1044, %dma_start3A_1050] : memref<16x50xi32, #tpu.memory_space<vmem>> -> memref<1x50xi32, #tpu.memory_space<vmem>>
        %dma_start3A_1052 = tpu.memref_squeeze %dma_start3A_1051 : memref<1x50xi32, #tpu.memory_space<vmem>> -> memref<50xi32, #tpu.memory_space<vmem>>
        %dma_start3A_1053 = arith.constant 0 : i32
        %dma_start3A_1054 = arith.constant 0 : i32
        %dma_start3A_1055 = tpu.memref_slice %arg2[%dma_start3A_1053, %dma_start3A_1054] : memref<1000000x32xf32, #tpu.memory_space<hbm>> -> memref<1000000x32xf32, #tpu.memory_space<hbm>>
        tpu.enqueue_indirect_dma source(%dma_start3A_1055 : memref<1000000x32xf32, #tpu.memory_space<hbm>>) target(%dma_start3A_1049 : memref<50x32xf32, #tpu.memory_space<vmem>>) offsets(%dma_start3A_1052 : memref<50xi32, #tpu.memory_space<vmem>>) semaphore(%arg9 : memref<!tpu.dma_semaphore, #tpu.memory_space<semaphore_mem>>)
      } else {
      }
      %mul3A_629 = arith.constant 2 : i32
      %mul3A_630 = arith.muli %mul3A_629, %scan3A_414 : i32
      %add3A_631 = arith.constant 1 : i32
      %add3A_632 = arith.addi %mul3A_630, %add3A_631 : i32
      %dma_wait3A_633 = arith.constant 0 : i32
      %dma_wait3A_634 = arith.constant 0 : i32
      %dma_wait3A_635 = arith.constant 0 : i32
      %dma_wait3A_636 = arith.constant 0 : i32
      %dma_wait3A_637 = tpu.memref_slice %arg8[%dma_wait3A_634, %dma_wait3A_635, %dma_wait3A_636] : memref<16x50x32xf32, #tpu.memory_space<vmem>> -> memref<1x50x32xf32, #tpu.memory_space<vmem>>
      %dma_wait3A_638 = tpu.memref_squeeze %dma_wait3A_637 : memref<1x50x32xf32, #tpu.memory_space<vmem>> -> memref<50x32xf32, #tpu.memory_space<vmem>>
      %dma_wait3A_639 = arith.constant 0 : i32
      %dma_wait3A_640 = tpu.memref_slice %arg6[%dma_wait3A_633, %dma_wait3A_639] : memref<16x50xi32, #tpu.memory_space<vmem>> -> memref<1x50xi32, #tpu.memory_space<vmem>>
      %dma_wait3A_641 = tpu.memref_squeeze %dma_wait3A_640 : memref<1x50xi32, #tpu.memory_space<vmem>> -> memref<50xi32, #tpu.memory_space<vmem>>
      %dma_wait3A_642 = arith.constant 0 : i32
      %dma_wait3A_643 = arith.constant 0 : i32
      %dma_wait3A_644 = tpu.memref_slice %arg2[%dma_wait3A_642, %dma_wait3A_643] : memref<1000000x32xf32, #tpu.memory_space<hbm>> -> memref<1000000x32xf32, #tpu.memory_space<hbm>>
      tpu.wait_indirect_dma semaphore(%arg10 : memref<!tpu.dma_semaphore, #tpu.memory_space<semaphore_mem>>) src(%dma_wait3A_644 : memref<1000000x32xf32, #tpu.memory_space<hbm>>) dst(%dma_wait3A_638 : memref<50x32xf32, #tpu.memory_space<vmem>>)
      %dma_wait3A_645 = arith.constant 1 : i32
      %dma_wait3A_646 = arith.constant 1 : i32
      %dma_wait3A_647 = arith.constant 0 : i32
      %dma_wait3A_648 = arith.constant 0 : i32
      %dma_wait3A_649 = tpu.memref_slice %arg8[%dma_wait3A_646, %dma_wait3A_647, %dma_wait3A_648] : memref<16x50x32xf32, #tpu.memory_space<vmem>> -> memref<1x50x32xf32, #tpu.memory_space<vmem>>
      %dma_wait3A_650 = tpu.memref_squeeze %dma_wait3A_649 : memref<1x50x32xf32, #tpu.memory_space<vmem>> -> memref<50x32xf32, #tpu.memory_space<vmem>>
      %dma_wait3A_651 = arith.constant 0 : i32
      %dma_wait3A_652 = tpu.memref_slice %arg6[%dma_wait3A_645, %dma_wait3A_651] : memref<16x50xi32, #tpu.memory_space<vmem>> -> memref<1x50xi32, #tpu.memory_space<vmem>>
      %dma_wait3A_653 = tpu.memref_squeeze %dma_wait3A_652 : memref<1x50xi32, #tpu.memory_space<vmem>> -> memref<50xi32, #tpu.memory_space<vmem>>
      %dma_wait3A_654 = arith.constant 0 : i32
      %dma_wait3A_655 = arith.constant 0 : i32
      %dma_wait3A_656 = tpu.memref_slice %arg2[%dma_wait3A_654, %dma_wait3A_655] : memref<1000000x32xf32, #tpu.memory_space<hbm>> -> memref<1000000x32xf32, #tpu.memory_space<hbm>>
      tpu.wait_indirect_dma semaphore(%arg10 : memref<!tpu.dma_semaphore, #tpu.memory_space<semaphore_mem>>) src(%dma_wait3A_656 : memref<1000000x32xf32, #tpu.memory_space<hbm>>) dst(%dma_wait3A_650 : memref<50x32xf32, #tpu.memory_space<vmem>>)
      %dma_wait3A_657 = arith.constant 2 : i32
      %dma_wait3A_658 = arith.constant 2 : i32
      %dma_wait3A_659 = arith.constant 0 : i32
      %dma_wait3A_660 = arith.constant 0 : i32
      %dma_wait3A_661 = tpu.memref_slice %arg8[%dma_wait3A_658, %dma_wait3A_659, %dma_wait3A_660] : memref<16x50x32xf32, #tpu.memory_space<vmem>> -> memref<1x50x32xf32, #tpu.memory_space<vmem>>
      %dma_wait3A_662 = tpu.memref_squeeze %dma_wait3A_661 : memref<1x50x32xf32, #tpu.memory_space<vmem>> -> memref<50x32xf32, #tpu.memory_space<vmem>>
      %dma_wait3A_663 = arith.constant 0 : i32
      %dma_wait3A_664 = tpu.memref_slice %arg6[%dma_wait3A_657, %dma_wait3A_663] : memref<16x50xi32, #tpu.memory_space<vmem>> -> memref<1x50xi32, #tpu.memory_space<vmem>>
      %dma_wait3A_665 = tpu.memref_squeeze %dma_wait3A_664 : memref<1x50xi32, #tpu.memory_space<vmem>> -> memref<50xi32, #tpu.memory_space<vmem>>
      %dma_wait3A_666 = arith.constant 0 : i32
      %dma_wait3A_667 = arith.constant 0 : i32
      %dma_wait3A_668 = tpu.memref_slice %arg2[%dma_wait3A_666, %dma_wait3A_667] : memref<1000000x32xf32, #tpu.memory_space<hbm>> -> memref<1000000x32xf32, #tpu.memory_space<hbm>>
      tpu.wait_indirect_dma semaphore(%arg10 : memref<!tpu.dma_semaphore, #tpu.memory_space<semaphore_mem>>) src(%dma_wait3A_668 : memref<1000000x32xf32, #tpu.memory_space<hbm>>) dst(%dma_wait3A_662 : memref<50x32xf32, #tpu.memory_space<vmem>>)
      %dma_wait3A_669 = arith.constant 3 : i32
      %dma_wait3A_670 = arith.constant 3 : i32
      %dma_wait3A_671 = arith.constant 0 : i32
      %dma_wait3A_672 = arith.constant 0 : i32
      %dma_wait3A_673 = tpu.memref_slice %arg8[%dma_wait3A_670, %dma_wait3A_671, %dma_wait3A_672] : memref<16x50x32xf32, #tpu.memory_space<vmem>> -> memref<1x50x32xf32, #tpu.memory_space<vmem>>
      %dma_wait3A_674 = tpu.memref_squeeze %dma_wait3A_673 : memref<1x50x32xf32, #tpu.memory_space<vmem>> -> memref<50x32xf32, #tpu.memory_space<vmem>>
      %dma_wait3A_675 = arith.constant 0 : i32
      %dma_wait3A_676 = tpu.memref_slice %arg6[%dma_wait3A_669, %dma_wait3A_675] : memref<16x50xi32, #tpu.memory_space<vmem>> -> memref<1x50xi32, #tpu.memory_space<vmem>>
      %dma_wait3A_677 = tpu.memref_squeeze %dma_wait3A_676 : memref<1x50xi32, #tpu.memory_space<vmem>> -> memref<50xi32, #tpu.memory_space<vmem>>
      %dma_wait3A_678 = arith.constant 0 : i32
      %dma_wait3A_679 = arith.constant 0 : i32
      %dma_wait3A_680 = tpu.memref_slice %arg2[%dma_wait3A_678, %dma_wait3A_679] : memref<1000000x32xf32, #tpu.memory_space<hbm>> -> memref<1000000x32xf32, #tpu.memory_space<hbm>>
      tpu.wait_indirect_dma semaphore(%arg10 : memref<!tpu.dma_semaphore, #tpu.memory_space<semaphore_mem>>) src(%dma_wait3A_680 : memref<1000000x32xf32, #tpu.memory_space<hbm>>) dst(%dma_wait3A_674 : memref<50x32xf32, #tpu.memory_space<vmem>>)
      %dma_wait3A_681 = arith.constant 4 : i32
      %dma_wait3A_682 = arith.constant 4 : i32
      %dma_wait3A_683 = arith.constant 0 : i32
      %dma_wait3A_684 = arith.constant 0 : i32
      %dma_wait3A_685 = tpu.memref_slice %arg8[%dma_wait3A_682, %dma_wait3A_683, %dma_wait3A_684] : memref<16x50x32xf32, #tpu.memory_space<vmem>> -> memref<1x50x32xf32, #tpu.memory_space<vmem>>
      %dma_wait3A_686 = tpu.memref_squeeze %dma_wait3A_685 : memref<1x50x32xf32, #tpu.memory_space<vmem>> -> memref<50x32xf32, #tpu.memory_space<vmem>>
      %dma_wait3A_687 = arith.constant 0 : i32
      %dma_wait3A_688 = tpu.memref_slice %arg6[%dma_wait3A_681, %dma_wait3A_687] : memref<16x50xi32, #tpu.memory_space<vmem>> -> memref<1x50xi32, #tpu.memory_space<vmem>>
      %dma_wait3A_689 = tpu.memref_squeeze %dma_wait3A_688 : memref<1x50xi32, #tpu.memory_space<vmem>> -> memref<50xi32, #tpu.memory_space<vmem>>
      %dma_wait3A_690 = arith.constant 0 : i32
      %dma_wait3A_691 = arith.constant 0 : i32
      %dma_wait3A_692 = tpu.memref_slice %arg2[%dma_wait3A_690, %dma_wait3A_691] : memref<1000000x32xf32, #tpu.memory_space<hbm>> -> memref<1000000x32xf32, #tpu.memory_space<hbm>>
      tpu.wait_indirect_dma semaphore(%arg10 : memref<!tpu.dma_semaphore, #tpu.memory_space<semaphore_mem>>) src(%dma_wait3A_692 : memref<1000000x32xf32, #tpu.memory_space<hbm>>) dst(%dma_wait3A_686 : memref<50x32xf32, #tpu.memory_space<vmem>>)
      %dma_wait3A_693 = arith.constant 5 : i32
      %dma_wait3A_694 = arith.constant 5 : i32
      %dma_wait3A_695 = arith.constant 0 : i32
      %dma_wait3A_696 = arith.constant 0 : i32
      %dma_wait3A_697 = tpu.memref_slice %arg8[%dma_wait3A_694, %dma_wait3A_695, %dma_wait3A_696] : memref<16x50x32xf32, #tpu.memory_space<vmem>> -> memref<1x50x32xf32, #tpu.memory_space<vmem>>
      %dma_wait3A_698 = tpu.memref_squeeze %dma_wait3A_697 : memref<1x50x32xf32, #tpu.memory_space<vmem>> -> memref<50x32xf32, #tpu.memory_space<vmem>>
      %dma_wait3A_699 = arith.constant 0 : i32
      %dma_wait3A_700 = tpu.memref_slice %arg6[%dma_wait3A_693, %dma_wait3A_699] : memref<16x50xi32, #tpu.memory_space<vmem>> -> memref<1x50xi32, #tpu.memory_space<vmem>>
      %dma_wait3A_701 = tpu.memref_squeeze %dma_wait3A_700 : memref<1x50xi32, #tpu.memory_space<vmem>> -> memref<50xi32, #tpu.memory_space<vmem>>
      %dma_wait3A_702 = arith.constant 0 : i32
      %dma_wait3A_703 = arith.constant 0 : i32
      %dma_wait3A_704 = tpu.memref_slice %arg2[%dma_wait3A_702, %dma_wait3A_703] : memref<1000000x32xf32, #tpu.memory_space<hbm>> -> memref<1000000x32xf32, #tpu.memory_space<hbm>>
      tpu.wait_indirect_dma semaphore(%arg10 : memref<!tpu.dma_semaphore, #tpu.memory_space<semaphore_mem>>) src(%dma_wait3A_704 : memref<1000000x32xf32, #tpu.memory_space<hbm>>) dst(%dma_wait3A_698 : memref<50x32xf32, #tpu.memory_space<vmem>>)
      %dma_wait3A_705 = arith.constant 6 : i32
      %dma_wait3A_706 = arith.constant 6 : i32
      %dma_wait3A_707 = arith.constant 0 : i32
      %dma_wait3A_708 = arith.constant 0 : i32
      %dma_wait3A_709 = tpu.memref_slice %arg8[%dma_wait3A_706, %dma_wait3A_707, %dma_wait3A_708] : memref<16x50x32xf32, #tpu.memory_space<vmem>> -> memref<1x50x32xf32, #tpu.memory_space<vmem>>
      %dma_wait3A_710 = tpu.memref_squeeze %dma_wait3A_709 : memref<1x50x32xf32, #tpu.memory_space<vmem>> -> memref<50x32xf32, #tpu.memory_space<vmem>>
      %dma_wait3A_711 = arith.constant 0 : i32
      %dma_wait3A_712 = tpu.memref_slice %arg6[%dma_wait3A_705, %dma_wait3A_711] : memref<16x50xi32, #tpu.memory_space<vmem>> -> memref<1x50xi32, #tpu.memory_space<vmem>>
      %dma_wait3A_713 = tpu.memref_squeeze %dma_wait3A_712 : memref<1x50xi32, #tpu.memory_space<vmem>> -> memref<50xi32, #tpu.memory_space<vmem>>
      %dma_wait3A_714 = arith.constant 0 : i32
      %dma_wait3A_715 = arith.constant 0 : i32
      %dma_wait3A_716 = tpu.memref_slice %arg2[%dma_wait3A_714, %dma_wait3A_715] : memref<1000000x32xf32, #tpu.memory_space<hbm>> -> memref<1000000x32xf32, #tpu.memory_space<hbm>>
      tpu.wait_indirect_dma semaphore(%arg10 : memref<!tpu.dma_semaphore, #tpu.memory_space<semaphore_mem>>) src(%dma_wait3A_716 : memref<1000000x32xf32, #tpu.memory_space<hbm>>) dst(%dma_wait3A_710 : memref<50x32xf32, #tpu.memory_space<vmem>>)
      %dma_wait3A_717 = arith.constant 7 : i32
      %dma_wait3A_718 = arith.constant 7 : i32
      %dma_wait3A_719 = arith.constant 0 : i32
      %dma_wait3A_720 = arith.constant 0 : i32
      %dma_wait3A_721 = tpu.memref_slice %arg8[%dma_wait3A_718, %dma_wait3A_719, %dma_wait3A_720] : memref<16x50x32xf32, #tpu.memory_space<vmem>> -> memref<1x50x32xf32, #tpu.memory_space<vmem>>
      %dma_wait3A_722 = tpu.memref_squeeze %dma_wait3A_721 : memref<1x50x32xf32, #tpu.memory_space<vmem>> -> memref<50x32xf32, #tpu.memory_space<vmem>>
      %dma_wait3A_723 = arith.constant 0 : i32
      %dma_wait3A_724 = tpu.memref_slice %arg6[%dma_wait3A_717, %dma_wait3A_723] : memref<16x50xi32, #tpu.memory_space<vmem>> -> memref<1x50xi32, #tpu.memory_space<vmem>>
      %dma_wait3A_725 = tpu.memref_squeeze %dma_wait3A_724 : memref<1x50xi32, #tpu.memory_space<vmem>> -> memref<50xi32, #tpu.memory_space<vmem>>
      %dma_wait3A_726 = arith.constant 0 : i32
      %dma_wait3A_727 = arith.constant 0 : i32
      %dma_wait3A_728 = tpu.memref_slice %arg2[%dma_wait3A_726, %dma_wait3A_727] : memref<1000000x32xf32, #tpu.memory_space<hbm>> -> memref<1000000x32xf32, #tpu.memory_space<hbm>>
      tpu.wait_indirect_dma semaphore(%arg10 : memref<!tpu.dma_semaphore, #tpu.memory_space<semaphore_mem>>) src(%dma_wait3A_728 : memref<1000000x32xf32, #tpu.memory_space<hbm>>) dst(%dma_wait3A_722 : memref<50x32xf32, #tpu.memory_space<vmem>>)
      %dma_wait3A_729 = arith.constant 8 : i32
      %dma_wait3A_730 = arith.constant 8 : i32
      %dma_wait3A_731 = arith.constant 0 : i32
      %dma_wait3A_732 = arith.constant 0 : i32
      %dma_wait3A_733 = tpu.memref_slice %arg8[%dma_wait3A_730, %dma_wait3A_731, %dma_wait3A_732] : memref<16x50x32xf32, #tpu.memory_space<vmem>> -> memref<1x50x32xf32, #tpu.memory_space<vmem>>
      %dma_wait3A_734 = tpu.memref_squeeze %dma_wait3A_733 : memref<1x50x32xf32, #tpu.memory_space<vmem>> -> memref<50x32xf32, #tpu.memory_space<vmem>>
      %dma_wait3A_735 = arith.constant 0 : i32
      %dma_wait3A_736 = tpu.memref_slice %arg6[%dma_wait3A_729, %dma_wait3A_735] : memref<16x50xi32, #tpu.memory_space<vmem>> -> memref<1x50xi32, #tpu.memory_space<vmem>>
      %dma_wait3A_737 = tpu.memref_squeeze %dma_wait3A_736 : memref<1x50xi32, #tpu.memory_space<vmem>> -> memref<50xi32, #tpu.memory_space<vmem>>
      %dma_wait3A_738 = arith.constant 0 : i32
      %dma_wait3A_739 = arith.constant 0 : i32
      %dma_wait3A_740 = tpu.memref_slice %arg2[%dma_wait3A_738, %dma_wait3A_739] : memref<1000000x32xf32, #tpu.memory_space<hbm>> -> memref<1000000x32xf32, #tpu.memory_space<hbm>>
      tpu.wait_indirect_dma semaphore(%arg10 : memref<!tpu.dma_semaphore, #tpu.memory_space<semaphore_mem>>) src(%dma_wait3A_740 : memref<1000000x32xf32, #tpu.memory_space<hbm>>) dst(%dma_wait3A_734 : memref<50x32xf32, #tpu.memory_space<vmem>>)
      %dma_wait3A_741 = arith.constant 9 : i32
      %dma_wait3A_742 = arith.constant 9 : i32
      %dma_wait3A_743 = arith.constant 0 : i32
      %dma_wait3A_744 = arith.constant 0 : i32
      %dma_wait3A_745 = tpu.memref_slice %arg8[%dma_wait3A_742, %dma_wait3A_743, %dma_wait3A_744] : memref<16x50x32xf32, #tpu.memory_space<vmem>> -> memref<1x50x32xf32, #tpu.memory_space<vmem>>
      %dma_wait3A_746 = tpu.memref_squeeze %dma_wait3A_745 : memref<1x50x32xf32, #tpu.memory_space<vmem>> -> memref<50x32xf32, #tpu.memory_space<vmem>>
      %dma_wait3A_747 = arith.constant 0 : i32
      %dma_wait3A_748 = tpu.memref_slice %arg6[%dma_wait3A_741, %dma_wait3A_747] : memref<16x50xi32, #tpu.memory_space<vmem>> -> memref<1x50xi32, #tpu.memory_space<vmem>>
      %dma_wait3A_749 = tpu.memref_squeeze %dma_wait3A_748 : memref<1x50xi32, #tpu.memory_space<vmem>> -> memref<50xi32, #tpu.memory_space<vmem>>
      %dma_wait3A_750 = arith.constant 0 : i32
      %dma_wait3A_751 = arith.constant 0 : i32
      %dma_wait3A_752 = tpu.memref_slice %arg2[%dma_wait3A_750, %dma_wait3A_751] : memref<1000000x32xf32, #tpu.memory_space<hbm>> -> memref<1000000x32xf32, #tpu.memory_space<hbm>>
      tpu.wait_indirect_dma semaphore(%arg10 : memref<!tpu.dma_semaphore, #tpu.memory_space<semaphore_mem>>) src(%dma_wait3A_752 : memref<1000000x32xf32, #tpu.memory_space<hbm>>) dst(%dma_wait3A_746 : memref<50x32xf32, #tpu.memory_space<vmem>>)
      %dma_wait3A_753 = arith.constant 10 : i32
      %dma_wait3A_754 = arith.constant 10 : i32
      %dma_wait3A_755 = arith.constant 0 : i32
      %dma_wait3A_756 = arith.constant 0 : i32
      %dma_wait3A_757 = tpu.memref_slice %arg8[%dma_wait3A_754, %dma_wait3A_755, %dma_wait3A_756] : memref<16x50x32xf32, #tpu.memory_space<vmem>> -> memref<1x50x32xf32, #tpu.memory_space<vmem>>
      %dma_wait3A_758 = tpu.memref_squeeze %dma_wait3A_757 : memref<1x50x32xf32, #tpu.memory_space<vmem>> -> memref<50x32xf32, #tpu.memory_space<vmem>>
      %dma_wait3A_759 = arith.constant 0 : i32
      %dma_wait3A_760 = tpu.memref_slice %arg6[%dma_wait3A_753, %dma_wait3A_759] : memref<16x50xi32, #tpu.memory_space<vmem>> -> memref<1x50xi32, #tpu.memory_space<vmem>>
      %dma_wait3A_761 = tpu.memref_squeeze %dma_wait3A_760 : memref<1x50xi32, #tpu.memory_space<vmem>> -> memref<50xi32, #tpu.memory_space<vmem>>
      %dma_wait3A_762 = arith.constant 0 : i32
      %dma_wait3A_763 = arith.constant 0 : i32
      %dma_wait3A_764 = tpu.memref_slice %arg2[%dma_wait3A_762, %dma_wait3A_763] : memref<1000000x32xf32, #tpu.memory_space<hbm>> -> memref<1000000x32xf32, #tpu.memory_space<hbm>>
      tpu.wait_indirect_dma semaphore(%arg10 : memref<!tpu.dma_semaphore, #tpu.memory_space<semaphore_mem>>) src(%dma_wait3A_764 : memref<1000000x32xf32, #tpu.memory_space<hbm>>) dst(%dma_wait3A_758 : memref<50x32xf32, #tpu.memory_space<vmem>>)
      %dma_wait3A_765 = arith.constant 11 : i32
      %dma_wait3A_766 = arith.constant 11 : i32
      %dma_wait3A_767 = arith.constant 0 : i32
      %dma_wait3A_768 = arith.constant 0 : i32
      %dma_wait3A_769 = tpu.memref_slice %arg8[%dma_wait3A_766, %dma_wait3A_767, %dma_wait3A_768] : memref<16x50x32xf32, #tpu.memory_space<vmem>> -> memref<1x50x32xf32, #tpu.memory_space<vmem>>
      %dma_wait3A_770 = tpu.memref_squeeze %dma_wait3A_769 : memref<1x50x32xf32, #tpu.memory_space<vmem>> -> memref<50x32xf32, #tpu.memory_space<vmem>>
      %dma_wait3A_771 = arith.constant 0 : i32
      %dma_wait3A_772 = tpu.memref_slice %arg6[%dma_wait3A_765, %dma_wait3A_771] : memref<16x50xi32, #tpu.memory_space<vmem>> -> memref<1x50xi32, #tpu.memory_space<vmem>>
      %dma_wait3A_773 = tpu.memref_squeeze %dma_wait3A_772 : memref<1x50xi32, #tpu.memory_space<vmem>> -> memref<50xi32, #tpu.memory_space<vmem>>
      %dma_wait3A_774 = arith.constant 0 : i32
      %dma_wait3A_775 = arith.constant 0 : i32
      %dma_wait3A_776 = tpu.memref_slice %arg2[%dma_wait3A_774, %dma_wait3A_775] : memref<1000000x32xf32, #tpu.memory_space<hbm>> -> memref<1000000x32xf32, #tpu.memory_space<hbm>>
      tpu.wait_indirect_dma semaphore(%arg10 : memref<!tpu.dma_semaphore, #tpu.memory_space<semaphore_mem>>) src(%dma_wait3A_776 : memref<1000000x32xf32, #tpu.memory_space<hbm>>) dst(%dma_wait3A_770 : memref<50x32xf32, #tpu.memory_space<vmem>>)
      %dma_wait3A_777 = arith.constant 12 : i32
      %dma_wait3A_778 = arith.constant 12 : i32
      %dma_wait3A_779 = arith.constant 0 : i32
      %dma_wait3A_780 = arith.constant 0 : i32
      %dma_wait3A_781 = tpu.memref_slice %arg8[%dma_wait3A_778, %dma_wait3A_779, %dma_wait3A_780] : memref<16x50x32xf32, #tpu.memory_space<vmem>> -> memref<1x50x32xf32, #tpu.memory_space<vmem>>
      %dma_wait3A_782 = tpu.memref_squeeze %dma_wait3A_781 : memref<1x50x32xf32, #tpu.memory_space<vmem>> -> memref<50x32xf32, #tpu.memory_space<vmem>>
      %dma_wait3A_783 = arith.constant 0 : i32
      %dma_wait3A_784 = tpu.memref_slice %arg6[%dma_wait3A_777, %dma_wait3A_783] : memref<16x50xi32, #tpu.memory_space<vmem>> -> memref<1x50xi32, #tpu.memory_space<vmem>>
      %dma_wait3A_785 = tpu.memref_squeeze %dma_wait3A_784 : memref<1x50xi32, #tpu.memory_space<vmem>> -> memref<50xi32, #tpu.memory_space<vmem>>
      %dma_wait3A_786 = arith.constant 0 : i32
      %dma_wait3A_787 = arith.constant 0 : i32
      %dma_wait3A_788 = tpu.memref_slice %arg2[%dma_wait3A_786, %dma_wait3A_787] : memref<1000000x32xf32, #tpu.memory_space<hbm>> -> memref<1000000x32xf32, #tpu.memory_space<hbm>>
      tpu.wait_indirect_dma semaphore(%arg10 : memref<!tpu.dma_semaphore, #tpu.memory_space<semaphore_mem>>) src(%dma_wait3A_788 : memref<1000000x32xf32, #tpu.memory_space<hbm>>) dst(%dma_wait3A_782 : memref<50x32xf32, #tpu.memory_space<vmem>>)
      %dma_wait3A_789 = arith.constant 13 : i32
      %dma_wait3A_790 = arith.constant 13 : i32
      %dma_wait3A_791 = arith.constant 0 : i32
      %dma_wait3A_792 = arith.constant 0 : i32
      %dma_wait3A_793 = tpu.memref_slice %arg8[%dma_wait3A_790, %dma_wait3A_791, %dma_wait3A_792] : memref<16x50x32xf32, #tpu.memory_space<vmem>> -> memref<1x50x32xf32, #tpu.memory_space<vmem>>
      %dma_wait3A_794 = tpu.memref_squeeze %dma_wait3A_793 : memref<1x50x32xf32, #tpu.memory_space<vmem>> -> memref<50x32xf32, #tpu.memory_space<vmem>>
      %dma_wait3A_795 = arith.constant 0 : i32
      %dma_wait3A_796 = tpu.memref_slice %arg6[%dma_wait3A_789, %dma_wait3A_795] : memref<16x50xi32, #tpu.memory_space<vmem>> -> memref<1x50xi32, #tpu.memory_space<vmem>>
      %dma_wait3A_797 = tpu.memref_squeeze %dma_wait3A_796 : memref<1x50xi32, #tpu.memory_space<vmem>> -> memref<50xi32, #tpu.memory_space<vmem>>
      %dma_wait3A_798 = arith.constant 0 : i32
      %dma_wait3A_799 = arith.constant 0 : i32
      %dma_wait3A_800 = tpu.memref_slice %arg2[%dma_wait3A_798, %dma_wait3A_799] : memref<1000000x32xf32, #tpu.memory_space<hbm>> -> memref<1000000x32xf32, #tpu.memory_space<hbm>>
      tpu.wait_indirect_dma semaphore(%arg10 : memref<!tpu.dma_semaphore, #tpu.memory_space<semaphore_mem>>) src(%dma_wait3A_800 : memref<1000000x32xf32, #tpu.memory_space<hbm>>) dst(%dma_wait3A_794 : memref<50x32xf32, #tpu.memory_space<vmem>>)
      %dma_wait3A_801 = arith.constant 14 : i32
      %dma_wait3A_802 = arith.constant 14 : i32
      %dma_wait3A_803 = arith.constant 0 : i32
      %dma_wait3A_804 = arith.constant 0 : i32
      %dma_wait3A_805 = tpu.memref_slice %arg8[%dma_wait3A_802, %dma_wait3A_803, %dma_wait3A_804] : memref<16x50x32xf32, #tpu.memory_space<vmem>> -> memref<1x50x32xf32, #tpu.memory_space<vmem>>
      %dma_wait3A_806 = tpu.memref_squeeze %dma_wait3A_805 : memref<1x50x32xf32, #tpu.memory_space<vmem>> -> memref<50x32xf32, #tpu.memory_space<vmem>>
      %dma_wait3A_807 = arith.constant 0 : i32
      %dma_wait3A_808 = tpu.memref_slice %arg6[%dma_wait3A_801, %dma_wait3A_807] : memref<16x50xi32, #tpu.memory_space<vmem>> -> memref<1x50xi32, #tpu.memory_space<vmem>>
      %dma_wait3A_809 = tpu.memref_squeeze %dma_wait3A_808 : memref<1x50xi32, #tpu.memory_space<vmem>> -> memref<50xi32, #tpu.memory_space<vmem>>
      %dma_wait3A_810 = arith.constant 0 : i32
      %dma_wait3A_811 = arith.constant 0 : i32
      %dma_wait3A_812 = tpu.memref_slice %arg2[%dma_wait3A_810, %dma_wait3A_811] : memref<1000000x32xf32, #tpu.memory_space<hbm>> -> memref<1000000x32xf32, #tpu.memory_space<hbm>>
      tpu.wait_indirect_dma semaphore(%arg10 : memref<!tpu.dma_semaphore, #tpu.memory_space<semaphore_mem>>) src(%dma_wait3A_812 : memref<1000000x32xf32, #tpu.memory_space<hbm>>) dst(%dma_wait3A_806 : memref<50x32xf32, #tpu.memory_space<vmem>>)
      %dma_wait3A_813 = arith.constant 15 : i32
      %dma_wait3A_814 = arith.constant 15 : i32
      %dma_wait3A_815 = arith.constant 0 : i32
      %dma_wait3A_816 = arith.constant 0 : i32
      %dma_wait3A_817 = tpu.memref_slice %arg8[%dma_wait3A_814, %dma_wait3A_815, %dma_wait3A_816] : memref<16x50x32xf32, #tpu.memory_space<vmem>> -> memref<1x50x32xf32, #tpu.memory_space<vmem>>
      %dma_wait3A_818 = tpu.memref_squeeze %dma_wait3A_817 : memref<1x50x32xf32, #tpu.memory_space<vmem>> -> memref<50x32xf32, #tpu.memory_space<vmem>>
      %dma_wait3A_819 = arith.constant 0 : i32
      %dma_wait3A_820 = tpu.memref_slice %arg6[%dma_wait3A_813, %dma_wait3A_819] : memref<16x50xi32, #tpu.memory_space<vmem>> -> memref<1x50xi32, #tpu.memory_space<vmem>>
      %dma_wait3A_821 = tpu.memref_squeeze %dma_wait3A_820 : memref<1x50xi32, #tpu.memory_space<vmem>> -> memref<50xi32, #tpu.memory_space<vmem>>
      %dma_wait3A_822 = arith.constant 0 : i32
      %dma_wait3A_823 = arith.constant 0 : i32
      %dma_wait3A_824 = tpu.memref_slice %arg2[%dma_wait3A_822, %dma_wait3A_823] : memref<1000000x32xf32, #tpu.memory_space<hbm>> -> memref<1000000x32xf32, #tpu.memory_space<hbm>>
      tpu.wait_indirect_dma semaphore(%arg10 : memref<!tpu.dma_semaphore, #tpu.memory_space<semaphore_mem>>) src(%dma_wait3A_824 : memref<1000000x32xf32, #tpu.memory_space<hbm>>) dst(%dma_wait3A_818 : memref<50x32xf32, #tpu.memory_space<vmem>>)
      %broadcast_in_dim3A_825 = arith.constant 0 : i32
      %broadcast_in_dim3A_826 = vector.broadcast %broadcast_in_dim3A_825 : i32 to vector<16xi32>
      %parallel_loop3A_827 = arith.constant 0 : i32
      %parallel_loop3A_828 = arith.constant 50 : i32
      %parallel_loop3A_829 = arith.constant 1 : i32
      %parallel_loop3A_830 = arith.constant 0 : i32
      %parallel_loop3A_831 = scf.for %parallel_loop3A_848 = %parallel_loop3A_827 to %parallel_loop3A_828 step %parallel_loop3A_829 iter_args(%parallel_loop3A_849 = %parallel_loop3A_830) -> (i32)  : i32 {
        %parallel_loop3A_850 = arith.constant 16 : i32
        %parallel_loop3A_851 = arith.muli %parallel_loop3A_848, %parallel_loop3A_850 : i32
        %parallel_loop3A_852 = vector.broadcast %parallel_loop3A_851 : i32 to vector<16xi32>
        %parallel_loop3A_853 = arith.addi %parallel_loop3A_852, %iota3A : vector<16xi32>
        %parallel_loop3A_854 = arith.constant 32 : i32
        %parallel_loop3A_855 = vector.broadcast %parallel_loop3A_854 : i32 to vector<16xi32>
        %parallel_loop3A_856 = arith.muli %parallel_loop3A_853, %parallel_loop3A_855 : vector<16xi32>
        %parallel_loop3A_857 = arith.constant 0.000000e+00 : f32
        %parallel_loop3A_858 = vector.broadcast %parallel_loop3A_857 : f32 to vector<16xf32>
        %parallel_loop3A_859 = arith.constant 0 : i32
        %parallel_loop3A_860 = vector.broadcast %parallel_loop3A_859 : i32 to vector<16xi32>
        %parallel_loop3A_861 = arith.addi %parallel_loop3A_860, %iota3A : vector<16xi32>
        %parallel_loop3A_862 = arith.constant 31 : i32
        %parallel_loop3A_863 = vector.broadcast %parallel_loop3A_862 : i32 to vector<16xi32>
        %parallel_loop3A_864 = arith.andi %parallel_loop3A_861, %parallel_loop3A_863 : vector<16xi32>
        %parallel_loop3A_865 = arith.addi %parallel_loop3A_856, %parallel_loop3A_864 : vector<16xi32>
        %parallel_loop3A_866 = tpu.vector_load_idx %arg8[%broadcast_in_dim3A_826, %broadcast_in_dim3A_826, %parallel_loop3A_865] : memref<16x50x32xf32, #tpu.memory_space<vmem>>[vector<16xi32>, vector<16xi32>, vector<16xi32>], vector<16xf32>,
        %parallel_loop3A_867 = arith.mulf %parallel_loop3A_866, %parallel_loop3A_866 : vector<16xf32>
        %parallel_loop3A_868 = arith.addf %parallel_loop3A_858, %parallel_loop3A_867 : vector<16xf32>
        %parallel_loop3A_869 = arith.constant 1 : i32
        %parallel_loop3A_870 = vector.broadcast %parallel_loop3A_869 : i32 to vector<16xi32>
        %parallel_loop3A_871 = arith.addi %parallel_loop3A_870, %iota3A : vector<16xi32>
        %parallel_loop3A_872 = arith.constant 31 : i32
        %parallel_loop3A_873 = vector.broadcast %parallel_loop3A_872 : i32 to vector<16xi32>
        %parallel_loop3A_874 = arith.andi %parallel_loop3A_871, %parallel_loop3A_873 : vector<16xi32>
        %parallel_loop3A_875 = arith.addi %parallel_loop3A_856, %parallel_loop3A_874 : vector<16xi32>
        %parallel_loop3A_876 = tpu.vector_load_idx %arg8[%broadcast_in_dim3A_826, %broadcast_in_dim3A_826, %parallel_loop3A_875] : memref<16x50x32xf32, #tpu.memory_space<vmem>>[vector<16xi32>, vector<16xi32>, vector<16xi32>], vector<16xf32>,
        %parallel_loop3A_877 = arith.mulf %parallel_loop3A_876, %parallel_loop3A_876 : vector<16xf32>
        %parallel_loop3A_878 = arith.addf %parallel_loop3A_868, %parallel_loop3A_877 : vector<16xf32>
        %parallel_loop3A_879 = arith.constant 2 : i32
        %parallel_loop3A_880 = vector.broadcast %parallel_loop3A_879 : i32 to vector<16xi32>
        %parallel_loop3A_881 = arith.addi %parallel_loop3A_880, %iota3A : vector<16xi32>
        %parallel_loop3A_882 = arith.constant 31 : i32
        %parallel_loop3A_883 = vector.broadcast %parallel_loop3A_882 : i32 to vector<16xi32>
        %parallel_loop3A_884 = arith.andi %parallel_loop3A_881, %parallel_loop3A_883 : vector<16xi32>
        %parallel_loop3A_885 = arith.addi %parallel_loop3A_856, %parallel_loop3A_884 : vector<16xi32>
        %parallel_loop3A_886 = tpu.vector_load_idx %arg8[%broadcast_in_dim3A_826, %broadcast_in_dim3A_826, %parallel_loop3A_885] : memref<16x50x32xf32, #tpu.memory_space<vmem>>[vector<16xi32>, vector<16xi32>, vector<16xi32>], vector<16xf32>,
        %parallel_loop3A_887 = arith.mulf %parallel_loop3A_886, %parallel_loop3A_886 : vector<16xf32>
        %parallel_loop3A_888 = arith.addf %parallel_loop3A_878, %parallel_loop3A_887 : vector<16xf32>
        %parallel_loop3A_889 = arith.constant 3 : i32
        %parallel_loop3A_890 = vector.broadcast %parallel_loop3A_889 : i32 to vector<16xi32>
        %parallel_loop3A_891 = arith.addi %parallel_loop3A_890, %iota3A : vector<16xi32>
        %parallel_loop3A_892 = arith.constant 31 : i32
        %parallel_loop3A_893 = vector.broadcast %parallel_loop3A_892 : i32 to vector<16xi32>
        %parallel_loop3A_894 = arith.andi %parallel_loop3A_891, %parallel_loop3A_893 : vector<16xi32>
        %parallel_loop3A_895 = arith.addi %parallel_loop3A_856, %parallel_loop3A_894 : vector<16xi32>
        %parallel_loop3A_896 = tpu.vector_load_idx %arg8[%broadcast_in_dim3A_826, %broadcast_in_dim3A_826, %parallel_loop3A_895] : memref<16x50x32xf32, #tpu.memory_space<vmem>>[vector<16xi32>, vector<16xi32>, vector<16xi32>], vector<16xf32>,
        %parallel_loop3A_897 = arith.mulf %parallel_loop3A_896, %parallel_loop3A_896 : vector<16xf32>
        %parallel_loop3A_898 = arith.addf %parallel_loop3A_888, %parallel_loop3A_897 : vector<16xf32>
        %parallel_loop3A_899 = arith.constant 4 : i32
        %parallel_loop3A_900 = vector.broadcast %parallel_loop3A_899 : i32 to vector<16xi32>
        %parallel_loop3A_901 = arith.addi %parallel_loop3A_900, %iota3A : vector<16xi32>
        %parallel_loop3A_902 = arith.constant 31 : i32
        %parallel_loop3A_903 = vector.broadcast %parallel_loop3A_902 : i32 to vector<16xi32>
        %parallel_loop3A_904 = arith.andi %parallel_loop3A_901, %parallel_loop3A_903 : vector<16xi32>
        %parallel_loop3A_905 = arith.addi %parallel_loop3A_856, %parallel_loop3A_904 : vector<16xi32>
        %parallel_loop3A_906 = tpu.vector_load_idx %arg8[%broadcast_in_dim3A_826, %broadcast_in_dim3A_826, %parallel_loop3A_905] : memref<16x50x32xf32, #tpu.memory_space<vmem>>[vector<16xi32>, vector<16xi32>, vector<16xi32>], vector<16xf32>,
        %parallel_loop3A_907 = arith.mulf %parallel_loop3A_906, %parallel_loop3A_906 : vector<16xf32>
        %parallel_loop3A_908 = arith.addf %parallel_loop3A_898, %parallel_loop3A_907 : vector<16xf32>
        %parallel_loop3A_909 = arith.constant 5 : i32
        %parallel_loop3A_910 = vector.broadcast %parallel_loop3A_909 : i32 to vector<16xi32>
        %parallel_loop3A_911 = arith.addi %parallel_loop3A_910, %iota3A : vector<16xi32>
        %parallel_loop3A_912 = arith.constant 31 : i32
        %parallel_loop3A_913 = vector.broadcast %parallel_loop3A_912 : i32 to vector<16xi32>
        %parallel_loop3A_914 = arith.andi %parallel_loop3A_911, %parallel_loop3A_913 : vector<16xi32>
        %parallel_loop3A_915 = arith.addi %parallel_loop3A_856, %parallel_loop3A_914 : vector<16xi32>
        %parallel_loop3A_916 = tpu.vector_load_idx %arg8[%broadcast_in_dim3A_826, %broadcast_in_dim3A_826, %parallel_loop3A_915] : memref<16x50x32xf32, #tpu.memory_space<vmem>>[vector<16xi32>, vector<16xi32>, vector<16xi32>], vector<16xf32>,
        %parallel_loop3A_917 = arith.mulf %parallel_loop3A_916, %parallel_loop3A_916 : vector<16xf32>
        %parallel_loop3A_918 = arith.addf %parallel_loop3A_908, %parallel_loop3A_917 : vector<16xf32>
        %parallel_loop3A_919 = arith.constant 6 : i32
        %parallel_loop3A_920 = vector.broadcast %parallel_loop3A_919 : i32 to vector<16xi32>
        %parallel_loop3A_921 = arith.addi %parallel_loop3A_920, %iota3A : vector<16xi32>
        %parallel_loop3A_922 = arith.constant 31 : i32
        %parallel_loop3A_923 = vector.broadcast %parallel_loop3A_922 : i32 to vector<16xi32>
        %parallel_loop3A_924 = arith.andi %parallel_loop3A_921, %parallel_loop3A_923 : vector<16xi32>
        %parallel_loop3A_925 = arith.addi %parallel_loop3A_856, %parallel_loop3A_924 : vector<16xi32>
        %parallel_loop3A_926 = tpu.vector_load_idx %arg8[%broadcast_in_dim3A_826, %broadcast_in_dim3A_826, %parallel_loop3A_925] : memref<16x50x32xf32, #tpu.memory_space<vmem>>[vector<16xi32>, vector<16xi32>, vector<16xi32>], vector<16xf32>,
        %parallel_loop3A_927 = arith.mulf %parallel_loop3A_926, %parallel_loop3A_926 : vector<16xf32>
        %parallel_loop3A_928 = arith.addf %parallel_loop3A_918, %parallel_loop3A_927 : vector<16xf32>
        %parallel_loop3A_929 = arith.constant 7 : i32
        %parallel_loop3A_930 = vector.broadcast %parallel_loop3A_929 : i32 to vector<16xi32>
        %parallel_loop3A_931 = arith.addi %parallel_loop3A_930, %iota3A : vector<16xi32>
        %parallel_loop3A_932 = arith.constant 31 : i32
        %parallel_loop3A_933 = vector.broadcast %parallel_loop3A_932 : i32 to vector<16xi32>
        %parallel_loop3A_934 = arith.andi %parallel_loop3A_931, %parallel_loop3A_933 : vector<16xi32>
        %parallel_loop3A_935 = arith.addi %parallel_loop3A_856, %parallel_loop3A_934 : vector<16xi32>
        %parallel_loop3A_936 = tpu.vector_load_idx %arg8[%broadcast_in_dim3A_826, %broadcast_in_dim3A_826, %parallel_loop3A_935] : memref<16x50x32xf32, #tpu.memory_space<vmem>>[vector<16xi32>, vector<16xi32>, vector<16xi32>], vector<16xf32>,
        %parallel_loop3A_937 = arith.mulf %parallel_loop3A_936, %parallel_loop3A_936 : vector<16xf32>
        %parallel_loop3A_938 = arith.addf %parallel_loop3A_928, %parallel_loop3A_937 : vector<16xf32>
        %parallel_loop3A_939 = arith.constant 8 : i32
        %parallel_loop3A_940 = vector.broadcast %parallel_loop3A_939 : i32 to vector<16xi32>
        %parallel_loop3A_941 = arith.addi %parallel_loop3A_940, %iota3A : vector<16xi32>
        %parallel_loop3A_942 = arith.constant 31 : i32
        %parallel_loop3A_943 = vector.broadcast %parallel_loop3A_942 : i32 to vector<16xi32>
        %parallel_loop3A_944 = arith.andi %parallel_loop3A_941, %parallel_loop3A_943 : vector<16xi32>
        %parallel_loop3A_945 = arith.addi %parallel_loop3A_856, %parallel_loop3A_944 : vector<16xi32>
        %parallel_loop3A_946 = tpu.vector_load_idx %arg8[%broadcast_in_dim3A_826, %broadcast_in_dim3A_826, %parallel_loop3A_945] : memref<16x50x32xf32, #tpu.memory_space<vmem>>[vector<16xi32>, vector<16xi32>, vector<16xi32>], vector<16xf32>,
        %parallel_loop3A_947 = arith.mulf %parallel_loop3A_946, %parallel_loop3A_946 : vector<16xf32>
        %parallel_loop3A_948 = arith.addf %parallel_loop3A_938, %parallel_loop3A_947 : vector<16xf32>
        %parallel_loop3A_949 = arith.constant 9 : i32
        %parallel_loop3A_950 = vector.broadcast %parallel_loop3A_949 : i32 to vector<16xi32>
        %parallel_loop3A_951 = arith.addi %parallel_loop3A_950, %iota3A : vector<16xi32>
        %parallel_loop3A_952 = arith.constant 31 : i32
        %parallel_loop3A_953 = vector.broadcast %parallel_loop3A_952 : i32 to vector<16xi32>
        %parallel_loop3A_954 = arith.andi %parallel_loop3A_951, %parallel_loop3A_953 : vector<16xi32>
        %parallel_loop3A_955 = arith.addi %parallel_loop3A_856, %parallel_loop3A_954 : vector<16xi32>
        %parallel_loop3A_956 = tpu.vector_load_idx %arg8[%broadcast_in_dim3A_826, %broadcast_in_dim3A_826, %parallel_loop3A_955] : memref<16x50x32xf32, #tpu.memory_space<vmem>>[vector<16xi32>, vector<16xi32>, vector<16xi32>], vector<16xf32>,
        %parallel_loop3A_957 = arith.mulf %parallel_loop3A_956, %parallel_loop3A_956 : vector<16xf32>
        %parallel_loop3A_958 = arith.addf %parallel_loop3A_948, %parallel_loop3A_957 : vector<16xf32>
        %parallel_loop3A_959 = arith.constant 10 : i32
        %parallel_loop3A_960 = vector.broadcast %parallel_loop3A_959 : i32 to vector<16xi32>
        %parallel_loop3A_961 = arith.addi %parallel_loop3A_960, %iota3A : vector<16xi32>
        %parallel_loop3A_962 = arith.constant 31 : i32
        %parallel_loop3A_963 = vector.broadcast %parallel_loop3A_962 : i32 to vector<16xi32>
        %parallel_loop3A_964 = arith.andi %parallel_loop3A_961, %parallel_loop3A_963 : vector<16xi32>
        %parallel_loop3A_965 = arith.addi %parallel_loop3A_856, %parallel_loop3A_964 : vector<16xi32>
        %parallel_loop3A_966 = tpu.vector_load_idx %arg8[%broadcast_in_dim3A_826, %broadcast_in_dim3A_826, %parallel_loop3A_965] : memref<16x50x32xf32, #tpu.memory_space<vmem>>[vector<16xi32>, vector<16xi32>, vector<16xi32>], vector<16xf32>,
        %parallel_loop3A_967 = arith.mulf %parallel_loop3A_966, %parallel_loop3A_966 : vector<16xf32>
        %parallel_loop3A_968 = arith.addf %parallel_loop3A_958, %parallel_loop3A_967 : vector<16xf32>
        %parallel_loop3A_969 = arith.constant 11 : i32
        %parallel_loop3A_970 = vector.broadcast %parallel_loop3A_969 : i32 to vector<16xi32>
        %parallel_loop3A_971 = arith.addi %parallel_loop3A_970, %iota3A : vector<16xi32>
        %parallel_loop3A_972 = arith.constant 31 : i32
        %parallel_loop3A_973 = vector.broadcast %parallel_loop3A_972 : i32 to vector<16xi32>
        %parallel_loop3A_974 = arith.andi %parallel_loop3A_971, %parallel_loop3A_973 : vector<16xi32>
        %parallel_loop3A_975 = arith.addi %parallel_loop3A_856, %parallel_loop3A_974 : vector<16xi32>
        %parallel_loop3A_976 = tpu.vector_load_idx %arg8[%broadcast_in_dim3A_826, %broadcast_in_dim3A_826, %parallel_loop3A_975] : memref<16x50x32xf32, #tpu.memory_space<vmem>>[vector<16xi32>, vector<16xi32>, vector<16xi32>], vector<16xf32>,
        %parallel_loop3A_977 = arith.mulf %parallel_loop3A_976, %parallel_loop3A_976 : vector<16xf32>
        %parallel_loop3A_978 = arith.addf %parallel_loop3A_968, %parallel_loop3A_977 : vector<16xf32>
        %parallel_loop3A_979 = arith.constant 12 : i32
        %parallel_loop3A_980 = vector.broadcast %parallel_loop3A_979 : i32 to vector<16xi32>
        %parallel_loop3A_981 = arith.addi %parallel_loop3A_980, %iota3A : vector<16xi32>
        %parallel_loop3A_982 = arith.constant 31 : i32
        %parallel_loop3A_983 = vector.broadcast %parallel_loop3A_982 : i32 to vector<16xi32>
        %parallel_loop3A_984 = arith.andi %parallel_loop3A_981, %parallel_loop3A_983 : vector<16xi32>
        %parallel_loop3A_985 = arith.addi %parallel_loop3A_856, %parallel_loop3A_984 : vector<16xi32>
        %parallel_loop3A_986 = tpu.vector_load_idx %arg8[%broadcast_in_dim3A_826, %broadcast_in_dim3A_826, %parallel_loop3A_985] : memref<16x50x32xf32, #tpu.memory_space<vmem>>[vector<16xi32>, vector<16xi32>, vector<16xi32>], vector<16xf32>,
        %parallel_loop3A_987 = arith.mulf %parallel_loop3A_986, %parallel_loop3A_986 : vector<16xf32>
        %parallel_loop3A_988 = arith.addf %parallel_loop3A_978, %parallel_loop3A_987 : vector<16xf32>
        %parallel_loop3A_989 = arith.constant 13 : i32
        %parallel_loop3A_990 = vector.broadcast %parallel_loop3A_989 : i32 to vector<16xi32>
        %parallel_loop3A_991 = arith.addi %parallel_loop3A_990, %iota3A : vector<16xi32>
        %parallel_loop3A_992 = arith.constant 31 : i32
        %parallel_loop3A_993 = vector.broadcast %parallel_loop3A_992 : i32 to vector<16xi32>
        %parallel_loop3A_994 = arith.andi %parallel_loop3A_991, %parallel_loop3A_993 : vector<16xi32>
        %parallel_loop3A_995 = arith.addi %parallel_loop3A_856, %parallel_loop3A_994 : vector<16xi32>
        %parallel_loop3A_996 = tpu.vector_load_idx %arg8[%broadcast_in_dim3A_826, %broadcast_in_dim3A_826, %parallel_loop3A_995] : memref<16x50x32xf32, #tpu.memory_space<vmem>>[vector<16xi32>, vector<16xi32>, vector<16xi32>], vector<16xf32>,
        %parallel_loop3A_997 = arith.mulf %parallel_loop3A_996, %parallel_loop3A_996 : vector<16xf32>
        %parallel_loop3A_998 = arith.addf %parallel_loop3A_988, %parallel_loop3A_997 : vector<16xf32>
        %parallel_loop3A_999 = arith.constant 14 : i32
        %parallel_loop3A_1000 = vector.broadcast %parallel_loop3A_999 : i32 to vector<16xi32>
        %parallel_loop3A_1001 = arith.addi %parallel_loop3A_1000, %iota3A : vector<16xi32>
        %parallel_loop3A_1002 = arith.constant 31 : i32
        %parallel_loop3A_1003 = vector.broadcast %parallel_loop3A_1002 : i32 to vector<16xi32>
        %parallel_loop3A_1004 = arith.andi %parallel_loop3A_1001, %parallel_loop3A_1003 : vector<16xi32>
        %parallel_loop3A_1005 = arith.addi %parallel_loop3A_856, %parallel_loop3A_1004 : vector<16xi32>
        %parallel_loop3A_1006 = tpu.vector_load_idx %arg8[%broadcast_in_dim3A_826, %broadcast_in_dim3A_826, %parallel_loop3A_1005] : memref<16x50x32xf32, #tpu.memory_space<vmem>>[vector<16xi32>, vector<16xi32>, vector<16xi32>], vector<16xf32>,
        %parallel_loop3A_1007 = arith.mulf %parallel_loop3A_1006, %parallel_loop3A_1006 : vector<16xf32>
        %parallel_loop3A_1008 = arith.addf %parallel_loop3A_998, %parallel_loop3A_1007 : vector<16xf32>
        %parallel_loop3A_1009 = arith.constant 15 : i32
        %parallel_loop3A_1010 = vector.broadcast %parallel_loop3A_1009 : i32 to vector<16xi32>
        %parallel_loop3A_1011 = arith.addi %parallel_loop3A_1010, %iota3A : vector<16xi32>
        %parallel_loop3A_1012 = arith.constant 31 : i32
        %parallel_loop3A_1013 = vector.broadcast %parallel_loop3A_1012 : i32 to vector<16xi32>
        %parallel_loop3A_1014 = arith.andi %parallel_loop3A_1011, %parallel_loop3A_1013 : vector<16xi32>
        %parallel_loop3A_1015 = arith.addi %parallel_loop3A_856, %parallel_loop3A_1014 : vector<16xi32>
        %parallel_loop3A_1016 = tpu.vector_load_idx %arg8[%broadcast_in_dim3A_826, %broadcast_in_dim3A_826, %parallel_loop3A_1015] : memref<16x50x32xf32, #tpu.memory_space<vmem>>[vector<16xi32>, vector<16xi32>, vector<16xi32>], vector<16xf32>,
        %parallel_loop3A_1017 = arith.mulf %parallel_loop3A_1016, %parallel_loop3A_1016 : vector<16xf32>
        %parallel_loop3A_1018 = arith.addf %parallel_loop3A_1008, %parallel_loop3A_1017 : vector<16xf32>
        %parallel_loop3A_1019 = arith.constant 16 : i32
        %parallel_loop3A_1020 = vector.broadcast %parallel_loop3A_1019 : i32 to vector<16xi32>
        %parallel_loop3A_1021 = arith.addi %parallel_loop3A_1020, %iota3A : vector<16xi32>
        %parallel_loop3A_1022 = arith.constant 31 : i32
        %parallel_loop3A_1023 = vector.broadcast %parallel_loop3A_1022 : i32 to vector<16xi32>
        %parallel_loop3A_1024 = arith.andi %parallel_loop3A_1021, %parallel_loop3A_1023 : vector<16xi32>
        %parallel_loop3A_1025 = arith.addi %parallel_loop3A_856, %parallel_loop3A_1024 : vector<16xi32>
        %parallel_loop3A_1026 = tpu.vector_load_idx %arg8[%broadcast_in_dim3A_826, %broadcast_in_dim3A_826, %parallel_loop3A_1025] : memref<16x50x32xf32, #tpu.memory_space<vmem>>[vector<16xi32>, vector<16xi32>, vector<16xi32>], vector<16xf32>,
        %parallel_loop3A_1027 = arith.mulf %parallel_loop3A_1026, %parallel_loop3A_1026 : vector<16xf32>
        %parallel_loop3A_1028 = arith.addf %parallel_loop3A_1018, %parallel_loop3A_1027 : vector<16xf32>
        %parallel_loop3A_1029 = arith.constant 17 : i32
        %parallel_loop3A_1030 = vector.broadcast %parallel_loop3A_1029 : i32 to vector<16xi32>
        %parallel_loop3A_1031 = arith.addi %parallel_loop3A_1030, %iota3A : vector<16xi32>
        %parallel_loop3A_1032 = arith.constant 31 : i32
        %parallel_loop3A_1033 = vector.broadcast %parallel_loop3A_1032 : i32 to vector<16xi32>
        %parallel_loop3A_1034 = arith.andi %parallel_loop3A_1031, %parallel_loop3A_1033 : vector<16xi32>
        %parallel_loop3A_1035 = arith.addi %parallel_loop3A_856, %parallel_loop3A_1034 : vector<16xi32>
        %parallel_loop3A_1036 = tpu.vector_load_idx %arg8[%broadcast_in_dim3A_826, %broadcast_in_dim3A_826, %parallel_loop3A_1035] : memref<16x50x32xf32, #tpu.memory_space<vmem>>[vector<16xi32>, vector<16xi32>, vector<16xi32>], vector<16xf32>,
        %parallel_loop3A_1037 = arith.mulf %parallel_loop3A_1036, %parallel_loop3A_1036 : vector<16xf32>
        %parallel_loop3A_1038 = arith.addf %parallel_loop3A_1028, %parallel_loop3A_1037 : vector<16xf32>
        %parallel_loop3A_1039 = arith.constant 18 : i32
        %parallel_loop3A_1040 = vector.broadcast %parallel_loop3A_1039 : i32 to vector<16xi32>
        %parallel_loop3A_1041 = arith.addi %parallel_loop3A_1040, %iota3A : vector<16xi32>
        %parallel_loop3A_1042 = arith.constant 31 : i32
        %parallel_loop3A_1043 = vector.broadcast %parallel_loop3A_1042 : i32 to vector<16xi32>
        %parallel_loop3A_1044 = arith.andi %parallel_loop3A_1041, %parallel_loop3A_1043 : vector<16xi32>
        %parallel_loop3A_1045 = arith.addi %parallel_loop3A_856, %parallel_loop3A_1044 : vector<16xi32>
        %parallel_loop3A_1046 = tpu.vector_load_idx %arg8[%broadcast_in_dim3A_826, %broadcast_in_dim3A_826, %parallel_loop3A_1045] : memref<16x50x32xf32, #tpu.memory_space<vmem>>[vector<16xi32>, vector<16xi32>, vector<16xi32>], vector<16xf32>,
        %parallel_loop3A_1047 = arith.mulf %parallel_loop3A_1046, %parallel_loop3A_1046 : vector<16xf32>
        %parallel_loop3A_1048 = arith.addf %parallel_loop3A_1038, %parallel_loop3A_1047 : vector<16xf32>
        %parallel_loop3A_1049 = arith.constant 19 : i32
        %parallel_loop3A_1050 = vector.broadcast %parallel_loop3A_1049 : i32 to vector<16xi32>
        %parallel_loop3A_1051 = arith.addi %parallel_loop3A_1050, %iota3A : vector<16xi32>
        %parallel_loop3A_1052 = arith.constant 31 : i32
        %parallel_loop3A_1053 = vector.broadcast %parallel_loop3A_1052 : i32 to vector<16xi32>
        %parallel_loop3A_1054 = arith.andi %parallel_loop3A_1051, %parallel_loop3A_1053 : vector<16xi32>
        %parallel_loop3A_1055 = arith.addi %parallel_loop3A_856, %parallel_loop3A_1054 : vector<16xi32>
        %parallel_loop3A_1056 = tpu.vector_load_idx %arg8[%broadcast_in_dim3A_826, %broadcast_in_dim3A_826, %parallel_loop3A_1055] : memref<16x50x32xf32, #tpu.memory_space<vmem>>[vector<16xi32>, vector<16xi32>, vector<16xi32>], vector<16xf32>,
        %parallel_loop3A_1057 = arith.mulf %parallel_loop3A_1056, %parallel_loop3A_1056 : vector<16xf32>
        %parallel_loop3A_1058 = arith.addf %parallel_loop3A_1048, %parallel_loop3A_1057 : vector<16xf32>
        %parallel_loop3A_1059 = arith.constant 20 : i32
        %parallel_loop3A_1060 = vector.broadcast %parallel_loop3A_1059 : i32 to vector<16xi32>
        %parallel_loop3A_1061 = arith.addi %parallel_loop3A_1060, %iota3A : vector<16xi32>
        %parallel_loop3A_1062 = arith.constant 31 : i32
        %parallel_loop3A_1063 = vector.broadcast %parallel_loop3A_1062 : i32 to vector<16xi32>
        %parallel_loop3A_1064 = arith.andi %parallel_loop3A_1061, %parallel_loop3A_1063 : vector<16xi32>
        %parallel_loop3A_1065 = arith.addi %parallel_loop3A_856, %parallel_loop3A_1064 : vector<16xi32>
        %parallel_loop3A_1066 = tpu.vector_load_idx %arg8[%broadcast_in_dim3A_826, %broadcast_in_dim3A_826, %parallel_loop3A_1065] : memref<16x50x32xf32, #tpu.memory_space<vmem>>[vector<16xi32>, vector<16xi32>, vector<16xi32>], vector<16xf32>,
        %parallel_loop3A_1067 = arith.mulf %parallel_loop3A_1066, %parallel_loop3A_1066 : vector<16xf32>
        %parallel_loop3A_1068 = arith.addf %parallel_loop3A_1058, %parallel_loop3A_1067 : vector<16xf32>
        %parallel_loop3A_1069 = arith.constant 21 : i32
        %parallel_loop3A_1070 = vector.broadcast %parallel_loop3A_1069 : i32 to vector<16xi32>
        %parallel_loop3A_1071 = arith.addi %parallel_loop3A_1070, %iota3A : vector<16xi32>
        %parallel_loop3A_1072 = arith.constant 31 : i32
        %parallel_loop3A_1073 = vector.broadcast %parallel_loop3A_1072 : i32 to vector<16xi32>
        %parallel_loop3A_1074 = arith.andi %parallel_loop3A_1071, %parallel_loop3A_1073 : vector<16xi32>
        %parallel_loop3A_1075 = arith.addi %parallel_loop3A_856, %parallel_loop3A_1074 : vector<16xi32>
        %parallel_loop3A_1076 = tpu.vector_load_idx %arg8[%broadcast_in_dim3A_826, %broadcast_in_dim3A_826, %parallel_loop3A_1075] : memref<16x50x32xf32, #tpu.memory_space<vmem>>[vector<16xi32>, vector<16xi32>, vector<16xi32>], vector<16xf32>,
        %parallel_loop3A_1077 = arith.mulf %parallel_loop3A_1076, %parallel_loop3A_1076 : vector<16xf32>
        %parallel_loop3A_1078 = arith.addf %parallel_loop3A_1068, %parallel_loop3A_1077 : vector<16xf32>
        %parallel_loop3A_1079 = arith.constant 22 : i32
        %parallel_loop3A_1080 = vector.broadcast %parallel_loop3A_1079 : i32 to vector<16xi32>
        %parallel_loop3A_1081 = arith.addi %parallel_loop3A_1080, %iota3A : vector<16xi32>
        %parallel_loop3A_1082 = arith.constant 31 : i32
        %parallel_loop3A_1083 = vector.broadcast %parallel_loop3A_1082 : i32 to vector<16xi32>
        %parallel_loop3A_1084 = arith.andi %parallel_loop3A_1081, %parallel_loop3A_1083 : vector<16xi32>
        %parallel_loop3A_1085 = arith.addi %parallel_loop3A_856, %parallel_loop3A_1084 : vector<16xi32>
        %parallel_loop3A_1086 = tpu.vector_load_idx %arg8[%broadcast_in_dim3A_826, %broadcast_in_dim3A_826, %parallel_loop3A_1085] : memref<16x50x32xf32, #tpu.memory_space<vmem>>[vector<16xi32>, vector<16xi32>, vector<16xi32>], vector<16xf32>,
        %parallel_loop3A_1087 = arith.mulf %parallel_loop3A_1086, %parallel_loop3A_1086 : vector<16xf32>
        %parallel_loop3A_1088 = arith.addf %parallel_loop3A_1078, %parallel_loop3A_1087 : vector<16xf32>
        %parallel_loop3A_1089 = arith.constant 23 : i32
        %parallel_loop3A_1090 = vector.broadcast %parallel_loop3A_1089 : i32 to vector<16xi32>
        %parallel_loop3A_1091 = arith.addi %parallel_loop3A_1090, %iota3A : vector<16xi32>
        %parallel_loop3A_1092 = arith.constant 31 : i32
        %parallel_loop3A_1093 = vector.broadcast %parallel_loop3A_1092 : i32 to vector<16xi32>
        %parallel_loop3A_1094 = arith.andi %parallel_loop3A_1091, %parallel_loop3A_1093 : vector<16xi32>
        %parallel_loop3A_1095 = arith.addi %parallel_loop3A_856, %parallel_loop3A_1094 : vector<16xi32>
        %parallel_loop3A_1096 = tpu.vector_load_idx %arg8[%broadcast_in_dim3A_826, %broadcast_in_dim3A_826, %parallel_loop3A_1095] : memref<16x50x32xf32, #tpu.memory_space<vmem>>[vector<16xi32>, vector<16xi32>, vector<16xi32>], vector<16xf32>,
        %parallel_loop3A_1097 = arith.mulf %parallel_loop3A_1096, %parallel_loop3A_1096 : vector<16xf32>
        %parallel_loop3A_1098 = arith.addf %parallel_loop3A_1088, %parallel_loop3A_1097 : vector<16xf32>
        %parallel_loop3A_1099 = arith.constant 24 : i32
        %parallel_loop3A_1100 = vector.broadcast %parallel_loop3A_1099 : i32 to vector<16xi32>
        %parallel_loop3A_1101 = arith.addi %parallel_loop3A_1100, %iota3A : vector<16xi32>
        %parallel_loop3A_1102 = arith.constant 31 : i32
        %parallel_loop3A_1103 = vector.broadcast %parallel_loop3A_1102 : i32 to vector<16xi32>
        %parallel_loop3A_1104 = arith.andi %parallel_loop3A_1101, %parallel_loop3A_1103 : vector<16xi32>
        %parallel_loop3A_1105 = arith.addi %parallel_loop3A_856, %parallel_loop3A_1104 : vector<16xi32>
        %parallel_loop3A_1106 = tpu.vector_load_idx %arg8[%broadcast_in_dim3A_826, %broadcast_in_dim3A_826, %parallel_loop3A_1105] : memref<16x50x32xf32, #tpu.memory_space<vmem>>[vector<16xi32>, vector<16xi32>, vector<16xi32>], vector<16xf32>,
        %parallel_loop3A_1107 = arith.mulf %parallel_loop3A_1106, %parallel_loop3A_1106 : vector<16xf32>
        %parallel_loop3A_1108 = arith.addf %parallel_loop3A_1098, %parallel_loop3A_1107 : vector<16xf32>
        %parallel_loop3A_1109 = arith.constant 25 : i32
        %parallel_loop3A_1110 = vector.broadcast %parallel_loop3A_1109 : i32 to vector<16xi32>
        %parallel_loop3A_1111 = arith.addi %parallel_loop3A_1110, %iota3A : vector<16xi32>
        %parallel_loop3A_1112 = arith.constant 31 : i32
        %parallel_loop3A_1113 = vector.broadcast %parallel_loop3A_1112 : i32 to vector<16xi32>
        %parallel_loop3A_1114 = arith.andi %parallel_loop3A_1111, %parallel_loop3A_1113 : vector<16xi32>
        %parallel_loop3A_1115 = arith.addi %parallel_loop3A_856, %parallel_loop3A_1114 : vector<16xi32>
        %parallel_loop3A_1116 = tpu.vector_load_idx %arg8[%broadcast_in_dim3A_826, %broadcast_in_dim3A_826, %parallel_loop3A_1115] : memref<16x50x32xf32, #tpu.memory_space<vmem>>[vector<16xi32>, vector<16xi32>, vector<16xi32>], vector<16xf32>,
        %parallel_loop3A_1117 = arith.mulf %parallel_loop3A_1116, %parallel_loop3A_1116 : vector<16xf32>
        %parallel_loop3A_1118 = arith.addf %parallel_loop3A_1108, %parallel_loop3A_1117 : vector<16xf32>
        %parallel_loop3A_1119 = arith.constant 26 : i32
        %parallel_loop3A_1120 = vector.broadcast %parallel_loop3A_1119 : i32 to vector<16xi32>
        %parallel_loop3A_1121 = arith.addi %parallel_loop3A_1120, %iota3A : vector<16xi32>
        %parallel_loop3A_1122 = arith.constant 31 : i32
        %parallel_loop3A_1123 = vector.broadcast %parallel_loop3A_1122 : i32 to vector<16xi32>
        %parallel_loop3A_1124 = arith.andi %parallel_loop3A_1121, %parallel_loop3A_1123 : vector<16xi32>
        %parallel_loop3A_1125 = arith.addi %parallel_loop3A_856, %parallel_loop3A_1124 : vector<16xi32>
        %parallel_loop3A_1126 = tpu.vector_load_idx %arg8[%broadcast_in_dim3A_826, %broadcast_in_dim3A_826, %parallel_loop3A_1125] : memref<16x50x32xf32, #tpu.memory_space<vmem>>[vector<16xi32>, vector<16xi32>, vector<16xi32>], vector<16xf32>,
        %parallel_loop3A_1127 = arith.mulf %parallel_loop3A_1126, %parallel_loop3A_1126 : vector<16xf32>
        %parallel_loop3A_1128 = arith.addf %parallel_loop3A_1118, %parallel_loop3A_1127 : vector<16xf32>
        %parallel_loop3A_1129 = arith.constant 27 : i32
        %parallel_loop3A_1130 = vector.broadcast %parallel_loop3A_1129 : i32 to vector<16xi32>
        %parallel_loop3A_1131 = arith.addi %parallel_loop3A_1130, %iota3A : vector<16xi32>
        %parallel_loop3A_1132 = arith.constant 31 : i32
        %parallel_loop3A_1133 = vector.broadcast %parallel_loop3A_1132 : i32 to vector<16xi32>
        %parallel_loop3A_1134 = arith.andi %parallel_loop3A_1131, %parallel_loop3A_1133 : vector<16xi32>
        %parallel_loop3A_1135 = arith.addi %parallel_loop3A_856, %parallel_loop3A_1134 : vector<16xi32>
        %parallel_loop3A_1136 = tpu.vector_load_idx %arg8[%broadcast_in_dim3A_826, %broadcast_in_dim3A_826, %parallel_loop3A_1135] : memref<16x50x32xf32, #tpu.memory_space<vmem>>[vector<16xi32>, vector<16xi32>, vector<16xi32>], vector<16xf32>,
        %parallel_loop3A_1137 = arith.mulf %parallel_loop3A_1136, %parallel_loop3A_1136 : vector<16xf32>
        %parallel_loop3A_1138 = arith.addf %parallel_loop3A_1128, %parallel_loop3A_1137 : vector<16xf32>
        %parallel_loop3A_1139 = arith.constant 28 : i32
        %parallel_loop3A_1140 = vector.broadcast %parallel_loop3A_1139 : i32 to vector<16xi32>
        %parallel_loop3A_1141 = arith.addi %parallel_loop3A_1140, %iota3A : vector<16xi32>
        %parallel_loop3A_1142 = arith.constant 31 : i32
        %parallel_loop3A_1143 = vector.broadcast %parallel_loop3A_1142 : i32 to vector<16xi32>
        %parallel_loop3A_1144 = arith.andi %parallel_loop3A_1141, %parallel_loop3A_1143 : vector<16xi32>
        %parallel_loop3A_1145 = arith.addi %parallel_loop3A_856, %parallel_loop3A_1144 : vector<16xi32>
        %parallel_loop3A_1146 = tpu.vector_load_idx %arg8[%broadcast_in_dim3A_826, %broadcast_in_dim3A_826, %parallel_loop3A_1145] : memref<16x50x32xf32, #tpu.memory_space<vmem>>[vector<16xi32>, vector<16xi32>, vector<16xi32>], vector<16xf32>,
        %parallel_loop3A_1147 = arith.mulf %parallel_loop3A_1146, %parallel_loop3A_1146 : vector<16xf32>
        %parallel_loop3A_1148 = arith.addf %parallel_loop3A_1138, %parallel_loop3A_1147 : vector<16xf32>
        %parallel_loop3A_1149 = arith.constant 29 : i32
        %parallel_loop3A_1150 = vector.broadcast %parallel_loop3A_1149 : i32 to vector<16xi32>
        %parallel_loop3A_1151 = arith.addi %parallel_loop3A_1150, %iota3A : vector<16xi32>
        %parallel_loop3A_1152 = arith.constant 31 : i32
        %parallel_loop3A_1153 = vector.broadcast %parallel_loop3A_1152 : i32 to vector<16xi32>
        %parallel_loop3A_1154 = arith.andi %parallel_loop3A_1151, %parallel_loop3A_1153 : vector<16xi32>
        %parallel_loop3A_1155 = arith.addi %parallel_loop3A_856, %parallel_loop3A_1154 : vector<16xi32>
        %parallel_loop3A_1156 = tpu.vector_load_idx %arg8[%broadcast_in_dim3A_826, %broadcast_in_dim3A_826, %parallel_loop3A_1155] : memref<16x50x32xf32, #tpu.memory_space<vmem>>[vector<16xi32>, vector<16xi32>, vector<16xi32>], vector<16xf32>,
        %parallel_loop3A_1157 = arith.mulf %parallel_loop3A_1156, %parallel_loop3A_1156 : vector<16xf32>
        %parallel_loop3A_1158 = arith.addf %parallel_loop3A_1148, %parallel_loop3A_1157 : vector<16xf32>
        %parallel_loop3A_1159 = arith.constant 30 : i32
        %parallel_loop3A_1160 = vector.broadcast %parallel_loop3A_1159 : i32 to vector<16xi32>
        %parallel_loop3A_1161 = arith.addi %parallel_loop3A_1160, %iota3A : vector<16xi32>
        %parallel_loop3A_1162 = arith.constant 31 : i32
        %parallel_loop3A_1163 = vector.broadcast %parallel_loop3A_1162 : i32 to vector<16xi32>
        %parallel_loop3A_1164 = arith.andi %parallel_loop3A_1161, %parallel_loop3A_1163 : vector<16xi32>
        %parallel_loop3A_1165 = arith.addi %parallel_loop3A_856, %parallel_loop3A_1164 : vector<16xi32>
        %parallel_loop3A_1166 = tpu.vector_load_idx %arg8[%broadcast_in_dim3A_826, %broadcast_in_dim3A_826, %parallel_loop3A_1165] : memref<16x50x32xf32, #tpu.memory_space<vmem>>[vector<16xi32>, vector<16xi32>, vector<16xi32>], vector<16xf32>,
        %parallel_loop3A_1167 = arith.mulf %parallel_loop3A_1166, %parallel_loop3A_1166 : vector<16xf32>
        %parallel_loop3A_1168 = arith.addf %parallel_loop3A_1158, %parallel_loop3A_1167 : vector<16xf32>
        %parallel_loop3A_1169 = arith.constant 31 : i32
        %parallel_loop3A_1170 = vector.broadcast %parallel_loop3A_1169 : i32 to vector<16xi32>
        %parallel_loop3A_1171 = arith.addi %parallel_loop3A_1170, %iota3A : vector<16xi32>
        %parallel_loop3A_1172 = arith.constant 31 : i32
        %parallel_loop3A_1173 = vector.broadcast %parallel_loop3A_1172 : i32 to vector<16xi32>
        %parallel_loop3A_1174 = arith.andi %parallel_loop3A_1171, %parallel_loop3A_1173 : vector<16xi32>
        %parallel_loop3A_1175 = arith.addi %parallel_loop3A_856, %parallel_loop3A_1174 : vector<16xi32>
        %parallel_loop3A_1176 = tpu.vector_load_idx %arg8[%broadcast_in_dim3A_826, %broadcast_in_dim3A_826, %parallel_loop3A_1175] : memref<16x50x32xf32, #tpu.memory_space<vmem>>[vector<16xi32>, vector<16xi32>, vector<16xi32>], vector<16xf32>,
        %parallel_loop3A_1177 = arith.mulf %parallel_loop3A_1176, %parallel_loop3A_1176 : vector<16xf32>
        %parallel_loop3A_1178 = arith.addf %parallel_loop3A_1168, %parallel_loop3A_1177 : vector<16xf32>
        %parallel_loop3A_1179 = vector.bitcast %parallel_loop3A_1178 : vector<16xf32> to vector<16xi32>
        %parallel_loop3A_1180 = arith.constant 1 : i32
        %parallel_loop3A_1181 = vector.broadcast %parallel_loop3A_1180 : i32 to vector<16xi32>
        %parallel_loop3A_1182 = arith.shrsi %parallel_loop3A_1179, %parallel_loop3A_1181 : vector<16xi32>
        %parallel_loop3A_1183 = arith.constant 1597463007 : i32
        %parallel_loop3A_1184 = vector.broadcast %parallel_loop3A_1183 : i32 to vector<16xi32>
        %parallel_loop3A_1185 = arith.subi %parallel_loop3A_1184, %parallel_loop3A_1182 : vector<16xi32>
        %parallel_loop3A_1186 = vector.bitcast %parallel_loop3A_1185 : vector<16xi32> to vector<16xf32>
        %parallel_loop3A_1187 = arith.constant 5.000000e-01 : f32
        %parallel_loop3A_1188 = vector.broadcast %parallel_loop3A_1187 : f32 to vector<16xf32>
        %parallel_loop3A_1189 = arith.mulf %parallel_loop3A_1188, %parallel_loop3A_1178 : vector<16xf32>
        %parallel_loop3A_1190 = arith.mulf %parallel_loop3A_1189, %parallel_loop3A_1186 : vector<16xf32>
        %parallel_loop3A_1191 = arith.mulf %parallel_loop3A_1190, %parallel_loop3A_1186 : vector<16xf32>
        %parallel_loop3A_1192 = arith.constant 1.500000e+00 : f32
        %parallel_loop3A_1193 = vector.broadcast %parallel_loop3A_1192 : f32 to vector<16xf32>
        %parallel_loop3A_1194 = arith.subf %parallel_loop3A_1193, %parallel_loop3A_1191 : vector<16xf32>
        %parallel_loop3A_1195 = arith.mulf %parallel_loop3A_1186, %parallel_loop3A_1194 : vector<16xf32>
        %parallel_loop3A_1196 = arith.constant 5.000000e-01 : f32
        %parallel_loop3A_1197 = vector.broadcast %parallel_loop3A_1196 : f32 to vector<16xf32>
        %parallel_loop3A_1198 = arith.mulf %parallel_loop3A_1197, %parallel_loop3A_1178 : vector<16xf32>
        %parallel_loop3A_1199 = arith.mulf %parallel_loop3A_1198, %parallel_loop3A_1195 : vector<16xf32>
        %parallel_loop3A_1200 = arith.mulf %parallel_loop3A_1199, %parallel_loop3A_1195 : vector<16xf32>
        %parallel_loop3A_1201 = arith.constant 1.500000e+00 : f32
        %parallel_loop3A_1202 = vector.broadcast %parallel_loop3A_1201 : f32 to vector<16xf32>
        %parallel_loop3A_1203 = arith.subf %parallel_loop3A_1202, %parallel_loop3A_1200 : vector<16xf32>
        %parallel_loop3A_1204 = arith.mulf %parallel_loop3A_1195, %parallel_loop3A_1203 : vector<16xf32>
        %parallel_loop3A_1205 = arith.constant 5.000000e-01 : f32
        %parallel_loop3A_1206 = vector.broadcast %parallel_loop3A_1205 : f32 to vector<16xf32>
        %parallel_loop3A_1207 = arith.mulf %parallel_loop3A_1206, %parallel_loop3A_1178 : vector<16xf32>
        %parallel_loop3A_1208 = arith.mulf %parallel_loop3A_1207, %parallel_loop3A_1204 : vector<16xf32>
        %parallel_loop3A_1209 = arith.mulf %parallel_loop3A_1208, %parallel_loop3A_1204 : vector<16xf32>
        %parallel_loop3A_1210 = arith.constant 1.500000e+00 : f32
        %parallel_loop3A_1211 = vector.broadcast %parallel_loop3A_1210 : f32 to vector<16xf32>
        %parallel_loop3A_1212 = arith.subf %parallel_loop3A_1211, %parallel_loop3A_1209 : vector<16xf32>
        %parallel_loop3A_1213 = arith.mulf %parallel_loop3A_1204, %parallel_loop3A_1212 : vector<16xf32>
        %parallel_loop3A_1214 = arith.mulf %parallel_loop3A_1178, %parallel_loop3A_1213 : vector<16xf32>
        %parallel_loop3A_1215 = arith.constant true
        %parallel_loop3A_1216 = vector.broadcast %parallel_loop3A_1215 : i1 to vector<16xi1>
        %parallel_loop3A_1217 = tpu.scan <max>, %parallel_loop3A_1214 masked %parallel_loop3A_1216 : vector<16xf32>, vector<16xi1> -> vector<16xf32>
        %parallel_loop3A_1218 = vector.extract %parallel_loop3A_1217[15] : f32 from vector<16xf32>
        %parallel_loop3A_1219 = arith.constant 7.000000e+00 : f32
        %parallel_loop3A_1220 = arith.cmpf ogt, %parallel_loop3A_1218, %parallel_loop3A_1219 : f32
        %parallel_loop3A_1221 = arith.extui %parallel_loop3A_1220 : i1 to i32
        %parallel_loop3A_1222 = arith.constant 0 : i32
        %parallel_loop3A_1223 = arith.cmpi ne, %parallel_loop3A_1221, %parallel_loop3A_1222 : i32
        scf.if %parallel_loop3A_1223 {
          %parallel_loop3A_1224 = arith.constant 1.000000e-07 : f32
          %parallel_loop3A_1225 = vector.broadcast %parallel_loop3A_1224 : f32 to vector<16xf32>
          %parallel_loop3A_1226 = arith.addf %parallel_loop3A_1214, %parallel_loop3A_1225 : vector<16xf32>
          %parallel_loop3A_1227 = arith.constant 7.000000e+00 : f32
          %parallel_loop3A_1228 = vector.broadcast %parallel_loop3A_1227 : f32 to vector<16xf32>
          %parallel_loop3A_1229 = arith.divf %parallel_loop3A_1228, %parallel_loop3A_1226 : vector<16xf32>
          %parallel_loop3A_1230 = arith.constant 1.000000e+00 : f32
          %parallel_loop3A_1231 = vector.broadcast %parallel_loop3A_1230 : f32 to vector<16xf32>
          %parallel_loop3A_1232 = arith.minimumf %parallel_loop3A_1231, %parallel_loop3A_1229 : vector<16xf32>
          %parallel_loop3A_1233 = arith.constant 0 : i32
          %parallel_loop3A_1234 = vector.broadcast %parallel_loop3A_1233 : i32 to vector<16xi32>
          %parallel_loop3A_1235 = arith.addi %parallel_loop3A_1234, %iota3A : vector<16xi32>
          %parallel_loop3A_1236 = arith.constant 31 : i32
          %parallel_loop3A_1237 = vector.broadcast %parallel_loop3A_1236 : i32 to vector<16xi32>
          %parallel_loop3A_1238 = arith.andi %parallel_loop3A_1235, %parallel_loop3A_1237 : vector<16xi32>
          %parallel_loop3A_1239 = arith.addi %parallel_loop3A_856, %parallel_loop3A_1238 : vector<16xi32>
          %parallel_loop3A_1240 = arith.mulf %parallel_loop3A_866, %parallel_loop3A_1232 : vector<16xf32>
          tpu.vector_store_idx %arg8[%broadcast_in_dim3A_826, %broadcast_in_dim3A_826, %parallel_loop3A_1239], %parallel_loop3A_1240 : memref<16x50x32xf32, #tpu.memory_space<vmem>>[vector<16xi32>, vector<16xi32>, vector<16xi32>], vector<16xf32>,
          %parallel_loop3A_1241 = arith.constant 1 : i32
          %parallel_loop3A_1242 = vector.broadcast %parallel_loop3A_1241 : i32 to vector<16xi32>
          %parallel_loop3A_1243 = arith.addi %parallel_loop3A_1242, %iota3A : vector<16xi32>
          %parallel_loop3A_1244 = arith.constant 31 : i32
          %parallel_loop3A_1245 = vector.broadcast %parallel_loop3A_1244 : i32 to vector<16xi32>
          %parallel_loop3A_1246 = arith.andi %parallel_loop3A_1243, %parallel_loop3A_1245 : vector<16xi32>
          %parallel_loop3A_1247 = arith.addi %parallel_loop3A_856, %parallel_loop3A_1246 : vector<16xi32>
          %parallel_loop3A_1248 = arith.mulf %parallel_loop3A_876, %parallel_loop3A_1232 : vector<16xf32>
          tpu.vector_store_idx %arg8[%broadcast_in_dim3A_826, %broadcast_in_dim3A_826, %parallel_loop3A_1247], %parallel_loop3A_1248 : memref<16x50x32xf32, #tpu.memory_space<vmem>>[vector<16xi32>, vector<16xi32>, vector<16xi32>], vector<16xf32>,
          %parallel_loop3A_1249 = arith.constant 2 : i32
          %parallel_loop3A_1250 = vector.broadcast %parallel_loop3A_1249 : i32 to vector<16xi32>
          %parallel_loop3A_1251 = arith.addi %parallel_loop3A_1250, %iota3A : vector<16xi32>
          %parallel_loop3A_1252 = arith.constant 31 : i32
          %parallel_loop3A_1253 = vector.broadcast %parallel_loop3A_1252 : i32 to vector<16xi32>
          %parallel_loop3A_1254 = arith.andi %parallel_loop3A_1251, %parallel_loop3A_1253 : vector<16xi32>
          %parallel_loop3A_1255 = arith.addi %parallel_loop3A_856, %parallel_loop3A_1254 : vector<16xi32>
          %parallel_loop3A_1256 = arith.mulf %parallel_loop3A_886, %parallel_loop3A_1232 : vector<16xf32>
          tpu.vector_store_idx %arg8[%broadcast_in_dim3A_826, %broadcast_in_dim3A_826, %parallel_loop3A_1255], %parallel_loop3A_1256 : memref<16x50x32xf32, #tpu.memory_space<vmem>>[vector<16xi32>, vector<16xi32>, vector<16xi32>], vector<16xf32>,
          %parallel_loop3A_1257 = arith.constant 3 : i32
          %parallel_loop3A_1258 = vector.broadcast %parallel_loop3A_1257 : i32 to vector<16xi32>
          %parallel_loop3A_1259 = arith.addi %parallel_loop3A_1258, %iota3A : vector<16xi32>
          %parallel_loop3A_1260 = arith.constant 31 : i32
          %parallel_loop3A_1261 = vector.broadcast %parallel_loop3A_1260 : i32 to vector<16xi32>
          %parallel_loop3A_1262 = arith.andi %parallel_loop3A_1259, %parallel_loop3A_1261 : vector<16xi32>
          %parallel_loop3A_1263 = arith.addi %parallel_loop3A_856, %parallel_loop3A_1262 : vector<16xi32>
          %parallel_loop3A_1264 = arith.mulf %parallel_loop3A_896, %parallel_loop3A_1232 : vector<16xf32>
          tpu.vector_store_idx %arg8[%broadcast_in_dim3A_826, %broadcast_in_dim3A_826, %parallel_loop3A_1263], %parallel_loop3A_1264 : memref<16x50x32xf32, #tpu.memory_space<vmem>>[vector<16xi32>, vector<16xi32>, vector<16xi32>], vector<16xf32>,
          %parallel_loop3A_1265 = arith.constant 4 : i32
          %parallel_loop3A_1266 = vector.broadcast %parallel_loop3A_1265 : i32 to vector<16xi32>
          %parallel_loop3A_1267 = arith.addi %parallel_loop3A_1266, %iota3A : vector<16xi32>
          %parallel_loop3A_1268 = arith.constant 31 : i32
          %parallel_loop3A_1269 = vector.broadcast %parallel_loop3A_1268 : i32 to vector<16xi32>
          %parallel_loop3A_1270 = arith.andi %parallel_loop3A_1267, %parallel_loop3A_1269 : vector<16xi32>
          %parallel_loop3A_1271 = arith.addi %parallel_loop3A_856, %parallel_loop3A_1270 : vector<16xi32>
          %parallel_loop3A_1272 = arith.mulf %parallel_loop3A_906, %parallel_loop3A_1232 : vector<16xf32>
          tpu.vector_store_idx %arg8[%broadcast_in_dim3A_826, %broadcast_in_dim3A_826, %parallel_loop3A_1271], %parallel_loop3A_1272 : memref<16x50x32xf32, #tpu.memory_space<vmem>>[vector<16xi32>, vector<16xi32>, vector<16xi32>], vector<16xf32>,
          %parallel_loop3A_1273 = arith.constant 5 : i32
          %parallel_loop3A_1274 = vector.broadcast %parallel_loop3A_1273 : i32 to vector<16xi32>
          %parallel_loop3A_1275 = arith.addi %parallel_loop3A_1274, %iota3A : vector<16xi32>
          %parallel_loop3A_1276 = arith.constant 31 : i32
          %parallel_loop3A_1277 = vector.broadcast %parallel_loop3A_1276 : i32 to vector<16xi32>
          %parallel_loop3A_1278 = arith.andi %parallel_loop3A_1275, %parallel_loop3A_1277 : vector<16xi32>
          %parallel_loop3A_1279 = arith.addi %parallel_loop3A_856, %parallel_loop3A_1278 : vector<16xi32>
          %parallel_loop3A_1280 = arith.mulf %parallel_loop3A_916, %parallel_loop3A_1232 : vector<16xf32>
          tpu.vector_store_idx %arg8[%broadcast_in_dim3A_826, %broadcast_in_dim3A_826, %parallel_loop3A_1279], %parallel_loop3A_1280 : memref<16x50x32xf32, #tpu.memory_space<vmem>>[vector<16xi32>, vector<16xi32>, vector<16xi32>], vector<16xf32>,
          %parallel_loop3A_1281 = arith.constant 6 : i32
          %parallel_loop3A_1282 = vector.broadcast %parallel_loop3A_1281 : i32 to vector<16xi32>
          %parallel_loop3A_1283 = arith.addi %parallel_loop3A_1282, %iota3A : vector<16xi32>
          %parallel_loop3A_1284 = arith.constant 31 : i32
          %parallel_loop3A_1285 = vector.broadcast %parallel_loop3A_1284 : i32 to vector<16xi32>
          %parallel_loop3A_1286 = arith.andi %parallel_loop3A_1283, %parallel_loop3A_1285 : vector<16xi32>
          %parallel_loop3A_1287 = arith.addi %parallel_loop3A_856, %parallel_loop3A_1286 : vector<16xi32>
          %parallel_loop3A_1288 = arith.mulf %parallel_loop3A_926, %parallel_loop3A_1232 : vector<16xf32>
          tpu.vector_store_idx %arg8[%broadcast_in_dim3A_826, %broadcast_in_dim3A_826, %parallel_loop3A_1287], %parallel_loop3A_1288 : memref<16x50x32xf32, #tpu.memory_space<vmem>>[vector<16xi32>, vector<16xi32>, vector<16xi32>], vector<16xf32>,
          %parallel_loop3A_1289 = arith.constant 7 : i32
          %parallel_loop3A_1290 = vector.broadcast %parallel_loop3A_1289 : i32 to vector<16xi32>
          %parallel_loop3A_1291 = arith.addi %parallel_loop3A_1290, %iota3A : vector<16xi32>
          %parallel_loop3A_1292 = arith.constant 31 : i32
          %parallel_loop3A_1293 = vector.broadcast %parallel_loop3A_1292 : i32 to vector<16xi32>
          %parallel_loop3A_1294 = arith.andi %parallel_loop3A_1291, %parallel_loop3A_1293 : vector<16xi32>
          %parallel_loop3A_1295 = arith.addi %parallel_loop3A_856, %parallel_loop3A_1294 : vector<16xi32>
          %parallel_loop3A_1296 = arith.mulf %parallel_loop3A_936, %parallel_loop3A_1232 : vector<16xf32>
          tpu.vector_store_idx %arg8[%broadcast_in_dim3A_826, %broadcast_in_dim3A_826, %parallel_loop3A_1295], %parallel_loop3A_1296 : memref<16x50x32xf32, #tpu.memory_space<vmem>>[vector<16xi32>, vector<16xi32>, vector<16xi32>], vector<16xf32>,
          %parallel_loop3A_1297 = arith.constant 8 : i32
          %parallel_loop3A_1298 = vector.broadcast %parallel_loop3A_1297 : i32 to vector<16xi32>
          %parallel_loop3A_1299 = arith.addi %parallel_loop3A_1298, %iota3A : vector<16xi32>
          %parallel_loop3A_1300 = arith.constant 31 : i32
          %parallel_loop3A_1301 = vector.broadcast %parallel_loop3A_1300 : i32 to vector<16xi32>
          %parallel_loop3A_1302 = arith.andi %parallel_loop3A_1299, %parallel_loop3A_1301 : vector<16xi32>
          %parallel_loop3A_1303 = arith.addi %parallel_loop3A_856, %parallel_loop3A_1302 : vector<16xi32>
          %parallel_loop3A_1304 = arith.mulf %parallel_loop3A_946, %parallel_loop3A_1232 : vector<16xf32>
          tpu.vector_store_idx %arg8[%broadcast_in_dim3A_826, %broadcast_in_dim3A_826, %parallel_loop3A_1303], %parallel_loop3A_1304 : memref<16x50x32xf32, #tpu.memory_space<vmem>>[vector<16xi32>, vector<16xi32>, vector<16xi32>], vector<16xf32>,
          %parallel_loop3A_1305 = arith.constant 9 : i32
          %parallel_loop3A_1306 = vector.broadcast %parallel_loop3A_1305 : i32 to vector<16xi32>
          %parallel_loop3A_1307 = arith.addi %parallel_loop3A_1306, %iota3A : vector<16xi32>
          %parallel_loop3A_1308 = arith.constant 31 : i32
          %parallel_loop3A_1309 = vector.broadcast %parallel_loop3A_1308 : i32 to vector<16xi32>
          %parallel_loop3A_1310 = arith.andi %parallel_loop3A_1307, %parallel_loop3A_1309 : vector<16xi32>
          %parallel_loop3A_1311 = arith.addi %parallel_loop3A_856, %parallel_loop3A_1310 : vector<16xi32>
          %parallel_loop3A_1312 = arith.mulf %parallel_loop3A_956, %parallel_loop3A_1232 : vector<16xf32>
          tpu.vector_store_idx %arg8[%broadcast_in_dim3A_826, %broadcast_in_dim3A_826, %parallel_loop3A_1311], %parallel_loop3A_1312 : memref<16x50x32xf32, #tpu.memory_space<vmem>>[vector<16xi32>, vector<16xi32>, vector<16xi32>], vector<16xf32>,
          %parallel_loop3A_1313 = arith.constant 10 : i32
          %parallel_loop3A_1314 = vector.broadcast %parallel_loop3A_1313 : i32 to vector<16xi32>
          %parallel_loop3A_1315 = arith.addi %parallel_loop3A_1314, %iota3A : vector<16xi32>
          %parallel_loop3A_1316 = arith.constant 31 : i32
          %parallel_loop3A_1317 = vector.broadcast %parallel_loop3A_1316 : i32 to vector<16xi32>
          %parallel_loop3A_1318 = arith.andi %parallel_loop3A_1315, %parallel_loop3A_1317 : vector<16xi32>
          %parallel_loop3A_1319 = arith.addi %parallel_loop3A_856, %parallel_loop3A_1318 : vector<16xi32>
          %parallel_loop3A_1320 = arith.mulf %parallel_loop3A_966, %parallel_loop3A_1232 : vector<16xf32>
          tpu.vector_store_idx %arg8[%broadcast_in_dim3A_826, %broadcast_in_dim3A_826, %parallel_loop3A_1319], %parallel_loop3A_1320 : memref<16x50x32xf32, #tpu.memory_space<vmem>>[vector<16xi32>, vector<16xi32>, vector<16xi32>], vector<16xf32>,
          %parallel_loop3A_1321 = arith.constant 11 : i32
          %parallel_loop3A_1322 = vector.broadcast %parallel_loop3A_1321 : i32 to vector<16xi32>
          %parallel_loop3A_1323 = arith.addi %parallel_loop3A_1322, %iota3A : vector<16xi32>
          %parallel_loop3A_1324 = arith.constant 31 : i32
          %parallel_loop3A_1325 = vector.broadcast %parallel_loop3A_1324 : i32 to vector<16xi32>
          %parallel_loop3A_1326 = arith.andi %parallel_loop3A_1323, %parallel_loop3A_1325 : vector<16xi32>
          %parallel_loop3A_1327 = arith.addi %parallel_loop3A_856, %parallel_loop3A_1326 : vector<16xi32>
          %parallel_loop3A_1328 = arith.mulf %parallel_loop3A_976, %parallel_loop3A_1232 : vector<16xf32>
          tpu.vector_store_idx %arg8[%broadcast_in_dim3A_826, %broadcast_in_dim3A_826, %parallel_loop3A_1327], %parallel_loop3A_1328 : memref<16x50x32xf32, #tpu.memory_space<vmem>>[vector<16xi32>, vector<16xi32>, vector<16xi32>], vector<16xf32>,
          %parallel_loop3A_1329 = arith.constant 12 : i32
          %parallel_loop3A_1330 = vector.broadcast %parallel_loop3A_1329 : i32 to vector<16xi32>
          %parallel_loop3A_1331 = arith.addi %parallel_loop3A_1330, %iota3A : vector<16xi32>
          %parallel_loop3A_1332 = arith.constant 31 : i32
          %parallel_loop3A_1333 = vector.broadcast %parallel_loop3A_1332 : i32 to vector<16xi32>
          %parallel_loop3A_1334 = arith.andi %parallel_loop3A_1331, %parallel_loop3A_1333 : vector<16xi32>
          %parallel_loop3A_1335 = arith.addi %parallel_loop3A_856, %parallel_loop3A_1334 : vector<16xi32>
          %parallel_loop3A_1336 = arith.mulf %parallel_loop3A_986, %parallel_loop3A_1232 : vector<16xf32>
          tpu.vector_store_idx %arg8[%broadcast_in_dim3A_826, %broadcast_in_dim3A_826, %parallel_loop3A_1335], %parallel_loop3A_1336 : memref<16x50x32xf32, #tpu.memory_space<vmem>>[vector<16xi32>, vector<16xi32>, vector<16xi32>], vector<16xf32>,
          %parallel_loop3A_1337 = arith.constant 13 : i32
          %parallel_loop3A_1338 = vector.broadcast %parallel_loop3A_1337 : i32 to vector<16xi32>
          %parallel_loop3A_1339 = arith.addi %parallel_loop3A_1338, %iota3A : vector<16xi32>
          %parallel_loop3A_1340 = arith.constant 31 : i32
          %parallel_loop3A_1341 = vector.broadcast %parallel_loop3A_1340 : i32 to vector<16xi32>
          %parallel_loop3A_1342 = arith.andi %parallel_loop3A_1339, %parallel_loop3A_1341 : vector<16xi32>
          %parallel_loop3A_1343 = arith.addi %parallel_loop3A_856, %parallel_loop3A_1342 : vector<16xi32>
          %parallel_loop3A_1344 = arith.mulf %parallel_loop3A_996, %parallel_loop3A_1232 : vector<16xf32>
          tpu.vector_store_idx %arg8[%broadcast_in_dim3A_826, %broadcast_in_dim3A_826, %parallel_loop3A_1343], %parallel_loop3A_1344 : memref<16x50x32xf32, #tpu.memory_space<vmem>>[vector<16xi32>, vector<16xi32>, vector<16xi32>], vector<16xf32>,
          %parallel_loop3A_1345 = arith.constant 14 : i32
          %parallel_loop3A_1346 = vector.broadcast %parallel_loop3A_1345 : i32 to vector<16xi32>
          %parallel_loop3A_1347 = arith.addi %parallel_loop3A_1346, %iota3A : vector<16xi32>
          %parallel_loop3A_1348 = arith.constant 31 : i32
          %parallel_loop3A_1349 = vector.broadcast %parallel_loop3A_1348 : i32 to vector<16xi32>
          %parallel_loop3A_1350 = arith.andi %parallel_loop3A_1347, %parallel_loop3A_1349 : vector<16xi32>
          %parallel_loop3A_1351 = arith.addi %parallel_loop3A_856, %parallel_loop3A_1350 : vector<16xi32>
          %parallel_loop3A_1352 = arith.mulf %parallel_loop3A_1006, %parallel_loop3A_1232 : vector<16xf32>
          tpu.vector_store_idx %arg8[%broadcast_in_dim3A_826, %broadcast_in_dim3A_826, %parallel_loop3A_1351], %parallel_loop3A_1352 : memref<16x50x32xf32, #tpu.memory_space<vmem>>[vector<16xi32>, vector<16xi32>, vector<16xi32>], vector<16xf32>,
          %parallel_loop3A_1353 = arith.constant 15 : i32
          %parallel_loop3A_1354 = vector.broadcast %parallel_loop3A_1353 : i32 to vector<16xi32>
          %parallel_loop3A_1355 = arith.addi %parallel_loop3A_1354, %iota3A : vector<16xi32>
          %parallel_loop3A_1356 = arith.constant 31 : i32
          %parallel_loop3A_1357 = vector.broadcast %parallel_loop3A_1356 : i32 to vector<16xi32>
          %parallel_loop3A_1358 = arith.andi %parallel_loop3A_1355, %parallel_loop3A_1357 : vector<16xi32>
          %parallel_loop3A_1359 = arith.addi %parallel_loop3A_856, %parallel_loop3A_1358 : vector<16xi32>
          %parallel_loop3A_1360 = arith.mulf %parallel_loop3A_1016, %parallel_loop3A_1232 : vector<16xf32>
          tpu.vector_store_idx %arg8[%broadcast_in_dim3A_826, %broadcast_in_dim3A_826, %parallel_loop3A_1359], %parallel_loop3A_1360 : memref<16x50x32xf32, #tpu.memory_space<vmem>>[vector<16xi32>, vector<16xi32>, vector<16xi32>], vector<16xf32>,
          %parallel_loop3A_1361 = arith.constant 16 : i32
          %parallel_loop3A_1362 = vector.broadcast %parallel_loop3A_1361 : i32 to vector<16xi32>
          %parallel_loop3A_1363 = arith.addi %parallel_loop3A_1362, %iota3A : vector<16xi32>
          %parallel_loop3A_1364 = arith.constant 31 : i32
          %parallel_loop3A_1365 = vector.broadcast %parallel_loop3A_1364 : i32 to vector<16xi32>
          %parallel_loop3A_1366 = arith.andi %parallel_loop3A_1363, %parallel_loop3A_1365 : vector<16xi32>
          %parallel_loop3A_1367 = arith.addi %parallel_loop3A_856, %parallel_loop3A_1366 : vector<16xi32>
          %parallel_loop3A_1368 = arith.mulf %parallel_loop3A_1026, %parallel_loop3A_1232 : vector<16xf32>
          tpu.vector_store_idx %arg8[%broadcast_in_dim3A_826, %broadcast_in_dim3A_826, %parallel_loop3A_1367], %parallel_loop3A_1368 : memref<16x50x32xf32, #tpu.memory_space<vmem>>[vector<16xi32>, vector<16xi32>, vector<16xi32>], vector<16xf32>,
          %parallel_loop3A_1369 = arith.constant 17 : i32
          %parallel_loop3A_1370 = vector.broadcast %parallel_loop3A_1369 : i32 to vector<16xi32>
          %parallel_loop3A_1371 = arith.addi %parallel_loop3A_1370, %iota3A : vector<16xi32>
          %parallel_loop3A_1372 = arith.constant 31 : i32
          %parallel_loop3A_1373 = vector.broadcast %parallel_loop3A_1372 : i32 to vector<16xi32>
          %parallel_loop3A_1374 = arith.andi %parallel_loop3A_1371, %parallel_loop3A_1373 : vector<16xi32>
          %parallel_loop3A_1375 = arith.addi %parallel_loop3A_856, %parallel_loop3A_1374 : vector<16xi32>
          %parallel_loop3A_1376 = arith.mulf %parallel_loop3A_1036, %parallel_loop3A_1232 : vector<16xf32>
          tpu.vector_store_idx %arg8[%broadcast_in_dim3A_826, %broadcast_in_dim3A_826, %parallel_loop3A_1375], %parallel_loop3A_1376 : memref<16x50x32xf32, #tpu.memory_space<vmem>>[vector<16xi32>, vector<16xi32>, vector<16xi32>], vector<16xf32>,
          %parallel_loop3A_1377 = arith.constant 18 : i32
          %parallel_loop3A_1378 = vector.broadcast %parallel_loop3A_1377 : i32 to vector<16xi32>
          %parallel_loop3A_1379 = arith.addi %parallel_loop3A_1378, %iota3A : vector<16xi32>
          %parallel_loop3A_1380 = arith.constant 31 : i32
          %parallel_loop3A_1381 = vector.broadcast %parallel_loop3A_1380 : i32 to vector<16xi32>
          %parallel_loop3A_1382 = arith.andi %parallel_loop3A_1379, %parallel_loop3A_1381 : vector<16xi32>
          %parallel_loop3A_1383 = arith.addi %parallel_loop3A_856, %parallel_loop3A_1382 : vector<16xi32>
          %parallel_loop3A_1384 = arith.mulf %parallel_loop3A_1046, %parallel_loop3A_1232 : vector<16xf32>
          tpu.vector_store_idx %arg8[%broadcast_in_dim3A_826, %broadcast_in_dim3A_826, %parallel_loop3A_1383], %parallel_loop3A_1384 : memref<16x50x32xf32, #tpu.memory_space<vmem>>[vector<16xi32>, vector<16xi32>, vector<16xi32>], vector<16xf32>,
          %parallel_loop3A_1385 = arith.constant 19 : i32
          %parallel_loop3A_1386 = vector.broadcast %parallel_loop3A_1385 : i32 to vector<16xi32>
          %parallel_loop3A_1387 = arith.addi %parallel_loop3A_1386, %iota3A : vector<16xi32>
          %parallel_loop3A_1388 = arith.constant 31 : i32
          %parallel_loop3A_1389 = vector.broadcast %parallel_loop3A_1388 : i32 to vector<16xi32>
          %parallel_loop3A_1390 = arith.andi %parallel_loop3A_1387, %parallel_loop3A_1389 : vector<16xi32>
          %parallel_loop3A_1391 = arith.addi %parallel_loop3A_856, %parallel_loop3A_1390 : vector<16xi32>
          %parallel_loop3A_1392 = arith.mulf %parallel_loop3A_1056, %parallel_loop3A_1232 : vector<16xf32>
          tpu.vector_store_idx %arg8[%broadcast_in_dim3A_826, %broadcast_in_dim3A_826, %parallel_loop3A_1391], %parallel_loop3A_1392 : memref<16x50x32xf32, #tpu.memory_space<vmem>>[vector<16xi32>, vector<16xi32>, vector<16xi32>], vector<16xf32>,
          %parallel_loop3A_1393 = arith.constant 20 : i32
          %parallel_loop3A_1394 = vector.broadcast %parallel_loop3A_1393 : i32 to vector<16xi32>
          %parallel_loop3A_1395 = arith.addi %parallel_loop3A_1394, %iota3A : vector<16xi32>
          %parallel_loop3A_1396 = arith.constant 31 : i32
          %parallel_loop3A_1397 = vector.broadcast %parallel_loop3A_1396 : i32 to vector<16xi32>
          %parallel_loop3A_1398 = arith.andi %parallel_loop3A_1395, %parallel_loop3A_1397 : vector<16xi32>
          %parallel_loop3A_1399 = arith.addi %parallel_loop3A_856, %parallel_loop3A_1398 : vector<16xi32>
          %parallel_loop3A_1400 = arith.mulf %parallel_loop3A_1066, %parallel_loop3A_1232 : vector<16xf32>
          tpu.vector_store_idx %arg8[%broadcast_in_dim3A_826, %broadcast_in_dim3A_826, %parallel_loop3A_1399], %parallel_loop3A_1400 : memref<16x50x32xf32, #tpu.memory_space<vmem>>[vector<16xi32>, vector<16xi32>, vector<16xi32>], vector<16xf32>,
          %parallel_loop3A_1401 = arith.constant 21 : i32
          %parallel_loop3A_1402 = vector.broadcast %parallel_loop3A_1401 : i32 to vector<16xi32>
          %parallel_loop3A_1403 = arith.addi %parallel_loop3A_1402, %iota3A : vector<16xi32>
          %parallel_loop3A_1404 = arith.constant 31 : i32
          %parallel_loop3A_1405 = vector.broadcast %parallel_loop3A_1404 : i32 to vector<16xi32>
          %parallel_loop3A_1406 = arith.andi %parallel_loop3A_1403, %parallel_loop3A_1405 : vector<16xi32>
          %parallel_loop3A_1407 = arith.addi %parallel_loop3A_856, %parallel_loop3A_1406 : vector<16xi32>
          %parallel_loop3A_1408 = arith.mulf %parallel_loop3A_1076, %parallel_loop3A_1232 : vector<16xf32>
          tpu.vector_store_idx %arg8[%broadcast_in_dim3A_826, %broadcast_in_dim3A_826, %parallel_loop3A_1407], %parallel_loop3A_1408 : memref<16x50x32xf32, #tpu.memory_space<vmem>>[vector<16xi32>, vector<16xi32>, vector<16xi32>], vector<16xf32>,
          %parallel_loop3A_1409 = arith.constant 22 : i32
          %parallel_loop3A_1410 = vector.broadcast %parallel_loop3A_1409 : i32 to vector<16xi32>
          %parallel_loop3A_1411 = arith.addi %parallel_loop3A_1410, %iota3A : vector<16xi32>
          %parallel_loop3A_1412 = arith.constant 31 : i32
          %parallel_loop3A_1413 = vector.broadcast %parallel_loop3A_1412 : i32 to vector<16xi32>
          %parallel_loop3A_1414 = arith.andi %parallel_loop3A_1411, %parallel_loop3A_1413 : vector<16xi32>
          %parallel_loop3A_1415 = arith.addi %parallel_loop3A_856, %parallel_loop3A_1414 : vector<16xi32>
          %parallel_loop3A_1416 = arith.mulf %parallel_loop3A_1086, %parallel_loop3A_1232 : vector<16xf32>
          tpu.vector_store_idx %arg8[%broadcast_in_dim3A_826, %broadcast_in_dim3A_826, %parallel_loop3A_1415], %parallel_loop3A_1416 : memref<16x50x32xf32, #tpu.memory_space<vmem>>[vector<16xi32>, vector<16xi32>, vector<16xi32>], vector<16xf32>,
          %parallel_loop3A_1417 = arith.constant 23 : i32
          %parallel_loop3A_1418 = vector.broadcast %parallel_loop3A_1417 : i32 to vector<16xi32>
          %parallel_loop3A_1419 = arith.addi %parallel_loop3A_1418, %iota3A : vector<16xi32>
          %parallel_loop3A_1420 = arith.constant 31 : i32
          %parallel_loop3A_1421 = vector.broadcast %parallel_loop3A_1420 : i32 to vector<16xi32>
          %parallel_loop3A_1422 = arith.andi %parallel_loop3A_1419, %parallel_loop3A_1421 : vector<16xi32>
          %parallel_loop3A_1423 = arith.addi %parallel_loop3A_856, %parallel_loop3A_1422 : vector<16xi32>
          %parallel_loop3A_1424 = arith.mulf %parallel_loop3A_1096, %parallel_loop3A_1232 : vector<16xf32>
          tpu.vector_store_idx %arg8[%broadcast_in_dim3A_826, %broadcast_in_dim3A_826, %parallel_loop3A_1423], %parallel_loop3A_1424 : memref<16x50x32xf32, #tpu.memory_space<vmem>>[vector<16xi32>, vector<16xi32>, vector<16xi32>], vector<16xf32>,
          %parallel_loop3A_1425 = arith.constant 24 : i32
          %parallel_loop3A_1426 = vector.broadcast %parallel_loop3A_1425 : i32 to vector<16xi32>
          %parallel_loop3A_1427 = arith.addi %parallel_loop3A_1426, %iota3A : vector<16xi32>
          %parallel_loop3A_1428 = arith.constant 31 : i32
          %parallel_loop3A_1429 = vector.broadcast %parallel_loop3A_1428 : i32 to vector<16xi32>
          %parallel_loop3A_1430 = arith.andi %parallel_loop3A_1427, %parallel_loop3A_1429 : vector<16xi32>
          %parallel_loop3A_1431 = arith.addi %parallel_loop3A_856, %parallel_loop3A_1430 : vector<16xi32>
          %parallel_loop3A_1432 = arith.mulf %parallel_loop3A_1106, %parallel_loop3A_1232 : vector<16xf32>
          tpu.vector_store_idx %arg8[%broadcast_in_dim3A_826, %broadcast_in_dim3A_826, %parallel_loop3A_1431], %parallel_loop3A_1432 : memref<16x50x32xf32, #tpu.memory_space<vmem>>[vector<16xi32>, vector<16xi32>, vector<16xi32>], vector<16xf32>,
          %parallel_loop3A_1433 = arith.constant 25 : i32
          %parallel_loop3A_1434 = vector.broadcast %parallel_loop3A_1433 : i32 to vector<16xi32>
          %parallel_loop3A_1435 = arith.addi %parallel_loop3A_1434, %iota3A : vector<16xi32>
          %parallel_loop3A_1436 = arith.constant 31 : i32
          %parallel_loop3A_1437 = vector.broadcast %parallel_loop3A_1436 : i32 to vector<16xi32>
          %parallel_loop3A_1438 = arith.andi %parallel_loop3A_1435, %parallel_loop3A_1437 : vector<16xi32>
          %parallel_loop3A_1439 = arith.addi %parallel_loop3A_856, %parallel_loop3A_1438 : vector<16xi32>
          %parallel_loop3A_1440 = arith.mulf %parallel_loop3A_1116, %parallel_loop3A_1232 : vector<16xf32>
          tpu.vector_store_idx %arg8[%broadcast_in_dim3A_826, %broadcast_in_dim3A_826, %parallel_loop3A_1439], %parallel_loop3A_1440 : memref<16x50x32xf32, #tpu.memory_space<vmem>>[vector<16xi32>, vector<16xi32>, vector<16xi32>], vector<16xf32>,
          %parallel_loop3A_1441 = arith.constant 26 : i32
          %parallel_loop3A_1442 = vector.broadcast %parallel_loop3A_1441 : i32 to vector<16xi32>
          %parallel_loop3A_1443 = arith.addi %parallel_loop3A_1442, %iota3A : vector<16xi32>
          %parallel_loop3A_1444 = arith.constant 31 : i32
          %parallel_loop3A_1445 = vector.broadcast %parallel_loop3A_1444 : i32 to vector<16xi32>
          %parallel_loop3A_1446 = arith.andi %parallel_loop3A_1443, %parallel_loop3A_1445 : vector<16xi32>
          %parallel_loop3A_1447 = arith.addi %parallel_loop3A_856, %parallel_loop3A_1446 : vector<16xi32>
          %parallel_loop3A_1448 = arith.mulf %parallel_loop3A_1126, %parallel_loop3A_1232 : vector<16xf32>
          tpu.vector_store_idx %arg8[%broadcast_in_dim3A_826, %broadcast_in_dim3A_826, %parallel_loop3A_1447], %parallel_loop3A_1448 : memref<16x50x32xf32, #tpu.memory_space<vmem>>[vector<16xi32>, vector<16xi32>, vector<16xi32>], vector<16xf32>,
          %parallel_loop3A_1449 = arith.constant 27 : i32
          %parallel_loop3A_1450 = vector.broadcast %parallel_loop3A_1449 : i32 to vector<16xi32>
          %parallel_loop3A_1451 = arith.addi %parallel_loop3A_1450, %iota3A : vector<16xi32>
          %parallel_loop3A_1452 = arith.constant 31 : i32
          %parallel_loop3A_1453 = vector.broadcast %parallel_loop3A_1452 : i32 to vector<16xi32>
          %parallel_loop3A_1454 = arith.andi %parallel_loop3A_1451, %parallel_loop3A_1453 : vector<16xi32>
          %parallel_loop3A_1455 = arith.addi %parallel_loop3A_856, %parallel_loop3A_1454 : vector<16xi32>
          %parallel_loop3A_1456 = arith.mulf %parallel_loop3A_1136, %parallel_loop3A_1232 : vector<16xf32>
          tpu.vector_store_idx %arg8[%broadcast_in_dim3A_826, %broadcast_in_dim3A_826, %parallel_loop3A_1455], %parallel_loop3A_1456 : memref<16x50x32xf32, #tpu.memory_space<vmem>>[vector<16xi32>, vector<16xi32>, vector<16xi32>], vector<16xf32>,
          %parallel_loop3A_1457 = arith.constant 28 : i32
          %parallel_loop3A_1458 = vector.broadcast %parallel_loop3A_1457 : i32 to vector<16xi32>
          %parallel_loop3A_1459 = arith.addi %parallel_loop3A_1458, %iota3A : vector<16xi32>
          %parallel_loop3A_1460 = arith.constant 31 : i32
          %parallel_loop3A_1461 = vector.broadcast %parallel_loop3A_1460 : i32 to vector<16xi32>
          %parallel_loop3A_1462 = arith.andi %parallel_loop3A_1459, %parallel_loop3A_1461 : vector<16xi32>
          %parallel_loop3A_1463 = arith.addi %parallel_loop3A_856, %parallel_loop3A_1462 : vector<16xi32>
          %parallel_loop3A_1464 = arith.mulf %parallel_loop3A_1146, %parallel_loop3A_1232 : vector<16xf32>
          tpu.vector_store_idx %arg8[%broadcast_in_dim3A_826, %broadcast_in_dim3A_826, %parallel_loop3A_1463], %parallel_loop3A_1464 : memref<16x50x32xf32, #tpu.memory_space<vmem>>[vector<16xi32>, vector<16xi32>, vector<16xi32>], vector<16xf32>,
          %parallel_loop3A_1465 = arith.constant 29 : i32
          %parallel_loop3A_1466 = vector.broadcast %parallel_loop3A_1465 : i32 to vector<16xi32>
          %parallel_loop3A_1467 = arith.addi %parallel_loop3A_1466, %iota3A : vector<16xi32>
          %parallel_loop3A_1468 = arith.constant 31 : i32
          %parallel_loop3A_1469 = vector.broadcast %parallel_loop3A_1468 : i32 to vector<16xi32>
          %parallel_loop3A_1470 = arith.andi %parallel_loop3A_1467, %parallel_loop3A_1469 : vector<16xi32>
          %parallel_loop3A_1471 = arith.addi %parallel_loop3A_856, %parallel_loop3A_1470 : vector<16xi32>
          %parallel_loop3A_1472 = arith.mulf %parallel_loop3A_1156, %parallel_loop3A_1232 : vector<16xf32>
          tpu.vector_store_idx %arg8[%broadcast_in_dim3A_826, %broadcast_in_dim3A_826, %parallel_loop3A_1471], %parallel_loop3A_1472 : memref<16x50x32xf32, #tpu.memory_space<vmem>>[vector<16xi32>, vector<16xi32>, vector<16xi32>], vector<16xf32>,
          %parallel_loop3A_1473 = arith.constant 30 : i32
          %parallel_loop3A_1474 = vector.broadcast %parallel_loop3A_1473 : i32 to vector<16xi32>
          %parallel_loop3A_1475 = arith.addi %parallel_loop3A_1474, %iota3A : vector<16xi32>
          %parallel_loop3A_1476 = arith.constant 31 : i32
          %parallel_loop3A_1477 = vector.broadcast %parallel_loop3A_1476 : i32 to vector<16xi32>
          %parallel_loop3A_1478 = arith.andi %parallel_loop3A_1475, %parallel_loop3A_1477 : vector<16xi32>
          %parallel_loop3A_1479 = arith.addi %parallel_loop3A_856, %parallel_loop3A_1478 : vector<16xi32>
          %parallel_loop3A_1480 = arith.mulf %parallel_loop3A_1166, %parallel_loop3A_1232 : vector<16xf32>
          tpu.vector_store_idx %arg8[%broadcast_in_dim3A_826, %broadcast_in_dim3A_826, %parallel_loop3A_1479], %parallel_loop3A_1480 : memref<16x50x32xf32, #tpu.memory_space<vmem>>[vector<16xi32>, vector<16xi32>, vector<16xi32>], vector<16xf32>,
          %parallel_loop3A_1481 = arith.constant 31 : i32
          %parallel_loop3A_1482 = vector.broadcast %parallel_loop3A_1481 : i32 to vector<16xi32>
          %parallel_loop3A_1483 = arith.addi %parallel_loop3A_1482, %iota3A : vector<16xi32>
          %parallel_loop3A_1484 = arith.constant 31 : i32
          %parallel_loop3A_1485 = vector.broadcast %parallel_loop3A_1484 : i32 to vector<16xi32>
          %parallel_loop3A_1486 = arith.andi %parallel_loop3A_1483, %parallel_loop3A_1485 : vector<16xi32>
          %parallel_loop3A_1487 = arith.addi %parallel_loop3A_856, %parallel_loop3A_1486 : vector<16xi32>
          %parallel_loop3A_1488 = arith.mulf %parallel_loop3A_1176, %parallel_loop3A_1232 : vector<16xf32>
          tpu.vector_store_idx %arg8[%broadcast_in_dim3A_826, %broadcast_in_dim3A_826, %parallel_loop3A_1487], %parallel_loop3A_1488 : memref<16x50x32xf32, #tpu.memory_space<vmem>>[vector<16xi32>, vector<16xi32>, vector<16xi32>], vector<16xf32>,
        } else {
        }
        scf.yield %parallel_loop3A_849 : i32
      } {sc.loop_unroll_factor = 1 : i64, sc.parallel_access}
      %mul3A_832 = arith.constant 16 : i32
      %mul3A_833 = arith.muli %add3A_632, %mul3A_832 : i32
      %add3A_834 = arith.addi %mul3A_2, %mul3A_833 : i32
      %multiple_of3A_835 = tpu.assume_multiple %add3A_834, 8 : i32
      %dma_start3A_836 = arith.constant 0 : i32
      %dma_start3A_837 = arith.constant 0 : i32
      %dma_start3A_838 = tpu.memref_slice %arg4[%multiple_of3A_835, %dma_start3A_836, %dma_start3A_837] : memref<16384x50x32xf32, #tpu.memory_space<hbm>> -> memref<16x50x32xf32, #tpu.memory_space<hbm>>
      %dma_start3A_839 = arith.constant 0 : i32
      %dma_start3A_840 = arith.constant 0 : i32
      %dma_start3A_841 = tpu.memref_slice %arg4[%multiple_of3A_835, %dma_start3A_839, %dma_start3A_840] : memref<16384x50x32xf32, #tpu.memory_space<hbm>> -> memref<16x50x32xf32, #tpu.memory_space<hbm>>
      tpu.enqueue_dma source(%arg8 : memref<16x50x32xf32, #tpu.memory_space<vmem>>) target(%dma_start3A_841 : memref<16x50x32xf32, #tpu.memory_space<hbm>>) target_semaphore(%arg12 : memref<!tpu.dma_semaphore, #tpu.memory_space<semaphore_mem>>)
      %lt3A_842 = arith.constant 15 : i32
      %lt3A_843 = arith.cmpi slt, %scan3A_414, %lt3A_842 : i32
      %convert_element_type3A_844 = arith.extui %lt3A_843 : i1 to i32
      %cond3A_845 = arith.constant 0 : i32
      %cond3A_846 = arith.cmpi ne, %convert_element_type3A_844, %cond3A_845 : i32
      scf.if %cond3A_846 {
        %add3A_848 = arith.constant 2 : i32
        %add3A_849 = arith.addi %add3A_632, %add3A_848 : i32
        %mul3A_850 = arith.constant 16 : i32
        %mul3A_851 = arith.muli %add3A_849, %mul3A_850 : i32
        %add3A_852 = arith.addi %mul3A_2, %mul3A_851 : i32
        %multiple_of3A_853 = tpu.assume_multiple %add3A_852, 8 : i32
        "tpu.region"() ({
          %run_scoped3A = tpu.sem_alloc : memref<!tpu.dma_semaphore, #tpu.memory_space<semaphore_mem>>
          %dma_start3A_1056 = arith.constant 0 : i32
          %dma_start3A_1057 = tpu.memref_slice %arg3[%multiple_of3A_853, %dma_start3A_1056] : memref<16384x50xi32, #tpu.memory_space<hbm>> -> memref<16x50xi32, #tpu.memory_space<hbm>>
          %dma_start3A_1058 = arith.constant 0 : i32
          %dma_start3A_1059 = tpu.memref_slice %arg3[%multiple_of3A_853, %dma_start3A_1058] : memref<16384x50xi32, #tpu.memory_space<hbm>> -> memref<16x50xi32, #tpu.memory_space<hbm>>
          tpu.enqueue_dma source(%dma_start3A_1059 : memref<16x50xi32, #tpu.memory_space<hbm>>) target(%arg6 : memref<16x50xi32, #tpu.memory_space<vmem>>) target_semaphore(%run_scoped3A : memref<!tpu.dma_semaphore, #tpu.memory_space<semaphore_mem>>)
          %dma_wait3A_1060 = arith.constant 0 : i32
          %dma_wait3A_1061 = tpu.memref_slice %arg3[%multiple_of3A_853, %dma_wait3A_1060] : memref<16384x50xi32, #tpu.memory_space<hbm>> -> memref<16x50xi32, #tpu.memory_space<hbm>>
          %dma_wait3A_1062 = arith.constant 0 : i32
          %dma_wait3A_1063 = tpu.memref_slice %arg3[%multiple_of3A_853, %dma_wait3A_1062] : memref<16384x50xi32, #tpu.memory_space<hbm>> -> memref<16x50xi32, #tpu.memory_space<hbm>>
          tpu.wait_dma2 semaphore(%run_scoped3A : memref<!tpu.dma_semaphore, #tpu.memory_space<semaphore_mem>>) src(%dma_wait3A_1063 : memref<16x50xi32, #tpu.memory_space<hbm>>) dst(%arg6 : memref<16x50xi32, #tpu.memory_space<vmem>>)
          tpu.yield
        }) : () -> ()
        %mul3A_854 = arith.constant 16 : i32
        %mul3A_855 = arith.muli %add3A_632, %mul3A_854 : i32
        %add3A_856 = arith.addi %mul3A_2, %mul3A_855 : i32
        %multiple_of3A_857 = tpu.assume_multiple %add3A_856, 8 : i32
        %dma_wait3A_858 = arith.constant 0 : i32
        %dma_wait3A_859 = arith.constant 0 : i32
        %dma_wait3A_860 = tpu.memref_slice %arg4[%multiple_of3A_857, %dma_wait3A_858, %dma_wait3A_859] : memref<16384x50x32xf32, #tpu.memory_space<hbm>> -> memref<16x50x32xf32, #tpu.memory_space<hbm>>
        %dma_wait3A_861 = arith.constant 0 : i32
        %dma_wait3A_862 = arith.constant 0 : i32
        %dma_wait3A_863 = tpu.memref_slice %arg4[%multiple_of3A_857, %dma_wait3A_861, %dma_wait3A_862] : memref<16384x50x32xf32, #tpu.memory_space<hbm>> -> memref<16x50x32xf32, #tpu.memory_space<hbm>>
        tpu.wait_dma2 semaphore(%arg12 : memref<!tpu.dma_semaphore, #tpu.memory_space<semaphore_mem>>) src(%arg8 : memref<16x50x32xf32, #tpu.memory_space<vmem>>) dst(%dma_wait3A_863 : memref<16x50x32xf32, #tpu.memory_space<hbm>>)
        %dma_start3A_864 = arith.constant 0 : i32
        %dma_start3A_865 = arith.constant 0 : i32
        %dma_start3A_866 = arith.constant 0 : i32
        %dma_start3A_867 = arith.constant 0 : i32
        %dma_start3A_868 = tpu.memref_slice %arg8[%dma_start3A_865, %dma_start3A_866, %dma_start3A_867] : memref<16x50x32xf32, #tpu.memory_space<vmem>> -> memref<1x50x32xf32, #tpu.memory_space<vmem>>
        %dma_start3A_869 = tpu.memref_squeeze %dma_start3A_868 : memref<1x50x32xf32, #tpu.memory_space<vmem>> -> memref<50x32xf32, #tpu.memory_space<vmem>>
        %dma_start3A_870 = arith.constant 0 : i32
        %dma_start3A_871 = tpu.memref_slice %arg6[%dma_start3A_864, %dma_start3A_870] : memref<16x50xi32, #tpu.memory_space<vmem>> -> memref<1x50xi32, #tpu.memory_space<vmem>>
        %dma_start3A_872 = tpu.memref_squeeze %dma_start3A_871 : memref<1x50xi32, #tpu.memory_space<vmem>> -> memref<50xi32, #tpu.memory_space<vmem>>
        %dma_start3A_873 = arith.constant 0 : i32
        %dma_start3A_874 = arith.constant 0 : i32
        %dma_start3A_875 = tpu.memref_slice %arg2[%dma_start3A_873, %dma_start3A_874] : memref<1000000x32xf32, #tpu.memory_space<hbm>> -> memref<1000000x32xf32, #tpu.memory_space<hbm>>
        tpu.enqueue_indirect_dma source(%dma_start3A_875 : memref<1000000x32xf32, #tpu.memory_space<hbm>>) target(%dma_start3A_869 : memref<50x32xf32, #tpu.memory_space<vmem>>) offsets(%dma_start3A_872 : memref<50xi32, #tpu.memory_space<vmem>>) semaphore(%arg10 : memref<!tpu.dma_semaphore, #tpu.memory_space<semaphore_mem>>)
        %dma_start3A_876 = arith.constant 1 : i32
        %dma_start3A_877 = arith.constant 1 : i32
        %dma_start3A_878 = arith.constant 0 : i32
        %dma_start3A_879 = arith.constant 0 : i32
        %dma_start3A_880 = tpu.memref_slice %arg8[%dma_start3A_877, %dma_start3A_878, %dma_start3A_879] : memref<16x50x32xf32, #tpu.memory_space<vmem>> -> memref<1x50x32xf32, #tpu.memory_space<vmem>>
        %dma_start3A_881 = tpu.memref_squeeze %dma_start3A_880 : memref<1x50x32xf32, #tpu.memory_space<vmem>> -> memref<50x32xf32, #tpu.memory_space<vmem>>
        %dma_start3A_882 = arith.constant 0 : i32
        %dma_start3A_883 = tpu.memref_slice %arg6[%dma_start3A_876, %dma_start3A_882] : memref<16x50xi32, #tpu.memory_space<vmem>> -> memref<1x50xi32, #tpu.memory_space<vmem>>
        %dma_start3A_884 = tpu.memref_squeeze %dma_start3A_883 : memref<1x50xi32, #tpu.memory_space<vmem>> -> memref<50xi32, #tpu.memory_space<vmem>>
        %dma_start3A_885 = arith.constant 0 : i32
        %dma_start3A_886 = arith.constant 0 : i32
        %dma_start3A_887 = tpu.memref_slice %arg2[%dma_start3A_885, %dma_start3A_886] : memref<1000000x32xf32, #tpu.memory_space<hbm>> -> memref<1000000x32xf32, #tpu.memory_space<hbm>>
        tpu.enqueue_indirect_dma source(%dma_start3A_887 : memref<1000000x32xf32, #tpu.memory_space<hbm>>) target(%dma_start3A_881 : memref<50x32xf32, #tpu.memory_space<vmem>>) offsets(%dma_start3A_884 : memref<50xi32, #tpu.memory_space<vmem>>) semaphore(%arg10 : memref<!tpu.dma_semaphore, #tpu.memory_space<semaphore_mem>>)
        %dma_start3A_888 = arith.constant 2 : i32
        %dma_start3A_889 = arith.constant 2 : i32
        %dma_start3A_890 = arith.constant 0 : i32
        %dma_start3A_891 = arith.constant 0 : i32
        %dma_start3A_892 = tpu.memref_slice %arg8[%dma_start3A_889, %dma_start3A_890, %dma_start3A_891] : memref<16x50x32xf32, #tpu.memory_space<vmem>> -> memref<1x50x32xf32, #tpu.memory_space<vmem>>
        %dma_start3A_893 = tpu.memref_squeeze %dma_start3A_892 : memref<1x50x32xf32, #tpu.memory_space<vmem>> -> memref<50x32xf32, #tpu.memory_space<vmem>>
        %dma_start3A_894 = arith.constant 0 : i32
        %dma_start3A_895 = tpu.memref_slice %arg6[%dma_start3A_888, %dma_start3A_894] : memref<16x50xi32, #tpu.memory_space<vmem>> -> memref<1x50xi32, #tpu.memory_space<vmem>>
        %dma_start3A_896 = tpu.memref_squeeze %dma_start3A_895 : memref<1x50xi32, #tpu.memory_space<vmem>> -> memref<50xi32, #tpu.memory_space<vmem>>
        %dma_start3A_897 = arith.constant 0 : i32
        %dma_start3A_898 = arith.constant 0 : i32
        %dma_start3A_899 = tpu.memref_slice %arg2[%dma_start3A_897, %dma_start3A_898] : memref<1000000x32xf32, #tpu.memory_space<hbm>> -> memref<1000000x32xf32, #tpu.memory_space<hbm>>
        tpu.enqueue_indirect_dma source(%dma_start3A_899 : memref<1000000x32xf32, #tpu.memory_space<hbm>>) target(%dma_start3A_893 : memref<50x32xf32, #tpu.memory_space<vmem>>) offsets(%dma_start3A_896 : memref<50xi32, #tpu.memory_space<vmem>>) semaphore(%arg10 : memref<!tpu.dma_semaphore, #tpu.memory_space<semaphore_mem>>)
        %dma_start3A_900 = arith.constant 3 : i32
        %dma_start3A_901 = arith.constant 3 : i32
        %dma_start3A_902 = arith.constant 0 : i32
        %dma_start3A_903 = arith.constant 0 : i32
        %dma_start3A_904 = tpu.memref_slice %arg8[%dma_start3A_901, %dma_start3A_902, %dma_start3A_903] : memref<16x50x32xf32, #tpu.memory_space<vmem>> -> memref<1x50x32xf32, #tpu.memory_space<vmem>>
        %dma_start3A_905 = tpu.memref_squeeze %dma_start3A_904 : memref<1x50x32xf32, #tpu.memory_space<vmem>> -> memref<50x32xf32, #tpu.memory_space<vmem>>
        %dma_start3A_906 = arith.constant 0 : i32
        %dma_start3A_907 = tpu.memref_slice %arg6[%dma_start3A_900, %dma_start3A_906] : memref<16x50xi32, #tpu.memory_space<vmem>> -> memref<1x50xi32, #tpu.memory_space<vmem>>
        %dma_start3A_908 = tpu.memref_squeeze %dma_start3A_907 : memref<1x50xi32, #tpu.memory_space<vmem>> -> memref<50xi32, #tpu.memory_space<vmem>>
        %dma_start3A_909 = arith.constant 0 : i32
        %dma_start3A_910 = arith.constant 0 : i32
        %dma_start3A_911 = tpu.memref_slice %arg2[%dma_start3A_909, %dma_start3A_910] : memref<1000000x32xf32, #tpu.memory_space<hbm>> -> memref<1000000x32xf32, #tpu.memory_space<hbm>>
        tpu.enqueue_indirect_dma source(%dma_start3A_911 : memref<1000000x32xf32, #tpu.memory_space<hbm>>) target(%dma_start3A_905 : memref<50x32xf32, #tpu.memory_space<vmem>>) offsets(%dma_start3A_908 : memref<50xi32, #tpu.memory_space<vmem>>) semaphore(%arg10 : memref<!tpu.dma_semaphore, #tpu.memory_space<semaphore_mem>>)
        %dma_start3A_912 = arith.constant 4 : i32
        %dma_start3A_913 = arith.constant 4 : i32
        %dma_start3A_914 = arith.constant 0 : i32
        %dma_start3A_915 = arith.constant 0 : i32
        %dma_start3A_916 = tpu.memref_slice %arg8[%dma_start3A_913, %dma_start3A_914, %dma_start3A_915] : memref<16x50x32xf32, #tpu.memory_space<vmem>> -> memref<1x50x32xf32, #tpu.memory_space<vmem>>
        %dma_start3A_917 = tpu.memref_squeeze %dma_start3A_916 : memref<1x50x32xf32, #tpu.memory_space<vmem>> -> memref<50x32xf32, #tpu.memory_space<vmem>>
        %dma_start3A_918 = arith.constant 0 : i32
        %dma_start3A_919 = tpu.memref_slice %arg6[%dma_start3A_912, %dma_start3A_918] : memref<16x50xi32, #tpu.memory_space<vmem>> -> memref<1x50xi32, #tpu.memory_space<vmem>>
        %dma_start3A_920 = tpu.memref_squeeze %dma_start3A_919 : memref<1x50xi32, #tpu.memory_space<vmem>> -> memref<50xi32, #tpu.memory_space<vmem>>
        %dma_start3A_921 = arith.constant 0 : i32
        %dma_start3A_922 = arith.constant 0 : i32
        %dma_start3A_923 = tpu.memref_slice %arg2[%dma_start3A_921, %dma_start3A_922] : memref<1000000x32xf32, #tpu.memory_space<hbm>> -> memref<1000000x32xf32, #tpu.memory_space<hbm>>
        tpu.enqueue_indirect_dma source(%dma_start3A_923 : memref<1000000x32xf32, #tpu.memory_space<hbm>>) target(%dma_start3A_917 : memref<50x32xf32, #tpu.memory_space<vmem>>) offsets(%dma_start3A_920 : memref<50xi32, #tpu.memory_space<vmem>>) semaphore(%arg10 : memref<!tpu.dma_semaphore, #tpu.memory_space<semaphore_mem>>)
        %dma_start3A_924 = arith.constant 5 : i32
        %dma_start3A_925 = arith.constant 5 : i32
        %dma_start3A_926 = arith.constant 0 : i32
        %dma_start3A_927 = arith.constant 0 : i32
        %dma_start3A_928 = tpu.memref_slice %arg8[%dma_start3A_925, %dma_start3A_926, %dma_start3A_927] : memref<16x50x32xf32, #tpu.memory_space<vmem>> -> memref<1x50x32xf32, #tpu.memory_space<vmem>>
        %dma_start3A_929 = tpu.memref_squeeze %dma_start3A_928 : memref<1x50x32xf32, #tpu.memory_space<vmem>> -> memref<50x32xf32, #tpu.memory_space<vmem>>
        %dma_start3A_930 = arith.constant 0 : i32
        %dma_start3A_931 = tpu.memref_slice %arg6[%dma_start3A_924, %dma_start3A_930] : memref<16x50xi32, #tpu.memory_space<vmem>> -> memref<1x50xi32, #tpu.memory_space<vmem>>
        %dma_start3A_932 = tpu.memref_squeeze %dma_start3A_931 : memref<1x50xi32, #tpu.memory_space<vmem>> -> memref<50xi32, #tpu.memory_space<vmem>>
        %dma_start3A_933 = arith.constant 0 : i32
        %dma_start3A_934 = arith.constant 0 : i32
        %dma_start3A_935 = tpu.memref_slice %arg2[%dma_start3A_933, %dma_start3A_934] : memref<1000000x32xf32, #tpu.memory_space<hbm>> -> memref<1000000x32xf32, #tpu.memory_space<hbm>>
        tpu.enqueue_indirect_dma source(%dma_start3A_935 : memref<1000000x32xf32, #tpu.memory_space<hbm>>) target(%dma_start3A_929 : memref<50x32xf32, #tpu.memory_space<vmem>>) offsets(%dma_start3A_932 : memref<50xi32, #tpu.memory_space<vmem>>) semaphore(%arg10 : memref<!tpu.dma_semaphore, #tpu.memory_space<semaphore_mem>>)
        %dma_start3A_936 = arith.constant 6 : i32
        %dma_start3A_937 = arith.constant 6 : i32
        %dma_start3A_938 = arith.constant 0 : i32
        %dma_start3A_939 = arith.constant 0 : i32
        %dma_start3A_940 = tpu.memref_slice %arg8[%dma_start3A_937, %dma_start3A_938, %dma_start3A_939] : memref<16x50x32xf32, #tpu.memory_space<vmem>> -> memref<1x50x32xf32, #tpu.memory_space<vmem>>
        %dma_start3A_941 = tpu.memref_squeeze %dma_start3A_940 : memref<1x50x32xf32, #tpu.memory_space<vmem>> -> memref<50x32xf32, #tpu.memory_space<vmem>>
        %dma_start3A_942 = arith.constant 0 : i32
        %dma_start3A_943 = tpu.memref_slice %arg6[%dma_start3A_936, %dma_start3A_942] : memref<16x50xi32, #tpu.memory_space<vmem>> -> memref<1x50xi32, #tpu.memory_space<vmem>>
        %dma_start3A_944 = tpu.memref_squeeze %dma_start3A_943 : memref<1x50xi32, #tpu.memory_space<vmem>> -> memref<50xi32, #tpu.memory_space<vmem>>
        %dma_start3A_945 = arith.constant 0 : i32
        %dma_start3A_946 = arith.constant 0 : i32
        %dma_start3A_947 = tpu.memref_slice %arg2[%dma_start3A_945, %dma_start3A_946] : memref<1000000x32xf32, #tpu.memory_space<hbm>> -> memref<1000000x32xf32, #tpu.memory_space<hbm>>
        tpu.enqueue_indirect_dma source(%dma_start3A_947 : memref<1000000x32xf32, #tpu.memory_space<hbm>>) target(%dma_start3A_941 : memref<50x32xf32, #tpu.memory_space<vmem>>) offsets(%dma_start3A_944 : memref<50xi32, #tpu.memory_space<vmem>>) semaphore(%arg10 : memref<!tpu.dma_semaphore, #tpu.memory_space<semaphore_mem>>)
        %dma_start3A_948 = arith.constant 7 : i32
        %dma_start3A_949 = arith.constant 7 : i32
        %dma_start3A_950 = arith.constant 0 : i32
        %dma_start3A_951 = arith.constant 0 : i32
        %dma_start3A_952 = tpu.memref_slice %arg8[%dma_start3A_949, %dma_start3A_950, %dma_start3A_951] : memref<16x50x32xf32, #tpu.memory_space<vmem>> -> memref<1x50x32xf32, #tpu.memory_space<vmem>>
        %dma_start3A_953 = tpu.memref_squeeze %dma_start3A_952 : memref<1x50x32xf32, #tpu.memory_space<vmem>> -> memref<50x32xf32, #tpu.memory_space<vmem>>
        %dma_start3A_954 = arith.constant 0 : i32
        %dma_start3A_955 = tpu.memref_slice %arg6[%dma_start3A_948, %dma_start3A_954] : memref<16x50xi32, #tpu.memory_space<vmem>> -> memref<1x50xi32, #tpu.memory_space<vmem>>
        %dma_start3A_956 = tpu.memref_squeeze %dma_start3A_955 : memref<1x50xi32, #tpu.memory_space<vmem>> -> memref<50xi32, #tpu.memory_space<vmem>>
        %dma_start3A_957 = arith.constant 0 : i32
        %dma_start3A_958 = arith.constant 0 : i32
        %dma_start3A_959 = tpu.memref_slice %arg2[%dma_start3A_957, %dma_start3A_958] : memref<1000000x32xf32, #tpu.memory_space<hbm>> -> memref<1000000x32xf32, #tpu.memory_space<hbm>>
        tpu.enqueue_indirect_dma source(%dma_start3A_959 : memref<1000000x32xf32, #tpu.memory_space<hbm>>) target(%dma_start3A_953 : memref<50x32xf32, #tpu.memory_space<vmem>>) offsets(%dma_start3A_956 : memref<50xi32, #tpu.memory_space<vmem>>) semaphore(%arg10 : memref<!tpu.dma_semaphore, #tpu.memory_space<semaphore_mem>>)
        %dma_start3A_960 = arith.constant 8 : i32
        %dma_start3A_961 = arith.constant 8 : i32
        %dma_start3A_962 = arith.constant 0 : i32
        %dma_start3A_963 = arith.constant 0 : i32
        %dma_start3A_964 = tpu.memref_slice %arg8[%dma_start3A_961, %dma_start3A_962, %dma_start3A_963] : memref<16x50x32xf32, #tpu.memory_space<vmem>> -> memref<1x50x32xf32, #tpu.memory_space<vmem>>
        %dma_start3A_965 = tpu.memref_squeeze %dma_start3A_964 : memref<1x50x32xf32, #tpu.memory_space<vmem>> -> memref<50x32xf32, #tpu.memory_space<vmem>>
        %dma_start3A_966 = arith.constant 0 : i32
        %dma_start3A_967 = tpu.memref_slice %arg6[%dma_start3A_960, %dma_start3A_966] : memref<16x50xi32, #tpu.memory_space<vmem>> -> memref<1x50xi32, #tpu.memory_space<vmem>>
        %dma_start3A_968 = tpu.memref_squeeze %dma_start3A_967 : memref<1x50xi32, #tpu.memory_space<vmem>> -> memref<50xi32, #tpu.memory_space<vmem>>
        %dma_start3A_969 = arith.constant 0 : i32
        %dma_start3A_970 = arith.constant 0 : i32
        %dma_start3A_971 = tpu.memref_slice %arg2[%dma_start3A_969, %dma_start3A_970] : memref<1000000x32xf32, #tpu.memory_space<hbm>> -> memref<1000000x32xf32, #tpu.memory_space<hbm>>
        tpu.enqueue_indirect_dma source(%dma_start3A_971 : memref<1000000x32xf32, #tpu.memory_space<hbm>>) target(%dma_start3A_965 : memref<50x32xf32, #tpu.memory_space<vmem>>) offsets(%dma_start3A_968 : memref<50xi32, #tpu.memory_space<vmem>>) semaphore(%arg10 : memref<!tpu.dma_semaphore, #tpu.memory_space<semaphore_mem>>)
        %dma_start3A_972 = arith.constant 9 : i32
        %dma_start3A_973 = arith.constant 9 : i32
        %dma_start3A_974 = arith.constant 0 : i32
        %dma_start3A_975 = arith.constant 0 : i32
        %dma_start3A_976 = tpu.memref_slice %arg8[%dma_start3A_973, %dma_start3A_974, %dma_start3A_975] : memref<16x50x32xf32, #tpu.memory_space<vmem>> -> memref<1x50x32xf32, #tpu.memory_space<vmem>>
        %dma_start3A_977 = tpu.memref_squeeze %dma_start3A_976 : memref<1x50x32xf32, #tpu.memory_space<vmem>> -> memref<50x32xf32, #tpu.memory_space<vmem>>
        %dma_start3A_978 = arith.constant 0 : i32
        %dma_start3A_979 = tpu.memref_slice %arg6[%dma_start3A_972, %dma_start3A_978] : memref<16x50xi32, #tpu.memory_space<vmem>> -> memref<1x50xi32, #tpu.memory_space<vmem>>
        %dma_start3A_980 = tpu.memref_squeeze %dma_start3A_979 : memref<1x50xi32, #tpu.memory_space<vmem>> -> memref<50xi32, #tpu.memory_space<vmem>>
        %dma_start3A_981 = arith.constant 0 : i32
        %dma_start3A_982 = arith.constant 0 : i32
        %dma_start3A_983 = tpu.memref_slice %arg2[%dma_start3A_981, %dma_start3A_982] : memref<1000000x32xf32, #tpu.memory_space<hbm>> -> memref<1000000x32xf32, #tpu.memory_space<hbm>>
        tpu.enqueue_indirect_dma source(%dma_start3A_983 : memref<1000000x32xf32, #tpu.memory_space<hbm>>) target(%dma_start3A_977 : memref<50x32xf32, #tpu.memory_space<vmem>>) offsets(%dma_start3A_980 : memref<50xi32, #tpu.memory_space<vmem>>) semaphore(%arg10 : memref<!tpu.dma_semaphore, #tpu.memory_space<semaphore_mem>>)
        %dma_start3A_984 = arith.constant 10 : i32
        %dma_start3A_985 = arith.constant 10 : i32
        %dma_start3A_986 = arith.constant 0 : i32
        %dma_start3A_987 = arith.constant 0 : i32
        %dma_start3A_988 = tpu.memref_slice %arg8[%dma_start3A_985, %dma_start3A_986, %dma_start3A_987] : memref<16x50x32xf32, #tpu.memory_space<vmem>> -> memref<1x50x32xf32, #tpu.memory_space<vmem>>
        %dma_start3A_989 = tpu.memref_squeeze %dma_start3A_988 : memref<1x50x32xf32, #tpu.memory_space<vmem>> -> memref<50x32xf32, #tpu.memory_space<vmem>>
        %dma_start3A_990 = arith.constant 0 : i32
        %dma_start3A_991 = tpu.memref_slice %arg6[%dma_start3A_984, %dma_start3A_990] : memref<16x50xi32, #tpu.memory_space<vmem>> -> memref<1x50xi32, #tpu.memory_space<vmem>>
        %dma_start3A_992 = tpu.memref_squeeze %dma_start3A_991 : memref<1x50xi32, #tpu.memory_space<vmem>> -> memref<50xi32, #tpu.memory_space<vmem>>
        %dma_start3A_993 = arith.constant 0 : i32
        %dma_start3A_994 = arith.constant 0 : i32
        %dma_start3A_995 = tpu.memref_slice %arg2[%dma_start3A_993, %dma_start3A_994] : memref<1000000x32xf32, #tpu.memory_space<hbm>> -> memref<1000000x32xf32, #tpu.memory_space<hbm>>
        tpu.enqueue_indirect_dma source(%dma_start3A_995 : memref<1000000x32xf32, #tpu.memory_space<hbm>>) target(%dma_start3A_989 : memref<50x32xf32, #tpu.memory_space<vmem>>) offsets(%dma_start3A_992 : memref<50xi32, #tpu.memory_space<vmem>>) semaphore(%arg10 : memref<!tpu.dma_semaphore, #tpu.memory_space<semaphore_mem>>)
        %dma_start3A_996 = arith.constant 11 : i32
        %dma_start3A_997 = arith.constant 11 : i32
        %dma_start3A_998 = arith.constant 0 : i32
        %dma_start3A_999 = arith.constant 0 : i32
        %dma_start3A_1000 = tpu.memref_slice %arg8[%dma_start3A_997, %dma_start3A_998, %dma_start3A_999] : memref<16x50x32xf32, #tpu.memory_space<vmem>> -> memref<1x50x32xf32, #tpu.memory_space<vmem>>
        %dma_start3A_1001 = tpu.memref_squeeze %dma_start3A_1000 : memref<1x50x32xf32, #tpu.memory_space<vmem>> -> memref<50x32xf32, #tpu.memory_space<vmem>>
        %dma_start3A_1002 = arith.constant 0 : i32
        %dma_start3A_1003 = tpu.memref_slice %arg6[%dma_start3A_996, %dma_start3A_1002] : memref<16x50xi32, #tpu.memory_space<vmem>> -> memref<1x50xi32, #tpu.memory_space<vmem>>
        %dma_start3A_1004 = tpu.memref_squeeze %dma_start3A_1003 : memref<1x50xi32, #tpu.memory_space<vmem>> -> memref<50xi32, #tpu.memory_space<vmem>>
        %dma_start3A_1005 = arith.constant 0 : i32
        %dma_start3A_1006 = arith.constant 0 : i32
        %dma_start3A_1007 = tpu.memref_slice %arg2[%dma_start3A_1005, %dma_start3A_1006] : memref<1000000x32xf32, #tpu.memory_space<hbm>> -> memref<1000000x32xf32, #tpu.memory_space<hbm>>
        tpu.enqueue_indirect_dma source(%dma_start3A_1007 : memref<1000000x32xf32, #tpu.memory_space<hbm>>) target(%dma_start3A_1001 : memref<50x32xf32, #tpu.memory_space<vmem>>) offsets(%dma_start3A_1004 : memref<50xi32, #tpu.memory_space<vmem>>) semaphore(%arg10 : memref<!tpu.dma_semaphore, #tpu.memory_space<semaphore_mem>>)
        %dma_start3A_1008 = arith.constant 12 : i32
        %dma_start3A_1009 = arith.constant 12 : i32
        %dma_start3A_1010 = arith.constant 0 : i32
        %dma_start3A_1011 = arith.constant 0 : i32
        %dma_start3A_1012 = tpu.memref_slice %arg8[%dma_start3A_1009, %dma_start3A_1010, %dma_start3A_1011] : memref<16x50x32xf32, #tpu.memory_space<vmem>> -> memref<1x50x32xf32, #tpu.memory_space<vmem>>
        %dma_start3A_1013 = tpu.memref_squeeze %dma_start3A_1012 : memref<1x50x32xf32, #tpu.memory_space<vmem>> -> memref<50x32xf32, #tpu.memory_space<vmem>>
        %dma_start3A_1014 = arith.constant 0 : i32
        %dma_start3A_1015 = tpu.memref_slice %arg6[%dma_start3A_1008, %dma_start3A_1014] : memref<16x50xi32, #tpu.memory_space<vmem>> -> memref<1x50xi32, #tpu.memory_space<vmem>>
        %dma_start3A_1016 = tpu.memref_squeeze %dma_start3A_1015 : memref<1x50xi32, #tpu.memory_space<vmem>> -> memref<50xi32, #tpu.memory_space<vmem>>
        %dma_start3A_1017 = arith.constant 0 : i32
        %dma_start3A_1018 = arith.constant 0 : i32
        %dma_start3A_1019 = tpu.memref_slice %arg2[%dma_start3A_1017, %dma_start3A_1018] : memref<1000000x32xf32, #tpu.memory_space<hbm>> -> memref<1000000x32xf32, #tpu.memory_space<hbm>>
        tpu.enqueue_indirect_dma source(%dma_start3A_1019 : memref<1000000x32xf32, #tpu.memory_space<hbm>>) target(%dma_start3A_1013 : memref<50x32xf32, #tpu.memory_space<vmem>>) offsets(%dma_start3A_1016 : memref<50xi32, #tpu.memory_space<vmem>>) semaphore(%arg10 : memref<!tpu.dma_semaphore, #tpu.memory_space<semaphore_mem>>)
        %dma_start3A_1020 = arith.constant 13 : i32
        %dma_start3A_1021 = arith.constant 13 : i32
        %dma_start3A_1022 = arith.constant 0 : i32
        %dma_start3A_1023 = arith.constant 0 : i32
        %dma_start3A_1024 = tpu.memref_slice %arg8[%dma_start3A_1021, %dma_start3A_1022, %dma_start3A_1023] : memref<16x50x32xf32, #tpu.memory_space<vmem>> -> memref<1x50x32xf32, #tpu.memory_space<vmem>>
        %dma_start3A_1025 = tpu.memref_squeeze %dma_start3A_1024 : memref<1x50x32xf32, #tpu.memory_space<vmem>> -> memref<50x32xf32, #tpu.memory_space<vmem>>
        %dma_start3A_1026 = arith.constant 0 : i32
        %dma_start3A_1027 = tpu.memref_slice %arg6[%dma_start3A_1020, %dma_start3A_1026] : memref<16x50xi32, #tpu.memory_space<vmem>> -> memref<1x50xi32, #tpu.memory_space<vmem>>
        %dma_start3A_1028 = tpu.memref_squeeze %dma_start3A_1027 : memref<1x50xi32, #tpu.memory_space<vmem>> -> memref<50xi32, #tpu.memory_space<vmem>>
        %dma_start3A_1029 = arith.constant 0 : i32
        %dma_start3A_1030 = arith.constant 0 : i32
        %dma_start3A_1031 = tpu.memref_slice %arg2[%dma_start3A_1029, %dma_start3A_1030] : memref<1000000x32xf32, #tpu.memory_space<hbm>> -> memref<1000000x32xf32, #tpu.memory_space<hbm>>
        tpu.enqueue_indirect_dma source(%dma_start3A_1031 : memref<1000000x32xf32, #tpu.memory_space<hbm>>) target(%dma_start3A_1025 : memref<50x32xf32, #tpu.memory_space<vmem>>) offsets(%dma_start3A_1028 : memref<50xi32, #tpu.memory_space<vmem>>) semaphore(%arg10 : memref<!tpu.dma_semaphore, #tpu.memory_space<semaphore_mem>>)
        %dma_start3A_1032 = arith.constant 14 : i32
        %dma_start3A_1033 = arith.constant 14 : i32
        %dma_start3A_1034 = arith.constant 0 : i32
        %dma_start3A_1035 = arith.constant 0 : i32
        %dma_start3A_1036 = tpu.memref_slice %arg8[%dma_start3A_1033, %dma_start3A_1034, %dma_start3A_1035] : memref<16x50x32xf32, #tpu.memory_space<vmem>> -> memref<1x50x32xf32, #tpu.memory_space<vmem>>
        %dma_start3A_1037 = tpu.memref_squeeze %dma_start3A_1036 : memref<1x50x32xf32, #tpu.memory_space<vmem>> -> memref<50x32xf32, #tpu.memory_space<vmem>>
        %dma_start3A_1038 = arith.constant 0 : i32
        %dma_start3A_1039 = tpu.memref_slice %arg6[%dma_start3A_1032, %dma_start3A_1038] : memref<16x50xi32, #tpu.memory_space<vmem>> -> memref<1x50xi32, #tpu.memory_space<vmem>>
        %dma_start3A_1040 = tpu.memref_squeeze %dma_start3A_1039 : memref<1x50xi32, #tpu.memory_space<vmem>> -> memref<50xi32, #tpu.memory_space<vmem>>
        %dma_start3A_1041 = arith.constant 0 : i32
        %dma_start3A_1042 = arith.constant 0 : i32
        %dma_start3A_1043 = tpu.memref_slice %arg2[%dma_start3A_1041, %dma_start3A_1042] : memref<1000000x32xf32, #tpu.memory_space<hbm>> -> memref<1000000x32xf32, #tpu.memory_space<hbm>>
        tpu.enqueue_indirect_dma source(%dma_start3A_1043 : memref<1000000x32xf32, #tpu.memory_space<hbm>>) target(%dma_start3A_1037 : memref<50x32xf32, #tpu.memory_space<vmem>>) offsets(%dma_start3A_1040 : memref<50xi32, #tpu.memory_space<vmem>>) semaphore(%arg10 : memref<!tpu.dma_semaphore, #tpu.memory_space<semaphore_mem>>)
        %dma_start3A_1044 = arith.constant 15 : i32
        %dma_start3A_1045 = arith.constant 15 : i32
        %dma_start3A_1046 = arith.constant 0 : i32
        %dma_start3A_1047 = arith.constant 0 : i32
        %dma_start3A_1048 = tpu.memref_slice %arg8[%dma_start3A_1045, %dma_start3A_1046, %dma_start3A_1047] : memref<16x50x32xf32, #tpu.memory_space<vmem>> -> memref<1x50x32xf32, #tpu.memory_space<vmem>>
        %dma_start3A_1049 = tpu.memref_squeeze %dma_start3A_1048 : memref<1x50x32xf32, #tpu.memory_space<vmem>> -> memref<50x32xf32, #tpu.memory_space<vmem>>
        %dma_start3A_1050 = arith.constant 0 : i32
        %dma_start3A_1051 = tpu.memref_slice %arg6[%dma_start3A_1044, %dma_start3A_1050] : memref<16x50xi32, #tpu.memory_space<vmem>> -> memref<1x50xi32, #tpu.memory_space<vmem>>
        %dma_start3A_1052 = tpu.memref_squeeze %dma_start3A_1051 : memref<1x50xi32, #tpu.memory_space<vmem>> -> memref<50xi32, #tpu.memory_space<vmem>>
        %dma_start3A_1053 = arith.constant 0 : i32
        %dma_start3A_1054 = arith.constant 0 : i32
        %dma_start3A_1055 = tpu.memref_slice %arg2[%dma_start3A_1053, %dma_start3A_1054] : memref<1000000x32xf32, #tpu.memory_space<hbm>> -> memref<1000000x32xf32, #tpu.memory_space<hbm>>
        tpu.enqueue_indirect_dma source(%dma_start3A_1055 : memref<1000000x32xf32, #tpu.memory_space<hbm>>) target(%dma_start3A_1049 : memref<50x32xf32, #tpu.memory_space<vmem>>) offsets(%dma_start3A_1052 : memref<50xi32, #tpu.memory_space<vmem>>) semaphore(%arg10 : memref<!tpu.dma_semaphore, #tpu.memory_space<semaphore_mem>>)
      } else {
      }
      %scan3A_847 = arith.constant 0 : i32
      scf.yield %scan3A_847 : i32
    }
    %scan3A_396 = arith.constant 16 : i32
    %add3A_397 = arith.constant 480 : i32
    %add3A_398 = arith.addi %mul3A_2, %add3A_397 : i32
    %multiple_of3A_399 = tpu.assume_multiple %add3A_398, 8 : i32
    %dma_wait3A = arith.constant 0 : i32
    %dma_wait3A_400 = arith.constant 0 : i32
    %dma_wait3A_401 = tpu.memref_slice %arg4[%multiple_of3A_399, %dma_wait3A, %dma_wait3A_400] : memref<16384x50x32xf32, #tpu.memory_space<hbm>> -> memref<16x50x32xf32, #tpu.memory_space<hbm>>
    %dma_wait3A_402 = arith.constant 0 : i32
    %dma_wait3A_403 = arith.constant 0 : i32
    %dma_wait3A_404 = tpu.memref_slice %arg4[%multiple_of3A_399, %dma_wait3A_402, %dma_wait3A_403] : memref<16384x50x32xf32, #tpu.memory_space<hbm>> -> memref<16x50x32xf32, #tpu.memory_space<hbm>>
    tpu.wait_dma2 semaphore(%arg11 : memref<!tpu.dma_semaphore, #tpu.memory_space<semaphore_mem>>) src(%arg7 : memref<16x50x32xf32, #tpu.memory_space<vmem>>) dst(%dma_wait3A_404 : memref<16x50x32xf32, #tpu.memory_space<hbm>>)
    %add3A_405 = arith.constant 496 : i32
    %add3A_406 = arith.addi %mul3A_2, %add3A_405 : i32
    %multiple_of3A_407 = tpu.assume_multiple %add3A_406, 8 : i32
    %dma_wait3A_408 = arith.constant 0 : i32
    %dma_wait3A_409 = arith.constant 0 : i32
    %dma_wait3A_410 = tpu.memref_slice %arg4[%multiple_of3A_407, %dma_wait3A_408, %dma_wait3A_409] : memref<16384x50x32xf32, #tpu.memory_space<hbm>> -> memref<16x50x32xf32, #tpu.memory_space<hbm>>
    %dma_wait3A_411 = arith.constant 0 : i32
    %dma_wait3A_412 = arith.constant 0 : i32
    %dma_wait3A_413 = tpu.memref_slice %arg4[%multiple_of3A_407, %dma_wait3A_411, %dma_wait3A_412] : memref<16384x50x32xf32, #tpu.memory_space<hbm>> -> memref<16x50x32xf32, #tpu.memory_space<hbm>>
    tpu.wait_dma2 semaphore(%arg12 : memref<!tpu.dma_semaphore, #tpu.memory_space<semaphore_mem>>) src(%arg8 : memref<16x50x32xf32, #tpu.memory_space<vmem>>) dst(%dma_wait3A_413 : memref<16x50x32xf32, #tpu.memory_space<hbm>>)
    return
  }
}

</mosaic_0001>

<sc_bundles>
// kernel: _sc_lookup.3.cloned.1.call-start
scs
__scs_entry_jumppad:
0x0: {  	(pc) =	sbr.rel $0x88, $3  }
0x1: {  	(tag) =	ssettag $0x0;
	lr =	simm.s32 $0x1  }
0x2: {  	[smem:$0x3F9F] =	sst lr;
	_ =	strace $0xD0000000  }
0x3: {  	_ = 	snop  }
0x4: {  	_ = 	snop  }
0x5: {  	_ = 	snop  }
0x6: {  	_ = 	snop  }
0x7: {  	_ = 	snop  }
__scs_overlays_trampoline_lowered:
0x8: {  	[smem:$0x3FAE] =	sst s0  }
0x9: {  	[smem:$0x3FAF] =	sst s1  }
0xa: {  	[smem:$0x3FB0] =	sst s2  }
0xb: {  	[smem:$0x3FB1] =	sst s3  }
0xc: {  	[smem:$0x3FB2] =	sst s4  }
0xd: {  	[smem:$0x3FB3] =	sst s5  }
0xe: {  	[smem:$0x3FB4] =	sst s6  }
0xf: {  	[smem:$0x3FB5] =	sst s7  }
0x10: {  	[smem:$0x3FB6] =	sst s8  }
0x11: {  	[smem:$0x3FB7] =	sst s9;
	s0 =	simm.s32 @!p0 $0x0  }
0x12: {  	s1 =	sld [smem:$0x3F9D];
	s0 =	simm.s32 @p0 $0x1  }
0x13: {  	[smem:$0x3FB8] =	sst s0;
	s0 =	simm.s32 @!p1 $0x0  }
0x14: {  	s2 =	sld [smem:$0x3F9C];
	s0 =	simm.s32 @p1 $0x1  }
0x15: {  	[smem:$0x3FB9] =	sst s0;
	s0 =	simm.s32 @!p2 $0x0  }
0x16: {  	s3 =	sld [smem:$0x3FDB];
	s0 =	simm.s32 @p2 $0x1  }
0x17: {  	s4 =	simm.s32 $0x1BF5;
	[smem:$0x3FBB] =	sst s0  }
0x18: {  	s0 =	sld [smem:$0x3F9E];
	_ =	swait.ge [sflag:s4], $0x0  }
0x19: {  	s7 =	sld [smem:$0x3F9F]  }
0x1a: {  	s8 =	sadd.s32 $0xFFFFE003, lr  }
0x1b: {  	s9 =	sadd.s32 $0xFFFFFEF7, lr;
	s5 =	simm.s32 $0xFFFFFFFF;
	p2 =	slt.u32 s8, $0xFFFFF086  }
0x1c: {  	p1 =	slt.u32 s9, $0xF7A;
	s5 =	simm.s32 @!p2 $0x0  }
0x1d: {  	s5 =	simm.s32 @p1 $0x1;
	p0 =	seq.s32 s7, s2  }
0x1e: {  	s7 =	smul.u32 @!p0 $0xF7A, s2;
	p2 =	seq.s32 @!p0 s5, $0x0  }
0x1f: {  	s9 =	smul.u32 $0xF7A, s1;
	s8 =	simm.s32 @!p0 $0x1BF5;
	p2 =	por !p2, p0  }
0x20: {  	[sflag:s8] =	ssyncset.s32 @!p0 $0xFFFFF086;
	s6 =	sadd.s32 @!p0 s3, s7;
	s7 =	simm.s32 @!p0 $0x108  }
0x21: {  	s3 =	sadd.s32 s3, s9;
	s6 =	sadd.s32 @!p0 $0x88, s6;
	s7 =	simm.s32 @p2 $0x1082  }
0x22: {  	[simem:s7], [sflag:s8] =	dma.local @!p0 [hbm:s6], $0xF7A  }
0x23: {  	s9 =	sor.u32 $0xD0000000, s2;
	s6 =	simm.s32 $0x108;
	_ =	swait.ge @!p0 [sflag:s8], $0x0  }
0x24: {  	s3 =	sadd.s32 $0x88, s3;
	s6 =	simm.s32 @!p1 $0x1082;
	[sflag:s4] =	ssyncset.s32 $0xFFFFF086  }
0x25: {  	[simem:s6], [sflag:s4] =	dma.local [hbm:s3], $0xF7A  }
0x26: {  	[smem:$0x3F9F] =	sst s1;
	(tag) =	ssettag s2;
	_ =	strace s9  }
0x27: {  	s1 =	sld [smem:$0x3FAF]  }
0x28: {  	s2 =	sld [smem:$0x3FB0]  }
0x29: {  	s4 =	sld [smem:$0x3FB2]  }
0x2a: {  	p0 =	seq.s32 s5, $0x0;
	s5 =	sld [smem:$0x3FB3]  }
0x2b: {  	s6 =	sld [smem:$0x3FB4]  }
0x2c: {  	s7 =	sld [smem:$0x3FB5]  }
0x2d: {  	s3 =	simm.s32 $0x108;
	s8 =	sld [smem:$0x3FB6]  }
0x2e: {  	s3 =	simm.s32 @!p0 $0x1082;
	s9 =	sld [smem:$0x3FB7]  }
0x2f: {  	lr =	sadd.s32 s0, s3;
	s0 =	sld [smem:$0x3FAE]  }
0x30: {  	s3 =	sld [smem:$0x3FB1]  }
0x31: {  	[smem:$0x3FBA] =	sst s10  }
0x32: {  	s10 =	sld [smem:$0x3FB8];
	_ =	sdelay $0x3  }
0x33: {  	p0 =	seq.s32 s10, $0x1;
	s10 =	sld [smem:$0x3FBA];
	_ =	sdelay $0x3  }
0x34: {  	[smem:$0x3FBA] =	sst s10  }
0x35: {  	s10 =	sld [smem:$0x3FB9];
	_ =	sdelay $0x3  }
0x36: {  	p1 =	seq.s32 s10, $0x1;
	s10 =	sld [smem:$0x3FBA];
	_ =	sdelay $0x3  }
0x37: {  	[smem:$0x3FBA] =	sst s10  }
0x38: {  	s10 =	sld [smem:$0x3FBB]  }
0x39: {  	_ = 	snop;
	(pc) =	sbr.ind lr, $3  }
0x3a: {  	_ = 	snop  }
0x3b: {  	_ = 	snop  }
0x3c: {  	p2 =	seq.s32 s10, $0x1;
	s10 =	sld [smem:$0x3FBA]  }
0x3d: {  	_ =	shalt  }
0x3e: {  	_ =	shalt  }
0x3f: {  	_ =	shalt  }
0x40: {  	_ =	shalt  }
0x41: {  	_ =	shalt  }
0x42: {  	_ =	shalt  }
0x43: {  	_ =	shalt  }
0x44: {  	_ =	shalt  }
0x45: {  	_ =	shalt  }
0x46: {  	_ =	shalt  }
0x47: {  	_ =	shalt  }
0x48: {  	_ =	shalt  }
0x49: {  	_ =	shalt  }
0x4a: {  	_ =	shalt  }
0x4b: {  	_ =	shalt  }
0x4c: {  	_ =	shalt  }
0x4d: {  	_ =	shalt  }
0x4e: {  	_ =	shalt  }
0x4f: {  	_ =	shalt  }
0x50: {  	_ =	shalt  }
0x51: {  	_ =	shalt  }
0x52: {  	_ =	shalt  }
0x53: {  	_ =	shalt  }
0x54: {  	_ =	shalt  }
0x55: {  	_ =	shalt  }
0x56: {  	_ =	shalt  }
0x57: {  	_ =	shalt  }
0x58: {  	_ =	shalt  }
0x59: {  	_ =	shalt  }
0x5a: {  	_ =	shalt  }
0x5b: {  	_ =	shalt  }
0x5c: {  	_ =	shalt  }
0x5d: {  	_ =	shalt  }
0x5e: {  	_ =	shalt  }
0x5f: {  	_ =	shalt  }
0x60: {  	_ =	shalt  }
0x61: {  	_ =	shalt  }
0x62: {  	_ =	shalt  }
0x63: {  	_ =	shalt  }
0x64: {  	_ =	shalt  }
0x65: {  	_ =	shalt  }
0x66: {  	_ =	shalt  }
0x67: {  	_ =	shalt  }
0x68: {  	_ =	shalt  }
0x69: {  	_ =	shalt  }
0x6a: {  	_ =	shalt  }
0x6b: {  	_ =	shalt  }
0x6c: {  	_ =	shalt  }
0x6d: {  	_ =	shalt  }
0x6e: {  	_ =	shalt  }
0x6f: {  	_ =	shalt  }
0x70: {  	_ =	shalt  }
0x71: {  	_ =	shalt  }
0x72: {  	_ =	shalt  }
0x73: {  	_ =	shalt  }
0x74: {  	_ =	shalt  }
0x75: {  	_ =	shalt  }
0x76: {  	_ =	shalt  }
0x77: {  	_ =	shalt  }
0x78: {  	_ =	shalt  }
0x79: {  	_ =	shalt  }
0x7a: {  	_ =	shalt  }
0x7b: {  	_ =	shalt  }
0x7c: {  	_ =	shalt  }
0x7d: {  	_ =	shalt  }
0x7e: {  	_ =	shalt  }
0x7f: {  	_ =	shalt  }
0x80: {  	_ =	shalt  }
0x81: {  	_ =	shalt  }
0x82: {  	_ =	shalt  }
0x83: {  	_ =	shalt  }
0x84: {  	_ =	shalt  }
0x85: {  	_ =	shalt  }
0x86: {  	_ =	shalt  }
0x87: {  	_ =	shalt  }
.Lfunc_end0:
.L_simem_size_0:
called_computation.1_lowered:
.L_overlay_start_0:
0x88: {  	s2 =	sld [smem:$0x3FD9]  }
0x89: {  	s3 =	sld [smem:$0x3FFE];
	_ =	sdelay $0x1  }
0x8a: {  	s1 =	srdreg.scid  }
0x8b: {  	s0 =	sand.u32 $0x1, s1  }
0x8c: {  	s17 =	sshll.u32 s0, $0xA;
	s2 =	sadd.s32 s3, s2  }
0x8d: {  	s2 =	sadd.s32 s2, s17  }
0x8e: {  	[smem:$0x3FC6] =	sst s2  }
0x8f: {  	_ = 	snop  }
0x90: {  	s2 =	sld [smem:$0x3FD0];
	(tm) =	ssettm $0x1  }
0x91: {  	s18 =	sld [smem:$0x3FFB];
	_ =	sdelay $0x3  }
0x92: {  	_ =	strace s18  }
0x93: {  	s3 =	sld [smem:$0x3FFC];
	_ =	sdelay $0x3  }
0x94: {  	_ =	strace s3  }
0x95: {  	s3 =	sld [smem:$0x3FFD];
	_ =	sdelay $0x3  }
0x96: {  	_ =	strace s3  }
0x97: {  	_ =	strace $0x8FFFFFFF  }
0x98: {  	s19 =	sld [smem:$0x3FDB];
	_ =	sdelay $0x1  }
0x99: {  	s4 =	simm.s32 $_scs_section_size  }
0x9a: {  	s5 =	simm.s32 $_size__tile_overlayer_lowered;
	s6 =	simm.s32 $_tile_overlayer_lowered  }
0x9b: {  	s22 =	simm.s32 $0x1BFF;
	s21 =	sshll.u32 s6, $0x1;
	s3 =	sadd.s32 s4, s19  }
0x9c: {  	s7 =	simm.s32 $0x0;
	s20 =	sshll.u32 s5, $0x1;
	s5 =	sadd.s32 s21, s3  }
0x9d: {  	[timem:s7], [sflag:s22] =	dma.local [hbm:s5], s20  }
0x9e: {  	_ =	swait.ge [sflag:s22], s20  }
0x9f: {  	s4 =	ssub.s32 $0x0, s20;
	[sflag:s22] =	ssyncset.done $0x0  }
0xa0: {  	[sflag:s22] =	ssyncadd.s32 s4;
	_ =	sdelay $0x1  }
0xa1: {  	s23 =	simm.s32 $0x1B8B  }
0xa2: {  	_ =	swait.ge [sflag:s23], $0x1  }
0xa3: {  	[sflag:s23] =	ssyncset.done $0x0  }
0xa4: {  	s25 =	simm.s32 $0x1B8E;
	s24 =	sld [smem:$0x3FFE];
	[sflag:s23] =	ssyncadd.s32 $0xFFFFFFFF  }
0xa5: {  	s26 =	simm.s32 $execute0_lowered;
	[smem:$0x3FD2] =	sst s25  }
0xa6: {  	s5 =	sshll.u32 s26, $0x1;
	_ =	strace $0x80000046;
	[dreg:$0x1] =	wrdreg $0xFFFFFFFF  }
0xa7: {  	s28 =	simm.s32 $_size_execute0_lowered;
	s3 =	sadd.s32 s3, s5;
	[dreg:$0x0] =	wrdreg $0x0  }
0xa8: {  	s5 =	sshll.u32 s28, $0x1;
	[dreg:$0x2] =	wrdreg s3  }
0xa9: {  	[dreg:$0x3] =	wrdreg s5  }
0xaa: {  	[dreg:$0x4] =	wrdreg $0xC0  }
0xab: {  	_ =	task [dreg:s7], $0x5FFFF  }
0xac: {  	[dreg:$0x1] =	wrdreg $0xFFFFFFFF  }
0xad: {  	[dreg:$0x0] =	wrdreg $0x60  }
0xae: {  	[dreg:$0x2] =	wrdreg s24  }
0xaf: {  	[dreg:$0x3] =	wrdreg s2  }
0xb0: {  	[dreg:$0x4] =	wrdreg $0x9  }
0xb1: {  	_ =	task.clear_ibuf [dreg:s7], $0x5FFFF;
	_ =	strace $0x90000046  }
0xb2: {  	s29 =	simm.s32 $0x9;
	_ =	strace $0x80000048  }
0xb3: {  	_ =	swait.ge [sflag:s29], $0x1  }
0xb4: {  	[sflag:s29] =	ssyncadd.s32 $0xFFFFFFFF  }
0xb5: {  	_ =	strace $0x90000048  }
0xb6: {  	_ =	sfence  }
0xb7: {  	s30 =	sld [smem:$0x0];
	_ =	sdelay $0x2  }
0xb8: {  	s31 =	sshll.u32 s1, $0xD;
	s1 =	sshrl.u32 s1, $0x2  }
0xb9: {  	s3 =	sand.u32 $0x4000, s31;
	s1 =	sadd.s32 s1, s30  }
0xba: {  	s0 =	sor.u32 s3, s0;
	s1 =	sshll.u32 s1, $0x11  }
0xbb: {  	s0 =	sor.u32 s1, s0  }
0xbc: {  	s0 =	sadd.s32 $0x8F2B, s0  }
0xbd: {  	[sflag:s0] =	ssyncadd.remote.s32 $0x1  }
0xbe: {  	_ =	sfence.sel $0xFFFF  }
0xbf: {  	[dreg:$0x0] =	wrdreg $0xFFFFFFFF;
	(pc) =	sbr.abs _section_cstart, $3  }
0xc0: {  	[dreg:$0x1] =	wrdreg $0xFFFFFFFF  }
0xc1: {  	_ =	task.clear_ibuf [dreg:s7], $0x2FFFF;
	_ =	strace $0x9FFFFFFF  }
0xc2: {  	(tm) =	ssettm $0x7FFFFFFF  }
0xc3: {  	_ =	shalt  }
tec
execute0_lowered:
.L_overlay_start_1:
0x0: {  	(tag) =	ssettag $0x1  }
0x1: {  	v16 =	vlaneseq.u32;
	v20 =	vimm.s32 $0x14131211;
	v1 =	vimm.s32 $0x18171615  }
0x2: {  	vm0 =	vcmask $0x1F10;
	v2 =	vimm.s32 $0x1C1B1A19;
	v3 =	vimm.s32 $0x1F1E1D  }
0x3: {  	v4 =	vimm.s32 $0x15141312;
	v22 =	vimm.s32 $0x19181716;
	v5 =	vimm.s32 $0x1D1C1B1A  }
0x4: {  	v6 =	vimm.s32 $0x1001F1E;
	v30 =	vimm.s32 $0x16151413;
	v31 =	vimm.s32 $0x1A191817  }
0x5: {  	v32 =	vimm.s32 $0x1E1D1C1B;
	v35 =	vimm.s32 $0x17161514;
	v38 =	vimm.s32 $0x6050403  }
0x6: {  	v40 =	vimm.s32 $0x87654321;
	v42 =	vimm.s32 $0x76543210;
	v43 =	vimm.s32 $0x98765432  }
0x7: {  	v44 =	vimm.s32 $0x32107654;
	v48 =	vimm.s32 $0xA9876543;
	v49 =	vimm.s32 $0x43218765  }
0x8: {  	vm14 =	vcmask $0x2F10;
	v50 =	vimm.s32 $0x54329876;
	v51 =	vimm.s32 $0xB0A0908  }
0x9: {  	v53 =	vimm.s32 $0x6543A987;
	v55 =	vimm.s32 $0xC0B0A09;
	v57 =	vimm.s32 $0xD0C0B0A  }
0xa: {  	vm15 =	vcmask $0x3F30;
	v58 =	vimm.s32 $0xE0D0C0B;
	v0 =	vmul.u32 $0x20, v16  }
0xb: {  	v8 =	vadd.s32 $0x1, v16;
	v9 =	vadd.s32 $0x2, v16;
	v10 =	vadd.s32 $0x3, v16  }
0xc: {  	v11 =	vadd.s32 $0x4, v16;
	v12 =	vadd.s32 $0x5, v16;
	v13 =	vadd.s32 $0x6, v16  }
0xd: {  	v14 =	vadd.s32 $0x7, v16;
	v15 =	vadd.s32 $0x8, v16;
	v17 =	vadd.s32 $0x9, v16;
	[tilespmem:$0x1FE10] =	vst v8  }
0xe: {  	v18 =	vadd.s32 $0xA, v16;
	v19 =	vadd.s32 $0xB, v16;
	v1 =	vunpack.c.0.s8.s32 v1;
	[tilespmem:$0x1FE20] =	vst v9  }
0xf: {  	v2 =	vunpack.c.0.s8.s32 v2;
	v26 =	vunpack.c.0.s8.s32 v3;
	v21 =	vunpack.c.0.s8.s32 v4;
	[tilespmem:$0x1FE30] =	vst v10  }
0x10: {  	v4 =	vunpack.c.0.s8.s32 v22;
	v5 =	vunpack.c.0.s8.s32 v5;
	v27 =	vunpack.c.0.s8.s32 v6;
	[tilespmem:$0x1FE40] =	vst v11  }
0x11: {  	v23 =	vadd.s32 $0xC, v16;
	v24 =	vadd.s32 $0xD, v16;
	v39 =	vunpack.c.0.s8.s32 v38;
	[tilespmem:$0x1FE50] =	vst v12  }
0x12: {  	v41 =	vunpack.c.l.s4.s8 v40;
	v45 =	vunpack.c.l.s4.s8 v43;
	v46 =	vunpack.c.l.s4.s8 v44;
	[tilespmem:$0x1FE60] =	vst v13  }
0x13: {  	v52 =	vunpack.c.l.s4.s8 v48;
	v6 =	vunpack.c.l.s4.s8 v53;
	v54 =	vadd.s32 $0xF, v16;
	[tilespmem:$0x1FE70] =	vst v14  }
0x14: {  	v59 =	vor.u32 $0x10, v16;
	[tilespmem:$0x1FE80] =	vst v15;
	v8 =	vadd.s32 $0xE, v16;
	v9 =	vimm.s32 $0x201001F  }
0x15: {  	v10 =	vimm.s32 $0x3020100;
	v11 =	vimm.s32 $0x1F1E1D1C;
	v12 =	vimm.s32 $0x1B1A1918  }
0x16: {  	v13 =	vimm.s32 $0x4030201;
	v15 =	vimm.s32 $0x5040302;
	[tilespmem:$0x1FE00] =	vst v0;
	v0 =	vunpack.c.0.s8.s32 v20  }
0x17: {  	[tilespmem:$0x1FE90] =	vst v17;
	v25 =	vsel vm0, v26, v2;
	v3 =	vsel vm0, v4, v21;
	v7 =	vsel vm0, v27, v5  }
0x18: {  	[tilespmem:$0x1FEE0] =	vst v8;
	v8 =	vunpack.c.0.s8.s32 v32;
	v28 =	vunpack.c.0.s8.s32 v9;
	v33 =	vunpack.c.0.s8.s32 v10  }
0x19: {  	[tilespmem:$0x1FEA0] =	vst v18;
	v34 =	vunpack.c.0.s8.s32 v11;
	v11 =	vunpack.c.0.s8.s32 v35;
	v12 =	vunpack.c.0.s8.s32 v12  }
0x1a: {  	[tilespmem:$0x1FEB0] =	vst v19;
	v13 =	vunpack.c.0.s8.s32 v13;
	v37 =	vunpack.c.0.s8.s32 v15;
	v0 =	vsel vm0, v1, v0  }
0x1b: {  	[tilespmem:$0x1FEC0] =	vst v23;
	v4 =	vsel vm0, v5, v4;
	v29 =	vcombine.low v3, v7;
	v0 =	vcombine.low v0, v25  }
0x1c: {  	[tilespmem:$0x1FED0] =	vst v24;
	v3 =	vunpack.c.0.s8.s32 v31;
	v13 =	vsel vm0, v13, v26;
	v1 =	vsel vm0, v2, v1  }
0x1d: {  	s1 =	rddreg [dreg:$0x0];
	s2 =	simm.s32 $0x0;
	v2 =	vsel vm0, v37, v27;
	v1 =	vcombine.low v1, v13;
	[tilespmem:$0x1FEF0] =	vst v0;
	v0 =	vunpack.c.0.s8.s32 v30  }
0x1e: {  	[smem:$0x7FF] =	sst s2;
	v5 =	vunpack.c.0.s8.s32 v52;
	v6 =	vunpack.c.0.s8.s32 v6;
	[tilespmem:$0x1FF00] =	vst v29;
	v2 =	vcombine.low v4, v2  }
0x1f: {  	s0 =	rddreg [dreg:$0x1];
	_ =	strace $0x80000047;
	[tilespmem:$0x1FF20] =	vst v1;
	v1 =	vsel vm0, v39, v28;
	v14 =	vsel vm0, v3, v0;
	v3 =	vsel vm0, v8, v3  }
0x20: {  	v9 =	vsel vm0, v33, v34;
	v11 =	vsel vm0, v12, v11;
	v1 =	vcombine.low v3, v1  }
0x21: {  	s3 =	srdreg.scid;
	s4 =	stileid.u32;
	v36 =	vsel vm0, v28, v8;
	v9 =	vcombine.low v11, v9;
	[tilespmem:$0x1FF30] =	vst v2;
	v2 =	vunpack.c.0.s8.s32 v41  }
0x22: {  	s12 =	simm.s32 $0x32;
	s13 =	simm.s32 $0x700;
	s28 =	simm.s32 $0x380;
	v47 =	vsel vm0, v34, v12;
	v4 =	vunpack.c.l.s4.s8 v42;
	[tilespmem:$0x1FF40] =	vst v1;
	v1 =	vunpack.c.0.s8.s32 v45  }
0x23: {  	s29 =	simm.s32 $0x6B00;
	s30 =	simm.s32 $0xA980;
	s31 =	simm.s32 $0x5E8;
	v5 =	vand.u32 $0xF, v5;
	v6 =	vand.u32 $0xF, v6;
	[tilespmem:$0x1FF10] =	vst v9;
	v2 =	vand.u32 $0xF, v2  }
0x24: {  	s14 =	simm.s32 $0xB600;
	s15 =	simm.s32 $0x658;
	s16 =	simm.s32 $0xBC40;
	v4 =	vunpack.c.0.s8.s32 v4;
	[tilespmem:$0x1FF80] =	vst v54;
	v2 =	vcombine.low v25, v2;
	v1 =	vand.u32 $0xF, v1  }
0x25: {  	s17 =	simm.s32 $0x690;
	s18 =	simm.s32 $0xC280;
	s19 =	simm.s32 $0x6C8;
	v6 =	vsel vm14, v6, v28;
	v9 =	vunpack.c.0.s8.s32 v58;
	[tilespmem:$0x1FFB0] =	vst v59;
	v1 =	vcombine.low v7, v1  }
0x26: {  	s20 =	simm.s32 $0xC8C0;
	s21 =	simm.s32 $0x1;
	s3 =	sand.u32 $0x1, s3;
	v4 =	vcombine.low v47, v4;
	v8 =	vunpack.c.0.s8.s32 v57;
	[tilespmem:$0x1FF60] =	vst v2;
	v2 =	vunpack.c.l.s4.s8 v49  }
0x27: {  	s22 =	simm.s32 $0x2;
	s4 =	sshll.u32 s4, $0xA;
	s5 =	sshll.u32 s3, $0x9;
	v0 =	vcombine.low v36, v5;
	v3 =	vunpack.c.0.s8.s32 v46;
	[tilespmem:$0x1FF70] =	vst v1;
	v1 =	vunpack.c.l.s4.s8 v50  }
0x28: {  	s23 =	simm.s32 $0x4;
	s8 =	simm.s32 $0x0;
	s4 =	sor.u32 s5, s4;
	v56 =	vcombine.low v14, v36;
	v63 =	vsel vm15, v9, v6;
	[tilespmem:$0x1FF50] =	vst v4;
	v2 =	vunpack.c.0.s8.s32 v2  }
0x29: {  	s6 =	sadd.s32 $0xF42E00, s1;
	s3 =	ssub.s32 $0x2, s3;
	s7 =	smul.u32 $0x7, s4;
	v4 =	vunpack.c.0.s8.s32 v51;
	[tilespmem:$0x1FFA0] =	vst v0;
	v3 =	vand.u32 $0xF, v3;
	v1 =	vunpack.c.0.s8.s32 v1  }
.Ltmp0:
0x2a: {  	s5 =	sadd.s32 $0xA00, s1;
	s25 =	sshrl.u32 s3, $0x1;
	[tilespmem:$0x1FFF0] =	vst v63;
	v3 =	vsel vm14, v3, v34;
	v7 =	vunpack.c.0.s8.s32 v55;
	v2 =	vand.u32 $0xF, v2;
	(pc) =	sbr.rel .LBB2_1-.Ltmp0, $4  }
0x2b: {  	s1 =	ssub.s32 s3, s25;
	s9 =	sor.u32 $0x20, s4;
	s7 =	sadd.s32 s5, s7;
	[tilespmem:$0x1FF90] =	vst v56;
	v60 =	vsel vm15, v4, v3;
	v2 =	vsel vm14, v2, v26;
	v1 =	vand.u32 $0xF, v1  }
0x2c: {  	s10 =	sor.u32 $0x30, s4;
	s26 =	sadd.s32 $0x70, s7;
	[dreg:$0x3] =	wrdreg s7;
	[tilespmem:$0x1FFC0] =	vst v60;
	v61 =	vsel vm15, v7, v2;
	v1 =	vsel vm14, v1, v27  }
0x2d: {  	s25 =	simm.s32 $0x5;
	s1 =	smax.u32 s1, $0x1;
	[dreg:$0x4] =	wrdreg s26;
	[tilespmem:$0x1FFD0] =	vst v61;
	v62 =	vsel vm15, v8, v1  }
0x2e: {  	s3 =	simm.s32 $0xAFC0;
	[dreg:$0x5] =	wrdreg s1;
	s1 =	simm.s32 $0x620;
	[tilespmem:$0x1FFE0] =	vst v62  }
.LBB2_12:
0x2f: {  	s7 =	simm.s32 $0x3  }
0x30: {  	_ =	swait.ge [sflag:s7], $0x6400  }
0x31: {  	[sflag:s7] =	ssyncset.done $0x0  }
0x32: {  	[sflag:s7] =	ssyncadd.s32 $0xFFFF9C00  }
0x33: {  	_ =	swait.ge [sflag:s23], $0x6400  }
0x34: {  	s8 =	rddreg [dreg:$0x6]  }
0x35: {  	s26 =	rddreg [dreg:$0x5];
	s8 =	sadd.s32 $0x1, s8  }
0x36: {  	p0 =	sne.s32 s8, s26  }
.Ltmp1:
0x37: {  	_ = 	snop;
	(pc) =	sbr.rel @!p0 .LBB2_13-.Ltmp1, $3  }
0x38: {  	_ =	sdelay $0x1  }
0x39: {  	[sflag:s23] =	ssyncset.done $0x0  }
0x3a: {  	[sflag:s23] =	ssyncadd.s32 $0xFFFF9C00  }
.LBB2_1:
0x3b: {  	[dreg:$0x6] =	wrdreg s8  }
0x3c: {  	s7 =	rddreg [dreg:$0x3]  }
0x3d: {  	[tilespmem:s2], [sflag:$0x5] =	stream.linear.gather [hbm4b:s7+s2], $0x380, $0x38;
	[tilespmem:$0xCF00] =	vst v63  }
0x3e: {  	_ =	swait.ge [sflag:s25], $0x380  }
0x3f: {  	[sflag:s25] =	ssyncset.done $0x0  }
0x40: {  	[sflag:s25] =	ssyncadd.s32 $0xFFFFFC80  }
0x41: {  	[tilespmem:s13], [sflag:$0x1] =	stream.indirect.gather [hbm4b:s6+s12], $0x20, s2, s12, $0xb8;
	[tilespmem:$0xCF00] =	vst v63  }
0x42: {  	s8 =	simm.s32 $0x38;
	s11 =	simm.s32 $0xD40  }
0x43: {  	[tilespmem:s11], [sflag:$0x1] =	stream.indirect.gather [hbm4b:s6+s12], $0x20, s8, s12, $0xb8;
	[tilespmem:$0xCF00] =	vst v63  }
0x44: {  	s24 =	simm.s32 $0x70;
	s26 =	simm.s32 $0x1380  }
0x45: {  	[tilespmem:s26], [sflag:$0x1] =	stream.indirect.gather [hbm4b:s6+s12], $0x20, s24, s12, $0xb8;
	[tilespmem:$0xCF00] =	vst v63  }
0x46: {  	s8 =	simm.s32 $0xA8;
	s11 =	simm.s32 $0x19C0  }
0x47: {  	[tilespmem:s11], [sflag:$0x1] =	stream.indirect.gather [hbm4b:s6+s12], $0x20, s8, s12, $0xb8;
	[tilespmem:$0xCF00] =	vst v63  }
0x48: {  	s24 =	simm.s32 $0xE0;
	s26 =	simm.s32 $0x2000  }
0x49: {  	[tilespmem:s26], [sflag:$0x1] =	stream.indirect.gather [hbm4b:s6+s12], $0x20, s24, s12, $0xb8;
	[tilespmem:$0xCF00] =	vst v63  }
0x4a: {  	s8 =	simm.s32 $0x118;
	s11 =	simm.s32 $0x2640  }
0x4b: {  	[tilespmem:s11], [sflag:$0x1] =	stream.indirect.gather [hbm4b:s6+s12], $0x20, s8, s12, $0xb8;
	[tilespmem:$0xCF00] =	vst v63  }
0x4c: {  	s24 =	simm.s32 $0x150;
	s26 =	simm.s32 $0x2C80  }
0x4d: {  	[tilespmem:s26], [sflag:$0x1] =	stream.indirect.gather [hbm4b:s6+s12], $0x20, s24, s12, $0xb8;
	[tilespmem:$0xCF00] =	vst v63  }
0x4e: {  	s8 =	simm.s32 $0x188;
	s11 =	simm.s32 $0x32C0  }
0x4f: {  	[tilespmem:s11], [sflag:$0x1] =	stream.indirect.gather [hbm4b:s6+s12], $0x20, s8, s12, $0xb8;
	[tilespmem:$0xCF00] =	vst v63  }
0x50: {  	s24 =	simm.s32 $0x1C0;
	s26 =	simm.s32 $0x3900  }
0x51: {  	[tilespmem:s26], [sflag:$0x1] =	stream.indirect.gather [hbm4b:s6+s12], $0x20, s24, s12, $0xb8;
	[tilespmem:$0xCF00] =	vst v63  }
0x52: {  	s8 =	simm.s32 $0x1F8;
	s11 =	simm.s32 $0x3F40  }
0x53: {  	[tilespmem:s11], [sflag:$0x1] =	stream.indirect.gather [hbm4b:s6+s12], $0x20, s8, s12, $0xb8;
	[tilespmem:$0xCF00] =	vst v63  }
0x54: {  	s24 =	simm.s32 $0x230;
	s26 =	simm.s32 $0x4580  }
0x55: {  	[tilespmem:s26], [sflag:$0x1] =	stream.indirect.gather [hbm4b:s6+s12], $0x20, s24, s12, $0xb8;
	[tilespmem:$0xCF00] =	vst v63  }
0x56: {  	s8 =	simm.s32 $0x268;
	s11 =	simm.s32 $0x4BC0  }
0x57: {  	[tilespmem:s11], [sflag:$0x1] =	stream.indirect.gather [hbm4b:s6+s12], $0x20, s8, s12, $0xb8;
	[tilespmem:$0xCF00] =	vst v63  }
0x58: {  	s24 =	simm.s32 $0x2A0;
	s26 =	simm.s32 $0x5200  }
0x59: {  	[tilespmem:s26], [sflag:$0x1] =	stream.indirect.gather [hbm4b:s6+s12], $0x20, s24, s12, $0xb8;
	[tilespmem:$0xCF00] =	vst v63  }
0x5a: {  	s8 =	simm.s32 $0x2D8;
	s11 =	simm.s32 $0x5840  }
0x5b: {  	[tilespmem:s11], [sflag:$0x1] =	stream.indirect.gather [hbm4b:s6+s12], $0x20, s8, s12, $0xb8;
	[tilespmem:$0xCF00] =	vst v63  }
0x5c: {  	s24 =	simm.s32 $0x310;
	s26 =	simm.s32 $0x5E80  }
0x5d: {  	[tilespmem:s26], [sflag:$0x1] =	stream.indirect.gather [hbm4b:s6+s12], $0x20, s24, s12, $0xb8;
	[tilespmem:$0xCF00] =	vst v63  }
0x5e: {  	s11 =	simm.s32 $0x348;
	s24 =	simm.s32 $0x64C0  }
0x5f: {  	[tilespmem:s24], [sflag:$0x1] =	stream.indirect.gather [hbm4b:s6+s12], $0x20, s11, s12, $0xb8;
	[tilespmem:$0xCF00] =	vst v63  }
0x60: {  	s26 =	rddreg [dreg:$0x4]  }
0x61: {  	[tilespmem:s28], [sflag:$0x5] =	stream.linear.gather [hbm4b:s26+s2], $0x380, $0x38;
	[tilespmem:$0xCF00] =	vst v63  }
0x62: {  	_ =	swait.ge [sflag:s25], $0x380  }
0x63: {  	[sflag:s25] =	ssyncset.done $0x0  }
0x64: {  	[sflag:s25] =	ssyncadd.s32 $0xFFFFFC80  }
0x65: {  	[tilespmem:s29], [sflag:$0x2] =	stream.indirect.gather [hbm4b:s6+s12], $0x20, s28, s12, $0xb8;
	[tilespmem:$0xCF00] =	vst v63  }
0x66: {  	s8 =	simm.s32 $0x3B8;
	s11 =	simm.s32 $0x7140  }
0x67: {  	[tilespmem:s11], [sflag:$0x2] =	stream.indirect.gather [hbm4b:s6+s12], $0x20, s8, s12, $0xb8;
	[tilespmem:$0xCF00] =	vst v63  }
0x68: {  	s24 =	simm.s32 $0x3F0;
	s26 =	simm.s32 $0x7780  }
0x69: {  	[tilespmem:s26], [sflag:$0x2] =	stream.indirect.gather [hbm4b:s6+s12], $0x20, s24, s12, $0xb8;
	[tilespmem:$0xCF00] =	vst v63  }
0x6a: {  	s8 =	simm.s32 $0x428;
	s11 =	simm.s32 $0x7DC0  }
0x6b: {  	[tilespmem:s11], [sflag:$0x2] =	stream.indirect.gather [hbm4b:s6+s12], $0x20, s8, s12, $0xb8;
	[tilespmem:$0xCF00] =	vst v63  }
0x6c: {  	s24 =	simm.s32 $0x460;
	s26 =	simm.s32 $0x8400  }
0x6d: {  	[tilespmem:s26], [sflag:$0x2] =	stream.indirect.gather [hbm4b:s6+s12], $0x20, s24, s12, $0xb8;
	[tilespmem:$0xCF00] =	vst v63  }
0x6e: {  	s8 =	simm.s32 $0x498;
	s11 =	simm.s32 $0x8A40  }
0x6f: {  	[tilespmem:s11], [sflag:$0x2] =	stream.indirect.gather [hbm4b:s6+s12], $0x20, s8, s12, $0xb8;
	[tilespmem:$0xCF00] =	vst v63  }
0x70: {  	s24 =	simm.s32 $0x4D0;
	s26 =	simm.s32 $0x9080  }
0x71: {  	[tilespmem:s26], [sflag:$0x2] =	stream.indirect.gather [hbm4b:s6+s12], $0x20, s24, s12, $0xb8;
	[tilespmem:$0xCF00] =	vst v63  }
0x72: {  	s8 =	simm.s32 $0x508;
	s11 =	simm.s32 $0x96C0  }
0x73: {  	[tilespmem:s11], [sflag:$0x2] =	stream.indirect.gather [hbm4b:s6+s12], $0x20, s8, s12, $0xb8;
	[tilespmem:$0xCF00] =	vst v63  }
0x74: {  	s24 =	simm.s32 $0x540;
	s26 =	simm.s32 $0x9D00  }
0x75: {  	[tilespmem:s26], [sflag:$0x2] =	stream.indirect.gather [hbm4b:s6+s12], $0x20, s24, s12, $0xb8;
	[tilespmem:$0xCF00] =	vst v63  }
0x76: {  	s11 =	simm.s32 $0x578;
	s24 =	simm.s32 $0xA340  }
0x77: {  	[tilespmem:s24], [sflag:$0x2] =	stream.indirect.gather [hbm4b:s6+s12], $0x20, s11, s12, $0xb8;
	[tilespmem:$0xCF00] =	vst v63  }
0x78: {  	s26 =	simm.s32 $0x5B0  }
0x79: {  	[tilespmem:s30], [sflag:$0x2] =	stream.indirect.gather [hbm4b:s6+s12], $0x20, s26, s12, $0xb8;
	[tilespmem:$0xCF00] =	vst v63  }
0x7a: {  	_ = 	snop  }
0x7b: {  	[tilespmem:s3], [sflag:$0x2] =	stream.indirect.gather [hbm4b:s6+s12], $0x20, s31, s12, $0xb8;
	[tilespmem:$0xCF00] =	vst v63  }
0x7c: {  	_ = 	snop  }
0x7d: {  	[tilespmem:s14], [sflag:$0x2] =	stream.indirect.gather [hbm4b:s6+s12], $0x20, s1, s12, $0xb8;
	[tilespmem:$0xCF00] =	vst v63  }
0x7e: {  	_ = 	snop  }
0x7f: {  	[tilespmem:s16], [sflag:$0x2] =	stream.indirect.gather [hbm4b:s6+s12], $0x20, s15, s12, $0xb8;
	[tilespmem:$0xCF00] =	vst v63  }
0x80: {  	_ = 	snop  }
0x81: {  	[tilespmem:s18], [sflag:$0x2] =	stream.indirect.gather [hbm4b:s6+s12], $0x20, s17, s12, $0xb8;
	[tilespmem:$0xCF00] =	vst v63  }
0x82: {  	s24 =	simm.s32 $0x0  }
0x83: {  	[tilespmem:s20], [sflag:$0x2] =	stream.indirect.gather [hbm4b:s6+s12], $0x20, s19, s12, $0xb8;
	[tilespmem:$0xCF00] =	vst v63  }
.LBB2_2:
0x84: {  	_ =	swait.ge [sflag:s21], $0x640  }
0x85: {  	[sflag:s21] =	ssyncset.done $0x0  }
0x86: {  	[sflag:s21] =	ssyncadd.s32 $0xFFFFF9C0  }
0x87: {  	_ =	swait.ge [sflag:s21], $0x640  }
0x88: {  	[sflag:s21] =	ssyncset.done $0x0  }
0x89: {  	[sflag:s21] =	ssyncadd.s32 $0xFFFFF9C0  }
0x8a: {  	_ =	swait.ge [sflag:s21], $0x640  }
0x8b: {  	[sflag:s21] =	ssyncset.done $0x0  }
0x8c: {  	[sflag:s21] =	ssyncadd.s32 $0xFFFFF9C0  }
0x8d: {  	_ =	swait.ge [sflag:s21], $0x640  }
0x8e: {  	[sflag:s21] =	ssyncset.done $0x0  }
0x8f: {  	[sflag:s21] =	ssyncadd.s32 $0xFFFFF9C0  }
0x90: {  	_ =	swait.ge [sflag:s21], $0x640  }
0x91: {  	[sflag:s21] =	ssyncset.done $0x0  }
0x92: {  	[sflag:s21] =	ssyncadd.s32 $0xFFFFF9C0  }
0x93: {  	_ =	swait.ge [sflag:s21], $0x640  }
0x94: {  	[sflag:s21] =	ssyncset.done $0x0  }
0x95: {  	[sflag:s21] =	ssyncadd.s32 $0xFFFFF9C0  }
0x96: {  	_ =	swait.ge [sflag:s21], $0x640  }
0x97: {  	[sflag:s21] =	ssyncset.done $0x0  }
0x98: {  	[sflag:s21] =	ssyncadd.s32 $0xFFFFF9C0  }
0x99: {  	_ =	swait.ge [sflag:s21], $0x640  }
0x9a: {  	[sflag:s21] =	ssyncset.done $0x0  }
0x9b: {  	[sflag:s21] =	ssyncadd.s32 $0xFFFFF9C0  }
0x9c: {  	_ =	swait.ge [sflag:s21], $0x640  }
0x9d: {  	[sflag:s21] =	ssyncset.done $0x0  }
0x9e: {  	[sflag:s21] =	ssyncadd.s32 $0xFFFFF9C0  }
0x9f: {  	_ =	swait.ge [sflag:s21], $0x640  }
0xa0: {  	[sflag:s21] =	ssyncset.done $0x0  }
0xa1: {  	[sflag:s21] =	ssyncadd.s32 $0xFFFFF9C0  }
0xa2: {  	_ =	swait.ge [sflag:s21], $0x640  }
0xa3: {  	[sflag:s21] =	ssyncset.done $0x0  }
0xa4: {  	[sflag:s21] =	ssyncadd.s32 $0xFFFFF9C0  }
0xa5: {  	_ =	swait.ge [sflag:s21], $0x640  }
0xa6: {  	[sflag:s21] =	ssyncset.done $0x0  }
0xa7: {  	[sflag:s21] =	ssyncadd.s32 $0xFFFFF9C0  }
0xa8: {  	_ =	swait.ge [sflag:s21], $0x640  }
0xa9: {  	[sflag:s21] =	ssyncset.done $0x0  }
0xaa: {  	[sflag:s21] =	ssyncadd.s32 $0xFFFFF9C0  }
0xab: {  	_ =	swait.ge [sflag:s21], $0x640  }
0xac: {  	[sflag:s21] =	ssyncset.done $0x0  }
0xad: {  	[sflag:s21] =	ssyncadd.s32 $0xFFFFF9C0  }
0xae: {  	_ =	swait.ge [sflag:s21], $0x640  }
.Ltmp2:
0xaf: {  	[sflag:s21] =	ssyncset.done $0x0;
	(pc) =	sbr.rel .LBB2_3-.Ltmp2, $4  }
0xb0: {  	[sflag:s21] =	ssyncadd.s32 $0xFFFFF9C0  }
0xb1: {  	_ =	swait.ge [sflag:s21], $0x640  }
0xb2: {  	[sflag:s21] =	ssyncset.done $0x0  }
0xb3: {  	s26 =	simm.s32 $0x0;
	[sflag:s21] =	ssyncadd.s32 $0xFFFFF9C0  }
.LBB2_5:
0xb4: {  	s26 =	sadd.s32 $0x10, s26  }
0xb5: {  	p0 =	sne.s32 s26, $0x320  }
.Ltmp3:
0xb6: {  	_ = 	snop;
	(pc) =	sbr.rel @!p0 .LBB2_6-.Ltmp3, $1  }
0xb7: {  	_ =	sdelay $0x3  }
.LBB2_3:
0xb8: {  	v1 =	vld [tilespmem:$0x1FE00];
	_ =	sdelay $0x2  }
0xb9: {  	v0 =	vmov s26  }
0xba: {  	v0 =	vshll.u32 v0, $0x5  }
0xbb: {  	v26 =	vor.u32 v1, v0;
	v0 =	vlaneseq.u32  }
0xbc: {  	v38 =	vor.u32 v0, v26;
	v0 =	vld [tilespmem:$0x1FE10];
	_ =	sdelay $0x4  }
0xbd: {  	v37 =	vor.u32 v0, v26;
	v0 =	vld [tilespmem:$0x1FE20];
	_ =	sdelay $0x4  }
0xbe: {  	v1 =	vor.u32 v0, v26;
	v0 =	vld [tilespmem:$0x1FE30];
	_ =	sdelay $0x4  }
0xbf: {  	v2 =	vor.u32 v0, v26;
	_ =	sdelay $0x4  }
0xc0: {  	v45 =	vld.idx.msk [tilespmem:v2+s13+$0x0], $0xffff  }
0xc1: {  	[tilespmem:$0x1FDD0] =	vst v2;
	v2 =	vld [tilespmem:$0x1FE60];
	_ =	sdelay $0x4  }
0xc2: {  	v39 =	vor.u32 v2, v26;
	v2 =	vld [tilespmem:$0x1FE70];
	_ =	sdelay $0x4  }
0xc3: {  	v40 =	vor.u32 v2, v26;
	v2 =	vld [tilespmem:$0x1FE80]  }
0xc4: {  	v0 =	vld [tilespmem:$0x1FE40];
	_ =	sdelay $0x3  }
0xc5: {  	v41 =	vor.u32 v2, v26;
	v2 =	vld [tilespmem:$0x1FE90]  }
0xc6: {  	v3 =	vor.u32 v0, v26;
	v0 =	vld [tilespmem:$0x1FE50]  }
0xc7: {  	v42 =	vld.idx.msk [tilespmem:v38+s13+$0x0], $0xffff  }
0xc8: {  	v43 =	vld.idx.msk [tilespmem:v37+s13+$0x0], $0xffff  }
0xc9: {  	v44 =	vld.idx.msk [tilespmem:v1+s13+$0x0], $0xffff  }
0xca: {  	v46 =	vor.u32 v2, v26;
	v2 =	vld [tilespmem:$0x1FEA0]  }
0xcb: {  	v4 =	vor.u32 v0, v26;
	_ =	sdelay $0x1  }
0xcc: {  	[tilespmem:$0x1FDC0] =	vst v1;
	v1 =	vmul.f32 v43, v43;
	v0 =	vmul.f32 v42, v42  }
0xcd: {  	v47 =	vld.idx.msk [tilespmem:v3+s13+$0x0], $0xffff  }
0xce: {  	v0 =	vadd.f32 v1, v0;
	v1 =	vmul.f32 v44, v44;
	v48 =	vor.u32 v2, v26;
	v2 =	vld [tilespmem:$0x1FEB0]  }
0xcf: {  	v49 =	vld.idx.msk [tilespmem:v4+s13+$0x0], $0xffff  }
0xd0: {  	v0 =	vadd.f32 v1, v0;
	v1 =	vmul.f32 v45, v45  }
0xd1: {  	v51 =	vld.idx.msk [tilespmem:v39+s13+$0x0], $0xffff  }
0xd2: {  	v0 =	vadd.f32 v1, v0;
	v1 =	vmul.f32 v47, v47;
	v53 =	vld.idx.msk [tilespmem:v40+s13+$0x0], $0xffff  }
0xd3: {  	v50 =	vor.u32 v2, v26;
	v2 =	vld [tilespmem:$0x1FEC0]  }
0xd4: {  	v0 =	vadd.f32 v1, v0;
	v1 =	vmul.f32 v49, v49  }
0xd5: {  	v55 =	vld.idx.msk [tilespmem:v41+s13+$0x0], $0xffff  }
0xd6: {  	v0 =	vadd.f32 v1, v0;
	v1 =	vmul.f32 v51, v51  }
0xd7: {  	v57 =	vld.idx.msk [tilespmem:v46+s13+$0x0], $0xffff  }
0xd8: {  	v0 =	vadd.f32 v1, v0;
	v1 =	vmul.f32 v53, v53;
	v52 =	vor.u32 v2, v26;
	v2 =	vld [tilespmem:$0x1FED0];
	_ =	sdelay $0x1  }
0xd9: {  	v0 =	vadd.f32 v1, v0;
	v1 =	vmul.f32 v55, v55;
	_ =	sdelay $0x1  }
0xda: {  	v0 =	vadd.f32 v1, v0;
	v59 =	vld.idx.msk [tilespmem:v48+s13+$0x0], $0xffff;
	v1 =	vmul.f32 v57, v57  }
0xdb: {  	v54 =	vor.u32 v2, v26;
	v2 =	vld [tilespmem:$0x1FEE0]  }
0xdc: {  	v0 =	vadd.f32 v1, v0;
	v1 =	vld [tilespmem:$0x1FF80]  }
0xdd: {  	v61 =	vld.idx.msk [tilespmem:v50+s13+$0x0], $0xffff  }
0xde: {  	[tilespmem:$0x1FDE0] =	vst v3;
	v3 =	vld [tilespmem:$0x1FFB0]  }
0xdf: {  	v63 =	vld.idx.msk [tilespmem:v52+s13+$0x0], $0xffff  }
0xe0: {  	[tilespmem:$0x1FDF0] =	vst v4;
	v4 =	vld [tilespmem:$0x1FEF0];
	v56 =	vor.u32 v2, v26;
	v2 =	vmul.f32 v59, v59  }
0xe1: {  	v58 =	vor.u32 v1, v26;
	v1 =	vld.idx.msk [tilespmem:v54+s13+$0x0], $0xffff  }
0xe2: {  	v0 =	vadd.f32 v2, v0;
	v2 =	vmul.f32 v61, v61;
	_ =	sdelay $0x1  }
0xe3: {  	v0 =	vadd.f32 v2, v0;
	v2 =	vmul.f32 v63, v63  }
0xe4: {  	v60 =	vor.u32 v3, v26  }
0xe5: {  	v62 =	vor.u32 v4, v26;
	v4 =	vmul.f32 v1, v1;
	v2 =	vadd.f32 v2, v0;
	v0 =	vld [tilespmem:$0x1FF00]  }
0xe6: {  	v3 =	vld.idx.msk [tilespmem:v56+s13+$0x0], $0xffff  }
0xe7: {  	v4 =	vadd.f32 v4, v2;
	v2 =	vld [tilespmem:$0x1FF90]  }
0xe8: {  	v5 =	vld.idx.msk [tilespmem:v58+s13+$0x0], $0xffff;
	_ =	sdelay $0x1  }
0xe9: {  	v7 =	vld.idx.msk [tilespmem:v60+s13+$0x0], $0xffff;
	v0 =	vor.u32 v0, v26  }
0xea: {  	v6 =	vmul.f32 v3, v3  }
0xeb: {  	v9 =	vld.idx.msk [tilespmem:v62+s13+$0x0], $0xffff;
	v2 =	vor.u32 v2, v26  }
0xec: {  	v8 =	vmul.f32 v5, v5;
	v6 =	vadd.f32 v6, v4;
	v4 =	vld [tilespmem:$0x1FF10];
	_ =	sdelay $0x1  }
0xed: {  	v10 =	vmul.f32 v7, v7;
	v8 =	vadd.f32 v8, v6;
	v11 =	vld.idx.msk [tilespmem:v0+s13+$0x0], $0xffff  }
0xee: {  	v6 =	vld [tilespmem:$0x1FF20]  }
0xef: {  	v12 =	vmul.f32 v9, v9;
	v10 =	vadd.f32 v10, v8;
	v13 =	vld.idx.msk [tilespmem:v2+s13+$0x0], $0xffff  }
0xf0: {  	v8 =	vld [tilespmem:$0x1FF30];
	v4 =	vor.u32 v4, v26  }
0xf1: {  	v12 =	vadd.f32 v12, v10;
	v10 =	vld [tilespmem:$0x1FF40]  }
0xf2: {  	v14 =	vmul.f32 v11, v11  }
0xf3: {  	v6 =	vor.u32 v6, v26  }
0xf4: {  	v14 =	vadd.f32 v14, v12;
	v16 =	vmul.f32 v13, v13;
	v12 =	vld [tilespmem:$0x1FF50]  }
0xf5: {  	v8 =	vor.u32 v8, v26;
	v15 =	vld.idx.msk [tilespmem:v4+s13+$0x0], $0xffff  }
0xf6: {  	v10 =	vor.u32 v10, v26;
	v16 =	vadd.f32 v16, v14;
	v14 =	vld [tilespmem:$0x1FF60];
	_ =	sdelay $0x1  }
0xf7: {  	v17 =	vld.idx.msk [tilespmem:v6+s13+$0x0], $0xffff  }
0xf8: {  	v12 =	vor.u32 v12, v26  }
0xf9: {  	v19 =	vld.idx.msk [tilespmem:v8+s13+$0x0], $0xffff;
	v18 =	vmul.f32 v15, v15  }
0xfa: {  	v21 =	vld.idx.msk [tilespmem:v10+s13+$0x0], $0xffff;
	v14 =	vor.u32 v14, v26  }
0xfb: {  	v18 =	vadd.f32 v18, v16;
	v16 =	vld [tilespmem:$0x1FF70]  }
0xfc: {  	v20 =	vmul.f32 v17, v17  }
0xfd: {  	v23 =	vld.idx.msk [tilespmem:v12+s13+$0x0], $0xffff  }
0xfe: {  	v20 =	vadd.f32 v20, v18;
	v22 =	vmul.f32 v19, v19;
	v18 =	vld [tilespmem:$0x1FFA0]  }
0xff: {  	v25 =	vld.idx.msk [tilespmem:v14+s13+$0x0], $0xffff  }
0x100: {  	v22 =	vadd.f32 v22, v20;
	v24 =	vmul.f32 v21, v21;
	v20 =	vld [tilespmem:$0x1FFC0];
	v16 =	vor.u32 v16, v26;
	_ =	sdelay $0x1  }
0x101: {  	v24 =	vadd.f32 v24, v22;
	v22 =	vld [tilespmem:$0x1FFD0];
	v29 =	vmul.f32 v23, v23  }
0x102: {  	v18 =	vor.u32 v18, v26  }
0x103: {  	v30 =	vadd.f32 v29, v24;
	v31 =	vmul.f32 v25, v25;
	v24 =	vld [tilespmem:$0x1FFE0]  }
0x104: {  	v20 =	vor.u32 v20, v26;
	v27 =	vld.idx.msk [tilespmem:v16+s13+$0x0], $0xffff  }
0x105: {  	v31 =	vadd.f32 v31, v30;
	v30 =	vld [tilespmem:$0x1FFF0]  }
0x106: {  	v22 =	vor.u32 v22, v26  }
0x107: {  	v28 =	vld.idx.msk [tilespmem:v18+s13+$0x0], $0xffff  }
0x108: {  	v24 =	vor.u32 v24, v26  }
0x109: {  	v29 =	vld.idx.msk [tilespmem:v20+s13+$0x0], $0xffff  }
0x10a: {  	v32 =	vmul.f32 v27, v27;
	v26 =	vor.u32 v30, v26  }
0x10b: {  	v30 =	vld.idx.msk [tilespmem:v22+s13+$0x0], $0xffff  }
0x10c: {  	v32 =	vadd.f32 v32, v31;
	v33 =	vmul.f32 v28, v28  }
0x10d: {  	v31 =	vld.idx.msk [tilespmem:v24+s13+$0x0], $0xffff  }
0x10e: {  	v33 =	vadd.f32 v33, v32;
	v34 =	vmul.f32 v29, v29  }
0x10f: {  	v32 =	vld.idx.msk [tilespmem:v26+s13+$0x0], $0xffff  }
0x110: {  	v33 =	vadd.f32 v34, v33;
	v36 =	vmul.f32 v30, v30;
	_ =	sdelay $0x1  }
0x111: {  	v33 =	vadd.f32 v36, v33;
	v36 =	vmul.f32 v31, v31;
	_ =	sdelay $0x1  }
0x112: {  	v33 =	vadd.f32 v36, v33;
	v36 =	vmul.f32 v32, v32;
	_ =	sdelay $0x1  }
0x113: {  	v33 =	vadd.f32 v36, v33;
	_ =	sdelay $0x1  }
0x114: {  	v34 =	vshra.s32 v33, $0x1;
	v35 =	vmul.f32 $5.000000000e-01, v33  }
0x115: {  	v34 =	vsub.s32 $0x5F3759DF, v34  }
0x116: {  	v36 =	vmul.f32 v34, v35;
	_ =	sdelay $0x1  }
0x117: {  	v36 =	vmul.f32 v34, v36;
	_ =	sdelay $0x1  }
0x118: {  	v36 =	vsub.f32 $1.500000000e+00, v36;
	_ =	sdelay $0x1  }
0x119: {  	v34 =	vmul.f32 v34, v36;
	_ =	sdelay $0x1  }
0x11a: {  	v36 =	vmul.f32 v34, v35;
	_ =	sdelay $0x1  }
0x11b: {  	v36 =	vmul.f32 v36, v34;
	_ =	sdelay $0x1  }
0x11c: {  	v36 =	vsub.f32 $1.500000000e+00, v36;
	_ =	sdelay $0x1  }
0x11d: {  	v34 =	vmul.f32 v36, v34;
	_ =	sdelay $0x1  }
0x11e: {  	v35 =	vmul.f32 v34, v35;
	_ =	sdelay $0x1  }
0x11f: {  	v35 =	vmul.f32 v35, v34;
	_ =	sdelay $0x1  }
0x120: {  	v35 =	vsub.f32 $1.500000000e+00, v35;
	_ =	sdelay $0x1  }
0x121: {  	v34 =	vmul.f32 v35, v34;
	_ =	sdelay $0x1  }
0x122: {  	v33 =	vmul.f32 v34, v33;
	_ =	sdelay $0x1  }
0x123: {  	(xrf0) =	vmax.scan.msk.f32 $0xffff, v33;
	_ =	sdelay $0x5  }
0x124: {  	v36, _, _ =	vpop (xrf0)  }
0x125: {  	(v2sf) =	vpush v36, $0xF;
	_ =	sdelay $0xe  }
0x126: {  	s8 =	spop (v2sf)  }
0x127: {  	p0 =	sgt.f32 s8, $7.000000000e+00  }
.Ltmp4:
0x128: {  	_ = 	snop;
	(pc) =	sbr.rel @!p0 .LBB2_5-.Ltmp4, $1  }
0x129: {  	_ =	sdelay $0x3  }
0x12a: {  	v33 =	vadd.f32 $1.000000010e-07, v33;
	_ =	sdelay $0x1  }
0x12b: {  	(erf) = vrcp.f32 v33;
	_ =	sdelay $0x8  }
0x12c: {  	v36 =	vld [tilespmem:$0x1FDC0];
	v33 =	vpop (erf)  }
0x12d: {  	v33 =	vmul.f32 $7.000000000e+00, v33;
	_ =	sdelay $0x1  }
0x12e: {  	v33 =	vmin.f32 v33, $1.000000000e+00  }
0x12f: {  	v34 =	vmul.f32 v33, v42  }
0x130: {  	v35 =	vmul.f32 v33, v43  }
0x131: {  	v44 =	vmul.f32 v33, v44;
	[tilespmem:v38+s13+$0x0] =	vst.idx.msk $0xffff, v34  }
0x132: {  	[tilespmem:v37+s13+$0x0] =	vst.idx.msk $0xffff, v35  }
0x133: {  	[tilespmem:v36+s13+$0x0] =	vst.idx.msk $0xffff, v44;
	v44 =	vld [tilespmem:$0x1FDD0]  }
0x134: {  	v42 =	vmul.f32 v33, v45;
	v43 =	vmul.f32 v33, v47;
	v47 =	vld [tilespmem:$0x1FDE0]  }
0x135: {  	v45 =	vmul.f32 v33, v49;
	v49 =	vmul.f32 v33, v51;
	v51 =	vld [tilespmem:$0x1FDF0];
	_ =	sdelay $0x5  }
0x136: {  	[tilespmem:v44+s13+$0x0] =	vst.idx.msk $0xffff, v42  }
0x137: {  	[tilespmem:v47+s13+$0x0] =	vst.idx.msk $0xffff, v43  }
0x138: {  	v38 =	vmul.f32 v33, v53;
	[tilespmem:v51+s13+$0x0] =	vst.idx.msk $0xffff, v45  }
0x139: {  	v42 =	vmul.f32 v33, v55;
	[tilespmem:v39+s13+$0x0] =	vst.idx.msk $0xffff, v49  }
0x13a: {  	v43 =	vmul.f32 v33, v57;
	[tilespmem:v40+s13+$0x0] =	vst.idx.msk $0xffff, v38  }
0x13b: {  	v44 =	vmul.f32 v33, v59;
	[tilespmem:v41+s13+$0x0] =	vst.idx.msk $0xffff, v42  }
0x13c: {  	v45 =	vmul.f32 v33, v61;
	[tilespmem:v46+s13+$0x0] =	vst.idx.msk $0xffff, v43  }
0x13d: {  	v46 =	vmul.f32 v33, v63;
	[tilespmem:v48+s13+$0x0] =	vst.idx.msk $0xffff, v44  }
0x13e: {  	v1 =	vmul.f32 v33, v1;
	[tilespmem:v50+s13+$0x0] =	vst.idx.msk $0xffff, v45  }
0x13f: {  	v3 =	vmul.f32 v33, v3;
	[tilespmem:v52+s13+$0x0] =	vst.idx.msk $0xffff, v46  }
0x140: {  	v47 =	vmul.f32 v33, v5;
	[tilespmem:v54+s13+$0x0] =	vst.idx.msk $0xffff, v1  }
0x141: {  	v48 =	vmul.f32 v33, v7;
	[tilespmem:v56+s13+$0x0] =	vst.idx.msk $0xffff, v3  }
0x142: {  	v49 =	vmul.f32 v33, v9;
	[tilespmem:v58+s13+$0x0] =	vst.idx.msk $0xffff, v47  }
0x143: {  	v50 =	vmul.f32 v33, v11;
	[tilespmem:v60+s13+$0x0] =	vst.idx.msk $0xffff, v48  }
0x144: {  	v51 =	vmul.f32 v33, v13;
	[tilespmem:v62+s13+$0x0] =	vst.idx.msk $0xffff, v49  }
0x145: {  	v52 =	vmul.f32 v33, v15;
	[tilespmem:v0+s13+$0x0] =	vst.idx.msk $0xffff, v50  }
0x146: {  	v53 =	vmul.f32 v33, v17;
	[tilespmem:v2+s13+$0x0] =	vst.idx.msk $0xffff, v51  }
0x147: {  	v54 =	vmul.f32 v33, v19;
	[tilespmem:v4+s13+$0x0] =	vst.idx.msk $0xffff, v52  }
0x148: {  	v55 =	vmul.f32 v33, v21;
	[tilespmem:v6+s13+$0x0] =	vst.idx.msk $0xffff, v53  }
0x149: {  	v56 =	vmul.f32 v33, v23;
	[tilespmem:v8+s13+$0x0] =	vst.idx.msk $0xffff, v54  }
0x14a: {  	v57 =	vmul.f32 v33, v25;
	[tilespmem:v10+s13+$0x0] =	vst.idx.msk $0xffff, v55  }
0x14b: {  	v58 =	vmul.f32 v33, v27;
	[tilespmem:v12+s13+$0x0] =	vst.idx.msk $0xffff, v56  }
0x14c: {  	v59 =	vmul.f32 v33, v28;
	[tilespmem:v14+s13+$0x0] =	vst.idx.msk $0xffff, v57  }
0x14d: {  	v60 =	vmul.f32 v33, v29;
	[tilespmem:v16+s13+$0x0] =	vst.idx.msk $0xffff, v58  }
.Ltmp5:
0x14e: {  	v61 =	vmul.f32 v33, v30;
	[tilespmem:v18+s13+$0x0] =	vst.idx.msk $0xffff, v59;
	(pc) =	sbr.rel .LBB2_5-.Ltmp5, $4  }
0x14f: {  	v62 =	vmul.f32 v33, v31;
	[tilespmem:v20+s13+$0x0] =	vst.idx.msk $0xffff, v60  }
0x150: {  	v63 =	vmul.f32 v33, v32;
	[tilespmem:v22+s13+$0x0] =	vst.idx.msk $0xffff, v61  }
0x151: {  	[tilespmem:v24+s13+$0x0] =	vst.idx.msk $0xffff, v62  }
0x152: {  	[tilespmem:v26+s13+$0x0] =	vst.idx.msk $0xffff, v63  }
.LBB2_6:
0x153: {  	s26 =	sshll.u32 s24, $0x5  }
0x154: {  	s8 =	sadd.s32 s4, s26  }
0x155: {  	p0 =	seq.s32 s24, $0xF;
	s8 =	smul.u32 $0xC8, s8  }
0x156: {  	s11 =	sadd.s32 @!p0 s26, s9  }
0x157: {  	s11 =	smul.u32 @!p0 $0x7, s11;
	s8 =	sadd.s32 s0, s8  }
0x158: {  	[hbm4b:s8+s2] =	stream.linear.scatter [tilespmem:s13], [sflag:$0x3], $0x6400, $0x38;
	[tilespmem:$0xCF00] =	vst v63  }
0x159: {  	s8 =	sadd.s32 @!p0 s5, s11;
	s11 =	simm.s32 @!p0 $0x0  }
0x15a: {  	[tilespmem:s11], [sflag:$0x5] =	stream.linear.gather @!p0 [hbm4b:s8+s11], $0x380, $0x38;
	[tilespmem:$0xCF00] =	vst v63  }
0x15b: {  	s8 =	simm.s32 @!p0 $0x5  }
0x15c: {  	_ =	swait.ge @!p0 [sflag:s8], $0x380  }
0x15d: {  	[sflag:s8] =	ssyncset.done @!p0 $0x0  }
0x15e: {  	[sflag:s8] =	ssyncadd.s32 @!p0 $0xFFFFFC80;
	s8 =	simm.s32 @!p0 $0x3  }
0x15f: {  	_ =	swait.ge @!p0 [sflag:s8], $0x6400  }
0x160: {  	[sflag:s8] =	ssyncset.done @!p0 $0x0  }
0x161: {  	s7 =	simm.s32 @!p0 $0x700;
	[sflag:s8] =	ssyncadd.s32 @!p0 $0xFFFF9C00;
	s8 =	simm.s32 @!p0 $0x32  }
0x162: {  	[tilespmem:s7], [sflag:$0x1] =	stream.indirect.gather @!p0 [hbm4b:s6+s8], $0x20, s11, s8, $0xb8;
	[tilespmem:$0xCF00] =	vst v63  }
0x163: {  	s7 =	simm.s32 @!p0 $0x38;
	s11 =	simm.s32 @!p0 $0xD40  }
0x164: {  	[tilespmem:s11], [sflag:$0x1] =	stream.indirect.gather @!p0 [hbm4b:s6+s8], $0x20, s7, s8, $0xb8;
	[tilespmem:$0xCF00] =	vst v63  }
0x165: {  	s7 =	simm.s32 @!p0 $0x70;
	s11 =	simm.s32 @!p0 $0x1380  }
0x166: {  	[tilespmem:s11], [sflag:$0x1] =	stream.indirect.gather @!p0 [hbm4b:s6+s8], $0x20, s7, s8, $0xb8;
	[tilespmem:$0xCF00] =	vst v63  }
0x167: {  	s7 =	simm.s32 @!p0 $0xA8;
	s11 =	simm.s32 @!p0 $0x19C0  }
0x168: {  	[tilespmem:s11], [sflag:$0x1] =	stream.indirect.gather @!p0 [hbm4b:s6+s8], $0x20, s7, s8, $0xb8;
	[tilespmem:$0xCF00] =	vst v63  }
0x169: {  	s7 =	simm.s32 @!p0 $0xE0;
	s11 =	simm.s32 @!p0 $0x2000  }
0x16a: {  	[tilespmem:s11], [sflag:$0x1] =	stream.indirect.gather @!p0 [hbm4b:s6+s8], $0x20, s7, s8, $0xb8;
	[tilespmem:$0xCF00] =	vst v63  }
0x16b: {  	s7 =	simm.s32 @!p0 $0x118;
	s11 =	simm.s32 @!p0 $0x2640  }
0x16c: {  	[tilespmem:s11], [sflag:$0x1] =	stream.indirect.gather @!p0 [hbm4b:s6+s8], $0x20, s7, s8, $0xb8;
	[tilespmem:$0xCF00] =	vst v63  }
0x16d: {  	s7 =	simm.s32 @!p0 $0x150;
	s11 =	simm.s32 @!p0 $0x2C80  }
0x16e: {  	[tilespmem:s11], [sflag:$0x1] =	stream.indirect.gather @!p0 [hbm4b:s6+s8], $0x20, s7, s8, $0xb8;
	[tilespmem:$0xCF00] =	vst v63  }
0x16f: {  	s7 =	simm.s32 @!p0 $0x188;
	s11 =	simm.s32 @!p0 $0x32C0  }
0x170: {  	[tilespmem:s11], [sflag:$0x1] =	stream.indirect.gather @!p0 [hbm4b:s6+s8], $0x20, s7, s8, $0xb8;
	[tilespmem:$0xCF00] =	vst v63  }
0x171: {  	s7 =	simm.s32 @!p0 $0x1C0;
	s11 =	simm.s32 @!p0 $0x3900  }
0x172: {  	[tilespmem:s11], [sflag:$0x1] =	stream.indirect.gather @!p0 [hbm4b:s6+s8], $0x20, s7, s8, $0xb8;
	[tilespmem:$0xCF00] =	vst v63  }
0x173: {  	s7 =	simm.s32 @!p0 $0x1F8;
	s11 =	simm.s32 @!p0 $0x3F40  }
0x174: {  	[tilespmem:s11], [sflag:$0x1] =	stream.indirect.gather @!p0 [hbm4b:s6+s8], $0x20, s7, s8, $0xb8;
	[tilespmem:$0xCF00] =	vst v63  }
0x175: {  	s7 =	simm.s32 @!p0 $0x230;
	s11 =	simm.s32 @!p0 $0x4580  }
0x176: {  	[tilespmem:s11], [sflag:$0x1] =	stream.indirect.gather @!p0 [hbm4b:s6+s8], $0x20, s7, s8, $0xb8;
	[tilespmem:$0xCF00] =	vst v63  }
0x177: {  	s7 =	simm.s32 @!p0 $0x268;
	s11 =	simm.s32 @!p0 $0x4BC0  }
0x178: {  	[tilespmem:s11], [sflag:$0x1] =	stream.indirect.gather @!p0 [hbm4b:s6+s8], $0x20, s7, s8, $0xb8;
	[tilespmem:$0xCF00] =	vst v63  }
0x179: {  	s7 =	simm.s32 @!p0 $0x2A0;
	s11 =	simm.s32 @!p0 $0x5200  }
0x17a: {  	[tilespmem:s11], [sflag:$0x1] =	stream.indirect.gather @!p0 [hbm4b:s6+s8], $0x20, s7, s8, $0xb8;
	[tilespmem:$0xCF00] =	vst v63  }
0x17b: {  	s7 =	simm.s32 @!p0 $0x2D8;
	s11 =	simm.s32 @!p0 $0x5840  }
0x17c: {  	[tilespmem:s11], [sflag:$0x1] =	stream.indirect.gather @!p0 [hbm4b:s6+s8], $0x20, s7, s8, $0xb8;
	[tilespmem:$0xCF00] =	vst v63  }
0x17d: {  	s7 =	simm.s32 @!p0 $0x310;
	s11 =	simm.s32 @!p0 $0x5E80  }
0x17e: {  	[tilespmem:s11], [sflag:$0x1] =	stream.indirect.gather @!p0 [hbm4b:s6+s8], $0x20, s7, s8, $0xb8;
	[tilespmem:$0xCF00] =	vst v63  }
0x17f: {  	s7 =	simm.s32 @!p0 $0x348;
	s11 =	simm.s32 @!p0 $0x64C0  }
0x180: {  	[tilespmem:s11], [sflag:$0x1] =	stream.indirect.gather @!p0 [hbm4b:s6+s8], $0x20, s7, s8, $0xb8;
	[tilespmem:$0xCF00] =	vst v63  }
0x181: {  	_ =	swait.ge [sflag:s22], $0x640  }
0x182: {  	[sflag:s22] =	ssyncset.done $0x0  }
0x183: {  	[sflag:s22] =	ssyncadd.s32 $0xFFFFF9C0  }
0x184: {  	_ =	swait.ge [sflag:s22], $0x640  }
0x185: {  	[sflag:s22] =	ssyncset.done $0x0  }
0x186: {  	[sflag:s22] =	ssyncadd.s32 $0xFFFFF9C0  }
0x187: {  	_ =	swait.ge [sflag:s22], $0x640  }
0x188: {  	[sflag:s22] =	ssyncset.done $0x0  }
0x189: {  	[sflag:s22] =	ssyncadd.s32 $0xFFFFF9C0  }
0x18a: {  	_ =	swait.ge [sflag:s22], $0x640  }
0x18b: {  	[sflag:s22] =	ssyncset.done $0x0  }
0x18c: {  	[sflag:s22] =	ssyncadd.s32 $0xFFFFF9C0  }
0x18d: {  	_ =	swait.ge [sflag:s22], $0x640  }
0x18e: {  	[sflag:s22] =	ssyncset.done $0x0  }
0x18f: {  	[sflag:s22] =	ssyncadd.s32 $0xFFFFF9C0  }
0x190: {  	_ =	swait.ge [sflag:s22], $0x640  }
0x191: {  	[sflag:s22] =	ssyncset.done $0x0  }
0x192: {  	[sflag:s22] =	ssyncadd.s32 $0xFFFFF9C0  }
0x193: {  	_ =	swait.ge [sflag:s22], $0x640  }
0x194: {  	[sflag:s22] =	ssyncset.done $0x0  }
0x195: {  	[sflag:s22] =	ssyncadd.s32 $0xFFFFF9C0  }
0x196: {  	_ =	swait.ge [sflag:s22], $0x640  }
0x197: {  	[sflag:s22] =	ssyncset.done $0x0  }
0x198: {  	[sflag:s22] =	ssyncadd.s32 $0xFFFFF9C0  }
0x199: {  	_ =	swait.ge [sflag:s22], $0x640  }
0x19a: {  	[sflag:s22] =	ssyncset.done $0x0  }
0x19b: {  	[sflag:s22] =	ssyncadd.s32 $0xFFFFF9C0  }
0x19c: {  	_ =	swait.ge [sflag:s22], $0x640  }
0x19d: {  	[sflag:s22] =	ssyncset.done $0x0  }
0x19e: {  	[sflag:s22] =	ssyncadd.s32 $0xFFFFF9C0  }
0x19f: {  	_ =	swait.ge [sflag:s22], $0x640  }
0x1a0: {  	[sflag:s22] =	ssyncset.done $0x0  }
0x1a1: {  	[sflag:s22] =	ssyncadd.s32 $0xFFFFF9C0  }
0x1a2: {  	_ =	swait.ge [sflag:s22], $0x640  }
0x1a3: {  	[sflag:s22] =	ssyncset.done $0x0  }
0x1a4: {  	[sflag:s22] =	ssyncadd.s32 $0xFFFFF9C0  }
0x1a5: {  	_ =	swait.ge [sflag:s22], $0x640  }
0x1a6: {  	[sflag:s22] =	ssyncset.done $0x0  }
0x1a7: {  	[sflag:s22] =	ssyncadd.s32 $0xFFFFF9C0  }
0x1a8: {  	_ =	swait.ge [sflag:s22], $0x640  }
0x1a9: {  	[sflag:s22] =	ssyncset.done $0x0  }
0x1aa: {  	[sflag:s22] =	ssyncadd.s32 $0xFFFFF9C0  }
0x1ab: {  	_ =	swait.ge [sflag:s22], $0x640  }
.Ltmp6:
0x1ac: {  	[sflag:s22] =	ssyncset.done $0x0;
	(pc) =	sbr.rel .LBB2_7-.Ltmp6, $4  }
0x1ad: {  	[sflag:s22] =	ssyncadd.s32 $0xFFFFF9C0  }
0x1ae: {  	_ =	swait.ge [sflag:s22], $0x640  }
0x1af: {  	[sflag:s22] =	ssyncset.done $0x0  }
0x1b0: {  	s8 =	simm.s32 $0x0;
	[sflag:s22] =	ssyncadd.s32 $0xFFFFF9C0  }
.LBB2_9:
0x1b1: {  	s8 =	sadd.s32 $0x10, s8  }
0x1b2: {  	p1 =	sne.s32 s8, $0x320  }
.Ltmp7:
0x1b3: {  	_ = 	snop;
	(pc) =	sbr.rel @!p1 .LBB2_10-.Ltmp7, $1  }
0x1b4: {  	_ =	sdelay $0x3  }
.LBB2_7:
0x1b5: {  	v1 =	vld [tilespmem:$0x1FE00];
	_ =	sdelay $0x2  }
0x1b6: {  	v0 =	vmov s8  }
0x1b7: {  	v0 =	vshll.u32 v0, $0x5  }
0x1b8: {  	v26 =	vor.u32 v1, v0;
	v0 =	vlaneseq.u32  }
0x1b9: {  	v38 =	vor.u32 v0, v26;
	v0 =	vld [tilespmem:$0x1FE10];
	_ =	sdelay $0x4  }
0x1ba: {  	v37 =	vor.u32 v0, v26;
	v0 =	vld [tilespmem:$0x1FE20];
	_ =	sdelay $0x4  }
0x1bb: {  	v1 =	vor.u32 v0, v26;
	v0 =	vld [tilespmem:$0x1FE30];
	_ =	sdelay $0x4  }
0x1bc: {  	v2 =	vor.u32 v0, v26;
	_ =	sdelay $0x4  }
0x1bd: {  	v45 =	vld.idx.msk [tilespmem:v2+s29+$0x0], $0xffff  }
0x1be: {  	[tilespmem:$0x1FD90] =	vst v2;
	v2 =	vld [tilespmem:$0x1FE60];
	_ =	sdelay $0x4  }
0x1bf: {  	v39 =	vor.u32 v2, v26;
	v2 =	vld [tilespmem:$0x1FE70];
	_ =	sdelay $0x4  }
0x1c0: {  	v40 =	vor.u32 v2, v26;
	v2 =	vld [tilespmem:$0x1FE80];
	_ =	sdelay $0x1  }
0x1c1: {  	v0 =	vld [tilespmem:$0x1FE40];
	_ =	sdelay $0x2  }
0x1c2: {  	v41 =	vor.u32 v2, v26;
	v2 =	vld [tilespmem:$0x1FE90];
	_ =	sdelay $0x1  }
0x1c3: {  	v3 =	vor.u32 v0, v26;
	v0 =	vld [tilespmem:$0x1FE50]  }
0x1c4: {  	v42 =	vld.idx.msk [tilespmem:v38+s29+$0x0], $0xffff  }
0x1c5: {  	v43 =	vld.idx.msk [tilespmem:v37+s29+$0x0], $0xffff  }
0x1c6: {  	v46 =	vor.u32 v2, v26;
	v2 =	vld [tilespmem:$0x1FEA0]  }
0x1c7: {  	v44 =	vld.idx.msk [tilespmem:v1+s29+$0x0], $0xffff  }
0x1c8: {  	v4 =	vor.u32 v0, v26;
	_ =	sdelay $0x1  }
0x1c9: {  	[tilespmem:$0x1FD80] =	vst v1;
	v1 =	vmul.f32 v43, v43;
	v0 =	vmul.f32 v42, v42;
	v47 =	vld.idx.msk [tilespmem:v3+s29+$0x0], $0xffff  }
0x1ca: {  	v48 =	vor.u32 v2, v26;
	v2 =	vld [tilespmem:$0x1FEB0]  }
0x1cb: {  	v0 =	vadd.f32 v1, v0;
	v1 =	vmul.f32 v44, v44  }
0x1cc: {  	v49 =	vld.idx.msk [tilespmem:v4+s29+$0x0], $0xffff  }
0x1cd: {  	v0 =	vadd.f32 v1, v0;
	v1 =	vmul.f32 v45, v45  }
0x1ce: {  	v51 =	vld.idx.msk [tilespmem:v39+s29+$0x0], $0xffff  }
0x1cf: {  	v0 =	vadd.f32 v1, v0;
	v1 =	vmul.f32 v47, v47;
	v50 =	vor.u32 v2, v26;
	v2 =	vld [tilespmem:$0x1FEC0]  }
0x1d0: {  	v53 =	vld.idx.msk [tilespmem:v40+s29+$0x0], $0xffff  }
0x1d1: {  	v0 =	vadd.f32 v1, v0;
	v1 =	vmul.f32 v49, v49  }
0x1d2: {  	v55 =	vld.idx.msk [tilespmem:v41+s29+$0x0], $0xffff  }
0x1d3: {  	v0 =	vadd.f32 v1, v0;
	v1 =	vmul.f32 v51, v51;
	v57 =	vld.idx.msk [tilespmem:v46+s29+$0x0], $0xffff  }
0x1d4: {  	v52 =	vor.u32 v2, v26;
	v2 =	vld [tilespmem:$0x1FED0]  }
0x1d5: {  	v0 =	vadd.f32 v1, v0;
	v1 =	vmul.f32 v53, v53;
	_ =	sdelay $0x1  }
0x1d6: {  	v0 =	vadd.f32 v1, v0;
	v1 =	vmul.f32 v55, v55  }
0x1d7: {  	v59 =	vld.idx.msk [tilespmem:v48+s29+$0x0], $0xffff  }
0x1d8: {  	v1 =	vadd.f32 v1, v0;
	v0 =	vld [tilespmem:$0x1FEE0];
	v54 =	vor.u32 v2, v26;
	v2 =	vmul.f32 v57, v57;
	_ =	sdelay $0x1  }
0x1d9: {  	v2 =	vadd.f32 v2, v1;
	v1 =	vld [tilespmem:$0x1FF80]  }
0x1da: {  	v61 =	vld.idx.msk [tilespmem:v50+s29+$0x0], $0xffff  }
0x1db: {  	[tilespmem:$0x1FDA0] =	vst v3;
	v3 =	vmul.f32 v59, v59  }
0x1dc: {  	v56 =	vor.u32 v0, v26;
	v0 =	vld.idx.msk [tilespmem:v52+s29+$0x0], $0xffff  }
0x1dd: {  	v2 =	vadd.f32 v3, v2;
	v3 =	vld [tilespmem:$0x1FFB0]  }
0x1de: {  	v58 =	vor.u32 v1, v26;
	v1 =	vld.idx.msk [tilespmem:v54+s29+$0x0], $0xffff  }
0x1df: {  	[tilespmem:$0x1FDB0] =	vst v4;
	v4 =	vmul.f32 v61, v61  }
0x1e0: {  	v5 =	vld [tilespmem:$0x1FEF0]  }
0x1e1: {  	v2 =	vadd.f32 v4, v2;
	v4 =	vmul.f32 v0, v0;
	_ =	sdelay $0x1  }
0x1e2: {  	v6 =	vld [tilespmem:$0x1FF00];
	v2 =	vadd.f32 v4, v2;
	v60 =	vor.u32 v3, v26;
	v4 =	vmul.f32 v1, v1  }
0x1e3: {  	v3 =	vld.idx.msk [tilespmem:v56+s29+$0x0], $0xffff  }
0x1e4: {  	v62 =	vor.u32 v5, v26;
	v4 =	vadd.f32 v4, v2;
	v2 =	vld [tilespmem:$0x1FF90]  }
0x1e5: {  	v5 =	vld.idx.msk [tilespmem:v58+s29+$0x0], $0xffff;
	_ =	sdelay $0x1  }
0x1e6: {  	v63 =	vor.u32 v6, v26;
	v7 =	vld.idx.msk [tilespmem:v60+s29+$0x0], $0xffff  }
0x1e7: {  	v6 =	vmul.f32 v3, v3  }
0x1e8: {  	v9 =	vld.idx.msk [tilespmem:v62+s29+$0x0], $0xffff;
	v2 =	vor.u32 v2, v26  }
0x1e9: {  	v6 =	vadd.f32 v6, v4;
	v4 =	vld [tilespmem:$0x1FF10];
	v8 =	vmul.f32 v5, v5;
	_ =	sdelay $0x1  }
0x1ea: {  	v11 =	vld.idx.msk [tilespmem:v63+s29+$0x0], $0xffff;
	v8 =	vadd.f32 v8, v6;
	v10 =	vmul.f32 v7, v7  }
0x1eb: {  	v6 =	vld [tilespmem:$0x1FF20]  }
0x1ec: {  	v12 =	vmul.f32 v9, v9;
	v10 =	vadd.f32 v10, v8;
	v13 =	vld.idx.msk [tilespmem:v2+s29+$0x0], $0xffff  }
0x1ed: {  	v4 =	vor.u32 v4, v26;
	v8 =	vld [tilespmem:$0x1FF30]  }
0x1ee: {  	v12 =	vadd.f32 v12, v10;
	v10 =	vld [tilespmem:$0x1FF40]  }
0x1ef: {  	v14 =	vmul.f32 v11, v11  }
0x1f0: {  	v6 =	vor.u32 v6, v26  }
0x1f1: {  	v14 =	vadd.f32 v14, v12;
	v12 =	vld [tilespmem:$0x1FF50];
	v16 =	vmul.f32 v13, v13  }
0x1f2: {  	v8 =	vor.u32 v8, v26;
	v15 =	vld.idx.msk [tilespmem:v4+s29+$0x0], $0xffff  }
0x1f3: {  	v10 =	vor.u32 v10, v26;
	v16 =	vadd.f32 v16, v14;
	v14 =	vld [tilespmem:$0x1FF60];
	_ =	sdelay $0x1  }
0x1f4: {  	v17 =	vld.idx.msk [tilespmem:v6+s29+$0x0], $0xffff  }
0x1f5: {  	v12 =	vor.u32 v12, v26  }
0x1f6: {  	v19 =	vld.idx.msk [tilespmem:v8+s29+$0x0], $0xffff;
	v18 =	vmul.f32 v15, v15  }
0x1f7: {  	v21 =	vld.idx.msk [tilespmem:v10+s29+$0x0], $0xffff;
	v14 =	vor.u32 v14, v26  }
0x1f8: {  	v18 =	vadd.f32 v18, v16;
	v16 =	vld [tilespmem:$0x1FF70]  }
0x1f9: {  	v20 =	vmul.f32 v17, v17  }
0x1fa: {  	v23 =	vld.idx.msk [tilespmem:v12+s29+$0x0], $0xffff  }
0x1fb: {  	v20 =	vadd.f32 v20, v18;
	v22 =	vmul.f32 v19, v19;
	v18 =	vld [tilespmem:$0x1FFA0]  }
0x1fc: {  	v25 =	vld.idx.msk [tilespmem:v14+s29+$0x0], $0xffff  }
0x1fd: {  	v16 =	vor.u32 v16, v26;
	v22 =	vadd.f32 v22, v20;
	v24 =	vmul.f32 v21, v21;
	v20 =	vld [tilespmem:$0x1FFC0];
	_ =	sdelay $0x1  }
0x1fe: {  	v24 =	vadd.f32 v24, v22;
	v29 =	vmul.f32 v23, v23;
	v22 =	vld [tilespmem:$0x1FFD0]  }
0x1ff: {  	v18 =	vor.u32 v18, v26  }
0x200: {  	v30 =	vadd.f32 v29, v24;
	v24 =	vld [tilespmem:$0x1FFE0];
	v31 =	vmul.f32 v25, v25  }
0x201: {  	v20 =	vor.u32 v20, v26;
	v27 =	vld.idx.msk [tilespmem:v16+s29+$0x0], $0xffff  }
0x202: {  	v31 =	vadd.f32 v31, v30;
	v30 =	vld [tilespmem:$0x1FFF0]  }
0x203: {  	v22 =	vor.u32 v22, v26  }
0x204: {  	v28 =	vld.idx.msk [tilespmem:v18+s29+$0x0], $0xffff  }
0x205: {  	v24 =	vor.u32 v24, v26  }
0x206: {  	v29 =	vld.idx.msk [tilespmem:v20+s29+$0x0], $0xffff  }
0x207: {  	v32 =	vmul.f32 v27, v27;
	v26 =	vor.u32 v30, v26  }
0x208: {  	v30 =	vld.idx.msk [tilespmem:v22+s29+$0x0], $0xffff  }
0x209: {  	v32 =	vadd.f32 v32, v31;
	v33 =	vmul.f32 v28, v28  }
0x20a: {  	v31 =	vld.idx.msk [tilespmem:v24+s29+$0x0], $0xffff  }
0x20b: {  	v33 =	vadd.f32 v33, v32;
	v34 =	vmul.f32 v29, v29  }
0x20c: {  	v32 =	vld.idx.msk [tilespmem:v26+s29+$0x0], $0xffff  }
0x20d: {  	v33 =	vadd.f32 v34, v33;
	v36 =	vmul.f32 v30, v30;
	_ =	sdelay $0x1  }
0x20e: {  	v33 =	vadd.f32 v36, v33;
	v36 =	vmul.f32 v31, v31;
	_ =	sdelay $0x1  }
0x20f: {  	v33 =	vadd.f32 v36, v33;
	v36 =	vmul.f32 v32, v32;
	_ =	sdelay $0x1  }
0x210: {  	v33 =	vadd.f32 v36, v33;
	_ =	sdelay $0x1  }
0x211: {  	v34 =	vshra.s32 v33, $0x1;
	v35 =	vmul.f32 $5.000000000e-01, v33  }
0x212: {  	v34 =	vsub.s32 $0x5F3759DF, v34  }
0x213: {  	v36 =	vmul.f32 v34, v35;
	_ =	sdelay $0x1  }
0x214: {  	v36 =	vmul.f32 v34, v36;
	_ =	sdelay $0x1  }
0x215: {  	v36 =	vsub.f32 $1.500000000e+00, v36;
	_ =	sdelay $0x1  }
0x216: {  	v34 =	vmul.f32 v34, v36;
	_ =	sdelay $0x1  }
0x217: {  	v36 =	vmul.f32 v34, v35;
	_ =	sdelay $0x1  }
0x218: {  	v36 =	vmul.f32 v36, v34;
	_ =	sdelay $0x1  }
0x219: {  	v36 =	vsub.f32 $1.500000000e+00, v36;
	_ =	sdelay $0x1  }
0x21a: {  	v34 =	vmul.f32 v36, v34;
	_ =	sdelay $0x1  }
0x21b: {  	v35 =	vmul.f32 v34, v35;
	_ =	sdelay $0x1  }
0x21c: {  	v35 =	vmul.f32 v35, v34;
	_ =	sdelay $0x1  }
0x21d: {  	v35 =	vsub.f32 $1.500000000e+00, v35;
	_ =	sdelay $0x1  }
0x21e: {  	v34 =	vmul.f32 v35, v34;
	_ =	sdelay $0x1  }
0x21f: {  	v33 =	vmul.f32 v34, v33;
	_ =	sdelay $0x1  }
0x220: {  	(xrf0) =	vmax.scan.msk.f32 $0xffff, v33;
	_ =	sdelay $0x5  }
0x221: {  	v36, _, _ =	vpop (xrf0)  }
0x222: {  	(v2sf) =	vpush v36, $0xF;
	_ =	sdelay $0xe  }
0x223: {  	s7 =	spop (v2sf)  }
0x224: {  	p1 =	sgt.f32 s7, $7.000000000e+00  }
.Ltmp8:
0x225: {  	_ = 	snop;
	(pc) =	sbr.rel @!p1 .LBB2_9-.Ltmp8, $1  }
0x226: {  	_ =	sdelay $0x3  }
0x227: {  	v33 =	vadd.f32 $1.000000010e-07, v33;
	_ =	sdelay $0x1  }
0x228: {  	(erf) = vrcp.f32 v33;
	_ =	sdelay $0x8  }
0x229: {  	v36 =	vld [tilespmem:$0x1FD80];
	v33 =	vpop (erf)  }
0x22a: {  	v33 =	vmul.f32 $7.000000000e+00, v33;
	_ =	sdelay $0x1  }
0x22b: {  	v33 =	vmin.f32 v33, $1.000000000e+00  }
0x22c: {  	v34 =	vmul.f32 v33, v42  }
0x22d: {  	v35 =	vmul.f32 v33, v43  }
0x22e: {  	v44 =	vmul.f32 v33, v44;
	[tilespmem:v38+s29+$0x0] =	vst.idx.msk $0xffff, v34  }
0x22f: {  	[tilespmem:v37+s29+$0x0] =	vst.idx.msk $0xffff, v35  }
0x230: {  	[tilespmem:v36+s29+$0x0] =	vst.idx.msk $0xffff, v44;
	v44 =	vld [tilespmem:$0x1FD90]  }
0x231: {  	v42 =	vmul.f32 v33, v45;
	v43 =	vmul.f32 v33, v47;
	v47 =	vld [tilespmem:$0x1FDA0]  }
0x232: {  	v45 =	vmul.f32 v33, v49;
	v49 =	vmul.f32 v33, v51;
	v51 =	vld [tilespmem:$0x1FDB0];
	_ =	sdelay $0x5  }
0x233: {  	[tilespmem:v44+s29+$0x0] =	vst.idx.msk $0xffff, v42  }
0x234: {  	[tilespmem:v47+s29+$0x0] =	vst.idx.msk $0xffff, v43  }
0x235: {  	v38 =	vmul.f32 v33, v53;
	[tilespmem:v51+s29+$0x0] =	vst.idx.msk $0xffff, v45  }
0x236: {  	v42 =	vmul.f32 v33, v55;
	[tilespmem:v39+s29+$0x0] =	vst.idx.msk $0xffff, v49  }
0x237: {  	v43 =	vmul.f32 v33, v57;
	[tilespmem:v40+s29+$0x0] =	vst.idx.msk $0xffff, v38  }
0x238: {  	v44 =	vmul.f32 v33, v59;
	[tilespmem:v41+s29+$0x0] =	vst.idx.msk $0xffff, v42  }
0x239: {  	v45 =	vmul.f32 v33, v61;
	[tilespmem:v46+s29+$0x0] =	vst.idx.msk $0xffff, v43  }
0x23a: {  	v0 =	vmul.f32 v33, v0;
	[tilespmem:v48+s29+$0x0] =	vst.idx.msk $0xffff, v44  }
0x23b: {  	v1 =	vmul.f32 v33, v1;
	[tilespmem:v50+s29+$0x0] =	vst.idx.msk $0xffff, v45  }
0x23c: {  	v46 =	vmul.f32 v33, v3;
	[tilespmem:v52+s29+$0x0] =	vst.idx.msk $0xffff, v0  }
0x23d: {  	v47 =	vmul.f32 v33, v5;
	[tilespmem:v54+s29+$0x0] =	vst.idx.msk $0xffff, v1  }
0x23e: {  	v48 =	vmul.f32 v33, v7;
	[tilespmem:v56+s29+$0x0] =	vst.idx.msk $0xffff, v46  }
0x23f: {  	v49 =	vmul.f32 v33, v9;
	[tilespmem:v58+s29+$0x0] =	vst.idx.msk $0xffff, v47  }
0x240: {  	v50 =	vmul.f32 v33, v11;
	[tilespmem:v60+s29+$0x0] =	vst.idx.msk $0xffff, v48  }
0x241: {  	v51 =	vmul.f32 v33, v13;
	[tilespmem:v62+s29+$0x0] =	vst.idx.msk $0xffff, v49  }
0x242: {  	v52 =	vmul.f32 v33, v15;
	[tilespmem:v63+s29+$0x0] =	vst.idx.msk $0xffff, v50  }
0x243: {  	v53 =	vmul.f32 v33, v17;
	[tilespmem:v2+s29+$0x0] =	vst.idx.msk $0xffff, v51  }
0x244: {  	v54 =	vmul.f32 v33, v19;
	[tilespmem:v4+s29+$0x0] =	vst.idx.msk $0xffff, v52  }
0x245: {  	v55 =	vmul.f32 v33, v21;
	[tilespmem:v6+s29+$0x0] =	vst.idx.msk $0xffff, v53  }
0x246: {  	v56 =	vmul.f32 v33, v23;
	[tilespmem:v8+s29+$0x0] =	vst.idx.msk $0xffff, v54  }
0x247: {  	v57 =	vmul.f32 v33, v25;
	[tilespmem:v10+s29+$0x0] =	vst.idx.msk $0xffff, v55  }
0x248: {  	v58 =	vmul.f32 v33, v27;
	[tilespmem:v12+s29+$0x0] =	vst.idx.msk $0xffff, v56  }
0x249: {  	v59 =	vmul.f32 v33, v28;
	[tilespmem:v14+s29+$0x0] =	vst.idx.msk $0xffff, v57  }
0x24a: {  	v60 =	vmul.f32 v33, v29;
	[tilespmem:v16+s29+$0x0] =	vst.idx.msk $0xffff, v58  }
.Ltmp9:
0x24b: {  	v61 =	vmul.f32 v33, v30;
	[tilespmem:v18+s29+$0x0] =	vst.idx.msk $0xffff, v59;
	(pc) =	sbr.rel .LBB2_9-.Ltmp9, $4  }
0x24c: {  	v62 =	vmul.f32 v33, v31;
	[tilespmem:v20+s29+$0x0] =	vst.idx.msk $0xffff, v60  }
0x24d: {  	v63 =	vmul.f32 v33, v32;
	[tilespmem:v22+s29+$0x0] =	vst.idx.msk $0xffff, v61  }
0x24e: {  	[tilespmem:v24+s29+$0x0] =	vst.idx.msk $0xffff, v62  }
0x24f: {  	[tilespmem:v26+s29+$0x0] =	vst.idx.msk $0xffff, v63  }
.LBB2_10:
0x250: {  	s7 =	sadd.s32 s26, s4  }
0x251: {  	s7 =	smul.u32 $0xC8, s7  }
.Ltmp10:
0x252: {  	_ = 	snop;
	(pc) =	sbr.rel @p0 .LBB2_12-.Ltmp10, $4  }
0x253: {  	_ = 	snop  }
0x254: {  	s7 =	sadd.s32 s0, s7  }
0x255: {  	s7 =	sadd.s32 $0xC80, s7  }
0x256: {  	[hbm4b:s7+s2] =	stream.linear.scatter [tilespmem:s29], [sflag:$0x4], $0x6400, $0x38;
	[tilespmem:$0xCF00] =	vst v63  }
0x257: {  	s7 =	sadd.s32 s26, s10  }
0x258: {  	s7 =	smul.u32 $0x7, s7;
	_ =	sdelay $0x1  }
0x259: {  	s7 =	sadd.s32 s5, s7  }
0x25a: {  	[tilespmem:s28], [sflag:$0x5] =	stream.linear.gather [hbm4b:s7+s2], $0x380, $0x38;
	[tilespmem:$0xCF00] =	vst v63  }
0x25b: {  	_ =	swait.ge [sflag:s25], $0x380  }
0x25c: {  	[sflag:s25] =	ssyncset.done $0x0  }
0x25d: {  	[sflag:s25] =	ssyncadd.s32 $0xFFFFFC80  }
0x25e: {  	_ =	swait.ge [sflag:s23], $0x6400  }
0x25f: {  	[sflag:s23] =	ssyncset.done $0x0  }
0x260: {  	[sflag:s23] =	ssyncadd.s32 $0xFFFF9C00  }
0x261: {  	[tilespmem:s29], [sflag:$0x2] =	stream.indirect.gather [hbm4b:s6+s12], $0x20, s28, s12, $0xb8;
	[tilespmem:$0xCF00] =	vst v63  }
0x262: {  	s26 =	simm.s32 $0x3B8;
	s8 =	simm.s32 $0x7140  }
0x263: {  	[tilespmem:s8], [sflag:$0x2] =	stream.indirect.gather [hbm4b:s6+s12], $0x20, s26, s12, $0xb8;
	[tilespmem:$0xCF00] =	vst v63  }
0x264: {  	s11 =	simm.s32 $0x3F0;
	s26 =	simm.s32 $0x7780  }
0x265: {  	[tilespmem:s26], [sflag:$0x2] =	stream.indirect.gather [hbm4b:s6+s12], $0x20, s11, s12, $0xb8;
	[tilespmem:$0xCF00] =	vst v63  }
0x266: {  	s11 =	simm.s32 $0x428;
	s26 =	simm.s32 $0x7DC0  }
0x267: {  	[tilespmem:s26], [sflag:$0x2] =	stream.indirect.gather [hbm4b:s6+s12], $0x20, s11, s12, $0xb8;
	[tilespmem:$0xCF00] =	vst v63  }
0x268: {  	s11 =	simm.s32 $0x460;
	s26 =	simm.s32 $0x8400  }
0x269: {  	[tilespmem:s26], [sflag:$0x2] =	stream.indirect.gather [hbm4b:s6+s12], $0x20, s11, s12, $0xb8;
	[tilespmem:$0xCF00] =	vst v63  }
0x26a: {  	s11 =	simm.s32 $0x498;
	s26 =	simm.s32 $0x8A40  }
0x26b: {  	[tilespmem:s26], [sflag:$0x2] =	stream.indirect.gather [hbm4b:s6+s12], $0x20, s11, s12, $0xb8;
	[tilespmem:$0xCF00] =	vst v63  }
0x26c: {  	s11 =	simm.s32 $0x4D0;
	s26 =	simm.s32 $0x9080  }
0x26d: {  	[tilespmem:s26], [sflag:$0x2] =	stream.indirect.gather [hbm4b:s6+s12], $0x20, s11, s12, $0xb8;
	[tilespmem:$0xCF00] =	vst v63  }
0x26e: {  	s11 =	simm.s32 $0x508;
	s26 =	simm.s32 $0x96C0  }
0x26f: {  	[tilespmem:s26], [sflag:$0x2] =	stream.indirect.gather [hbm4b:s6+s12], $0x20, s11, s12, $0xb8;
	[tilespmem:$0xCF00] =	vst v63  }
0x270: {  	s11 =	simm.s32 $0x540;
	s26 =	simm.s32 $0x9D00  }
0x271: {  	[tilespmem:s26], [sflag:$0x2] =	stream.indirect.gather [hbm4b:s6+s12], $0x20, s11, s12, $0xb8;
	[tilespmem:$0xCF00] =	vst v63  }
0x272: {  	s8 =	simm.s32 $0x578;
	s11 =	simm.s32 $0xA340  }
0x273: {  	[tilespmem:s11], [sflag:$0x2] =	stream.indirect.gather [hbm4b:s6+s12], $0x20, s8, s12, $0xb8;
	[tilespmem:$0xCF00] =	vst v63  }
0x274: {  	s26 =	simm.s32 $0x5B0  }
0x275: {  	[tilespmem:s30], [sflag:$0x2] =	stream.indirect.gather [hbm4b:s6+s12], $0x20, s26, s12, $0xb8;
	[tilespmem:$0xCF00] =	vst v63  }
0x276: {  	_ = 	snop  }
0x277: {  	[tilespmem:s3], [sflag:$0x2] =	stream.indirect.gather [hbm4b:s6+s12], $0x20, s31, s12, $0xb8;
	[tilespmem:$0xCF00] =	vst v63  }
0x278: {  	_ = 	snop  }
0x279: {  	[tilespmem:s14], [sflag:$0x2] =	stream.indirect.gather [hbm4b:s6+s12], $0x20, s1, s12, $0xb8;
	[tilespmem:$0xCF00] =	vst v63  }
0x27a: {  	_ = 	snop  }
0x27b: {  	[tilespmem:s16], [sflag:$0x2] =	stream.indirect.gather [hbm4b:s6+s12], $0x20, s15, s12, $0xb8;
	[tilespmem:$0xCF00] =	vst v63  }
.Ltmp11:
0x27c: {  	_ = 	snop;
	(pc) =	sbr.rel .LBB2_2-.Ltmp11, $4  }
0x27d: {  	_ = 	snop  }
0x27e: {  	[tilespmem:s18], [sflag:$0x2] =	stream.indirect.gather [hbm4b:s6+s12], $0x20, s17, s12, $0xb8;
	[tilespmem:$0xCF00] =	vst v63  }
0x27f: {  	s24 =	sadd.s32 $0x1, s24  }
0x280: {  	[tilespmem:s20], [sflag:$0x2] =	stream.indirect.gather [hbm4b:s6+s12], $0x20, s19, s12, $0xb8;
	[tilespmem:$0xCF00] =	vst v63  }
.LBB2_13:
0x281: {  	_ =	sfence.sel $0x180000  }
0x282: {  	[bflag:$0x0] =	sbarrier.arrive $0xFFFF  }
0x283: {  	_ =	strace $0x90000047  }
0x284: {  	s0 =	stileid.u32;
	[bflag:$0x2] =	sbarrier.arrive $0xFFFF  }
0x285: {  	p0 =	sne.s32 s0, $0x0;
	s0 =	rddreg [dreg:$0x2]  }
0x286: {  	s0 =	sadd.s32 @!p0 $0x100000, s0  }
0x287: {  	[sflag:s0] =	ssyncadd.tile.s32 @!p0 $0x1;
	_ =	shalt  }
.Lfunc_end2:
_tile_overlayer_lowered:
.L_overlay_start_2:
0x288: {  	(tag) =	ssettag $0x2  }
0x289: {  	s0 =	rddreg [dreg:$0x0];
	s2 =	stileid.u32  }
0x28a: {  	s1 =	rddreg [dreg:$0x1];
	p0 =	sne.s32 s2, $0x0  }
0x28b: {  	s3 =	rddreg [dreg:$0x2];
	[bflag:$0x3] =	sbarrier.arrive $0xFFFF;
	s2 =	simm.s32 @!p0 $0x1C05  }
0x28c: {  	[timem:s3], [sflag:s2] =	dma.local @!p0 [hbm:s0], s1  }
0x28d: {  	s0 =	simm.s32 @!p0 $0x5  }
0x28e: {  	_ =	swait.ge @!p0 [sflag:s0], s1  }
0x28f: {  	s1 =	ssub.s32 @!p0 $0x0, s1;
	[sflag:s0] =	ssyncset.done @!p0 $0x0  }
0x290: {  	[sflag:s0] =	ssyncadd.s32 @!p0 s1  }
0x291: {  	[bflag:$0x3] =	sbarrier.arrive $0xFFFF  }
0x292: {  	_ =	shalt  }

// kernel: sparse-core-data-format-call.cloned.1.call-start
scs
called_computation_lowered:
.L_overlay_start_0:
0x0: {  	s2 =	sld [smem:$0x3FD9]  }
0x1: {  	s3 =	sld [smem:$0x3FFE];
	_ =	sdelay $0x1  }
0x2: {  	s1 =	srdreg.scid  }
0x3: {  	s0 =	sand.u32 $0x1, s1  }
0x4: {  	s18 =	sshll.u32 s0, $0xA;
	s2 =	sadd.s32 s3, s2  }
0x5: {  	s2 =	sadd.s32 s2, s18  }
0x6: {  	[smem:$0x3FC6] =	sst s2  }
0x7: {  	_ = 	snop  }
0x8: {  	s2 =	sld [smem:$0x3FD0];
	(tm) =	ssettm $0x1  }
0x9: {  	s19 =	sld [smem:$0x3FFB];
	_ =	sdelay $0x3  }
0xa: {  	_ =	strace s19  }
0xb: {  	s3 =	sld [smem:$0x3FFC];
	_ =	sdelay $0x3  }
0xc: {  	_ =	strace s3  }
0xd: {  	s3 =	sld [smem:$0x3FFD];
	_ =	sdelay $0x3  }
0xe: {  	_ =	strace s3  }
0xf: {  	_ =	strace $0x8FFFFFFF  }
0x10: {  	s20 =	sld [smem:$0x3FDB];
	_ =	sdelay $0x1  }
0x11: {  	s4 =	simm.s32 $_scs_section_size  }
0x12: {  	s5 =	simm.s32 $_size__tile_overlayer_lowered;
	s6 =	simm.s32 $_tile_overlayer_lowered  }
0x13: {  	s23 =	simm.s32 $0x1BFF;
	s22 =	sshll.u32 s6, $0x1;
	s3 =	sadd.s32 s4, s20  }
0x14: {  	s7 =	simm.s32 $0x0;
	s21 =	sshll.u32 s5, $0x1;
	s5 =	sadd.s32 s22, s3  }
0x15: {  	[timem:s7], [sflag:s23] =	dma.local [hbm:s5], s21  }
0x16: {  	_ =	swait.ge [sflag:s23], s21  }
0x17: {  	s4 =	ssub.s32 $0x0, s21;
	[sflag:s23] =	ssyncset.done $0x0  }
0x18: {  	[sflag:s23] =	ssyncadd.s32 s4;
	_ =	sdelay $0x1  }
0x19: {  	s24 =	simm.s32 $0x1B8B  }
0x1a: {  	_ =	swait.ge [sflag:s24], $0x1  }
0x1b: {  	[sflag:s24] =	ssyncset.done $0x0  }
0x1c: {  	s26 =	simm.s32 $0x1B8E;
	s25 =	sld [smem:$0x3FFE];
	[sflag:s24] =	ssyncadd.s32 $0xFFFFFFFF  }
0x1d: {  	s27 =	simm.s32 $execute0_lowered;
	[smem:$0x3FD2] =	sst s26  }
0x1e: {  	s5 =	sshll.u32 s27, $0x1;
	_ =	strace $0x80000049;
	[dreg:$0x1] =	wrdreg $0xFFFFFFFF  }
0x1f: {  	s28 =	simm.s32 $_size_execute0_lowered;
	s3 =	sadd.s32 s3, s5;
	[dreg:$0x0] =	wrdreg $0x0  }
0x20: {  	s5 =	sshll.u32 s28, $0x1;
	[dreg:$0x2] =	wrdreg s3  }
0x21: {  	[dreg:$0x3] =	wrdreg s5  }
0x22: {  	[dreg:$0x4] =	wrdreg $0xC0  }
0x23: {  	_ =	task [dreg:s7], $0x5FFFF  }
0x24: {  	[dreg:$0x1] =	wrdreg $0xFFFFFFFF  }
0x25: {  	[dreg:$0x0] =	wrdreg $0x60  }
0x26: {  	[dreg:$0x2] =	wrdreg s25  }
0x27: {  	[dreg:$0x3] =	wrdreg s2  }
0x28: {  	[dreg:$0x4] =	wrdreg $0x9  }
0x29: {  	_ =	task.clear_ibuf [dreg:s7], $0x5FFFF;
	_ =	strace $0x90000049  }
0x2a: {  	s29 =	simm.s32 $0x9;
	_ =	strace $0x8000004B  }
0x2b: {  	_ =	swait.ge [sflag:s29], $0x1  }
0x2c: {  	[sflag:s29] =	ssyncadd.s32 $0xFFFFFFFF  }
0x2d: {  	_ =	strace $0x9000004B  }
0x2e: {  	_ =	sfence  }
0x2f: {  	s30 =	sld [smem:$0x0];
	_ =	sdelay $0x2  }
0x30: {  	s31 =	sshll.u32 s1, $0xD;
	s1 =	sshrl.u32 s1, $0x2  }
0x31: {  	s3 =	sand.u32 $0x4000, s31;
	s1 =	sadd.s32 s1, s30  }
0x32: {  	s0 =	sor.u32 s3, s0;
	s1 =	sshll.u32 s1, $0x11  }
0x33: {  	s0 =	sor.u32 s1, s0  }
0x34: {  	s0 =	sadd.s32 $0x8F2B, s0  }
0x35: {  	[sflag:s0] =	ssyncadd.remote.s32 $0x1  }
0x36: {  	_ =	sfence.sel $0xFFFF  }
0x37: {  	[dreg:$0x0] =	wrdreg $0xFFFFFFFF;
	(pc) =	sbr.abs _section_cstart, $3  }
0x38: {  	[dreg:$0x1] =	wrdreg $0xFFFFFFFF  }
0x39: {  	_ =	task.clear_ibuf [dreg:s7], $0x2FFFF;
	_ =	strace $0x9FFFFFFF  }
0x3a: {  	(tm) =	ssettm $0x7FFFFFFF  }
0x3b: {  	_ =	shalt  }
tec
execute0_lowered:
.L_overlay_start_1:
0x0: {  	(tag) =	ssettag $0x1  }
0x1: {  	s0 =	srdreg.scid  }
0x2: {  	s1 =	sshll.u32 s0, $0x4  }
0x3: {  	s0 =	stileid.u32;
	s1 =	sand.u32 $0x10, s1  }
0x4: {  	s1 =	sor.u32 s0, s1  }
0x5: {  	s6 =	rddreg [dreg:$0x0];
	s4 =	simm.s32 $0x1;
	s2 =	sshll.u32 s1, $0x7  }
0x6: {  	s7 =	simm.s32 $0x2;
	s12 =	simm.s32 $0x0;
	s1 =	ssub.s32 $0x4000, s2  }
0x7: {  	s8 =	simm.s32 $0x20000;
	s13 =	simm.s32 $0x0;
	s3 =	sand.u32 $0xF80, s1  }
0x8: {  	s9 =	simm.s32 $0x0;
	s5 =	sshrl.u32 s1, $0xC;
	p0 =	sne.s32 s3, $0x0  }
.Ltmp0:
0x9: {  	s1 =	rddreg [dreg:$0x2];
	s4 =	simm.s32 @!p0 $0x0;
	(pc) =	sbr.rel .LBB1_1-.Ltmp0, $4  }
0xa: {  	s11 =	simm.s32 $0x0;
	s3 =	rddreg [dreg:$0x1];
	s5 =	sadd.s32 s4, s5  }
0xb: {  	_ =	strace $0x8000004A;
	s4 =	simm.s32 $0x1;
	s5 =	smul.u32 $0x32, s5  }
0xc: {  	s6 =	sadd.s32 $0xA00, s6;
	s10 =	smov.u32 s2;
	[sflag:s4] =	ssyncpa.u1 $0x0  }
0xd: {  	p0 =	por $0x0, $0x0;
	[sflag:s7] =	ssyncpa.u1 $0x0;
	s7 =	sor.u32 $0x1, s5  }
.LBB1_4:
0xe: {  	s16 =	sshll.u32 s13, $0x3;
	s17 =	sand.u32 $0x78, s13  }
0xf: {  	s30 =	sand.u32 $0xF800, s13;
	s12 =	sshll.u32 s12, $0x10;
	s16 =	sand.u32 $0x3C00, s16  }
0x10: {  	s31 =	sand.u32 $0x7, s13;
	s16 =	sor.u32 s17, s16;
	s17 =	sadd.s32 s3, s30  }
0x11: {  	s13 =	sshll.u32 s31, $0x12;
	s16 =	sshrl.u32 s16, $0x3;
	s12 =	sadd.s32 s12, s17  }
0x12: {  	[tilespmem:s15+$0x0 ss:$0x81] =	vst.msk $0xffff, v0;
	s13 =	sor.u32 $0x400, s13;
	s12 =	sadd.s32 s16, s12  }
0x13: {  	[hbm4b:s12+s13] =	stream.strided.scatter [tilespmem:s14], [sflag:$0x2], $0x1000, s8, s13, $0x20;
	[tilespmem:$0x4040] =	vst v63  }
.LBB1_5:
0x14: {  	s14 =	sadd.s32 $0x1, s9  }
0x15: {  	s12 =	sadd.s32 $0x1000, s10;
	s16 =	smov.u32 s10;
	p2 =	sgt.s32 s14, $0x31  }
0x16: {  	s16 =	smov.u32 @p2 s12  }
0x17: {  	s14 =	simm.s32 @p2 $0x0;
	p2 =	sgt.s32 s16, $0x3FFF  }
0x18: {  	s16 =	smov.u32 @p2 s2;
	p2 =	sne.s32 s11, s7  }
.Ltmp1:
0x19: {  	p1 =	slt.u32 s11, $0x2;
	(pc) =	sbr.rel @!p2 .LBB1_6-.Ltmp1, $4  }
0x1a: {  	s15 =	simm.s32 @!p1 $0x2  }
0x1b: {  	s13 =	smov.u32 s10;
	p0 =	por !p0, !p0;
	_ =	swait.ge @!p1 [sflag:s15], $0x1000  }
0x1c: {  	s12 =	smov.u32 s9;
	[sflag:s15] =	ssyncset.done @!p1 $0x0;
	s9 =	smov.u32 s14  }
0x1d: {  	s11 =	sadd.s32 $0x1, s11;
	[sflag:s15] =	ssyncadd.s32 @!p1 $0xFFFFF000;
	s10 =	smov.u32 s16  }
.LBB1_1:
0x1e: {  	p1 =	sge.u32 s11, s5  }
0x1f: {  	s14 =	sand.u32 @!p1 $0x1FFFFFF, s9  }
0x20: {  	s15 =	smulhi.u32 @!p1 $0x4924925, s14;
	_ =	sdelay $0x1  }
0x21: {  	s15 =	smul.u32 @!p1 $0x38, s15  }
0x22: {  	s16 =	sxor.u32 @!p1 $0xFFFFFFFF, s11;
	s17 =	smul.u32 @!p1 $0x380, s10  }
0x23: {  	s31 =	sadd.s32 $0xFFFFFFFF, s11;
	s16 =	sshll.u32 @!p1 s16, $0xC;
	s14 =	ssub.s32 @!p1 s14, s15  }
0x24: {  	s15 =	sand.u32 @!p1 $0x1000, s16;
	s16 =	sadd.s32 @!p1 s6, s17;
	s14 =	sshll.u32 @!p1 s14, $0x4  }
0x25: {  	s17 =	simm.s32 @!p1 $0x1C00;
	s14 =	sadd.s32 @!p1 s14, s16;
	s16 =	simm.s32 @!p1 $0x20  }
0x26: {  	[tilespmem:s15], [sflag:$0x1] =	stream.strided.gather @!p1 [hbm4b:s14+s16], $0x1000, s17, s16, $0x38;
	[tilespmem:$0x4040] =	vst v63  }
0x27: {  	p1 =	sge.u32 s31, s5  }
.Ltmp2:
0x28: {  	_ = 	snop;
	(pc) =	sbr.rel @p1 .LBB1_5-.Ltmp2, $1  }
0x29: {  	_ =	sdelay $0x3  }
0x2a: {  	s14 =	simm.s32 $0x1  }
0x2b: {  	_ =	swait.ge [sflag:s4], $0x1000;
	s14 =	simm.s32 @!p0 $0x0  }
0x2c: {  	[sflag:s4] =	ssyncset.done $0x0;
	s15 =	sshll.u32 s14, $0xC  }
0x2d: {  	[sflag:s4] =	ssyncadd.s32 $0xFFFFF000;
	s18 =	sor.u32 $0x10, s15  }
0x2e: {  	s14 =	smul.u32 $0x4080, s14;
	v1 =	vld [tilespmem:s18+$0x0]  }
0x2f: {  	s30 =	sand.u32 $0x1, s11;
	v0 =	vld [tilespmem:s18+$0xFFFFFFF0]  }
0x30: {  	s15 =	smul.u32 $0x4080, s30;
	s14 =	sshrl.u32 s14, $0x2  }
0x31: {  	s16 =	sor.u32 $0x2000, s14  }
0x32: {  	s31 =	sshrl.u32 s15, $0x2;
	s15 =	sadd.s32 $0x0, s16  }
0x33: {  	s17 =	simm.s32 $0x4;
	s18 =	sadd.s32 $0x20, s18;
	s14 =	sor.u32 $0x2000, s31;
	[tilespmem:s15+$0x810 ss:$0x81] =	vst.msk $0xffff, v1  }
.LBB1_3:
0x34: {  	v1 =	vld [tilespmem:s18+$0x0];
	p1 =	sne.s32 s17, $0x1FC;
	[tilespmem:s15+$0x0 ss:$0x81] =	vst.msk $0xffff, v0;
	s15 =	smov.u32 s17;
	s17 =	sadd.s32 $0x4, s17  }
.Ltmp3:
0x35: {  	v0 =	vld [tilespmem:s18+$0xFFFFFFF0];
	(pc) =	sbr.rel @p1 .LBB1_3-.Ltmp3, $4  }
0x36: {  	_ = 	snop  }
0x37: {  	s15 =	sshra.s32 s15, $0x2  }
0x38: {  	s15 =	sadd.s32 s15, s16  }
0x39: {  	s18 =	sadd.s32 $0x20, s18;
	[tilespmem:s15+$0x810 ss:$0x81] =	vst.msk $0xffff, v1  }
.Ltmp4:
0x3a: {  	_ = 	snop;
	(pc) =	sbr.rel .LBB1_4-.Ltmp4, $1  }
0x3b: {  	_ =	sdelay $0x3  }
.LBB1_6:
0x3c: {  	_ =	sfence.sel $0x180000  }
0x3d: {  	s2 =	simm.s32 $0x1;
	[bflag:$0x0] =	sbarrier.arrive $0xFFFF  }
0x3e: {  	s31 =	simm.s32 $0x2;
	[sflag:s2] =	ssyncpa.u1 $0x1  }
0x3f: {  	[sflag:s31] =	ssyncpa.u1 $0x1  }
0x40: {  	p0 =	sne.s32 s0, $0x0;
	_ =	strace $0x9000004A  }
0x41: {  	s0 =	sadd.s32 @!p0 $0x100000, s1;
	[bflag:$0x2] =	sbarrier.arrive $0xFFFF  }
0x42: {  	[sflag:s0] =	ssyncadd.tile.s32 @!p0 $0x1;
	_ =	shalt  }
.Lfunc_end1:
_tile_overlayer_lowered:
.L_overlay_start_2:
0x43: {  	(tag) =	ssettag $0x2  }
0x44: {  	s0 =	rddreg [dreg:$0x0];
	s2 =	stileid.u32  }
0x45: {  	s1 =	rddreg [dreg:$0x1];
	p0 =	sne.s32 s2, $0x0  }
0x46: {  	s3 =	rddreg [dreg:$0x2];
	[bflag:$0x3] =	sbarrier.arrive $0xFFFF;
	s2 =	simm.s32 @!p0 $0x1C01  }
0x47: {  	[timem:s3], [sflag:s2] =	dma.local @!p0 [hbm:s0], s1  }
0x48: {  	s0 =	simm.s32 @!p0 $0x1  }
0x49: {  	_ =	swait.ge @!p0 [sflag:s0], s1  }
0x4a: {  	s1 =	ssub.s32 @!p0 $0x0, s1;
	[sflag:s0] =	ssyncset.done @!p0 $0x0  }
0x4b: {  	[sflag:s0] =	ssyncadd.s32 @!p0 s1  }
0x4c: {  	[bflag:$0x3] =	sbarrier.arrive $0xFFFF  }
0x4d: {  	_ =	shalt  }

</sc_bundles>
